<compile_context>
chip_gen: v7x
topology: tpu7x:2x2x1
jax: 0.10.2.dev20260603
libtpu: 0.0.44.dev20260713+nightly
codegen_flags: <defaults>
</compile_context>

<pallas_src>
import functools

import jax
import jax.numpy as jnp
from jax import lax
from jax.experimental import pallas as pl
from jax.experimental.pallas import tpu as pltpu
from jax.experimental.pallas import tpu_sc as plsc

N = 10000
E = 160000
D = 256
DH = 128
NC = 2
NS = 16
NPAD = 10240

G = 128
CPT = 80
HCPT = CPT // 2
E2 = NS * CPT * G
ROWSP = E2 // G
CROWS = ROWSP // NC
CPT_C = CROWS // NS

ROWS_T = NPAD // NS
ZR = 128
CW = 128

_mesh = plsc.VectorSubcoreMesh(core_axis_name="c", subcore_axis_name="s")


def _zero_fill2(ref, rows, cols):
    z = jnp.zeros((16,), jnp.float32)
    cpr = cols // 16

    def body(i, _):
        ref[i // cpr, pl.ds((i % cpr) * 16, 16)] = z
        return 0

    lax.fori_loop(0, rows * cpr, body, 0, unroll=4)


@functools.partial(
    pl.kernel,
    out_type=jax.ShapeDtypeStruct((NC, NPAD, DH), jnp.float32),
    mesh=_mesh,
    scratch_types=[
        pltpu.VMEM((HCPT, G), jnp.int32),
        pltpu.VMEM((HCPT, G), jnp.int32),
        pltpu.VMEM((G, DH), jnp.float32),
        pltpu.VMEM((G, DH), jnp.float32),
        pltpu.VMEM_SHARED((NPAD, DH), jnp.float32),
        pltpu.SemaphoreType.DMA,
        pltpu.SemaphoreType.DMA,
        pltpu.SemaphoreType.DMA,
        pltpu.SemaphoreType.DMA,
    ],
)
def _segsum(h2, srcp2, dstp2, out, idx_s, idx_d, b0, b1, accum,
            g0, g1, w0, w1):
    c = lax.axis_index("c")
    s = lax.axis_index("s")
    bufs = (b0, b1)
    gsems = (g0, g1)
    wsems = (w0, w1)

    def gather(ci, j):
        return pltpu.async_copy(h2.at[c].at[idx_s.at[ci]], bufs[j], gsems[j])

    def scatter_wait(ci, j):
        pltpu.make_async_copy(bufs[j], accum.at[idx_d.at[ci]],
                              wsems[j]).wait()

    _zero_fill2(b0, G, DH)
    for k in range(ROWS_T // ZR):
        pltpu.sync_copy(b0, accum.at[pl.ds(s * ROWS_T + k * ZR, ZR)])
    plsc.subcore_barrier()

    for half in range(2):
        hb = s * CPT + half * HCPT
        pltpu.sync_copy(srcp2.at[pl.ds(hb, HCPT)], idx_s)
        pltpu.sync_copy(dstp2.at[pl.ds(hb, HCPT)], idx_d)
        gather(0, 0)

        def body(k2, _):
            for j in range(2):
                ci = k2 * 2 + j
                pltpu.make_async_copy(
                    h2.at[c].at[idx_s.at[ci]], bufs[j], gsems[j]).wait()
                pltpu.async_copy(bufs[j], accum.at[idx_d.at[ci]], wsems[j],
                                 add=True)

                @pl.when(ci >= 1)
                def _():
                    scatter_wait(ci - 1, 1 - j)

                @pl.when(ci + 1 < HCPT)
                def _():
                    gather(ci + 1, 1 - j)
            return 0

        lax.fori_loop(0, HCPT // 2, body, 0)
        scatter_wait(HCPT - 1, (HCPT - 1) % 2)

    plsc.subcore_barrier()
    pltpu.sync_copy(accum.at[pl.ds(s * ROWS_T, ROWS_T)],
                    out.at[c, pl.ds(s * ROWS_T, ROWS_T)])


@functools.partial(
    pl.kernel,
    out_type=jax.ShapeDtypeStruct((NC, NPAD, CW), jnp.float32),
    mesh=_mesh,
    scratch_types=[
        pltpu.VMEM((CPT_C, G), jnp.int32),
        pltpu.VMEM((G, CW), jnp.float32),
        pltpu.VMEM((ZR, CW), jnp.float32),
        pltpu.VMEM_SHARED((NPAD, CW), jnp.float32),
        pltpu.SemaphoreType.DMA,
        pltpu.SemaphoreType.DMA,
    ],
)
def _counts(dstp2, out, idx_d, ones_v, zbuf, accum, w0, w1):
    c = lax.axis_index("c")
    s = lax.axis_index("s")
    wsems = (w0, w1)

    base = c * CROWS + s * CPT_C
    pltpu.sync_copy(dstp2.at[pl.ds(base, CPT_C)], idx_d)

    _zero_fill2(zbuf, ZR, CW)
    for k in range(ROWS_T // ZR):
        pltpu.sync_copy(zbuf, accum.at[pl.ds(s * ROWS_T + k * ZR, ZR)])

    one = jnp.ones((16,), jnp.float32)
    cpr = CW // 16

    def fill_ones(i, _):
        ones_v[i // cpr, pl.ds((i % cpr) * 16, 16)] = one
        return 0

    lax.fori_loop(0, G * cpr, fill_ones, 0, unroll=4)
    plsc.subcore_barrier()

    def body(k2, _):
        for j in range(2):
            ci = k2 * 2 + j

            @pl.when(ci >= 2)
            def _():
                pltpu.make_async_copy(ones_v, accum.at[idx_d.at[ci - 2]],
                                      wsems[j]).wait()

            pltpu.async_copy(ones_v, accum.at[idx_d.at[ci]], wsems[j],
                             add=True)
        return 0

    lax.fori_loop(0, CPT_C // 2, body, 0)
    for j in range(2):
        pltpu.make_async_copy(ones_v, accum.at[idx_d.at[CPT_C - 2 + j]],
                              wsems[j]).wait()

    plsc.subcore_barrier()
    pltpu.sync_copy(accum.at[pl.ds(s * ROWS_T, ROWS_T)],
                    out.at[c, pl.ds(s * ROWS_T, ROWS_T)])


R = 400


def _tc_body(last, sum_ref, cnt_ref, h_ref, wl_ref, wr_ref, b_ref, out_ref):
    cnt = cnt_ref[0, :, 0] + cnt_ref[1, :, 0]
    inv = 1.0 / jnp.maximum(cnt, 1.0)
    m0 = sum_ref[0] * inv[:, None]
    m1 = sum_ref[1] * inv[:, None]
    acc = (
        jnp.dot(m0, wl_ref[0:DH, :], preferred_element_type=jnp.float32)
        + jnp.dot(m1, wl_ref[DH:D, :], preferred_element_type=jnp.float32)
        + jnp.dot(h_ref[0], wr_ref[0:DH, :], preferred_element_type=jnp.float32)
        + jnp.dot(h_ref[1], wr_ref[DH:D, :], preferred_element_type=jnp.float32)
        + b_ref[:][None, :]
    )
    if last:
        out_ref[:, :] = acc
    else:
        acc = jnp.maximum(acc, 0.0)
        out_ref[0] = acc[:, 0:DH]
        out_ref[1] = acc[:, DH:D]


def _tc_layer(summed2, cnt3, h2, wl, wr, b, last):
    in_specs = [
        pl.BlockSpec((NC, R, DH), lambda i: (0, i, 0)),
        pl.BlockSpec((NC, R, 1), lambda i: (0, i, 0)),
        pl.BlockSpec((NC, R, DH), lambda i: (0, i, 0)),
        pl.BlockSpec((D, D), lambda i: (0, 0)),
        pl.BlockSpec((D, D), lambda i: (0, 0)),
        pl.BlockSpec((D,), lambda i: (0,)),
    ]
    if last:
        out_shape = jax.ShapeDtypeStruct((N, D), jnp.float32)
        out_spec = pl.BlockSpec((R, D), lambda i: (i, 0))
    else:
        out_shape = jax.ShapeDtypeStruct((NC, N, DH), jnp.float32)
        out_spec = pl.BlockSpec((NC, R, DH), lambda i: (0, i, 0))
    return pl.pallas_call(
        functools.partial(_tc_body, last),
        grid=(N // R,),
        in_specs=in_specs,
        out_specs=out_spec,
        out_shape=out_shape,
    )(summed2, cnt3, h2, wl, wr, b)


def kernel(x, edge_index, Wl0, Wr0, b0, Wl1, Wr1, b1, Wl2, Wr2, b2,
           Wl3, Wr3, b3):
    src = edge_index[0].astype(jnp.int32)
    dst = edge_index[1].astype(jnp.int32)

    pad = E2 - E
    ar = jnp.arange(pad, dtype=jnp.int32)
    srcp = jnp.concatenate([src, ar % N])
    dstp = jnp.concatenate([dst, N + ar % (NPAD - N)])

    cnt3 = _counts(dstp.reshape(ROWSP, G))[:, :N, 0:1]
    h2 = x.reshape(N, NC, DH).transpose(1, 0, 2)

    for wl, wr, b, last in ((Wl0, Wr0, b0, False),
                            (Wl1, Wr1, b1, False),
                            (Wl2, Wr2, b2, False),
                            (Wl3, Wr3, b3, True)):
        summed2 = _segsum(h2, srcp.reshape(ROWSP, G), dstp.reshape(ROWSP, G))
        h2 = _tc_layer(summed2, cnt3, h2, wl, wr, b, last)
    return h2

# --- scband reference (transcript-rebuilt; emitter-appended) ---
"""Pipeline reference for scband-gs-73031623901438 (READ-ONLY COPY).

The authoritative reference and input builder live on the scoring server;
editing this copy changes nothing except your own understanding.
"""

import jax, jax.numpy as jnp
import numpy as np

N = 10000
E = 160000
D = 256

def setup_inputs(seed: int = 0) -> dict:
    key = jax.random.key(seed)
    ks = jax.random.split(key, 20)
    inp = {}
    inp['x'] = jax.random.normal(ks[0], (N, D), dtype=jnp.float32)
    inp['edge_index'] = jax.random.randint(ks[1], (2, E), 0, N, dtype=jnp.int64)
    scale = 1.0 / np.sqrt(D)
    for i in range(4):
        inp[f'Wl{i}'] = jax.random.normal(ks[2 + 3 * i], (D, D), dtype=jnp.float32) * scale
        inp[f'Wr{i}'] = jax.random.normal(ks[3 + 3 * i], (D, D), dtype=jnp.float32) * scale
        inp[f'b{i}'] = jnp.zeros((D,), dtype=jnp.float32)
    return inp

def _sage_conv(x, edge_index, Wl, Wr, b):
    # PyG SAGEConv (mean aggr): out = lin_l(mean_j x_j) + lin_r(x_i)
    src = edge_index[0]
    dst = edge_index[1]
    msgs = jnp.take(x, src, axis=0)
    summed = jax.ops.segment_sum(msgs, dst, num_segments=N)
    cnt = jax.ops.segment_sum(jnp.ones((msgs.shape[0],), dtype=x.dtype), dst, num_segments=N)
    mean = summed / jnp.clip(cnt, 1.0)[:, None]
    return mean @ Wl + b + x @ Wr

def reference(x, edge_index, Wl0, Wr0, b0, Wl1, Wr1, b1, Wl2, Wr2, b2, Wl3, Wr3, b3):
    h = jax.nn.relu(_sage_conv(x, edge_index, Wl0, Wr0, b0))
    h = jax.nn.relu(_sage_conv(h, edge_index, Wl1, Wr1, b1))
    h = jax.nn.relu(_sage_conv(h, edge_index, Wl2, Wr2, b2))
    h = _sage_conv(h, edge_index, Wl3, Wr3, b3)
    return h

if __name__ == "__main__":
    import jax
    _d = setup_inputs()
    print(jax.jit(kernel)(*tuple(_d.values())))

</pallas_src>

<mosaic_0001>
#map = affine_map<(d0, d1) -> (0, 0, 0)>
#map1 = affine_map<(d0, d1) -> (0, 0)>
module attributes {stable_mosaic.version = 14 : i64} {
  func.func @_segsum(%arg0: i32, %arg1: i32, %arg2: memref<2x10000x128xf32, #tpu.memory_space<hbm>>, %arg3: memref<1280x128xi32, #tpu.memory_space<hbm>>, %arg4: memref<1280x128xi32, #tpu.memory_space<hbm>>, %arg5: memref<2x10240x128xf32, #tpu.memory_space<hbm>>, %arg6: memref<40x128xi32, #tpu.memory_space<vmem>>, %arg7: memref<40x128xi32, #tpu.memory_space<vmem>>, %arg8: memref<128x128xf32, #tpu.memory_space<vmem>>, %arg9: memref<128x128xf32, #tpu.memory_space<vmem>>, %arg10: memref<10240x128xf32, #tpu.memory_space<vmem_shared>>, %arg11: memref<!tpu.dma_semaphore, #tpu.memory_space<semaphore_mem>>, %arg12: memref<!tpu.dma_semaphore, #tpu.memory_space<semaphore_mem>>, %arg13: memref<!tpu.dma_semaphore, #tpu.memory_space<semaphore_mem>>, %arg14: memref<!tpu.dma_semaphore, #tpu.memory_space<semaphore_mem>>) attributes {dimension_semantics = [#tpu.dimension_semantics<core_parallel>, #tpu.dimension_semantics<subcore_parallel>], iteration_bounds = array<i64: 2, 16>, scalar_prefetch = 0 : i64, scratch_operands = 9 : i64, tpu.core_type = #tpu.core_type<sc_vector_subcore>, window_params = [{transform_indices = #map}, {transform_indices = #map1}, {transform_indices = #map1}, {transform_indices = #map}]} {
    %broadcast_in_dim3A = arith.constant 0.000000e+00 : f32
    %broadcast_in_dim3A_0 = vector.broadcast %broadcast_in_dim3A : f32 to vector<16xf32>
    %scan3A = arith.constant 0 : i32
    %scan3A_1 = arith.constant 0 : i32
    %scan3A_2 = arith.constant 1024 : i32
    %scan3A_3 = arith.addi %scan3A_1, %scan3A_2 : i32
    %scan3A_4 = arith.constant 4 : i32
    %scan3A_5 = scf.for %scan3A_86 = %scan3A_1 to %scan3A_3 step %scan3A_4 iter_args(%scan3A_87 = %scan3A) -> (i32)  : i32 {
      %jit3A = arith.constant 8 : i32
      %div3A = arith.divsi %scan3A_86, %jit3A : i32
      %sign3A = arith.constant 0 : i32
      %sign3A_88 = arith.cmpi sgt, %scan3A_86, %sign3A : i32
      %sign3A_89 = arith.extui %sign3A_88 : i1 to i32
      %sign3A_90 = arith.constant 0 : i32
      %sign3A_91 = arith.cmpi slt, %scan3A_86, %sign3A_90 : i32
      %sign3A_92 = arith.extui %sign3A_91 : i1 to i32
      %sign3A_93 = arith.subi %sign3A_89, %sign3A_92 : i32
      %sign3A_94 = arith.constant 0 : i32
      %sign3A_95 = arith.cmpi sgt, %jit3A, %sign3A_94 : i32
      %sign3A_96 = arith.extui %sign3A_95 : i1 to i32
      %sign3A_97 = arith.constant 0 : i32
      %sign3A_98 = arith.cmpi slt, %jit3A, %sign3A_97 : i32
      %sign3A_99 = arith.extui %sign3A_98 : i1 to i32
      %sign3A_100 = arith.subi %sign3A_96, %sign3A_99 : i32
      %ne3A = arith.cmpi ne, %sign3A_93, %sign3A_100 : i32
      %rem3A = arith.remsi %scan3A_86, %jit3A : i32
      %ne3A_101 = arith.constant 0 : i32
      %ne3A_102 = arith.cmpi ne, %rem3A, %ne3A_101 : i32
      %and3A = arith.andi %ne3A, %ne3A_102 : i1
      %sub3A = arith.constant 1 : i32
      %sub3A_103 = arith.subi %div3A, %sub3A : i32
      %select_n3A = arith.select %and3A, %sub3A_103, %div3A : i32
      %jit3A_104 = arith.constant 8 : i32
      %eq3A = arith.constant 0 : i32
      %eq3A_105 = arith.cmpi eq, %jit3A_104, %eq3A : i32
      %jit3A_106 = arith.constant 1 : i32
      %select_n3A_107 = arith.select %eq3A_105, %jit3A_106, %jit3A_104 : i32
      %rem3A_108 = arith.remsi %scan3A_86, %select_n3A_107 : i32
      %ne3A_109 = arith.constant 0 : i32
      %ne3A_110 = arith.cmpi ne, %rem3A_108, %ne3A_109 : i32
      %lt3A = arith.constant 0 : i32
      %lt3A_111 = arith.cmpi slt, %rem3A_108, %lt3A : i32
      %lt3A_112 = arith.constant 0 : i32
      %lt3A_113 = arith.cmpi slt, %select_n3A_107, %lt3A_112 : i32
      %ne3A_114 = arith.xori %lt3A_111, %lt3A_113 : i1
      %and3A_115 = arith.andi %ne3A_114, %ne3A_110 : i1
      %add3A_116 = arith.addi %rem3A_108, %select_n3A_107 : i32
      %select_n3A_117 = arith.select %and3A_115, %add3A_116, %rem3A_108 : i32
      %mul3A_118 = arith.constant 16 : i32
      %mul3A_119 = arith.muli %select_n3A_117, %mul3A_118 : i32
      %swap3A = arith.index_cast %select_n3A : i32 to index
      %swap3A_120 = arith.index_cast %mul3A_119 : i32 to index
      %swap3A_121 = tpu.vector_load %arg8[%swap3A, %swap3A_120] {strides = array<i32>} : memref<128x128xf32, #tpu.memory_space<vmem>>, vector<1x16xf32>,
      %swap3A_122 = vector.shape_cast %swap3A_121 : vector<1x16xf32> to vector<16xf32>
      %swap3A_123 = vector.shape_cast %broadcast_in_dim3A_0 : vector<16xf32> to vector<1x16xf32>
      tpu.vector_store %arg8[%swap3A, %swap3A_120], %swap3A_123 {strides = array<i32>} : memref<128x128xf32, #tpu.memory_space<vmem>>, vector<1x16xf32>,
      %scan3A_124 = arith.constant 0 : i32
      %scan3A_125 = arith.constant 1 : i32
      %scan3A_126 = arith.addi %scan3A_86, %scan3A_125 : i32
      %jit3A_127 = arith.constant 8 : i32
      %div3A_128 = arith.divsi %scan3A_126, %jit3A_127 : i32
      %sign3A_129 = arith.constant 0 : i32
      %sign3A_130 = arith.cmpi sgt, %scan3A_126, %sign3A_129 : i32
      %sign3A_131 = arith.extui %sign3A_130 : i1 to i32
      %sign3A_132 = arith.constant 0 : i32
      %sign3A_133 = arith.cmpi slt, %scan3A_126, %sign3A_132 : i32
      %sign3A_134 = arith.extui %sign3A_133 : i1 to i32
      %sign3A_135 = arith.subi %sign3A_131, %sign3A_134 : i32
      %sign3A_136 = arith.constant 0 : i32
      %sign3A_137 = arith.cmpi sgt, %jit3A_127, %sign3A_136 : i32
      %sign3A_138 = arith.extui %sign3A_137 : i1 to i32
      %sign3A_139 = arith.constant 0 : i32
      %sign3A_140 = arith.cmpi slt, %jit3A_127, %sign3A_139 : i32
      %sign3A_141 = arith.extui %sign3A_140 : i1 to i32
      %sign3A_142 = arith.subi %sign3A_138, %sign3A_141 : i32
      %ne3A_143 = arith.cmpi ne, %sign3A_135, %sign3A_142 : i32
      %rem3A_144 = arith.remsi %scan3A_126, %jit3A_127 : i32
      %ne3A_145 = arith.constant 0 : i32
      %ne3A_146 = arith.cmpi ne, %rem3A_144, %ne3A_145 : i32
      %and3A_147 = arith.andi %ne3A_143, %ne3A_146 : i1
      %sub3A_148 = arith.constant 1 : i32
      %sub3A_149 = arith.subi %div3A_128, %sub3A_148 : i32
      %select_n3A_150 = arith.select %and3A_147, %sub3A_149, %div3A_128 : i32
      %jit3A_151 = arith.constant 8 : i32
      %eq3A_152 = arith.constant 0 : i32
      %eq3A_153 = arith.cmpi eq, %jit3A_151, %eq3A_152 : i32
      %jit3A_154 = arith.constant 1 : i32
      %select_n3A_155 = arith.select %eq3A_153, %jit3A_154, %jit3A_151 : i32
      %rem3A_156 = arith.remsi %scan3A_126, %select_n3A_155 : i32
      %ne3A_157 = arith.constant 0 : i32
      %ne3A_158 = arith.cmpi ne, %rem3A_156, %ne3A_157 : i32
      %lt3A_159 = arith.constant 0 : i32
      %lt3A_160 = arith.cmpi slt, %rem3A_156, %lt3A_159 : i32
      %lt3A_161 = arith.constant 0 : i32
      %lt3A_162 = arith.cmpi slt, %select_n3A_155, %lt3A_161 : i32
      %ne3A_163 = arith.xori %lt3A_160, %lt3A_162 : i1
      %and3A_164 = arith.andi %ne3A_163, %ne3A_158 : i1
      %add3A_165 = arith.addi %rem3A_156, %select_n3A_155 : i32
      %select_n3A_166 = arith.select %and3A_164, %add3A_165, %rem3A_156 : i32
      %mul3A_167 = arith.constant 16 : i32
      %mul3A_168 = arith.muli %select_n3A_166, %mul3A_167 : i32
      %swap3A_169 = arith.index_cast %select_n3A_150 : i32 to index
      %swap3A_170 = arith.index_cast %mul3A_168 : i32 to index
      %swap3A_171 = tpu.vector_load %arg8[%swap3A_169, %swap3A_170] {strides = array<i32>} : memref<128x128xf32, #tpu.memory_space<vmem>>, vector<1x16xf32>,
      %swap3A_172 = vector.shape_cast %swap3A_171 : vector<1x16xf32> to vector<16xf32>
      %swap3A_173 = vector.shape_cast %broadcast_in_dim3A_0 : vector<16xf32> to vector<1x16xf32>
      tpu.vector_store %arg8[%swap3A_169, %swap3A_170], %swap3A_173 {strides = array<i32>} : memref<128x128xf32, #tpu.memory_space<vmem>>, vector<1x16xf32>,
      %scan3A_174 = arith.constant 0 : i32
      %scan3A_175 = arith.constant 2 : i32
      %scan3A_176 = arith.addi %scan3A_86, %scan3A_175 : i32
      %jit3A_177 = arith.constant 8 : i32
      %div3A_178 = arith.divsi %scan3A_176, %jit3A_177 : i32
      %sign3A_179 = arith.constant 0 : i32
      %sign3A_180 = arith.cmpi sgt, %scan3A_176, %sign3A_179 : i32
      %sign3A_181 = arith.extui %sign3A_180 : i1 to i32
      %sign3A_182 = arith.constant 0 : i32
      %sign3A_183 = arith.cmpi slt, %scan3A_176, %sign3A_182 : i32
      %sign3A_184 = arith.extui %sign3A_183 : i1 to i32
      %sign3A_185 = arith.subi %sign3A_181, %sign3A_184 : i32
      %sign3A_186 = arith.constant 0 : i32
      %sign3A_187 = arith.cmpi sgt, %jit3A_177, %sign3A_186 : i32
      %sign3A_188 = arith.extui %sign3A_187 : i1 to i32
      %sign3A_189 = arith.constant 0 : i32
      %sign3A_190 = arith.cmpi slt, %jit3A_177, %sign3A_189 : i32
      %sign3A_191 = arith.extui %sign3A_190 : i1 to i32
      %sign3A_192 = arith.subi %sign3A_188, %sign3A_191 : i32
      %ne3A_193 = arith.cmpi ne, %sign3A_185, %sign3A_192 : i32
      %rem3A_194 = arith.remsi %scan3A_176, %jit3A_177 : i32
      %ne3A_195 = arith.constant 0 : i32
      %ne3A_196 = arith.cmpi ne, %rem3A_194, %ne3A_195 : i32
      %and3A_197 = arith.andi %ne3A_193, %ne3A_196 : i1
      %sub3A_198 = arith.constant 1 : i32
      %sub3A_199 = arith.subi %div3A_178, %sub3A_198 : i32
      %select_n3A_200 = arith.select %and3A_197, %sub3A_199, %div3A_178 : i32
      %jit3A_201 = arith.constant 8 : i32
      %eq3A_202 = arith.constant 0 : i32
      %eq3A_203 = arith.cmpi eq, %jit3A_201, %eq3A_202 : i32
      %jit3A_204 = arith.constant 1 : i32
      %select_n3A_205 = arith.select %eq3A_203, %jit3A_204, %jit3A_201 : i32
      %rem3A_206 = arith.remsi %scan3A_176, %select_n3A_205 : i32
      %ne3A_207 = arith.constant 0 : i32
      %ne3A_208 = arith.cmpi ne, %rem3A_206, %ne3A_207 : i32
      %lt3A_209 = arith.constant 0 : i32
      %lt3A_210 = arith.cmpi slt, %rem3A_206, %lt3A_209 : i32
      %lt3A_211 = arith.constant 0 : i32
      %lt3A_212 = arith.cmpi slt, %select_n3A_205, %lt3A_211 : i32
      %ne3A_213 = arith.xori %lt3A_210, %lt3A_212 : i1
      %and3A_214 = arith.andi %ne3A_213, %ne3A_208 : i1
      %add3A_215 = arith.addi %rem3A_206, %select_n3A_205 : i32
      %select_n3A_216 = arith.select %and3A_214, %add3A_215, %rem3A_206 : i32
      %mul3A_217 = arith.constant 16 : i32
      %mul3A_218 = arith.muli %select_n3A_216, %mul3A_217 : i32
      %swap3A_219 = arith.index_cast %select_n3A_200 : i32 to index
      %swap3A_220 = arith.index_cast %mul3A_218 : i32 to index
      %swap3A_221 = tpu.vector_load %arg8[%swap3A_219, %swap3A_220] {strides = array<i32>} : memref<128x128xf32, #tpu.memory_space<vmem>>, vector<1x16xf32>,
      %swap3A_222 = vector.shape_cast %swap3A_221 : vector<1x16xf32> to vector<16xf32>
      %swap3A_223 = vector.shape_cast %broadcast_in_dim3A_0 : vector<16xf32> to vector<1x16xf32>
      tpu.vector_store %arg8[%swap3A_219, %swap3A_220], %swap3A_223 {strides = array<i32>} : memref<128x128xf32, #tpu.memory_space<vmem>>, vector<1x16xf32>,
      %scan3A_224 = arith.constant 0 : i32
      %scan3A_225 = arith.constant 3 : i32
      %scan3A_226 = arith.addi %scan3A_86, %scan3A_225 : i32
      %jit3A_227 = arith.constant 8 : i32
      %div3A_228 = arith.divsi %scan3A_226, %jit3A_227 : i32
      %sign3A_229 = arith.constant 0 : i32
      %sign3A_230 = arith.cmpi sgt, %scan3A_226, %sign3A_229 : i32
      %sign3A_231 = arith.extui %sign3A_230 : i1 to i32
      %sign3A_232 = arith.constant 0 : i32
      %sign3A_233 = arith.cmpi slt, %scan3A_226, %sign3A_232 : i32
      %sign3A_234 = arith.extui %sign3A_233 : i1 to i32
      %sign3A_235 = arith.subi %sign3A_231, %sign3A_234 : i32
      %sign3A_236 = arith.constant 0 : i32
      %sign3A_237 = arith.cmpi sgt, %jit3A_227, %sign3A_236 : i32
      %sign3A_238 = arith.extui %sign3A_237 : i1 to i32
      %sign3A_239 = arith.constant 0 : i32
      %sign3A_240 = arith.cmpi slt, %jit3A_227, %sign3A_239 : i32
      %sign3A_241 = arith.extui %sign3A_240 : i1 to i32
      %sign3A_242 = arith.subi %sign3A_238, %sign3A_241 : i32
      %ne3A_243 = arith.cmpi ne, %sign3A_235, %sign3A_242 : i32
      %rem3A_244 = arith.remsi %scan3A_226, %jit3A_227 : i32
      %ne3A_245 = arith.constant 0 : i32
      %ne3A_246 = arith.cmpi ne, %rem3A_244, %ne3A_245 : i32
      %and3A_247 = arith.andi %ne3A_243, %ne3A_246 : i1
      %sub3A_248 = arith.constant 1 : i32
      %sub3A_249 = arith.subi %div3A_228, %sub3A_248 : i32
      %select_n3A_250 = arith.select %and3A_247, %sub3A_249, %div3A_228 : i32
      %jit3A_251 = arith.constant 8 : i32
      %eq3A_252 = arith.constant 0 : i32
      %eq3A_253 = arith.cmpi eq, %jit3A_251, %eq3A_252 : i32
      %jit3A_254 = arith.constant 1 : i32
      %select_n3A_255 = arith.select %eq3A_253, %jit3A_254, %jit3A_251 : i32
      %rem3A_256 = arith.remsi %scan3A_226, %select_n3A_255 : i32
      %ne3A_257 = arith.constant 0 : i32
      %ne3A_258 = arith.cmpi ne, %rem3A_256, %ne3A_257 : i32
      %lt3A_259 = arith.constant 0 : i32
      %lt3A_260 = arith.cmpi slt, %rem3A_256, %lt3A_259 : i32
      %lt3A_261 = arith.constant 0 : i32
      %lt3A_262 = arith.cmpi slt, %select_n3A_255, %lt3A_261 : i32
      %ne3A_263 = arith.xori %lt3A_260, %lt3A_262 : i1
      %and3A_264 = arith.andi %ne3A_263, %ne3A_258 : i1
      %add3A_265 = arith.addi %rem3A_256, %select_n3A_255 : i32
      %select_n3A_266 = arith.select %and3A_264, %add3A_265, %rem3A_256 : i32
      %mul3A_267 = arith.constant 16 : i32
      %mul3A_268 = arith.muli %select_n3A_266, %mul3A_267 : i32
      %swap3A_269 = arith.index_cast %select_n3A_250 : i32 to index
      %swap3A_270 = arith.index_cast %mul3A_268 : i32 to index
      %swap3A_271 = tpu.vector_load %arg8[%swap3A_269, %swap3A_270] {strides = array<i32>} : memref<128x128xf32, #tpu.memory_space<vmem>>, vector<1x16xf32>,
      %swap3A_272 = vector.shape_cast %swap3A_271 : vector<1x16xf32> to vector<16xf32>
      %swap3A_273 = vector.shape_cast %broadcast_in_dim3A_0 : vector<16xf32> to vector<1x16xf32>
      tpu.vector_store %arg8[%swap3A_269, %swap3A_270], %swap3A_273 {strides = array<i32>} : memref<128x128xf32, #tpu.memory_space<vmem>>, vector<1x16xf32>,
      %scan3A_274 = arith.constant 0 : i32
      scf.yield %scan3A_274 : i32
    }
    %scan3A_6 = arith.constant 1024 : i32
    %mul3A = arith.constant 640 : i32
    %mul3A_7 = arith.muli %arg1, %mul3A : i32
    %add3A = arith.constant 0 : i32
    %add3A_8 = arith.addi %mul3A_7, %add3A : i32
    "tpu.region"() ({
      %run_scoped3A = tpu.sem_alloc : memref<!tpu.dma_semaphore, #tpu.memory_space<semaphore_mem>>
      %dma_start3A_86 = arith.constant 0 : i32
      %dma_start3A_87 = tpu.memref_slice %arg10[%add3A_8, %dma_start3A_86] : memref<10240x128xf32, #tpu.memory_space<vmem_shared>> -> memref<128x128xf32, #tpu.memory_space<vmem_shared>>
      %dma_start3A_88 = arith.constant 0 : i32
      %dma_start3A_89 = tpu.memref_slice %arg10[%add3A_8, %dma_start3A_88] : memref<10240x128xf32, #tpu.memory_space<vmem_shared>> -> memref<128x128xf32, #tpu.memory_space<vmem_shared>>
      tpu.enqueue_dma source(%arg8 : memref<128x128xf32, #tpu.memory_space<vmem>>) target(%dma_start3A_89 : memref<128x128xf32, #tpu.memory_space<vmem_shared>>) target_semaphore(%run_scoped3A : memref<!tpu.dma_semaphore, #tpu.memory_space<semaphore_mem>>)
      %dma_wait3A_90 = arith.constant 0 : i32
      %dma_wait3A_91 = tpu.memref_slice %arg10[%add3A_8, %dma_wait3A_90] : memref<10240x128xf32, #tpu.memory_space<vmem_shared>> -> memref<128x128xf32, #tpu.memory_space<vmem_shared>>
      %dma_wait3A_92 = arith.constant 0 : i32
      %dma_wait3A_93 = tpu.memref_slice %arg10[%add3A_8, %dma_wait3A_92] : memref<10240x128xf32, #tpu.memory_space<vmem_shared>> -> memref<128x128xf32, #tpu.memory_space<vmem_shared>>
      tpu.wait_dma2 semaphore(%run_scoped3A : memref<!tpu.dma_semaphore, #tpu.memory_space<semaphore_mem>>) src(%arg8 : memref<128x128xf32, #tpu.memory_space<vmem>>) dst(%dma_wait3A_93 : memref<128x128xf32, #tpu.memory_space<vmem_shared>>)
      tpu.yield
    }) : () -> ()
    %mul3A_9 = arith.constant 640 : i32
    %mul3A_10 = arith.muli %arg1, %mul3A_9 : i32
    %add3A_11 = arith.constant 128 : i32
    %add3A_12 = arith.addi %mul3A_10, %add3A_11 : i32
    "tpu.region"() ({
      %run_scoped3A = tpu.sem_alloc : memref<!tpu.dma_semaphore, #tpu.memory_space<semaphore_mem>>
      %dma_start3A_86 = arith.constant 0 : i32
      %dma_start3A_87 = tpu.memref_slice %arg10[%add3A_12, %dma_start3A_86] : memref<10240x128xf32, #tpu.memory_space<vmem_shared>> -> memref<128x128xf32, #tpu.memory_space<vmem_shared>>
      %dma_start3A_88 = arith.constant 0 : i32
      %dma_start3A_89 = tpu.memref_slice %arg10[%add3A_12, %dma_start3A_88] : memref<10240x128xf32, #tpu.memory_space<vmem_shared>> -> memref<128x128xf32, #tpu.memory_space<vmem_shared>>
      tpu.enqueue_dma source(%arg8 : memref<128x128xf32, #tpu.memory_space<vmem>>) target(%dma_start3A_89 : memref<128x128xf32, #tpu.memory_space<vmem_shared>>) target_semaphore(%run_scoped3A : memref<!tpu.dma_semaphore, #tpu.memory_space<semaphore_mem>>)
      %dma_wait3A_90 = arith.constant 0 : i32
      %dma_wait3A_91 = tpu.memref_slice %arg10[%add3A_12, %dma_wait3A_90] : memref<10240x128xf32, #tpu.memory_space<vmem_shared>> -> memref<128x128xf32, #tpu.memory_space<vmem_shared>>
      %dma_wait3A_92 = arith.constant 0 : i32
      %dma_wait3A_93 = tpu.memref_slice %arg10[%add3A_12, %dma_wait3A_92] : memref<10240x128xf32, #tpu.memory_space<vmem_shared>> -> memref<128x128xf32, #tpu.memory_space<vmem_shared>>
      tpu.wait_dma2 semaphore(%run_scoped3A : memref<!tpu.dma_semaphore, #tpu.memory_space<semaphore_mem>>) src(%arg8 : memref<128x128xf32, #tpu.memory_space<vmem>>) dst(%dma_wait3A_93 : memref<128x128xf32, #tpu.memory_space<vmem_shared>>)
      tpu.yield
    }) : () -> ()
    %mul3A_13 = arith.constant 640 : i32
    %mul3A_14 = arith.muli %arg1, %mul3A_13 : i32
    %add3A_15 = arith.constant 256 : i32
    %add3A_16 = arith.addi %mul3A_14, %add3A_15 : i32
    "tpu.region"() ({
      %run_scoped3A = tpu.sem_alloc : memref<!tpu.dma_semaphore, #tpu.memory_space<semaphore_mem>>
      %dma_start3A_86 = arith.constant 0 : i32
      %dma_start3A_87 = tpu.memref_slice %arg10[%add3A_16, %dma_start3A_86] : memref<10240x128xf32, #tpu.memory_space<vmem_shared>> -> memref<128x128xf32, #tpu.memory_space<vmem_shared>>
      %dma_start3A_88 = arith.constant 0 : i32
      %dma_start3A_89 = tpu.memref_slice %arg10[%add3A_16, %dma_start3A_88] : memref<10240x128xf32, #tpu.memory_space<vmem_shared>> -> memref<128x128xf32, #tpu.memory_space<vmem_shared>>
      tpu.enqueue_dma source(%arg8 : memref<128x128xf32, #tpu.memory_space<vmem>>) target(%dma_start3A_89 : memref<128x128xf32, #tpu.memory_space<vmem_shared>>) target_semaphore(%run_scoped3A : memref<!tpu.dma_semaphore, #tpu.memory_space<semaphore_mem>>)
      %dma_wait3A_90 = arith.constant 0 : i32
      %dma_wait3A_91 = tpu.memref_slice %arg10[%add3A_16, %dma_wait3A_90] : memref<10240x128xf32, #tpu.memory_space<vmem_shared>> -> memref<128x128xf32, #tpu.memory_space<vmem_shared>>
      %dma_wait3A_92 = arith.constant 0 : i32
      %dma_wait3A_93 = tpu.memref_slice %arg10[%add3A_16, %dma_wait3A_92] : memref<10240x128xf32, #tpu.memory_space<vmem_shared>> -> memref<128x128xf32, #tpu.memory_space<vmem_shared>>
      tpu.wait_dma2 semaphore(%run_scoped3A : memref<!tpu.dma_semaphore, #tpu.memory_space<semaphore_mem>>) src(%arg8 : memref<128x128xf32, #tpu.memory_space<vmem>>) dst(%dma_wait3A_93 : memref<128x128xf32, #tpu.memory_space<vmem_shared>>)
      tpu.yield
    }) : () -> ()
    %mul3A_17 = arith.constant 640 : i32
    %mul3A_18 = arith.muli %arg1, %mul3A_17 : i32
    %add3A_19 = arith.constant 384 : i32
    %add3A_20 = arith.addi %mul3A_18, %add3A_19 : i32
    "tpu.region"() ({
      %run_scoped3A = tpu.sem_alloc : memref<!tpu.dma_semaphore, #tpu.memory_space<semaphore_mem>>
      %dma_start3A_86 = arith.constant 0 : i32
      %dma_start3A_87 = tpu.memref_slice %arg10[%add3A_20, %dma_start3A_86] : memref<10240x128xf32, #tpu.memory_space<vmem_shared>> -> memref<128x128xf32, #tpu.memory_space<vmem_shared>>
      %dma_start3A_88 = arith.constant 0 : i32
      %dma_start3A_89 = tpu.memref_slice %arg10[%add3A_20, %dma_start3A_88] : memref<10240x128xf32, #tpu.memory_space<vmem_shared>> -> memref<128x128xf32, #tpu.memory_space<vmem_shared>>
      tpu.enqueue_dma source(%arg8 : memref<128x128xf32, #tpu.memory_space<vmem>>) target(%dma_start3A_89 : memref<128x128xf32, #tpu.memory_space<vmem_shared>>) target_semaphore(%run_scoped3A : memref<!tpu.dma_semaphore, #tpu.memory_space<semaphore_mem>>)
      %dma_wait3A_90 = arith.constant 0 : i32
      %dma_wait3A_91 = tpu.memref_slice %arg10[%add3A_20, %dma_wait3A_90] : memref<10240x128xf32, #tpu.memory_space<vmem_shared>> -> memref<128x128xf32, #tpu.memory_space<vmem_shared>>
      %dma_wait3A_92 = arith.constant 0 : i32
      %dma_wait3A_93 = tpu.memref_slice %arg10[%add3A_20, %dma_wait3A_92] : memref<10240x128xf32, #tpu.memory_space<vmem_shared>> -> memref<128x128xf32, #tpu.memory_space<vmem_shared>>
      tpu.wait_dma2 semaphore(%run_scoped3A : memref<!tpu.dma_semaphore, #tpu.memory_space<semaphore_mem>>) src(%arg8 : memref<128x128xf32, #tpu.memory_space<vmem>>) dst(%dma_wait3A_93 : memref<128x128xf32, #tpu.memory_space<vmem_shared>>)
      tpu.yield
    }) : () -> ()
    %mul3A_21 = arith.constant 640 : i32
    %mul3A_22 = arith.muli %arg1, %mul3A_21 : i32
    %add3A_23 = arith.constant 512 : i32
    %add3A_24 = arith.addi %mul3A_22, %add3A_23 : i32
    "tpu.region"() ({
      %run_scoped3A = tpu.sem_alloc : memref<!tpu.dma_semaphore, #tpu.memory_space<semaphore_mem>>
      %dma_start3A_86 = arith.constant 0 : i32
      %dma_start3A_87 = tpu.memref_slice %arg10[%add3A_24, %dma_start3A_86] : memref<10240x128xf32, #tpu.memory_space<vmem_shared>> -> memref<128x128xf32, #tpu.memory_space<vmem_shared>>
      %dma_start3A_88 = arith.constant 0 : i32
      %dma_start3A_89 = tpu.memref_slice %arg10[%add3A_24, %dma_start3A_88] : memref<10240x128xf32, #tpu.memory_space<vmem_shared>> -> memref<128x128xf32, #tpu.memory_space<vmem_shared>>
      tpu.enqueue_dma source(%arg8 : memref<128x128xf32, #tpu.memory_space<vmem>>) target(%dma_start3A_89 : memref<128x128xf32, #tpu.memory_space<vmem_shared>>) target_semaphore(%run_scoped3A : memref<!tpu.dma_semaphore, #tpu.memory_space<semaphore_mem>>)
      %dma_wait3A_90 = arith.constant 0 : i32
      %dma_wait3A_91 = tpu.memref_slice %arg10[%add3A_24, %dma_wait3A_90] : memref<10240x128xf32, #tpu.memory_space<vmem_shared>> -> memref<128x128xf32, #tpu.memory_space<vmem_shared>>
      %dma_wait3A_92 = arith.constant 0 : i32
      %dma_wait3A_93 = tpu.memref_slice %arg10[%add3A_24, %dma_wait3A_92] : memref<10240x128xf32, #tpu.memory_space<vmem_shared>> -> memref<128x128xf32, #tpu.memory_space<vmem_shared>>
      tpu.wait_dma2 semaphore(%run_scoped3A : memref<!tpu.dma_semaphore, #tpu.memory_space<semaphore_mem>>) src(%arg8 : memref<128x128xf32, #tpu.memory_space<vmem>>) dst(%dma_wait3A_93 : memref<128x128xf32, #tpu.memory_space<vmem_shared>>)
      tpu.yield
    }) : () -> ()
    %barrier3A = arith.constant 0 : index
    tpu.barrier barrier_id(%barrier3A)
    %mul3A_25 = arith.constant 80 : i32
    %mul3A_26 = arith.muli %arg1, %mul3A_25 : i32
    %add3A_27 = arith.constant 0 : i32
    %add3A_28 = arith.addi %mul3A_26, %add3A_27 : i32
    "tpu.region"() ({
      %run_scoped3A = tpu.sem_alloc : memref<!tpu.dma_semaphore, #tpu.memory_space<semaphore_mem>>
      %dma_start3A_86 = arith.constant 0 : i32
      %dma_start3A_87 = tpu.memref_slice %arg3[%add3A_28, %dma_start3A_86] : memref<1280x128xi32, #tpu.memory_space<hbm>> -> memref<40x128xi32, #tpu.memory_space<hbm>>
      %dma_start3A_88 = arith.constant 0 : i32
      %dma_start3A_89 = tpu.memref_slice %arg3[%add3A_28, %dma_start3A_88] : memref<1280x128xi32, #tpu.memory_space<hbm>> -> memref<40x128xi32, #tpu.memory_space<hbm>>
      tpu.enqueue_dma source(%dma_start3A_89 : memref<40x128xi32, #tpu.memory_space<hbm>>) target(%arg6 : memref<40x128xi32, #tpu.memory_space<vmem>>) target_semaphore(%run_scoped3A : memref<!tpu.dma_semaphore, #tpu.memory_space<semaphore_mem>>)
      %dma_wait3A_90 = arith.constant 0 : i32
      %dma_wait3A_91 = tpu.memref_slice %arg3[%add3A_28, %dma_wait3A_90] : memref<1280x128xi32, #tpu.memory_space<hbm>> -> memref<40x128xi32, #tpu.memory_space<hbm>>
      %dma_wait3A_92 = arith.constant 0 : i32
      %dma_wait3A_93 = tpu.memref_slice %arg3[%add3A_28, %dma_wait3A_92] : memref<1280x128xi32, #tpu.memory_space<hbm>> -> memref<40x128xi32, #tpu.memory_space<hbm>>
      tpu.wait_dma2 semaphore(%run_scoped3A : memref<!tpu.dma_semaphore, #tpu.memory_space<semaphore_mem>>) src(%dma_wait3A_93 : memref<40x128xi32, #tpu.memory_space<hbm>>) dst(%arg6 : memref<40x128xi32, #tpu.memory_space<vmem>>)
      tpu.yield
    }) : () -> ()
    "tpu.region"() ({
      %run_scoped3A = tpu.sem_alloc : memref<!tpu.dma_semaphore, #tpu.memory_space<semaphore_mem>>
      %dma_start3A_86 = arith.constant 0 : i32
      %dma_start3A_87 = tpu.memref_slice %arg4[%add3A_28, %dma_start3A_86] : memref<1280x128xi32, #tpu.memory_space<hbm>> -> memref<40x128xi32, #tpu.memory_space<hbm>>
      %dma_start3A_88 = arith.constant 0 : i32
      %dma_start3A_89 = tpu.memref_slice %arg4[%add3A_28, %dma_start3A_88] : memref<1280x128xi32, #tpu.memory_space<hbm>> -> memref<40x128xi32, #tpu.memory_space<hbm>>
      tpu.enqueue_dma source(%dma_start3A_89 : memref<40x128xi32, #tpu.memory_space<hbm>>) target(%arg7 : memref<40x128xi32, #tpu.memory_space<vmem>>) target_semaphore(%run_scoped3A : memref<!tpu.dma_semaphore, #tpu.memory_space<semaphore_mem>>)
      %dma_wait3A_90 = arith.constant 0 : i32
      %dma_wait3A_91 = tpu.memref_slice %arg4[%add3A_28, %dma_wait3A_90] : memref<1280x128xi32, #tpu.memory_space<hbm>> -> memref<40x128xi32, #tpu.memory_space<hbm>>
      %dma_wait3A_92 = arith.constant 0 : i32
      %dma_wait3A_93 = tpu.memref_slice %arg4[%add3A_28, %dma_wait3A_92] : memref<1280x128xi32, #tpu.memory_space<hbm>> -> memref<40x128xi32, #tpu.memory_space<hbm>>
      tpu.wait_dma2 semaphore(%run_scoped3A : memref<!tpu.dma_semaphore, #tpu.memory_space<semaphore_mem>>) src(%dma_wait3A_93 : memref<40x128xi32, #tpu.memory_space<hbm>>) dst(%arg7 : memref<40x128xi32, #tpu.memory_space<vmem>>)
      tpu.yield
    }) : () -> ()
    %dma_start3A = arith.constant 0 : i32
    %dma_start3A_29 = arith.constant 0 : i32
    %dma_start3A_30 = tpu.memref_slice %arg6[%dma_start3A, %dma_start3A_29] : memref<40x128xi32, #tpu.memory_space<vmem>> -> memref<1x128xi32, #tpu.memory_space<vmem>>
    %dma_start3A_31 = tpu.memref_squeeze %dma_start3A_30 : memref<1x128xi32, #tpu.memory_space<vmem>> -> memref<128xi32, #tpu.memory_space<vmem>>
    %dma_start3A_32 = arith.constant 0 : i32
    %dma_start3A_33 = arith.constant 0 : i32
    %dma_start3A_34 = tpu.memref_slice %arg2[%arg0, %dma_start3A_32, %dma_start3A_33] : memref<2x10000x128xf32, #tpu.memory_space<hbm>> -> memref<1x10000x128xf32, #tpu.memory_space<hbm>>
    %dma_start3A_35 = tpu.memref_squeeze %dma_start3A_34 : memref<1x10000x128xf32, #tpu.memory_space<hbm>> -> memref<10000x128xf32, #tpu.memory_space<hbm>>
    %dma_start3A_36 = arith.constant 0 : i32
    %dma_start3A_37 = arith.constant 0 : i32
    %dma_start3A_38 = tpu.memref_slice %dma_start3A_35[%dma_start3A_36, %dma_start3A_37] : memref<10000x128xf32, #tpu.memory_space<hbm>> -> memref<10000x128xf32, #tpu.memory_space<hbm>>
    tpu.enqueue_indirect_dma source(%dma_start3A_38 : memref<10000x128xf32, #tpu.memory_space<hbm>>) target(%arg8 : memref<128x128xf32, #tpu.memory_space<vmem>>) offsets(%dma_start3A_31 : memref<128xi32, #tpu.memory_space<vmem>>) semaphore(%arg11 : memref<!tpu.dma_semaphore, #tpu.memory_space<semaphore_mem>>)
    %scan3A_39 = arith.constant 0 : i32
    %scan3A_40 = arith.constant 0 : i32
    %scan3A_41 = arith.constant 20 : i32
    %scan3A_42 = arith.addi %scan3A_40, %scan3A_41 : i32
    %scan3A_43 = arith.constant 1 : i32
    %scan3A_44 = scf.for %scan3A_86 = %scan3A_40 to %scan3A_42 step %scan3A_43 iter_args(%scan3A_87 = %scan3A_39) -> (i32)  : i32 {
      %mul3A_88 = arith.constant 2 : i32
      %mul3A_89 = arith.muli %scan3A_86, %mul3A_88 : i32
      %add3A_90 = arith.constant 0 : i32
      %add3A_91 = arith.addi %mul3A_89, %add3A_90 : i32
      %dma_wait3A_92 = arith.constant 0 : i32
      %dma_wait3A_93 = tpu.memref_slice %arg6[%add3A_91, %dma_wait3A_92] : memref<40x128xi32, #tpu.memory_space<vmem>> -> memref<1x128xi32, #tpu.memory_space<vmem>>
      %dma_wait3A_94 = tpu.memref_squeeze %dma_wait3A_93 : memref<1x128xi32, #tpu.memory_space<vmem>> -> memref<128xi32, #tpu.memory_space<vmem>>
      %dma_wait3A_95 = arith.constant 0 : i32
      %dma_wait3A_96 = arith.constant 0 : i32
      %dma_wait3A_97 = tpu.memref_slice %arg2[%arg0, %dma_wait3A_95, %dma_wait3A_96] : memref<2x10000x128xf32, #tpu.memory_space<hbm>> -> memref<1x10000x128xf32, #tpu.memory_space<hbm>>
      %dma_wait3A_98 = tpu.memref_squeeze %dma_wait3A_97 : memref<1x10000x128xf32, #tpu.memory_space<hbm>> -> memref<10000x128xf32, #tpu.memory_space<hbm>>
      %dma_wait3A_99 = arith.constant 0 : i32
      %dma_wait3A_100 = arith.constant 0 : i32
      %dma_wait3A_101 = tpu.memref_slice %dma_wait3A_98[%dma_wait3A_99, %dma_wait3A_100] : memref<10000x128xf32, #tpu.memory_space<hbm>> -> memref<10000x128xf32, #tpu.memory_space<hbm>>
      tpu.wait_indirect_dma semaphore(%arg11 : memref<!tpu.dma_semaphore, #tpu.memory_space<semaphore_mem>>) src(%dma_wait3A_101 : memref<10000x128xf32, #tpu.memory_space<hbm>>) dst(%arg8 : memref<128x128xf32, #tpu.memory_space<vmem>>)
      %dma_start3A_102 = arith.constant 0 : i32
      %dma_start3A_103 = tpu.memref_slice %arg7[%add3A_91, %dma_start3A_102] : memref<40x128xi32, #tpu.memory_space<vmem>> -> memref<1x128xi32, #tpu.memory_space<vmem>>
      %dma_start3A_104 = tpu.memref_squeeze %dma_start3A_103 : memref<1x128xi32, #tpu.memory_space<vmem>> -> memref<128xi32, #tpu.memory_space<vmem>>
      %dma_start3A_105 = arith.constant 0 : i32
      %dma_start3A_106 = arith.constant 0 : i32
      %dma_start3A_107 = tpu.memref_slice %arg10[%dma_start3A_105, %dma_start3A_106] : memref<10240x128xf32, #tpu.memory_space<vmem_shared>> -> memref<10240x128xf32, #tpu.memory_space<vmem_shared>>
      tpu.enqueue_indirect_dma source(%arg8 : memref<128x128xf32, #tpu.memory_space<vmem>>) target(%dma_start3A_107 : memref<10240x128xf32, #tpu.memory_space<vmem_shared>>) offsets(%dma_start3A_104 : memref<128xi32, #tpu.memory_space<vmem>>) semaphore(%arg13 : memref<!tpu.dma_semaphore, #tpu.memory_space<semaphore_mem>>) {add = true}
      %ge3A = arith.constant 1 : i32
      %ge3A_108 = arith.cmpi sge, %add3A_91, %ge3A : i32
      %convert_element_type3A = arith.extui %ge3A_108 : i1 to i32
      %cond3A = arith.constant 0 : i32
      %cond3A_109 = arith.cmpi ne, %convert_element_type3A, %cond3A : i32
      scf.if %cond3A_109 {
        %sub3A = arith.constant 1 : i32
        %sub3A_149 = arith.subi %add3A_91, %sub3A : i32
        %dma_wait3A_150 = arith.constant 0 : i32
        %dma_wait3A_151 = tpu.memref_slice %arg7[%sub3A_149, %dma_wait3A_150] : memref<40x128xi32, #tpu.memory_space<vmem>> -> memref<1x128xi32, #tpu.memory_space<vmem>>
        %dma_wait3A_152 = tpu.memref_squeeze %dma_wait3A_151 : memref<1x128xi32, #tpu.memory_space<vmem>> -> memref<128xi32, #tpu.memory_space<vmem>>
        %dma_wait3A_153 = arith.constant 0 : i32
        %dma_wait3A_154 = arith.constant 0 : i32
        %dma_wait3A_155 = tpu.memref_slice %arg10[%dma_wait3A_153, %dma_wait3A_154] : memref<10240x128xf32, #tpu.memory_space<vmem_shared>> -> memref<10240x128xf32, #tpu.memory_space<vmem_shared>>
        tpu.wait_indirect_dma semaphore(%arg14 : memref<!tpu.dma_semaphore, #tpu.memory_space<semaphore_mem>>) src(%arg9 : memref<128x128xf32, #tpu.memory_space<vmem>>) dst(%dma_wait3A_155 : memref<10240x128xf32, #tpu.memory_space<vmem_shared>>)
      } else {
      }
      %add3A_110 = arith.constant 1 : i32
      %add3A_111 = arith.addi %add3A_91, %add3A_110 : i32
      %lt3A = arith.constant 40 : i32
      %lt3A_112 = arith.cmpi slt, %add3A_111, %lt3A : i32
      %convert_element_type3A_113 = arith.extui %lt3A_112 : i1 to i32
      %cond3A_114 = arith.constant 0 : i32
      %cond3A_115 = arith.cmpi ne, %convert_element_type3A_113, %cond3A_114 : i32
      scf.if %cond3A_115 {
        %add3A_149 = arith.constant 1 : i32
        %add3A_150 = arith.addi %add3A_91, %add3A_149 : i32
        %dma_start3A_151 = arith.constant 0 : i32
        %dma_start3A_152 = tpu.memref_slice %arg6[%add3A_150, %dma_start3A_151] : memref<40x128xi32, #tpu.memory_space<vmem>> -> memref<1x128xi32, #tpu.memory_space<vmem>>
        %dma_start3A_153 = tpu.memref_squeeze %dma_start3A_152 : memref<1x128xi32, #tpu.memory_space<vmem>> -> memref<128xi32, #tpu.memory_space<vmem>>
        %dma_start3A_154 = arith.constant 0 : i32
        %dma_start3A_155 = arith.constant 0 : i32
        %dma_start3A_156 = tpu.memref_slice %arg2[%arg0, %dma_start3A_154, %dma_start3A_155] : memref<2x10000x128xf32, #tpu.memory_space<hbm>> -> memref<1x10000x128xf32, #tpu.memory_space<hbm>>
        %dma_start3A_157 = tpu.memref_squeeze %dma_start3A_156 : memref<1x10000x128xf32, #tpu.memory_space<hbm>> -> memref<10000x128xf32, #tpu.memory_space<hbm>>
        %dma_start3A_158 = arith.constant 0 : i32
        %dma_start3A_159 = arith.constant 0 : i32
        %dma_start3A_160 = tpu.memref_slice %dma_start3A_157[%dma_start3A_158, %dma_start3A_159] : memref<10000x128xf32, #tpu.memory_space<hbm>> -> memref<10000x128xf32, #tpu.memory_space<hbm>>
        tpu.enqueue_indirect_dma source(%dma_start3A_160 : memref<10000x128xf32, #tpu.memory_space<hbm>>) target(%arg9 : memref<128x128xf32, #tpu.memory_space<vmem>>) offsets(%dma_start3A_153 : memref<128xi32, #tpu.memory_space<vmem>>) semaphore(%arg12 : memref<!tpu.dma_semaphore, #tpu.memory_space<semaphore_mem>>)
      } else {
      }
      %mul3A_116 = arith.constant 2 : i32
      %mul3A_117 = arith.muli %scan3A_86, %mul3A_116 : i32
      %add3A_118 = arith.constant 1 : i32
      %add3A_119 = arith.addi %mul3A_117, %add3A_118 : i32
      %dma_wait3A_120 = arith.constant 0 : i32
      %dma_wait3A_121 = tpu.memref_slice %arg6[%add3A_119, %dma_wait3A_120] : memref<40x128xi32, #tpu.memory_space<vmem>> -> memref<1x128xi32, #tpu.memory_space<vmem>>
      %dma_wait3A_122 = tpu.memref_squeeze %dma_wait3A_121 : memref<1x128xi32, #tpu.memory_space<vmem>> -> memref<128xi32, #tpu.memory_space<vmem>>
      %dma_wait3A_123 = arith.constant 0 : i32
      %dma_wait3A_124 = arith.constant 0 : i32
      %dma_wait3A_125 = tpu.memref_slice %arg2[%arg0, %dma_wait3A_123, %dma_wait3A_124] : memref<2x10000x128xf32, #tpu.memory_space<hbm>> -> memref<1x10000x128xf32, #tpu.memory_space<hbm>>
      %dma_wait3A_126 = tpu.memref_squeeze %dma_wait3A_125 : memref<1x10000x128xf32, #tpu.memory_space<hbm>> -> memref<10000x128xf32, #tpu.memory_space<hbm>>
      %dma_wait3A_127 = arith.constant 0 : i32
      %dma_wait3A_128 = arith.constant 0 : i32
      %dma_wait3A_129 = tpu.memref_slice %dma_wait3A_126[%dma_wait3A_127, %dma_wait3A_128] : memref<10000x128xf32, #tpu.memory_space<hbm>> -> memref<10000x128xf32, #tpu.memory_space<hbm>>
      tpu.wait_indirect_dma semaphore(%arg12 : memref<!tpu.dma_semaphore, #tpu.memory_space<semaphore_mem>>) src(%dma_wait3A_129 : memref<10000x128xf32, #tpu.memory_space<hbm>>) dst(%arg9 : memref<128x128xf32, #tpu.memory_space<vmem>>)
      %dma_start3A_130 = arith.constant 0 : i32
      %dma_start3A_131 = tpu.memref_slice %arg7[%add3A_119, %dma_start3A_130] : memref<40x128xi32, #tpu.memory_space<vmem>> -> memref<1x128xi32, #tpu.memory_space<vmem>>
      %dma_start3A_132 = tpu.memref_squeeze %dma_start3A_131 : memref<1x128xi32, #tpu.memory_space<vmem>> -> memref<128xi32, #tpu.memory_space<vmem>>
      %dma_start3A_133 = arith.constant 0 : i32
      %dma_start3A_134 = arith.constant 0 : i32
      %dma_start3A_135 = tpu.memref_slice %arg10[%dma_start3A_133, %dma_start3A_134] : memref<10240x128xf32, #tpu.memory_space<vmem_shared>> -> memref<10240x128xf32, #tpu.memory_space<vmem_shared>>
      tpu.enqueue_indirect_dma source(%arg9 : memref<128x128xf32, #tpu.memory_space<vmem>>) target(%dma_start3A_135 : memref<10240x128xf32, #tpu.memory_space<vmem_shared>>) offsets(%dma_start3A_132 : memref<128xi32, #tpu.memory_space<vmem>>) semaphore(%arg14 : memref<!tpu.dma_semaphore, #tpu.memory_space<semaphore_mem>>) {add = true}
      %ge3A_136 = arith.constant 1 : i32
      %ge3A_137 = arith.cmpi sge, %add3A_119, %ge3A_136 : i32
      %convert_element_type3A_138 = arith.extui %ge3A_137 : i1 to i32
      %cond3A_139 = arith.constant 0 : i32
      %cond3A_140 = arith.cmpi ne, %convert_element_type3A_138, %cond3A_139 : i32
      scf.if %cond3A_140 {
        %sub3A = arith.constant 1 : i32
        %sub3A_149 = arith.subi %add3A_119, %sub3A : i32
        %dma_wait3A_150 = arith.constant 0 : i32
        %dma_wait3A_151 = tpu.memref_slice %arg7[%sub3A_149, %dma_wait3A_150] : memref<40x128xi32, #tpu.memory_space<vmem>> -> memref<1x128xi32, #tpu.memory_space<vmem>>
        %dma_wait3A_152 = tpu.memref_squeeze %dma_wait3A_151 : memref<1x128xi32, #tpu.memory_space<vmem>> -> memref<128xi32, #tpu.memory_space<vmem>>
        %dma_wait3A_153 = arith.constant 0 : i32
        %dma_wait3A_154 = arith.constant 0 : i32
        %dma_wait3A_155 = tpu.memref_slice %arg10[%dma_wait3A_153, %dma_wait3A_154] : memref<10240x128xf32, #tpu.memory_space<vmem_shared>> -> memref<10240x128xf32, #tpu.memory_space<vmem_shared>>
        tpu.wait_indirect_dma semaphore(%arg13 : memref<!tpu.dma_semaphore, #tpu.memory_space<semaphore_mem>>) src(%arg8 : memref<128x128xf32, #tpu.memory_space<vmem>>) dst(%dma_wait3A_155 : memref<10240x128xf32, #tpu.memory_space<vmem_shared>>)
      } else {
      }
      %add3A_141 = arith.constant 1 : i32
      %add3A_142 = arith.addi %add3A_119, %add3A_141 : i32
      %lt3A_143 = arith.constant 40 : i32
      %lt3A_144 = arith.cmpi slt, %add3A_142, %lt3A_143 : i32
      %convert_element_type3A_145 = arith.extui %lt3A_144 : i1 to i32
      %cond3A_146 = arith.constant 0 : i32
      %cond3A_147 = arith.cmpi ne, %convert_element_type3A_145, %cond3A_146 : i32
      scf.if %cond3A_147 {
        %add3A_149 = arith.constant 1 : i32
        %add3A_150 = arith.addi %add3A_119, %add3A_149 : i32
        %dma_start3A_151 = arith.constant 0 : i32
        %dma_start3A_152 = tpu.memref_slice %arg6[%add3A_150, %dma_start3A_151] : memref<40x128xi32, #tpu.memory_space<vmem>> -> memref<1x128xi32, #tpu.memory_space<vmem>>
        %dma_start3A_153 = tpu.memref_squeeze %dma_start3A_152 : memref<1x128xi32, #tpu.memory_space<vmem>> -> memref<128xi32, #tpu.memory_space<vmem>>
        %dma_start3A_154 = arith.constant 0 : i32
        %dma_start3A_155 = arith.constant 0 : i32
        %dma_start3A_156 = tpu.memref_slice %arg2[%arg0, %dma_start3A_154, %dma_start3A_155] : memref<2x10000x128xf32, #tpu.memory_space<hbm>> -> memref<1x10000x128xf32, #tpu.memory_space<hbm>>
        %dma_start3A_157 = tpu.memref_squeeze %dma_start3A_156 : memref<1x10000x128xf32, #tpu.memory_space<hbm>> -> memref<10000x128xf32, #tpu.memory_space<hbm>>
        %dma_start3A_158 = arith.constant 0 : i32
        %dma_start3A_159 = arith.constant 0 : i32
        %dma_start3A_160 = tpu.memref_slice %dma_start3A_157[%dma_start3A_158, %dma_start3A_159] : memref<10000x128xf32, #tpu.memory_space<hbm>> -> memref<10000x128xf32, #tpu.memory_space<hbm>>
        tpu.enqueue_indirect_dma source(%dma_start3A_160 : memref<10000x128xf32, #tpu.memory_space<hbm>>) target(%arg8 : memref<128x128xf32, #tpu.memory_space<vmem>>) offsets(%dma_start3A_153 : memref<128xi32, #tpu.memory_space<vmem>>) semaphore(%arg11 : memref<!tpu.dma_semaphore, #tpu.memory_space<semaphore_mem>>)
      } else {
      }
      %scan3A_148 = arith.constant 0 : i32
      scf.yield %scan3A_148 : i32
    }
    %scan3A_45 = arith.constant 20 : i32
    %dma_wait3A = arith.constant 39 : i32
    %dma_wait3A_46 = arith.constant 0 : i32
    %dma_wait3A_47 = tpu.memref_slice %arg7[%dma_wait3A, %dma_wait3A_46] : memref<40x128xi32, #tpu.memory_space<vmem>> -> memref<1x128xi32, #tpu.memory_space<vmem>>
    %dma_wait3A_48 = tpu.memref_squeeze %dma_wait3A_47 : memref<1x128xi32, #tpu.memory_space<vmem>> -> memref<128xi32, #tpu.memory_space<vmem>>
    %dma_wait3A_49 = arith.constant 0 : i32
    %dma_wait3A_50 = arith.constant 0 : i32
    %dma_wait3A_51 = tpu.memref_slice %arg10[%dma_wait3A_49, %dma_wait3A_50] : memref<10240x128xf32, #tpu.memory_space<vmem_shared>> -> memref<10240x128xf32, #tpu.memory_space<vmem_shared>>
    tpu.wait_indirect_dma semaphore(%arg14 : memref<!tpu.dma_semaphore, #tpu.memory_space<semaphore_mem>>) src(%arg9 : memref<128x128xf32, #tpu.memory_space<vmem>>) dst(%dma_wait3A_51 : memref<10240x128xf32, #tpu.memory_space<vmem_shared>>)
    %mul3A_52 = arith.constant 80 : i32
    %mul3A_53 = arith.muli %arg1, %mul3A_52 : i32
    %add3A_54 = arith.constant 40 : i32
    %add3A_55 = arith.addi %mul3A_53, %add3A_54 : i32
    "tpu.region"() ({
      %run_scoped3A = tpu.sem_alloc : memref<!tpu.dma_semaphore, #tpu.memory_space<semaphore_mem>>
      %dma_start3A_86 = arith.constant 0 : i32
      %dma_start3A_87 = tpu.memref_slice %arg3[%add3A_55, %dma_start3A_86] : memref<1280x128xi32, #tpu.memory_space<hbm>> -> memref<40x128xi32, #tpu.memory_space<hbm>>
      %dma_start3A_88 = arith.constant 0 : i32
      %dma_start3A_89 = tpu.memref_slice %arg3[%add3A_55, %dma_start3A_88] : memref<1280x128xi32, #tpu.memory_space<hbm>> -> memref<40x128xi32, #tpu.memory_space<hbm>>
      tpu.enqueue_dma source(%dma_start3A_89 : memref<40x128xi32, #tpu.memory_space<hbm>>) target(%arg6 : memref<40x128xi32, #tpu.memory_space<vmem>>) target_semaphore(%run_scoped3A : memref<!tpu.dma_semaphore, #tpu.memory_space<semaphore_mem>>)
      %dma_wait3A_90 = arith.constant 0 : i32
      %dma_wait3A_91 = tpu.memref_slice %arg3[%add3A_55, %dma_wait3A_90] : memref<1280x128xi32, #tpu.memory_space<hbm>> -> memref<40x128xi32, #tpu.memory_space<hbm>>
      %dma_wait3A_92 = arith.constant 0 : i32
      %dma_wait3A_93 = tpu.memref_slice %arg3[%add3A_55, %dma_wait3A_92] : memref<1280x128xi32, #tpu.memory_space<hbm>> -> memref<40x128xi32, #tpu.memory_space<hbm>>
      tpu.wait_dma2 semaphore(%run_scoped3A : memref<!tpu.dma_semaphore, #tpu.memory_space<semaphore_mem>>) src(%dma_wait3A_93 : memref<40x128xi32, #tpu.memory_space<hbm>>) dst(%arg6 : memref<40x128xi32, #tpu.memory_space<vmem>>)
      tpu.yield
    }) : () -> ()
    "tpu.region"() ({
      %run_scoped3A = tpu.sem_alloc : memref<!tpu.dma_semaphore, #tpu.memory_space<semaphore_mem>>
      %dma_start3A_86 = arith.constant 0 : i32
      %dma_start3A_87 = tpu.memref_slice %arg4[%add3A_55, %dma_start3A_86] : memref<1280x128xi32, #tpu.memory_space<hbm>> -> memref<40x128xi32, #tpu.memory_space<hbm>>
      %dma_start3A_88 = arith.constant 0 : i32
      %dma_start3A_89 = tpu.memref_slice %arg4[%add3A_55, %dma_start3A_88] : memref<1280x128xi32, #tpu.memory_space<hbm>> -> memref<40x128xi32, #tpu.memory_space<hbm>>
      tpu.enqueue_dma source(%dma_start3A_89 : memref<40x128xi32, #tpu.memory_space<hbm>>) target(%arg7 : memref<40x128xi32, #tpu.memory_space<vmem>>) target_semaphore(%run_scoped3A : memref<!tpu.dma_semaphore, #tpu.memory_space<semaphore_mem>>)
      %dma_wait3A_90 = arith.constant 0 : i32
      %dma_wait3A_91 = tpu.memref_slice %arg4[%add3A_55, %dma_wait3A_90] : memref<1280x128xi32, #tpu.memory_space<hbm>> -> memref<40x128xi32, #tpu.memory_space<hbm>>
      %dma_wait3A_92 = arith.constant 0 : i32
      %dma_wait3A_93 = tpu.memref_slice %arg4[%add3A_55, %dma_wait3A_92] : memref<1280x128xi32, #tpu.memory_space<hbm>> -> memref<40x128xi32, #tpu.memory_space<hbm>>
      tpu.wait_dma2 semaphore(%run_scoped3A : memref<!tpu.dma_semaphore, #tpu.memory_space<semaphore_mem>>) src(%dma_wait3A_93 : memref<40x128xi32, #tpu.memory_space<hbm>>) dst(%arg7 : memref<40x128xi32, #tpu.memory_space<vmem>>)
      tpu.yield
    }) : () -> ()
    %dma_start3A_56 = arith.constant 0 : i32
    %dma_start3A_57 = arith.constant 0 : i32
    %dma_start3A_58 = tpu.memref_slice %arg6[%dma_start3A_56, %dma_start3A_57] : memref<40x128xi32, #tpu.memory_space<vmem>> -> memref<1x128xi32, #tpu.memory_space<vmem>>
    %dma_start3A_59 = tpu.memref_squeeze %dma_start3A_58 : memref<1x128xi32, #tpu.memory_space<vmem>> -> memref<128xi32, #tpu.memory_space<vmem>>
    %dma_start3A_60 = arith.constant 0 : i32
    %dma_start3A_61 = arith.constant 0 : i32
    %dma_start3A_62 = tpu.memref_slice %arg2[%arg0, %dma_start3A_60, %dma_start3A_61] : memref<2x10000x128xf32, #tpu.memory_space<hbm>> -> memref<1x10000x128xf32, #tpu.memory_space<hbm>>
    %dma_start3A_63 = tpu.memref_squeeze %dma_start3A_62 : memref<1x10000x128xf32, #tpu.memory_space<hbm>> -> memref<10000x128xf32, #tpu.memory_space<hbm>>
    %dma_start3A_64 = arith.constant 0 : i32
    %dma_start3A_65 = arith.constant 0 : i32
    %dma_start3A_66 = tpu.memref_slice %dma_start3A_63[%dma_start3A_64, %dma_start3A_65] : memref<10000x128xf32, #tpu.memory_space<hbm>> -> memref<10000x128xf32, #tpu.memory_space<hbm>>
    tpu.enqueue_indirect_dma source(%dma_start3A_66 : memref<10000x128xf32, #tpu.memory_space<hbm>>) target(%arg8 : memref<128x128xf32, #tpu.memory_space<vmem>>) offsets(%dma_start3A_59 : memref<128xi32, #tpu.memory_space<vmem>>) semaphore(%arg11 : memref<!tpu.dma_semaphore, #tpu.memory_space<semaphore_mem>>)
    %scan3A_67 = arith.constant 0 : i32
    %scan3A_68 = arith.constant 0 : i32
    %scan3A_69 = arith.constant 20 : i32
    %scan3A_70 = arith.addi %scan3A_68, %scan3A_69 : i32
    %scan3A_71 = arith.constant 1 : i32
    %scan3A_72 = scf.for %scan3A_86 = %scan3A_68 to %scan3A_70 step %scan3A_71 iter_args(%scan3A_87 = %scan3A_67) -> (i32)  : i32 {
      %mul3A_88 = arith.constant 2 : i32
      %mul3A_89 = arith.muli %scan3A_86, %mul3A_88 : i32
      %add3A_90 = arith.constant 0 : i32
      %add3A_91 = arith.addi %mul3A_89, %add3A_90 : i32
      %dma_wait3A_92 = arith.constant 0 : i32
      %dma_wait3A_93 = tpu.memref_slice %arg6[%add3A_91, %dma_wait3A_92] : memref<40x128xi32, #tpu.memory_space<vmem>> -> memref<1x128xi32, #tpu.memory_space<vmem>>
      %dma_wait3A_94 = tpu.memref_squeeze %dma_wait3A_93 : memref<1x128xi32, #tpu.memory_space<vmem>> -> memref<128xi32, #tpu.memory_space<vmem>>
      %dma_wait3A_95 = arith.constant 0 : i32
      %dma_wait3A_96 = arith.constant 0 : i32
      %dma_wait3A_97 = tpu.memref_slice %arg2[%arg0, %dma_wait3A_95, %dma_wait3A_96] : memref<2x10000x128xf32, #tpu.memory_space<hbm>> -> memref<1x10000x128xf32, #tpu.memory_space<hbm>>
      %dma_wait3A_98 = tpu.memref_squeeze %dma_wait3A_97 : memref<1x10000x128xf32, #tpu.memory_space<hbm>> -> memref<10000x128xf32, #tpu.memory_space<hbm>>
      %dma_wait3A_99 = arith.constant 0 : i32
      %dma_wait3A_100 = arith.constant 0 : i32
      %dma_wait3A_101 = tpu.memref_slice %dma_wait3A_98[%dma_wait3A_99, %dma_wait3A_100] : memref<10000x128xf32, #tpu.memory_space<hbm>> -> memref<10000x128xf32, #tpu.memory_space<hbm>>
      tpu.wait_indirect_dma semaphore(%arg11 : memref<!tpu.dma_semaphore, #tpu.memory_space<semaphore_mem>>) src(%dma_wait3A_101 : memref<10000x128xf32, #tpu.memory_space<hbm>>) dst(%arg8 : memref<128x128xf32, #tpu.memory_space<vmem>>)
      %dma_start3A_102 = arith.constant 0 : i32
      %dma_start3A_103 = tpu.memref_slice %arg7[%add3A_91, %dma_start3A_102] : memref<40x128xi32, #tpu.memory_space<vmem>> -> memref<1x128xi32, #tpu.memory_space<vmem>>
      %dma_start3A_104 = tpu.memref_squeeze %dma_start3A_103 : memref<1x128xi32, #tpu.memory_space<vmem>> -> memref<128xi32, #tpu.memory_space<vmem>>
      %dma_start3A_105 = arith.constant 0 : i32
      %dma_start3A_106 = arith.constant 0 : i32
      %dma_start3A_107 = tpu.memref_slice %arg10[%dma_start3A_105, %dma_start3A_106] : memref<10240x128xf32, #tpu.memory_space<vmem_shared>> -> memref<10240x128xf32, #tpu.memory_space<vmem_shared>>
      tpu.enqueue_indirect_dma source(%arg8 : memref<128x128xf32, #tpu.memory_space<vmem>>) target(%dma_start3A_107 : memref<10240x128xf32, #tpu.memory_space<vmem_shared>>) offsets(%dma_start3A_104 : memref<128xi32, #tpu.memory_space<vmem>>) semaphore(%arg13 : memref<!tpu.dma_semaphore, #tpu.memory_space<semaphore_mem>>) {add = true}
      %ge3A = arith.constant 1 : i32
      %ge3A_108 = arith.cmpi sge, %add3A_91, %ge3A : i32
      %convert_element_type3A = arith.extui %ge3A_108 : i1 to i32
      %cond3A = arith.constant 0 : i32
      %cond3A_109 = arith.cmpi ne, %convert_element_type3A, %cond3A : i32
      scf.if %cond3A_109 {
        %sub3A = arith.constant 1 : i32
        %sub3A_149 = arith.subi %add3A_91, %sub3A : i32
        %dma_wait3A_150 = arith.constant 0 : i32
        %dma_wait3A_151 = tpu.memref_slice %arg7[%sub3A_149, %dma_wait3A_150] : memref<40x128xi32, #tpu.memory_space<vmem>> -> memref<1x128xi32, #tpu.memory_space<vmem>>
        %dma_wait3A_152 = tpu.memref_squeeze %dma_wait3A_151 : memref<1x128xi32, #tpu.memory_space<vmem>> -> memref<128xi32, #tpu.memory_space<vmem>>
        %dma_wait3A_153 = arith.constant 0 : i32
        %dma_wait3A_154 = arith.constant 0 : i32
        %dma_wait3A_155 = tpu.memref_slice %arg10[%dma_wait3A_153, %dma_wait3A_154] : memref<10240x128xf32, #tpu.memory_space<vmem_shared>> -> memref<10240x128xf32, #tpu.memory_space<vmem_shared>>
        tpu.wait_indirect_dma semaphore(%arg14 : memref<!tpu.dma_semaphore, #tpu.memory_space<semaphore_mem>>) src(%arg9 : memref<128x128xf32, #tpu.memory_space<vmem>>) dst(%dma_wait3A_155 : memref<10240x128xf32, #tpu.memory_space<vmem_shared>>)
      } else {
      }
      %add3A_110 = arith.constant 1 : i32
      %add3A_111 = arith.addi %add3A_91, %add3A_110 : i32
      %lt3A = arith.constant 40 : i32
      %lt3A_112 = arith.cmpi slt, %add3A_111, %lt3A : i32
      %convert_element_type3A_113 = arith.extui %lt3A_112 : i1 to i32
      %cond3A_114 = arith.constant 0 : i32
      %cond3A_115 = arith.cmpi ne, %convert_element_type3A_113, %cond3A_114 : i32
      scf.if %cond3A_115 {
        %add3A_149 = arith.constant 1 : i32
        %add3A_150 = arith.addi %add3A_91, %add3A_149 : i32
        %dma_start3A_151 = arith.constant 0 : i32
        %dma_start3A_152 = tpu.memref_slice %arg6[%add3A_150, %dma_start3A_151] : memref<40x128xi32, #tpu.memory_space<vmem>> -> memref<1x128xi32, #tpu.memory_space<vmem>>
        %dma_start3A_153 = tpu.memref_squeeze %dma_start3A_152 : memref<1x128xi32, #tpu.memory_space<vmem>> -> memref<128xi32, #tpu.memory_space<vmem>>
        %dma_start3A_154 = arith.constant 0 : i32
        %dma_start3A_155 = arith.constant 0 : i32
        %dma_start3A_156 = tpu.memref_slice %arg2[%arg0, %dma_start3A_154, %dma_start3A_155] : memref<2x10000x128xf32, #tpu.memory_space<hbm>> -> memref<1x10000x128xf32, #tpu.memory_space<hbm>>
        %dma_start3A_157 = tpu.memref_squeeze %dma_start3A_156 : memref<1x10000x128xf32, #tpu.memory_space<hbm>> -> memref<10000x128xf32, #tpu.memory_space<hbm>>
        %dma_start3A_158 = arith.constant 0 : i32
        %dma_start3A_159 = arith.constant 0 : i32
        %dma_start3A_160 = tpu.memref_slice %dma_start3A_157[%dma_start3A_158, %dma_start3A_159] : memref<10000x128xf32, #tpu.memory_space<hbm>> -> memref<10000x128xf32, #tpu.memory_space<hbm>>
        tpu.enqueue_indirect_dma source(%dma_start3A_160 : memref<10000x128xf32, #tpu.memory_space<hbm>>) target(%arg9 : memref<128x128xf32, #tpu.memory_space<vmem>>) offsets(%dma_start3A_153 : memref<128xi32, #tpu.memory_space<vmem>>) semaphore(%arg12 : memref<!tpu.dma_semaphore, #tpu.memory_space<semaphore_mem>>)
      } else {
      }
      %mul3A_116 = arith.constant 2 : i32
      %mul3A_117 = arith.muli %scan3A_86, %mul3A_116 : i32
      %add3A_118 = arith.constant 1 : i32
      %add3A_119 = arith.addi %mul3A_117, %add3A_118 : i32
      %dma_wait3A_120 = arith.constant 0 : i32
      %dma_wait3A_121 = tpu.memref_slice %arg6[%add3A_119, %dma_wait3A_120] : memref<40x128xi32, #tpu.memory_space<vmem>> -> memref<1x128xi32, #tpu.memory_space<vmem>>
      %dma_wait3A_122 = tpu.memref_squeeze %dma_wait3A_121 : memref<1x128xi32, #tpu.memory_space<vmem>> -> memref<128xi32, #tpu.memory_space<vmem>>
      %dma_wait3A_123 = arith.constant 0 : i32
      %dma_wait3A_124 = arith.constant 0 : i32
      %dma_wait3A_125 = tpu.memref_slice %arg2[%arg0, %dma_wait3A_123, %dma_wait3A_124] : memref<2x10000x128xf32, #tpu.memory_space<hbm>> -> memref<1x10000x128xf32, #tpu.memory_space<hbm>>
      %dma_wait3A_126 = tpu.memref_squeeze %dma_wait3A_125 : memref<1x10000x128xf32, #tpu.memory_space<hbm>> -> memref<10000x128xf32, #tpu.memory_space<hbm>>
      %dma_wait3A_127 = arith.constant 0 : i32
      %dma_wait3A_128 = arith.constant 0 : i32
      %dma_wait3A_129 = tpu.memref_slice %dma_wait3A_126[%dma_wait3A_127, %dma_wait3A_128] : memref<10000x128xf32, #tpu.memory_space<hbm>> -> memref<10000x128xf32, #tpu.memory_space<hbm>>
      tpu.wait_indirect_dma semaphore(%arg12 : memref<!tpu.dma_semaphore, #tpu.memory_space<semaphore_mem>>) src(%dma_wait3A_129 : memref<10000x128xf32, #tpu.memory_space<hbm>>) dst(%arg9 : memref<128x128xf32, #tpu.memory_space<vmem>>)
      %dma_start3A_130 = arith.constant 0 : i32
      %dma_start3A_131 = tpu.memref_slice %arg7[%add3A_119, %dma_start3A_130] : memref<40x128xi32, #tpu.memory_space<vmem>> -> memref<1x128xi32, #tpu.memory_space<vmem>>
      %dma_start3A_132 = tpu.memref_squeeze %dma_start3A_131 : memref<1x128xi32, #tpu.memory_space<vmem>> -> memref<128xi32, #tpu.memory_space<vmem>>
      %dma_start3A_133 = arith.constant 0 : i32
      %dma_start3A_134 = arith.constant 0 : i32
      %dma_start3A_135 = tpu.memref_slice %arg10[%dma_start3A_133, %dma_start3A_134] : memref<10240x128xf32, #tpu.memory_space<vmem_shared>> -> memref<10240x128xf32, #tpu.memory_space<vmem_shared>>
      tpu.enqueue_indirect_dma source(%arg9 : memref<128x128xf32, #tpu.memory_space<vmem>>) target(%dma_start3A_135 : memref<10240x128xf32, #tpu.memory_space<vmem_shared>>) offsets(%dma_start3A_132 : memref<128xi32, #tpu.memory_space<vmem>>) semaphore(%arg14 : memref<!tpu.dma_semaphore, #tpu.memory_space<semaphore_mem>>) {add = true}
      %ge3A_136 = arith.constant 1 : i32
      %ge3A_137 = arith.cmpi sge, %add3A_119, %ge3A_136 : i32
      %convert_element_type3A_138 = arith.extui %ge3A_137 : i1 to i32
      %cond3A_139 = arith.constant 0 : i32
      %cond3A_140 = arith.cmpi ne, %convert_element_type3A_138, %cond3A_139 : i32
      scf.if %cond3A_140 {
        %sub3A = arith.constant 1 : i32
        %sub3A_149 = arith.subi %add3A_119, %sub3A : i32
        %dma_wait3A_150 = arith.constant 0 : i32
        %dma_wait3A_151 = tpu.memref_slice %arg7[%sub3A_149, %dma_wait3A_150] : memref<40x128xi32, #tpu.memory_space<vmem>> -> memref<1x128xi32, #tpu.memory_space<vmem>>
        %dma_wait3A_152 = tpu.memref_squeeze %dma_wait3A_151 : memref<1x128xi32, #tpu.memory_space<vmem>> -> memref<128xi32, #tpu.memory_space<vmem>>
        %dma_wait3A_153 = arith.constant 0 : i32
        %dma_wait3A_154 = arith.constant 0 : i32
        %dma_wait3A_155 = tpu.memref_slice %arg10[%dma_wait3A_153, %dma_wait3A_154] : memref<10240x128xf32, #tpu.memory_space<vmem_shared>> -> memref<10240x128xf32, #tpu.memory_space<vmem_shared>>
        tpu.wait_indirect_dma semaphore(%arg13 : memref<!tpu.dma_semaphore, #tpu.memory_space<semaphore_mem>>) src(%arg8 : memref<128x128xf32, #tpu.memory_space<vmem>>) dst(%dma_wait3A_155 : memref<10240x128xf32, #tpu.memory_space<vmem_shared>>)
      } else {
      }
      %add3A_141 = arith.constant 1 : i32
      %add3A_142 = arith.addi %add3A_119, %add3A_141 : i32
      %lt3A_143 = arith.constant 40 : i32
      %lt3A_144 = arith.cmpi slt, %add3A_142, %lt3A_143 : i32
      %convert_element_type3A_145 = arith.extui %lt3A_144 : i1 to i32
      %cond3A_146 = arith.constant 0 : i32
      %cond3A_147 = arith.cmpi ne, %convert_element_type3A_145, %cond3A_146 : i32
      scf.if %cond3A_147 {
        %add3A_149 = arith.constant 1 : i32
        %add3A_150 = arith.addi %add3A_119, %add3A_149 : i32
        %dma_start3A_151 = arith.constant 0 : i32
        %dma_start3A_152 = tpu.memref_slice %arg6[%add3A_150, %dma_start3A_151] : memref<40x128xi32, #tpu.memory_space<vmem>> -> memref<1x128xi32, #tpu.memory_space<vmem>>
        %dma_start3A_153 = tpu.memref_squeeze %dma_start3A_152 : memref<1x128xi32, #tpu.memory_space<vmem>> -> memref<128xi32, #tpu.memory_space<vmem>>
        %dma_start3A_154 = arith.constant 0 : i32
        %dma_start3A_155 = arith.constant 0 : i32
        %dma_start3A_156 = tpu.memref_slice %arg2[%arg0, %dma_start3A_154, %dma_start3A_155] : memref<2x10000x128xf32, #tpu.memory_space<hbm>> -> memref<1x10000x128xf32, #tpu.memory_space<hbm>>
        %dma_start3A_157 = tpu.memref_squeeze %dma_start3A_156 : memref<1x10000x128xf32, #tpu.memory_space<hbm>> -> memref<10000x128xf32, #tpu.memory_space<hbm>>
        %dma_start3A_158 = arith.constant 0 : i32
        %dma_start3A_159 = arith.constant 0 : i32
        %dma_start3A_160 = tpu.memref_slice %dma_start3A_157[%dma_start3A_158, %dma_start3A_159] : memref<10000x128xf32, #tpu.memory_space<hbm>> -> memref<10000x128xf32, #tpu.memory_space<hbm>>
        tpu.enqueue_indirect_dma source(%dma_start3A_160 : memref<10000x128xf32, #tpu.memory_space<hbm>>) target(%arg8 : memref<128x128xf32, #tpu.memory_space<vmem>>) offsets(%dma_start3A_153 : memref<128xi32, #tpu.memory_space<vmem>>) semaphore(%arg11 : memref<!tpu.dma_semaphore, #tpu.memory_space<semaphore_mem>>)
      } else {
      }
      %scan3A_148 = arith.constant 0 : i32
      scf.yield %scan3A_148 : i32
    }
    %scan3A_73 = arith.constant 20 : i32
    %dma_wait3A_74 = arith.constant 39 : i32
    %dma_wait3A_75 = arith.constant 0 : i32
    %dma_wait3A_76 = tpu.memref_slice %arg7[%dma_wait3A_74, %dma_wait3A_75] : memref<40x128xi32, #tpu.memory_space<vmem>> -> memref<1x128xi32, #tpu.memory_space<vmem>>
    %dma_wait3A_77 = tpu.memref_squeeze %dma_wait3A_76 : memref<1x128xi32, #tpu.memory_space<vmem>> -> memref<128xi32, #tpu.memory_space<vmem>>
    %dma_wait3A_78 = arith.constant 0 : i32
    %dma_wait3A_79 = arith.constant 0 : i32
    %dma_wait3A_80 = tpu.memref_slice %arg10[%dma_wait3A_78, %dma_wait3A_79] : memref<10240x128xf32, #tpu.memory_space<vmem_shared>> -> memref<10240x128xf32, #tpu.memory_space<vmem_shared>>
    tpu.wait_indirect_dma semaphore(%arg14 : memref<!tpu.dma_semaphore, #tpu.memory_space<semaphore_mem>>) src(%arg9 : memref<128x128xf32, #tpu.memory_space<vmem>>) dst(%dma_wait3A_80 : memref<10240x128xf32, #tpu.memory_space<vmem_shared>>)
    %barrier3A_81 = arith.constant 0 : index
    tpu.barrier barrier_id(%barrier3A_81)
    %mul3A_82 = arith.constant 640 : i32
    %mul3A_83 = arith.muli %arg1, %mul3A_82 : i32
    %mul3A_84 = arith.constant 640 : i32
    %mul3A_85 = arith.muli %arg1, %mul3A_84 : i32
    "tpu.region"() ({
      %run_scoped3A = tpu.sem_alloc : memref<!tpu.dma_semaphore, #tpu.memory_space<semaphore_mem>>
      %dma_start3A_86 = arith.constant 0 : i32
      %dma_start3A_87 = tpu.memref_slice %arg5[%arg0, %mul3A_85, %dma_start3A_86] : memref<2x10240x128xf32, #tpu.memory_space<hbm>> -> memref<1x640x128xf32, #tpu.memory_space<hbm>>
      %dma_start3A_88 = tpu.memref_squeeze %dma_start3A_87 : memref<1x640x128xf32, #tpu.memory_space<hbm>> -> memref<640x128xf32, #tpu.memory_space<hbm>>
      %dma_start3A_89 = arith.constant 0 : i32
      %dma_start3A_90 = tpu.memref_slice %arg10[%mul3A_83, %dma_start3A_89] : memref<10240x128xf32, #tpu.memory_space<vmem_shared>> -> memref<640x128xf32, #tpu.memory_space<vmem_shared>>
      tpu.enqueue_dma source(%dma_start3A_90 : memref<640x128xf32, #tpu.memory_space<vmem_shared>>) target(%dma_start3A_88 : memref<640x128xf32, #tpu.memory_space<hbm>>) target_semaphore(%run_scoped3A : memref<!tpu.dma_semaphore, #tpu.memory_space<semaphore_mem>>)
      %dma_wait3A_91 = arith.constant 0 : i32
      %dma_wait3A_92 = tpu.memref_slice %arg5[%arg0, %mul3A_85, %dma_wait3A_91] : memref<2x10240x128xf32, #tpu.memory_space<hbm>> -> memref<1x640x128xf32, #tpu.memory_space<hbm>>
      %dma_wait3A_93 = tpu.memref_squeeze %dma_wait3A_92 : memref<1x640x128xf32, #tpu.memory_space<hbm>> -> memref<640x128xf32, #tpu.memory_space<hbm>>
      %dma_wait3A_94 = arith.constant 0 : i32
      %dma_wait3A_95 = tpu.memref_slice %arg10[%mul3A_83, %dma_wait3A_94] : memref<10240x128xf32, #tpu.memory_space<vmem_shared>> -> memref<640x128xf32, #tpu.memory_space<vmem_shared>>
      tpu.wait_dma2 semaphore(%run_scoped3A : memref<!tpu.dma_semaphore, #tpu.memory_space<semaphore_mem>>) src(%dma_wait3A_95 : memref<640x128xf32, #tpu.memory_space<vmem_shared>>) dst(%dma_wait3A_93 : memref<640x128xf32, #tpu.memory_space<hbm>>)
      tpu.yield
    }) : () -> ()
    return
  }
}

#map = affine_map<(d0, d1) -> (0, 0)>
#map1 = affine_map<(d0, d1) -> (0, 0, 0)>
module attributes {stable_mosaic.version = 14 : i64} {
  func.func @_counts(%arg0: i32, %arg1: i32, %arg2: memref<1280x128xi32, #tpu.memory_space<hbm>>, %arg3: memref<2x10240x128xf32, #tpu.memory_space<hbm>>, %arg4: memref<40x128xi32, #tpu.memory_space<vmem>>, %arg5: memref<128x128xf32, #tpu.memory_space<vmem>>, %arg6: memref<128x128xf32, #tpu.memory_space<vmem>>, %arg7: memref<10240x128xf32, #tpu.memory_space<vmem_shared>>, %arg8: memref<!tpu.dma_semaphore, #tpu.memory_space<semaphore_mem>>, %arg9: memref<!tpu.dma_semaphore, #tpu.memory_space<semaphore_mem>>) attributes {dimension_semantics = [#tpu.dimension_semantics<core_parallel>, #tpu.dimension_semantics<subcore_parallel>], iteration_bounds = array<i64: 2, 16>, scalar_prefetch = 0 : i64, scratch_operands = 6 : i64, tpu.core_type = #tpu.core_type<sc_vector_subcore>, window_params = [{transform_indices = #map}, {transform_indices = #map1}]} {
    %mul3A = arith.constant 640 : i32
    %mul3A_0 = arith.muli %arg0, %mul3A : i32
    %mul3A_1 = arith.constant 40 : i32
    %mul3A_2 = arith.muli %arg1, %mul3A_1 : i32
    %add3A = arith.addi %mul3A_0, %mul3A_2 : i32
    "tpu.region"() ({
      %run_scoped3A = tpu.sem_alloc : memref<!tpu.dma_semaphore, #tpu.memory_space<semaphore_mem>>
      %dma_start3A = arith.constant 0 : i32
      %dma_start3A_64 = tpu.memref_slice %arg2[%add3A, %dma_start3A] : memref<1280x128xi32, #tpu.memory_space<hbm>> -> memref<40x128xi32, #tpu.memory_space<hbm>>
      %dma_start3A_65 = arith.constant 0 : i32
      %dma_start3A_66 = tpu.memref_slice %arg2[%add3A, %dma_start3A_65] : memref<1280x128xi32, #tpu.memory_space<hbm>> -> memref<40x128xi32, #tpu.memory_space<hbm>>
      tpu.enqueue_dma source(%dma_start3A_66 : memref<40x128xi32, #tpu.memory_space<hbm>>) target(%arg4 : memref<40x128xi32, #tpu.memory_space<vmem>>) target_semaphore(%run_scoped3A : memref<!tpu.dma_semaphore, #tpu.memory_space<semaphore_mem>>)
      %dma_wait3A_67 = arith.constant 0 : i32
      %dma_wait3A_68 = tpu.memref_slice %arg2[%add3A, %dma_wait3A_67] : memref<1280x128xi32, #tpu.memory_space<hbm>> -> memref<40x128xi32, #tpu.memory_space<hbm>>
      %dma_wait3A_69 = arith.constant 0 : i32
      %dma_wait3A_70 = tpu.memref_slice %arg2[%add3A, %dma_wait3A_69] : memref<1280x128xi32, #tpu.memory_space<hbm>> -> memref<40x128xi32, #tpu.memory_space<hbm>>
      tpu.wait_dma2 semaphore(%run_scoped3A : memref<!tpu.dma_semaphore, #tpu.memory_space<semaphore_mem>>) src(%dma_wait3A_70 : memref<40x128xi32, #tpu.memory_space<hbm>>) dst(%arg4 : memref<40x128xi32, #tpu.memory_space<vmem>>)
      tpu.yield
    }) : () -> ()
    %broadcast_in_dim3A = arith.constant 0.000000e+00 : f32
    %broadcast_in_dim3A_3 = vector.broadcast %broadcast_in_dim3A : f32 to vector<16xf32>
    %scan3A = arith.constant 0 : i32
    %scan3A_4 = arith.constant 0 : i32
    %scan3A_5 = arith.constant 1024 : i32
    %scan3A_6 = arith.addi %scan3A_4, %scan3A_5 : i32
    %scan3A_7 = arith.constant 4 : i32
    %scan3A_8 = scf.for %scan3A_64 = %scan3A_4 to %scan3A_6 step %scan3A_7 iter_args(%scan3A_65 = %scan3A) -> (i32)  : i32 {
      %jit3A = arith.constant 8 : i32
      %div3A = arith.divsi %scan3A_64, %jit3A : i32
      %sign3A = arith.constant 0 : i32
      %sign3A_66 = arith.cmpi sgt, %scan3A_64, %sign3A : i32
      %sign3A_67 = arith.extui %sign3A_66 : i1 to i32
      %sign3A_68 = arith.constant 0 : i32
      %sign3A_69 = arith.cmpi slt, %scan3A_64, %sign3A_68 : i32
      %sign3A_70 = arith.extui %sign3A_69 : i1 to i32
      %sign3A_71 = arith.subi %sign3A_67, %sign3A_70 : i32
      %sign3A_72 = arith.constant 0 : i32
      %sign3A_73 = arith.cmpi sgt, %jit3A, %sign3A_72 : i32
      %sign3A_74 = arith.extui %sign3A_73 : i1 to i32
      %sign3A_75 = arith.constant 0 : i32
      %sign3A_76 = arith.cmpi slt, %jit3A, %sign3A_75 : i32
      %sign3A_77 = arith.extui %sign3A_76 : i1 to i32
      %sign3A_78 = arith.subi %sign3A_74, %sign3A_77 : i32
      %ne3A = arith.cmpi ne, %sign3A_71, %sign3A_78 : i32
      %rem3A = arith.remsi %scan3A_64, %jit3A : i32
      %ne3A_79 = arith.constant 0 : i32
      %ne3A_80 = arith.cmpi ne, %rem3A, %ne3A_79 : i32
      %and3A = arith.andi %ne3A, %ne3A_80 : i1
      %sub3A = arith.constant 1 : i32
      %sub3A_81 = arith.subi %div3A, %sub3A : i32
      %select_n3A = arith.select %and3A, %sub3A_81, %div3A : i32
      %jit3A_82 = arith.constant 8 : i32
      %eq3A = arith.constant 0 : i32
      %eq3A_83 = arith.cmpi eq, %jit3A_82, %eq3A : i32
      %jit3A_84 = arith.constant 1 : i32
      %select_n3A_85 = arith.select %eq3A_83, %jit3A_84, %jit3A_82 : i32
      %rem3A_86 = arith.remsi %scan3A_64, %select_n3A_85 : i32
      %ne3A_87 = arith.constant 0 : i32
      %ne3A_88 = arith.cmpi ne, %rem3A_86, %ne3A_87 : i32
      %lt3A = arith.constant 0 : i32
      %lt3A_89 = arith.cmpi slt, %rem3A_86, %lt3A : i32
      %lt3A_90 = arith.constant 0 : i32
      %lt3A_91 = arith.cmpi slt, %select_n3A_85, %lt3A_90 : i32
      %ne3A_92 = arith.xori %lt3A_89, %lt3A_91 : i1
      %and3A_93 = arith.andi %ne3A_92, %ne3A_88 : i1
      %add3A_94 = arith.addi %rem3A_86, %select_n3A_85 : i32
      %select_n3A_95 = arith.select %and3A_93, %add3A_94, %rem3A_86 : i32
      %mul3A_96 = arith.constant 16 : i32
      %mul3A_97 = arith.muli %select_n3A_95, %mul3A_96 : i32
      %swap3A = arith.index_cast %select_n3A : i32 to index
      %swap3A_98 = arith.index_cast %mul3A_97 : i32 to index
      %swap3A_99 = tpu.vector_load %arg6[%swap3A, %swap3A_98] {strides = array<i32>} : memref<128x128xf32, #tpu.memory_space<vmem>>, vector<1x16xf32>,
      %swap3A_100 = vector.shape_cast %swap3A_99 : vector<1x16xf32> to vector<16xf32>
      %swap3A_101 = vector.shape_cast %broadcast_in_dim3A_3 : vector<16xf32> to vector<1x16xf32>
      tpu.vector_store %arg6[%swap3A, %swap3A_98], %swap3A_101 {strides = array<i32>} : memref<128x128xf32, #tpu.memory_space<vmem>>, vector<1x16xf32>,
      %scan3A_102 = arith.constant 0 : i32
      %scan3A_103 = arith.constant 1 : i32
      %scan3A_104 = arith.addi %scan3A_64, %scan3A_103 : i32
      %jit3A_105 = arith.constant 8 : i32
      %div3A_106 = arith.divsi %scan3A_104, %jit3A_105 : i32
      %sign3A_107 = arith.constant 0 : i32
      %sign3A_108 = arith.cmpi sgt, %scan3A_104, %sign3A_107 : i32
      %sign3A_109 = arith.extui %sign3A_108 : i1 to i32
      %sign3A_110 = arith.constant 0 : i32
      %sign3A_111 = arith.cmpi slt, %scan3A_104, %sign3A_110 : i32
      %sign3A_112 = arith.extui %sign3A_111 : i1 to i32
      %sign3A_113 = arith.subi %sign3A_109, %sign3A_112 : i32
      %sign3A_114 = arith.constant 0 : i32
      %sign3A_115 = arith.cmpi sgt, %jit3A_105, %sign3A_114 : i32
      %sign3A_116 = arith.extui %sign3A_115 : i1 to i32
      %sign3A_117 = arith.constant 0 : i32
      %sign3A_118 = arith.cmpi slt, %jit3A_105, %sign3A_117 : i32
      %sign3A_119 = arith.extui %sign3A_118 : i1 to i32
      %sign3A_120 = arith.subi %sign3A_116, %sign3A_119 : i32
      %ne3A_121 = arith.cmpi ne, %sign3A_113, %sign3A_120 : i32
      %rem3A_122 = arith.remsi %scan3A_104, %jit3A_105 : i32
      %ne3A_123 = arith.constant 0 : i32
      %ne3A_124 = arith.cmpi ne, %rem3A_122, %ne3A_123 : i32
      %and3A_125 = arith.andi %ne3A_121, %ne3A_124 : i1
      %sub3A_126 = arith.constant 1 : i32
      %sub3A_127 = arith.subi %div3A_106, %sub3A_126 : i32
      %select_n3A_128 = arith.select %and3A_125, %sub3A_127, %div3A_106 : i32
      %jit3A_129 = arith.constant 8 : i32
      %eq3A_130 = arith.constant 0 : i32
      %eq3A_131 = arith.cmpi eq, %jit3A_129, %eq3A_130 : i32
      %jit3A_132 = arith.constant 1 : i32
      %select_n3A_133 = arith.select %eq3A_131, %jit3A_132, %jit3A_129 : i32
      %rem3A_134 = arith.remsi %scan3A_104, %select_n3A_133 : i32
      %ne3A_135 = arith.constant 0 : i32
      %ne3A_136 = arith.cmpi ne, %rem3A_134, %ne3A_135 : i32
      %lt3A_137 = arith.constant 0 : i32
      %lt3A_138 = arith.cmpi slt, %rem3A_134, %lt3A_137 : i32
      %lt3A_139 = arith.constant 0 : i32
      %lt3A_140 = arith.cmpi slt, %select_n3A_133, %lt3A_139 : i32
      %ne3A_141 = arith.xori %lt3A_138, %lt3A_140 : i1
      %and3A_142 = arith.andi %ne3A_141, %ne3A_136 : i1
      %add3A_143 = arith.addi %rem3A_134, %select_n3A_133 : i32
      %select_n3A_144 = arith.select %and3A_142, %add3A_143, %rem3A_134 : i32
      %mul3A_145 = arith.constant 16 : i32
      %mul3A_146 = arith.muli %select_n3A_144, %mul3A_145 : i32
      %swap3A_147 = arith.index_cast %select_n3A_128 : i32 to index
      %swap3A_148 = arith.index_cast %mul3A_146 : i32 to index
      %swap3A_149 = tpu.vector_load %arg6[%swap3A_147, %swap3A_148] {strides = array<i32>} : memref<128x128xf32, #tpu.memory_space<vmem>>, vector<1x16xf32>,
      %swap3A_150 = vector.shape_cast %swap3A_149 : vector<1x16xf32> to vector<16xf32>
      %swap3A_151 = vector.shape_cast %broadcast_in_dim3A_3 : vector<16xf32> to vector<1x16xf32>
      tpu.vector_store %arg6[%swap3A_147, %swap3A_148], %swap3A_151 {strides = array<i32>} : memref<128x128xf32, #tpu.memory_space<vmem>>, vector<1x16xf32>,
      %scan3A_152 = arith.constant 0 : i32
      %scan3A_153 = arith.constant 2 : i32
      %scan3A_154 = arith.addi %scan3A_64, %scan3A_153 : i32
      %jit3A_155 = arith.constant 8 : i32
      %div3A_156 = arith.divsi %scan3A_154, %jit3A_155 : i32
      %sign3A_157 = arith.constant 0 : i32
      %sign3A_158 = arith.cmpi sgt, %scan3A_154, %sign3A_157 : i32
      %sign3A_159 = arith.extui %sign3A_158 : i1 to i32
      %sign3A_160 = arith.constant 0 : i32
      %sign3A_161 = arith.cmpi slt, %scan3A_154, %sign3A_160 : i32
      %sign3A_162 = arith.extui %sign3A_161 : i1 to i32
      %sign3A_163 = arith.subi %sign3A_159, %sign3A_162 : i32
      %sign3A_164 = arith.constant 0 : i32
      %sign3A_165 = arith.cmpi sgt, %jit3A_155, %sign3A_164 : i32
      %sign3A_166 = arith.extui %sign3A_165 : i1 to i32
      %sign3A_167 = arith.constant 0 : i32
      %sign3A_168 = arith.cmpi slt, %jit3A_155, %sign3A_167 : i32
      %sign3A_169 = arith.extui %sign3A_168 : i1 to i32
      %sign3A_170 = arith.subi %sign3A_166, %sign3A_169 : i32
      %ne3A_171 = arith.cmpi ne, %sign3A_163, %sign3A_170 : i32
      %rem3A_172 = arith.remsi %scan3A_154, %jit3A_155 : i32
      %ne3A_173 = arith.constant 0 : i32
      %ne3A_174 = arith.cmpi ne, %rem3A_172, %ne3A_173 : i32
      %and3A_175 = arith.andi %ne3A_171, %ne3A_174 : i1
      %sub3A_176 = arith.constant 1 : i32
      %sub3A_177 = arith.subi %div3A_156, %sub3A_176 : i32
      %select_n3A_178 = arith.select %and3A_175, %sub3A_177, %div3A_156 : i32
      %jit3A_179 = arith.constant 8 : i32
      %eq3A_180 = arith.constant 0 : i32
      %eq3A_181 = arith.cmpi eq, %jit3A_179, %eq3A_180 : i32
      %jit3A_182 = arith.constant 1 : i32
      %select_n3A_183 = arith.select %eq3A_181, %jit3A_182, %jit3A_179 : i32
      %rem3A_184 = arith.remsi %scan3A_154, %select_n3A_183 : i32
      %ne3A_185 = arith.constant 0 : i32
      %ne3A_186 = arith.cmpi ne, %rem3A_184, %ne3A_185 : i32
      %lt3A_187 = arith.constant 0 : i32
      %lt3A_188 = arith.cmpi slt, %rem3A_184, %lt3A_187 : i32
      %lt3A_189 = arith.constant 0 : i32
      %lt3A_190 = arith.cmpi slt, %select_n3A_183, %lt3A_189 : i32
      %ne3A_191 = arith.xori %lt3A_188, %lt3A_190 : i1
      %and3A_192 = arith.andi %ne3A_191, %ne3A_186 : i1
      %add3A_193 = arith.addi %rem3A_184, %select_n3A_183 : i32
      %select_n3A_194 = arith.select %and3A_192, %add3A_193, %rem3A_184 : i32
      %mul3A_195 = arith.constant 16 : i32
      %mul3A_196 = arith.muli %select_n3A_194, %mul3A_195 : i32
      %swap3A_197 = arith.index_cast %select_n3A_178 : i32 to index
      %swap3A_198 = arith.index_cast %mul3A_196 : i32 to index
      %swap3A_199 = tpu.vector_load %arg6[%swap3A_197, %swap3A_198] {strides = array<i32>} : memref<128x128xf32, #tpu.memory_space<vmem>>, vector<1x16xf32>,
      %swap3A_200 = vector.shape_cast %swap3A_199 : vector<1x16xf32> to vector<16xf32>
      %swap3A_201 = vector.shape_cast %broadcast_in_dim3A_3 : vector<16xf32> to vector<1x16xf32>
      tpu.vector_store %arg6[%swap3A_197, %swap3A_198], %swap3A_201 {strides = array<i32>} : memref<128x128xf32, #tpu.memory_space<vmem>>, vector<1x16xf32>,
      %scan3A_202 = arith.constant 0 : i32
      %scan3A_203 = arith.constant 3 : i32
      %scan3A_204 = arith.addi %scan3A_64, %scan3A_203 : i32
      %jit3A_205 = arith.constant 8 : i32
      %div3A_206 = arith.divsi %scan3A_204, %jit3A_205 : i32
      %sign3A_207 = arith.constant 0 : i32
      %sign3A_208 = arith.cmpi sgt, %scan3A_204, %sign3A_207 : i32
      %sign3A_209 = arith.extui %sign3A_208 : i1 to i32
      %sign3A_210 = arith.constant 0 : i32
      %sign3A_211 = arith.cmpi slt, %scan3A_204, %sign3A_210 : i32
      %sign3A_212 = arith.extui %sign3A_211 : i1 to i32
      %sign3A_213 = arith.subi %sign3A_209, %sign3A_212 : i32
      %sign3A_214 = arith.constant 0 : i32
      %sign3A_215 = arith.cmpi sgt, %jit3A_205, %sign3A_214 : i32
      %sign3A_216 = arith.extui %sign3A_215 : i1 to i32
      %sign3A_217 = arith.constant 0 : i32
      %sign3A_218 = arith.cmpi slt, %jit3A_205, %sign3A_217 : i32
      %sign3A_219 = arith.extui %sign3A_218 : i1 to i32
      %sign3A_220 = arith.subi %sign3A_216, %sign3A_219 : i32
      %ne3A_221 = arith.cmpi ne, %sign3A_213, %sign3A_220 : i32
      %rem3A_222 = arith.remsi %scan3A_204, %jit3A_205 : i32
      %ne3A_223 = arith.constant 0 : i32
      %ne3A_224 = arith.cmpi ne, %rem3A_222, %ne3A_223 : i32
      %and3A_225 = arith.andi %ne3A_221, %ne3A_224 : i1
      %sub3A_226 = arith.constant 1 : i32
      %sub3A_227 = arith.subi %div3A_206, %sub3A_226 : i32
      %select_n3A_228 = arith.select %and3A_225, %sub3A_227, %div3A_206 : i32
      %jit3A_229 = arith.constant 8 : i32
      %eq3A_230 = arith.constant 0 : i32
      %eq3A_231 = arith.cmpi eq, %jit3A_229, %eq3A_230 : i32
      %jit3A_232 = arith.constant 1 : i32
      %select_n3A_233 = arith.select %eq3A_231, %jit3A_232, %jit3A_229 : i32
      %rem3A_234 = arith.remsi %scan3A_204, %select_n3A_233 : i32
      %ne3A_235 = arith.constant 0 : i32
      %ne3A_236 = arith.cmpi ne, %rem3A_234, %ne3A_235 : i32
      %lt3A_237 = arith.constant 0 : i32
      %lt3A_238 = arith.cmpi slt, %rem3A_234, %lt3A_237 : i32
      %lt3A_239 = arith.constant 0 : i32
      %lt3A_240 = arith.cmpi slt, %select_n3A_233, %lt3A_239 : i32
      %ne3A_241 = arith.xori %lt3A_238, %lt3A_240 : i1
      %and3A_242 = arith.andi %ne3A_241, %ne3A_236 : i1
      %add3A_243 = arith.addi %rem3A_234, %select_n3A_233 : i32
      %select_n3A_244 = arith.select %and3A_242, %add3A_243, %rem3A_234 : i32
      %mul3A_245 = arith.constant 16 : i32
      %mul3A_246 = arith.muli %select_n3A_244, %mul3A_245 : i32
      %swap3A_247 = arith.index_cast %select_n3A_228 : i32 to index
      %swap3A_248 = arith.index_cast %mul3A_246 : i32 to index
      %swap3A_249 = tpu.vector_load %arg6[%swap3A_247, %swap3A_248] {strides = array<i32>} : memref<128x128xf32, #tpu.memory_space<vmem>>, vector<1x16xf32>,
      %swap3A_250 = vector.shape_cast %swap3A_249 : vector<1x16xf32> to vector<16xf32>
      %swap3A_251 = vector.shape_cast %broadcast_in_dim3A_3 : vector<16xf32> to vector<1x16xf32>
      tpu.vector_store %arg6[%swap3A_247, %swap3A_248], %swap3A_251 {strides = array<i32>} : memref<128x128xf32, #tpu.memory_space<vmem>>, vector<1x16xf32>,
      %scan3A_252 = arith.constant 0 : i32
      scf.yield %scan3A_252 : i32
    }
    %scan3A_9 = arith.constant 1024 : i32
    %mul3A_10 = arith.constant 640 : i32
    %mul3A_11 = arith.muli %arg1, %mul3A_10 : i32
    %add3A_12 = arith.constant 0 : i32
    %add3A_13 = arith.addi %mul3A_11, %add3A_12 : i32
    "tpu.region"() ({
      %run_scoped3A = tpu.sem_alloc : memref<!tpu.dma_semaphore, #tpu.memory_space<semaphore_mem>>
      %dma_start3A = arith.constant 0 : i32
      %dma_start3A_64 = tpu.memref_slice %arg7[%add3A_13, %dma_start3A] : memref<10240x128xf32, #tpu.memory_space<vmem_shared>> -> memref<128x128xf32, #tpu.memory_space<vmem_shared>>
      %dma_start3A_65 = arith.constant 0 : i32
      %dma_start3A_66 = tpu.memref_slice %arg7[%add3A_13, %dma_start3A_65] : memref<10240x128xf32, #tpu.memory_space<vmem_shared>> -> memref<128x128xf32, #tpu.memory_space<vmem_shared>>
      tpu.enqueue_dma source(%arg6 : memref<128x128xf32, #tpu.memory_space<vmem>>) target(%dma_start3A_66 : memref<128x128xf32, #tpu.memory_space<vmem_shared>>) target_semaphore(%run_scoped3A : memref<!tpu.dma_semaphore, #tpu.memory_space<semaphore_mem>>)
      %dma_wait3A_67 = arith.constant 0 : i32
      %dma_wait3A_68 = tpu.memref_slice %arg7[%add3A_13, %dma_wait3A_67] : memref<10240x128xf32, #tpu.memory_space<vmem_shared>> -> memref<128x128xf32, #tpu.memory_space<vmem_shared>>
      %dma_wait3A_69 = arith.constant 0 : i32
      %dma_wait3A_70 = tpu.memref_slice %arg7[%add3A_13, %dma_wait3A_69] : memref<10240x128xf32, #tpu.memory_space<vmem_shared>> -> memref<128x128xf32, #tpu.memory_space<vmem_shared>>
      tpu.wait_dma2 semaphore(%run_scoped3A : memref<!tpu.dma_semaphore, #tpu.memory_space<semaphore_mem>>) src(%arg6 : memref<128x128xf32, #tpu.memory_space<vmem>>) dst(%dma_wait3A_70 : memref<128x128xf32, #tpu.memory_space<vmem_shared>>)
      tpu.yield
    }) : () -> ()
    %mul3A_14 = arith.constant 640 : i32
    %mul3A_15 = arith.muli %arg1, %mul3A_14 : i32
    %add3A_16 = arith.constant 128 : i32
    %add3A_17 = arith.addi %mul3A_15, %add3A_16 : i32
    "tpu.region"() ({
      %run_scoped3A = tpu.sem_alloc : memref<!tpu.dma_semaphore, #tpu.memory_space<semaphore_mem>>
      %dma_start3A = arith.constant 0 : i32
      %dma_start3A_64 = tpu.memref_slice %arg7[%add3A_17, %dma_start3A] : memref<10240x128xf32, #tpu.memory_space<vmem_shared>> -> memref<128x128xf32, #tpu.memory_space<vmem_shared>>
      %dma_start3A_65 = arith.constant 0 : i32
      %dma_start3A_66 = tpu.memref_slice %arg7[%add3A_17, %dma_start3A_65] : memref<10240x128xf32, #tpu.memory_space<vmem_shared>> -> memref<128x128xf32, #tpu.memory_space<vmem_shared>>
      tpu.enqueue_dma source(%arg6 : memref<128x128xf32, #tpu.memory_space<vmem>>) target(%dma_start3A_66 : memref<128x128xf32, #tpu.memory_space<vmem_shared>>) target_semaphore(%run_scoped3A : memref<!tpu.dma_semaphore, #tpu.memory_space<semaphore_mem>>)
      %dma_wait3A_67 = arith.constant 0 : i32
      %dma_wait3A_68 = tpu.memref_slice %arg7[%add3A_17, %dma_wait3A_67] : memref<10240x128xf32, #tpu.memory_space<vmem_shared>> -> memref<128x128xf32, #tpu.memory_space<vmem_shared>>
      %dma_wait3A_69 = arith.constant 0 : i32
      %dma_wait3A_70 = tpu.memref_slice %arg7[%add3A_17, %dma_wait3A_69] : memref<10240x128xf32, #tpu.memory_space<vmem_shared>> -> memref<128x128xf32, #tpu.memory_space<vmem_shared>>
      tpu.wait_dma2 semaphore(%run_scoped3A : memref<!tpu.dma_semaphore, #tpu.memory_space<semaphore_mem>>) src(%arg6 : memref<128x128xf32, #tpu.memory_space<vmem>>) dst(%dma_wait3A_70 : memref<128x128xf32, #tpu.memory_space<vmem_shared>>)
      tpu.yield
    }) : () -> ()
    %mul3A_18 = arith.constant 640 : i32
    %mul3A_19 = arith.muli %arg1, %mul3A_18 : i32
    %add3A_20 = arith.constant 256 : i32
    %add3A_21 = arith.addi %mul3A_19, %add3A_20 : i32
    "tpu.region"() ({
      %run_scoped3A = tpu.sem_alloc : memref<!tpu.dma_semaphore, #tpu.memory_space<semaphore_mem>>
      %dma_start3A = arith.constant 0 : i32
      %dma_start3A_64 = tpu.memref_slice %arg7[%add3A_21, %dma_start3A] : memref<10240x128xf32, #tpu.memory_space<vmem_shared>> -> memref<128x128xf32, #tpu.memory_space<vmem_shared>>
      %dma_start3A_65 = arith.constant 0 : i32
      %dma_start3A_66 = tpu.memref_slice %arg7[%add3A_21, %dma_start3A_65] : memref<10240x128xf32, #tpu.memory_space<vmem_shared>> -> memref<128x128xf32, #tpu.memory_space<vmem_shared>>
      tpu.enqueue_dma source(%arg6 : memref<128x128xf32, #tpu.memory_space<vmem>>) target(%dma_start3A_66 : memref<128x128xf32, #tpu.memory_space<vmem_shared>>) target_semaphore(%run_scoped3A : memref<!tpu.dma_semaphore, #tpu.memory_space<semaphore_mem>>)
      %dma_wait3A_67 = arith.constant 0 : i32
      %dma_wait3A_68 = tpu.memref_slice %arg7[%add3A_21, %dma_wait3A_67] : memref<10240x128xf32, #tpu.memory_space<vmem_shared>> -> memref<128x128xf32, #tpu.memory_space<vmem_shared>>
      %dma_wait3A_69 = arith.constant 0 : i32
      %dma_wait3A_70 = tpu.memref_slice %arg7[%add3A_21, %dma_wait3A_69] : memref<10240x128xf32, #tpu.memory_space<vmem_shared>> -> memref<128x128xf32, #tpu.memory_space<vmem_shared>>
      tpu.wait_dma2 semaphore(%run_scoped3A : memref<!tpu.dma_semaphore, #tpu.memory_space<semaphore_mem>>) src(%arg6 : memref<128x128xf32, #tpu.memory_space<vmem>>) dst(%dma_wait3A_70 : memref<128x128xf32, #tpu.memory_space<vmem_shared>>)
      tpu.yield
    }) : () -> ()
    %mul3A_22 = arith.constant 640 : i32
    %mul3A_23 = arith.muli %arg1, %mul3A_22 : i32
    %add3A_24 = arith.constant 384 : i32
    %add3A_25 = arith.addi %mul3A_23, %add3A_24 : i32
    "tpu.region"() ({
      %run_scoped3A = tpu.sem_alloc : memref<!tpu.dma_semaphore, #tpu.memory_space<semaphore_mem>>
      %dma_start3A = arith.constant 0 : i32
      %dma_start3A_64 = tpu.memref_slice %arg7[%add3A_25, %dma_start3A] : memref<10240x128xf32, #tpu.memory_space<vmem_shared>> -> memref<128x128xf32, #tpu.memory_space<vmem_shared>>
      %dma_start3A_65 = arith.constant 0 : i32
      %dma_start3A_66 = tpu.memref_slice %arg7[%add3A_25, %dma_start3A_65] : memref<10240x128xf32, #tpu.memory_space<vmem_shared>> -> memref<128x128xf32, #tpu.memory_space<vmem_shared>>
      tpu.enqueue_dma source(%arg6 : memref<128x128xf32, #tpu.memory_space<vmem>>) target(%dma_start3A_66 : memref<128x128xf32, #tpu.memory_space<vmem_shared>>) target_semaphore(%run_scoped3A : memref<!tpu.dma_semaphore, #tpu.memory_space<semaphore_mem>>)
      %dma_wait3A_67 = arith.constant 0 : i32
      %dma_wait3A_68 = tpu.memref_slice %arg7[%add3A_25, %dma_wait3A_67] : memref<10240x128xf32, #tpu.memory_space<vmem_shared>> -> memref<128x128xf32, #tpu.memory_space<vmem_shared>>
      %dma_wait3A_69 = arith.constant 0 : i32
      %dma_wait3A_70 = tpu.memref_slice %arg7[%add3A_25, %dma_wait3A_69] : memref<10240x128xf32, #tpu.memory_space<vmem_shared>> -> memref<128x128xf32, #tpu.memory_space<vmem_shared>>
      tpu.wait_dma2 semaphore(%run_scoped3A : memref<!tpu.dma_semaphore, #tpu.memory_space<semaphore_mem>>) src(%arg6 : memref<128x128xf32, #tpu.memory_space<vmem>>) dst(%dma_wait3A_70 : memref<128x128xf32, #tpu.memory_space<vmem_shared>>)
      tpu.yield
    }) : () -> ()
    %mul3A_26 = arith.constant 640 : i32
    %mul3A_27 = arith.muli %arg1, %mul3A_26 : i32
    %add3A_28 = arith.constant 512 : i32
    %add3A_29 = arith.addi %mul3A_27, %add3A_28 : i32
    "tpu.region"() ({
      %run_scoped3A = tpu.sem_alloc : memref<!tpu.dma_semaphore, #tpu.memory_space<semaphore_mem>>
      %dma_start3A = arith.constant 0 : i32
      %dma_start3A_64 = tpu.memref_slice %arg7[%add3A_29, %dma_start3A] : memref<10240x128xf32, #tpu.memory_space<vmem_shared>> -> memref<128x128xf32, #tpu.memory_space<vmem_shared>>
      %dma_start3A_65 = arith.constant 0 : i32
      %dma_start3A_66 = tpu.memref_slice %arg7[%add3A_29, %dma_start3A_65] : memref<10240x128xf32, #tpu.memory_space<vmem_shared>> -> memref<128x128xf32, #tpu.memory_space<vmem_shared>>
      tpu.enqueue_dma source(%arg6 : memref<128x128xf32, #tpu.memory_space<vmem>>) target(%dma_start3A_66 : memref<128x128xf32, #tpu.memory_space<vmem_shared>>) target_semaphore(%run_scoped3A : memref<!tpu.dma_semaphore, #tpu.memory_space<semaphore_mem>>)
      %dma_wait3A_67 = arith.constant 0 : i32
      %dma_wait3A_68 = tpu.memref_slice %arg7[%add3A_29, %dma_wait3A_67] : memref<10240x128xf32, #tpu.memory_space<vmem_shared>> -> memref<128x128xf32, #tpu.memory_space<vmem_shared>>
      %dma_wait3A_69 = arith.constant 0 : i32
      %dma_wait3A_70 = tpu.memref_slice %arg7[%add3A_29, %dma_wait3A_69] : memref<10240x128xf32, #tpu.memory_space<vmem_shared>> -> memref<128x128xf32, #tpu.memory_space<vmem_shared>>
      tpu.wait_dma2 semaphore(%run_scoped3A : memref<!tpu.dma_semaphore, #tpu.memory_space<semaphore_mem>>) src(%arg6 : memref<128x128xf32, #tpu.memory_space<vmem>>) dst(%dma_wait3A_70 : memref<128x128xf32, #tpu.memory_space<vmem_shared>>)
      tpu.yield
    }) : () -> ()
    %broadcast_in_dim3A_30 = arith.constant 1.000000e+00 : f32
    %broadcast_in_dim3A_31 = vector.broadcast %broadcast_in_dim3A_30 : f32 to vector<16xf32>
    %scan3A_32 = arith.constant 0 : i32
    %scan3A_33 = arith.constant 0 : i32
    %scan3A_34 = arith.constant 1024 : i32
    %scan3A_35 = arith.addi %scan3A_33, %scan3A_34 : i32
    %scan3A_36 = arith.constant 4 : i32
    %scan3A_37 = scf.for %scan3A_64 = %scan3A_33 to %scan3A_35 step %scan3A_36 iter_args(%scan3A_65 = %scan3A_32) -> (i32)  : i32 {
      %jit3A = arith.constant 8 : i32
      %div3A = arith.divsi %scan3A_64, %jit3A : i32
      %sign3A = arith.constant 0 : i32
      %sign3A_66 = arith.cmpi sgt, %scan3A_64, %sign3A : i32
      %sign3A_67 = arith.extui %sign3A_66 : i1 to i32
      %sign3A_68 = arith.constant 0 : i32
      %sign3A_69 = arith.cmpi slt, %scan3A_64, %sign3A_68 : i32
      %sign3A_70 = arith.extui %sign3A_69 : i1 to i32
      %sign3A_71 = arith.subi %sign3A_67, %sign3A_70 : i32
      %sign3A_72 = arith.constant 0 : i32
      %sign3A_73 = arith.cmpi sgt, %jit3A, %sign3A_72 : i32
      %sign3A_74 = arith.extui %sign3A_73 : i1 to i32
      %sign3A_75 = arith.constant 0 : i32
      %sign3A_76 = arith.cmpi slt, %jit3A, %sign3A_75 : i32
      %sign3A_77 = arith.extui %sign3A_76 : i1 to i32
      %sign3A_78 = arith.subi %sign3A_74, %sign3A_77 : i32
      %ne3A = arith.cmpi ne, %sign3A_71, %sign3A_78 : i32
      %rem3A = arith.remsi %scan3A_64, %jit3A : i32
      %ne3A_79 = arith.constant 0 : i32
      %ne3A_80 = arith.cmpi ne, %rem3A, %ne3A_79 : i32
      %and3A = arith.andi %ne3A, %ne3A_80 : i1
      %sub3A = arith.constant 1 : i32
      %sub3A_81 = arith.subi %div3A, %sub3A : i32
      %select_n3A = arith.select %and3A, %sub3A_81, %div3A : i32
      %jit3A_82 = arith.constant 8 : i32
      %eq3A = arith.constant 0 : i32
      %eq3A_83 = arith.cmpi eq, %jit3A_82, %eq3A : i32
      %jit3A_84 = arith.constant 1 : i32
      %select_n3A_85 = arith.select %eq3A_83, %jit3A_84, %jit3A_82 : i32
      %rem3A_86 = arith.remsi %scan3A_64, %select_n3A_85 : i32
      %ne3A_87 = arith.constant 0 : i32
      %ne3A_88 = arith.cmpi ne, %rem3A_86, %ne3A_87 : i32
      %lt3A = arith.constant 0 : i32
      %lt3A_89 = arith.cmpi slt, %rem3A_86, %lt3A : i32
      %lt3A_90 = arith.constant 0 : i32
      %lt3A_91 = arith.cmpi slt, %select_n3A_85, %lt3A_90 : i32
      %ne3A_92 = arith.xori %lt3A_89, %lt3A_91 : i1
      %and3A_93 = arith.andi %ne3A_92, %ne3A_88 : i1
      %add3A_94 = arith.addi %rem3A_86, %select_n3A_85 : i32
      %select_n3A_95 = arith.select %and3A_93, %add3A_94, %rem3A_86 : i32
      %mul3A_96 = arith.constant 16 : i32
      %mul3A_97 = arith.muli %select_n3A_95, %mul3A_96 : i32
      %swap3A = arith.index_cast %select_n3A : i32 to index
      %swap3A_98 = arith.index_cast %mul3A_97 : i32 to index
      %swap3A_99 = tpu.vector_load %arg5[%swap3A, %swap3A_98] {strides = array<i32>} : memref<128x128xf32, #tpu.memory_space<vmem>>, vector<1x16xf32>,
      %swap3A_100 = vector.shape_cast %swap3A_99 : vector<1x16xf32> to vector<16xf32>
      %swap3A_101 = vector.shape_cast %broadcast_in_dim3A_31 : vector<16xf32> to vector<1x16xf32>
      tpu.vector_store %arg5[%swap3A, %swap3A_98], %swap3A_101 {strides = array<i32>} : memref<128x128xf32, #tpu.memory_space<vmem>>, vector<1x16xf32>,
      %scan3A_102 = arith.constant 0 : i32
      %scan3A_103 = arith.constant 1 : i32
      %scan3A_104 = arith.addi %scan3A_64, %scan3A_103 : i32
      %jit3A_105 = arith.constant 8 : i32
      %div3A_106 = arith.divsi %scan3A_104, %jit3A_105 : i32
      %sign3A_107 = arith.constant 0 : i32
      %sign3A_108 = arith.cmpi sgt, %scan3A_104, %sign3A_107 : i32
      %sign3A_109 = arith.extui %sign3A_108 : i1 to i32
      %sign3A_110 = arith.constant 0 : i32
      %sign3A_111 = arith.cmpi slt, %scan3A_104, %sign3A_110 : i32
      %sign3A_112 = arith.extui %sign3A_111 : i1 to i32
      %sign3A_113 = arith.subi %sign3A_109, %sign3A_112 : i32
      %sign3A_114 = arith.constant 0 : i32
      %sign3A_115 = arith.cmpi sgt, %jit3A_105, %sign3A_114 : i32
      %sign3A_116 = arith.extui %sign3A_115 : i1 to i32
      %sign3A_117 = arith.constant 0 : i32
      %sign3A_118 = arith.cmpi slt, %jit3A_105, %sign3A_117 : i32
      %sign3A_119 = arith.extui %sign3A_118 : i1 to i32
      %sign3A_120 = arith.subi %sign3A_116, %sign3A_119 : i32
      %ne3A_121 = arith.cmpi ne, %sign3A_113, %sign3A_120 : i32
      %rem3A_122 = arith.remsi %scan3A_104, %jit3A_105 : i32
      %ne3A_123 = arith.constant 0 : i32
      %ne3A_124 = arith.cmpi ne, %rem3A_122, %ne3A_123 : i32
      %and3A_125 = arith.andi %ne3A_121, %ne3A_124 : i1
      %sub3A_126 = arith.constant 1 : i32
      %sub3A_127 = arith.subi %div3A_106, %sub3A_126 : i32
      %select_n3A_128 = arith.select %and3A_125, %sub3A_127, %div3A_106 : i32
      %jit3A_129 = arith.constant 8 : i32
      %eq3A_130 = arith.constant 0 : i32
      %eq3A_131 = arith.cmpi eq, %jit3A_129, %eq3A_130 : i32
      %jit3A_132 = arith.constant 1 : i32
      %select_n3A_133 = arith.select %eq3A_131, %jit3A_132, %jit3A_129 : i32
      %rem3A_134 = arith.remsi %scan3A_104, %select_n3A_133 : i32
      %ne3A_135 = arith.constant 0 : i32
      %ne3A_136 = arith.cmpi ne, %rem3A_134, %ne3A_135 : i32
      %lt3A_137 = arith.constant 0 : i32
      %lt3A_138 = arith.cmpi slt, %rem3A_134, %lt3A_137 : i32
      %lt3A_139 = arith.constant 0 : i32
      %lt3A_140 = arith.cmpi slt, %select_n3A_133, %lt3A_139 : i32
      %ne3A_141 = arith.xori %lt3A_138, %lt3A_140 : i1
      %and3A_142 = arith.andi %ne3A_141, %ne3A_136 : i1
      %add3A_143 = arith.addi %rem3A_134, %select_n3A_133 : i32
      %select_n3A_144 = arith.select %and3A_142, %add3A_143, %rem3A_134 : i32
      %mul3A_145 = arith.constant 16 : i32
      %mul3A_146 = arith.muli %select_n3A_144, %mul3A_145 : i32
      %swap3A_147 = arith.index_cast %select_n3A_128 : i32 to index
      %swap3A_148 = arith.index_cast %mul3A_146 : i32 to index
      %swap3A_149 = tpu.vector_load %arg5[%swap3A_147, %swap3A_148] {strides = array<i32>} : memref<128x128xf32, #tpu.memory_space<vmem>>, vector<1x16xf32>,
      %swap3A_150 = vector.shape_cast %swap3A_149 : vector<1x16xf32> to vector<16xf32>
      %swap3A_151 = vector.shape_cast %broadcast_in_dim3A_31 : vector<16xf32> to vector<1x16xf32>
      tpu.vector_store %arg5[%swap3A_147, %swap3A_148], %swap3A_151 {strides = array<i32>} : memref<128x128xf32, #tpu.memory_space<vmem>>, vector<1x16xf32>,
      %scan3A_152 = arith.constant 0 : i32
      %scan3A_153 = arith.constant 2 : i32
      %scan3A_154 = arith.addi %scan3A_64, %scan3A_153 : i32
      %jit3A_155 = arith.constant 8 : i32
      %div3A_156 = arith.divsi %scan3A_154, %jit3A_155 : i32
      %sign3A_157 = arith.constant 0 : i32
      %sign3A_158 = arith.cmpi sgt, %scan3A_154, %sign3A_157 : i32
      %sign3A_159 = arith.extui %sign3A_158 : i1 to i32
      %sign3A_160 = arith.constant 0 : i32
      %sign3A_161 = arith.cmpi slt, %scan3A_154, %sign3A_160 : i32
      %sign3A_162 = arith.extui %sign3A_161 : i1 to i32
      %sign3A_163 = arith.subi %sign3A_159, %sign3A_162 : i32
      %sign3A_164 = arith.constant 0 : i32
      %sign3A_165 = arith.cmpi sgt, %jit3A_155, %sign3A_164 : i32
      %sign3A_166 = arith.extui %sign3A_165 : i1 to i32
      %sign3A_167 = arith.constant 0 : i32
      %sign3A_168 = arith.cmpi slt, %jit3A_155, %sign3A_167 : i32
      %sign3A_169 = arith.extui %sign3A_168 : i1 to i32
      %sign3A_170 = arith.subi %sign3A_166, %sign3A_169 : i32
      %ne3A_171 = arith.cmpi ne, %sign3A_163, %sign3A_170 : i32
      %rem3A_172 = arith.remsi %scan3A_154, %jit3A_155 : i32
      %ne3A_173 = arith.constant 0 : i32
      %ne3A_174 = arith.cmpi ne, %rem3A_172, %ne3A_173 : i32
      %and3A_175 = arith.andi %ne3A_171, %ne3A_174 : i1
      %sub3A_176 = arith.constant 1 : i32
      %sub3A_177 = arith.subi %div3A_156, %sub3A_176 : i32
      %select_n3A_178 = arith.select %and3A_175, %sub3A_177, %div3A_156 : i32
      %jit3A_179 = arith.constant 8 : i32
      %eq3A_180 = arith.constant 0 : i32
      %eq3A_181 = arith.cmpi eq, %jit3A_179, %eq3A_180 : i32
      %jit3A_182 = arith.constant 1 : i32
      %select_n3A_183 = arith.select %eq3A_181, %jit3A_182, %jit3A_179 : i32
      %rem3A_184 = arith.remsi %scan3A_154, %select_n3A_183 : i32
      %ne3A_185 = arith.constant 0 : i32
      %ne3A_186 = arith.cmpi ne, %rem3A_184, %ne3A_185 : i32
      %lt3A_187 = arith.constant 0 : i32
      %lt3A_188 = arith.cmpi slt, %rem3A_184, %lt3A_187 : i32
      %lt3A_189 = arith.constant 0 : i32
      %lt3A_190 = arith.cmpi slt, %select_n3A_183, %lt3A_189 : i32
      %ne3A_191 = arith.xori %lt3A_188, %lt3A_190 : i1
      %and3A_192 = arith.andi %ne3A_191, %ne3A_186 : i1
      %add3A_193 = arith.addi %rem3A_184, %select_n3A_183 : i32
      %select_n3A_194 = arith.select %and3A_192, %add3A_193, %rem3A_184 : i32
      %mul3A_195 = arith.constant 16 : i32
      %mul3A_196 = arith.muli %select_n3A_194, %mul3A_195 : i32
      %swap3A_197 = arith.index_cast %select_n3A_178 : i32 to index
      %swap3A_198 = arith.index_cast %mul3A_196 : i32 to index
      %swap3A_199 = tpu.vector_load %arg5[%swap3A_197, %swap3A_198] {strides = array<i32>} : memref<128x128xf32, #tpu.memory_space<vmem>>, vector<1x16xf32>,
      %swap3A_200 = vector.shape_cast %swap3A_199 : vector<1x16xf32> to vector<16xf32>
      %swap3A_201 = vector.shape_cast %broadcast_in_dim3A_31 : vector<16xf32> to vector<1x16xf32>
      tpu.vector_store %arg5[%swap3A_197, %swap3A_198], %swap3A_201 {strides = array<i32>} : memref<128x128xf32, #tpu.memory_space<vmem>>, vector<1x16xf32>,
      %scan3A_202 = arith.constant 0 : i32
      %scan3A_203 = arith.constant 3 : i32
      %scan3A_204 = arith.addi %scan3A_64, %scan3A_203 : i32
      %jit3A_205 = arith.constant 8 : i32
      %div3A_206 = arith.divsi %scan3A_204, %jit3A_205 : i32
      %sign3A_207 = arith.constant 0 : i32
      %sign3A_208 = arith.cmpi sgt, %scan3A_204, %sign3A_207 : i32
      %sign3A_209 = arith.extui %sign3A_208 : i1 to i32
      %sign3A_210 = arith.constant 0 : i32
      %sign3A_211 = arith.cmpi slt, %scan3A_204, %sign3A_210 : i32
      %sign3A_212 = arith.extui %sign3A_211 : i1 to i32
      %sign3A_213 = arith.subi %sign3A_209, %sign3A_212 : i32
      %sign3A_214 = arith.constant 0 : i32
      %sign3A_215 = arith.cmpi sgt, %jit3A_205, %sign3A_214 : i32
      %sign3A_216 = arith.extui %sign3A_215 : i1 to i32
      %sign3A_217 = arith.constant 0 : i32
      %sign3A_218 = arith.cmpi slt, %jit3A_205, %sign3A_217 : i32
      %sign3A_219 = arith.extui %sign3A_218 : i1 to i32
      %sign3A_220 = arith.subi %sign3A_216, %sign3A_219 : i32
      %ne3A_221 = arith.cmpi ne, %sign3A_213, %sign3A_220 : i32
      %rem3A_222 = arith.remsi %scan3A_204, %jit3A_205 : i32
      %ne3A_223 = arith.constant 0 : i32
      %ne3A_224 = arith.cmpi ne, %rem3A_222, %ne3A_223 : i32
      %and3A_225 = arith.andi %ne3A_221, %ne3A_224 : i1
      %sub3A_226 = arith.constant 1 : i32
      %sub3A_227 = arith.subi %div3A_206, %sub3A_226 : i32
      %select_n3A_228 = arith.select %and3A_225, %sub3A_227, %div3A_206 : i32
      %jit3A_229 = arith.constant 8 : i32
      %eq3A_230 = arith.constant 0 : i32
      %eq3A_231 = arith.cmpi eq, %jit3A_229, %eq3A_230 : i32
      %jit3A_232 = arith.constant 1 : i32
      %select_n3A_233 = arith.select %eq3A_231, %jit3A_232, %jit3A_229 : i32
      %rem3A_234 = arith.remsi %scan3A_204, %select_n3A_233 : i32
      %ne3A_235 = arith.constant 0 : i32
      %ne3A_236 = arith.cmpi ne, %rem3A_234, %ne3A_235 : i32
      %lt3A_237 = arith.constant 0 : i32
      %lt3A_238 = arith.cmpi slt, %rem3A_234, %lt3A_237 : i32
      %lt3A_239 = arith.constant 0 : i32
      %lt3A_240 = arith.cmpi slt, %select_n3A_233, %lt3A_239 : i32
      %ne3A_241 = arith.xori %lt3A_238, %lt3A_240 : i1
      %and3A_242 = arith.andi %ne3A_241, %ne3A_236 : i1
      %add3A_243 = arith.addi %rem3A_234, %select_n3A_233 : i32
      %select_n3A_244 = arith.select %and3A_242, %add3A_243, %rem3A_234 : i32
      %mul3A_245 = arith.constant 16 : i32
      %mul3A_246 = arith.muli %select_n3A_244, %mul3A_245 : i32
      %swap3A_247 = arith.index_cast %select_n3A_228 : i32 to index
      %swap3A_248 = arith.index_cast %mul3A_246 : i32 to index
      %swap3A_249 = tpu.vector_load %arg5[%swap3A_247, %swap3A_248] {strides = array<i32>} : memref<128x128xf32, #tpu.memory_space<vmem>>, vector<1x16xf32>,
      %swap3A_250 = vector.shape_cast %swap3A_249 : vector<1x16xf32> to vector<16xf32>
      %swap3A_251 = vector.shape_cast %broadcast_in_dim3A_31 : vector<16xf32> to vector<1x16xf32>
      tpu.vector_store %arg5[%swap3A_247, %swap3A_248], %swap3A_251 {strides = array<i32>} : memref<128x128xf32, #tpu.memory_space<vmem>>, vector<1x16xf32>,
      %scan3A_252 = arith.constant 0 : i32
      scf.yield %scan3A_252 : i32
    }
    %scan3A_38 = arith.constant 1024 : i32
    %barrier3A = arith.constant 0 : index
    tpu.barrier barrier_id(%barrier3A)
    %scan3A_39 = arith.constant 0 : i32
    %scan3A_40 = arith.constant 0 : i32
    %scan3A_41 = arith.constant 20 : i32
    %scan3A_42 = arith.addi %scan3A_40, %scan3A_41 : i32
    %scan3A_43 = arith.constant 1 : i32
    %scan3A_44 = scf.for %scan3A_64 = %scan3A_40 to %scan3A_42 step %scan3A_43 iter_args(%scan3A_65 = %scan3A_39) -> (i32)  : i32 {
      %mul3A_66 = arith.constant 2 : i32
      %mul3A_67 = arith.muli %scan3A_64, %mul3A_66 : i32
      %add3A_68 = arith.constant 0 : i32
      %add3A_69 = arith.addi %mul3A_67, %add3A_68 : i32
      %ge3A = arith.constant 2 : i32
      %ge3A_70 = arith.cmpi sge, %add3A_69, %ge3A : i32
      %convert_element_type3A = arith.extui %ge3A_70 : i1 to i32
      %cond3A = arith.constant 0 : i32
      %cond3A_71 = arith.cmpi ne, %convert_element_type3A, %cond3A : i32
      scf.if %cond3A_71 {
        %sub3A = arith.constant 2 : i32
        %sub3A_93 = arith.subi %add3A_69, %sub3A : i32
        %dma_wait3A_94 = arith.constant 0 : i32
        %dma_wait3A_95 = tpu.memref_slice %arg4[%sub3A_93, %dma_wait3A_94] : memref<40x128xi32, #tpu.memory_space<vmem>> -> memref<1x128xi32, #tpu.memory_space<vmem>>
        %dma_wait3A_96 = tpu.memref_squeeze %dma_wait3A_95 : memref<1x128xi32, #tpu.memory_space<vmem>> -> memref<128xi32, #tpu.memory_space<vmem>>
        %dma_wait3A_97 = arith.constant 0 : i32
        %dma_wait3A_98 = arith.constant 0 : i32
        %dma_wait3A_99 = tpu.memref_slice %arg7[%dma_wait3A_97, %dma_wait3A_98] : memref<10240x128xf32, #tpu.memory_space<vmem_shared>> -> memref<10240x128xf32, #tpu.memory_space<vmem_shared>>
        tpu.wait_indirect_dma semaphore(%arg8 : memref<!tpu.dma_semaphore, #tpu.memory_space<semaphore_mem>>) src(%arg5 : memref<128x128xf32, #tpu.memory_space<vmem>>) dst(%dma_wait3A_99 : memref<10240x128xf32, #tpu.memory_space<vmem_shared>>)
      } else {
      }
      %dma_start3A = arith.constant 0 : i32
      %dma_start3A_72 = tpu.memref_slice %arg4[%add3A_69, %dma_start3A] : memref<40x128xi32, #tpu.memory_space<vmem>> -> memref<1x128xi32, #tpu.memory_space<vmem>>
      %dma_start3A_73 = tpu.memref_squeeze %dma_start3A_72 : memref<1x128xi32, #tpu.memory_space<vmem>> -> memref<128xi32, #tpu.memory_space<vmem>>
      %dma_start3A_74 = arith.constant 0 : i32
      %dma_start3A_75 = arith.constant 0 : i32
      %dma_start3A_76 = tpu.memref_slice %arg7[%dma_start3A_74, %dma_start3A_75] : memref<10240x128xf32, #tpu.memory_space<vmem_shared>> -> memref<10240x128xf32, #tpu.memory_space<vmem_shared>>
      tpu.enqueue_indirect_dma source(%arg5 : memref<128x128xf32, #tpu.memory_space<vmem>>) target(%dma_start3A_76 : memref<10240x128xf32, #tpu.memory_space<vmem_shared>>) offsets(%dma_start3A_73 : memref<128xi32, #tpu.memory_space<vmem>>) semaphore(%arg8 : memref<!tpu.dma_semaphore, #tpu.memory_space<semaphore_mem>>) {add = true}
      %mul3A_77 = arith.constant 2 : i32
      %mul3A_78 = arith.muli %scan3A_64, %mul3A_77 : i32
      %add3A_79 = arith.constant 1 : i32
      %add3A_80 = arith.addi %mul3A_78, %add3A_79 : i32
      %ge3A_81 = arith.constant 2 : i32
      %ge3A_82 = arith.cmpi sge, %add3A_80, %ge3A_81 : i32
      %convert_element_type3A_83 = arith.extui %ge3A_82 : i1 to i32
      %cond3A_84 = arith.constant 0 : i32
      %cond3A_85 = arith.cmpi ne, %convert_element_type3A_83, %cond3A_84 : i32
      scf.if %cond3A_85 {
        %sub3A = arith.constant 2 : i32
        %sub3A_93 = arith.subi %add3A_80, %sub3A : i32
        %dma_wait3A_94 = arith.constant 0 : i32
        %dma_wait3A_95 = tpu.memref_slice %arg4[%sub3A_93, %dma_wait3A_94] : memref<40x128xi32, #tpu.memory_space<vmem>> -> memref<1x128xi32, #tpu.memory_space<vmem>>
        %dma_wait3A_96 = tpu.memref_squeeze %dma_wait3A_95 : memref<1x128xi32, #tpu.memory_space<vmem>> -> memref<128xi32, #tpu.memory_space<vmem>>
        %dma_wait3A_97 = arith.constant 0 : i32
        %dma_wait3A_98 = arith.constant 0 : i32
        %dma_wait3A_99 = tpu.memref_slice %arg7[%dma_wait3A_97, %dma_wait3A_98] : memref<10240x128xf32, #tpu.memory_space<vmem_shared>> -> memref<10240x128xf32, #tpu.memory_space<vmem_shared>>
        tpu.wait_indirect_dma semaphore(%arg9 : memref<!tpu.dma_semaphore, #tpu.memory_space<semaphore_mem>>) src(%arg5 : memref<128x128xf32, #tpu.memory_space<vmem>>) dst(%dma_wait3A_99 : memref<10240x128xf32, #tpu.memory_space<vmem_shared>>)
      } else {
      }
      %dma_start3A_86 = arith.constant 0 : i32
      %dma_start3A_87 = tpu.memref_slice %arg4[%add3A_80, %dma_start3A_86] : memref<40x128xi32, #tpu.memory_space<vmem>> -> memref<1x128xi32, #tpu.memory_space<vmem>>
      %dma_start3A_88 = tpu.memref_squeeze %dma_start3A_87 : memref<1x128xi32, #tpu.memory_space<vmem>> -> memref<128xi32, #tpu.memory_space<vmem>>
      %dma_start3A_89 = arith.constant 0 : i32
      %dma_start3A_90 = arith.constant 0 : i32
      %dma_start3A_91 = tpu.memref_slice %arg7[%dma_start3A_89, %dma_start3A_90] : memref<10240x128xf32, #tpu.memory_space<vmem_shared>> -> memref<10240x128xf32, #tpu.memory_space<vmem_shared>>
      tpu.enqueue_indirect_dma source(%arg5 : memref<128x128xf32, #tpu.memory_space<vmem>>) target(%dma_start3A_91 : memref<10240x128xf32, #tpu.memory_space<vmem_shared>>) offsets(%dma_start3A_88 : memref<128xi32, #tpu.memory_space<vmem>>) semaphore(%arg9 : memref<!tpu.dma_semaphore, #tpu.memory_space<semaphore_mem>>) {add = true}
      %scan3A_92 = arith.constant 0 : i32
      scf.yield %scan3A_92 : i32
    }
    %scan3A_45 = arith.constant 20 : i32
    %dma_wait3A = arith.constant 38 : i32
    %dma_wait3A_46 = arith.constant 0 : i32
    %dma_wait3A_47 = tpu.memref_slice %arg4[%dma_wait3A, %dma_wait3A_46] : memref<40x128xi32, #tpu.memory_space<vmem>> -> memref<1x128xi32, #tpu.memory_space<vmem>>
    %dma_wait3A_48 = tpu.memref_squeeze %dma_wait3A_47 : memref<1x128xi32, #tpu.memory_space<vmem>> -> memref<128xi32, #tpu.memory_space<vmem>>
    %dma_wait3A_49 = arith.constant 0 : i32
    %dma_wait3A_50 = arith.constant 0 : i32
    %dma_wait3A_51 = tpu.memref_slice %arg7[%dma_wait3A_49, %dma_wait3A_50] : memref<10240x128xf32, #tpu.memory_space<vmem_shared>> -> memref<10240x128xf32, #tpu.memory_space<vmem_shared>>
    tpu.wait_indirect_dma semaphore(%arg8 : memref<!tpu.dma_semaphore, #tpu.memory_space<semaphore_mem>>) src(%arg5 : memref<128x128xf32, #tpu.memory_space<vmem>>) dst(%dma_wait3A_51 : memref<10240x128xf32, #tpu.memory_space<vmem_shared>>)
    %dma_wait3A_52 = arith.constant 39 : i32
    %dma_wait3A_53 = arith.constant 0 : i32
    %dma_wait3A_54 = tpu.memref_slice %arg4[%dma_wait3A_52, %dma_wait3A_53] : memref<40x128xi32, #tpu.memory_space<vmem>> -> memref<1x128xi32, #tpu.memory_space<vmem>>
    %dma_wait3A_55 = tpu.memref_squeeze %dma_wait3A_54 : memref<1x128xi32, #tpu.memory_space<vmem>> -> memref<128xi32, #tpu.memory_space<vmem>>
    %dma_wait3A_56 = arith.constant 0 : i32
    %dma_wait3A_57 = arith.constant 0 : i32
    %dma_wait3A_58 = tpu.memref_slice %arg7[%dma_wait3A_56, %dma_wait3A_57] : memref<10240x128xf32, #tpu.memory_space<vmem_shared>> -> memref<10240x128xf32, #tpu.memory_space<vmem_shared>>
    tpu.wait_indirect_dma semaphore(%arg9 : memref<!tpu.dma_semaphore, #tpu.memory_space<semaphore_mem>>) src(%arg5 : memref<128x128xf32, #tpu.memory_space<vmem>>) dst(%dma_wait3A_58 : memref<10240x128xf32, #tpu.memory_space<vmem_shared>>)
    %barrier3A_59 = arith.constant 0 : index
    tpu.barrier barrier_id(%barrier3A_59)
    %mul3A_60 = arith.constant 640 : i32
    %mul3A_61 = arith.muli %arg1, %mul3A_60 : i32
    %mul3A_62 = arith.constant 640 : i32
    %mul3A_63 = arith.muli %arg1, %mul3A_62 : i32
    "tpu.region"() ({
      %run_scoped3A = tpu.sem_alloc : memref<!tpu.dma_semaphore, #tpu.memory_space<semaphore_mem>>
      %dma_start3A = arith.constant 0 : i32
      %dma_start3A_64 = tpu.memref_slice %arg3[%arg0, %mul3A_63, %dma_start3A] : memref<2x10240x128xf32, #tpu.memory_space<hbm>> -> memref<1x640x128xf32, #tpu.memory_space<hbm>>
      %dma_start3A_65 = tpu.memref_squeeze %dma_start3A_64 : memref<1x640x128xf32, #tpu.memory_space<hbm>> -> memref<640x128xf32, #tpu.memory_space<hbm>>
      %dma_start3A_66 = arith.constant 0 : i32
      %dma_start3A_67 = tpu.memref_slice %arg7[%mul3A_61, %dma_start3A_66] : memref<10240x128xf32, #tpu.memory_space<vmem_shared>> -> memref<640x128xf32, #tpu.memory_space<vmem_shared>>
      tpu.enqueue_dma source(%dma_start3A_67 : memref<640x128xf32, #tpu.memory_space<vmem_shared>>) target(%dma_start3A_65 : memref<640x128xf32, #tpu.memory_space<hbm>>) target_semaphore(%run_scoped3A : memref<!tpu.dma_semaphore, #tpu.memory_space<semaphore_mem>>)
      %dma_wait3A_68 = arith.constant 0 : i32
      %dma_wait3A_69 = tpu.memref_slice %arg3[%arg0, %mul3A_63, %dma_wait3A_68] : memref<2x10240x128xf32, #tpu.memory_space<hbm>> -> memref<1x640x128xf32, #tpu.memory_space<hbm>>
      %dma_wait3A_70 = tpu.memref_squeeze %dma_wait3A_69 : memref<1x640x128xf32, #tpu.memory_space<hbm>> -> memref<640x128xf32, #tpu.memory_space<hbm>>
      %dma_wait3A_71 = arith.constant 0 : i32
      %dma_wait3A_72 = tpu.memref_slice %arg7[%mul3A_61, %dma_wait3A_71] : memref<10240x128xf32, #tpu.memory_space<vmem_shared>> -> memref<640x128xf32, #tpu.memory_space<vmem_shared>>
      tpu.wait_dma2 semaphore(%run_scoped3A : memref<!tpu.dma_semaphore, #tpu.memory_space<semaphore_mem>>) src(%dma_wait3A_72 : memref<640x128xf32, #tpu.memory_space<vmem_shared>>) dst(%dma_wait3A_70 : memref<640x128xf32, #tpu.memory_space<hbm>>)
      tpu.yield
    }) : () -> ()
    return
  }
}

#map = affine_map<(d0, d1) -> (0, 0, 0)>
#map1 = affine_map<(d0, d1) -> (0, 0)>
module attributes {stable_mosaic.version = 14 : i64} {
  func.func @_segsum(%arg0: i32, %arg1: i32, %arg2: memref<2x10000x128xf32, #tpu.memory_space<hbm>>, %arg3: memref<1280x128xi32, #tpu.memory_space<hbm>>, %arg4: memref<1280x128xi32, #tpu.memory_space<hbm>>, %arg5: memref<2x10240x128xf32, #tpu.memory_space<hbm>>, %arg6: memref<40x128xi32, #tpu.memory_space<vmem>>, %arg7: memref<40x128xi32, #tpu.memory_space<vmem>>, %arg8: memref<128x128xf32, #tpu.memory_space<vmem>>, %arg9: memref<128x128xf32, #tpu.memory_space<vmem>>, %arg10: memref<10240x128xf32, #tpu.memory_space<vmem_shared>>, %arg11: memref<!tpu.dma_semaphore, #tpu.memory_space<semaphore_mem>>, %arg12: memref<!tpu.dma_semaphore, #tpu.memory_space<semaphore_mem>>, %arg13: memref<!tpu.dma_semaphore, #tpu.memory_space<semaphore_mem>>, %arg14: memref<!tpu.dma_semaphore, #tpu.memory_space<semaphore_mem>>) attributes {dimension_semantics = [#tpu.dimension_semantics<core_parallel>, #tpu.dimension_semantics<subcore_parallel>], iteration_bounds = array<i64: 2, 16>, scalar_prefetch = 0 : i64, scratch_operands = 9 : i64, tpu.core_type = #tpu.core_type<sc_vector_subcore>, window_params = [{transform_indices = #map}, {transform_indices = #map1}, {transform_indices = #map1}, {transform_indices = #map}]} {
    %broadcast_in_dim3A = arith.constant 0.000000e+00 : f32
    %broadcast_in_dim3A_0 = vector.broadcast %broadcast_in_dim3A : f32 to vector<16xf32>
    %scan3A = arith.constant 0 : i32
    %scan3A_1 = arith.constant 0 : i32
    %scan3A_2 = arith.constant 1024 : i32
    %scan3A_3 = arith.addi %scan3A_1, %scan3A_2 : i32
    %scan3A_4 = arith.constant 4 : i32
    %scan3A_5 = scf.for %scan3A_86 = %scan3A_1 to %scan3A_3 step %scan3A_4 iter_args(%scan3A_87 = %scan3A) -> (i32)  : i32 {
      %jit3A = arith.constant 8 : i32
      %div3A = arith.divsi %scan3A_86, %jit3A : i32
      %sign3A = arith.constant 0 : i32
      %sign3A_88 = arith.cmpi sgt, %scan3A_86, %sign3A : i32
      %sign3A_89 = arith.extui %sign3A_88 : i1 to i32
      %sign3A_90 = arith.constant 0 : i32
      %sign3A_91 = arith.cmpi slt, %scan3A_86, %sign3A_90 : i32
      %sign3A_92 = arith.extui %sign3A_91 : i1 to i32
      %sign3A_93 = arith.subi %sign3A_89, %sign3A_92 : i32
      %sign3A_94 = arith.constant 0 : i32
      %sign3A_95 = arith.cmpi sgt, %jit3A, %sign3A_94 : i32
      %sign3A_96 = arith.extui %sign3A_95 : i1 to i32
      %sign3A_97 = arith.constant 0 : i32
      %sign3A_98 = arith.cmpi slt, %jit3A, %sign3A_97 : i32
      %sign3A_99 = arith.extui %sign3A_98 : i1 to i32
      %sign3A_100 = arith.subi %sign3A_96, %sign3A_99 : i32
      %ne3A = arith.cmpi ne, %sign3A_93, %sign3A_100 : i32
      %rem3A = arith.remsi %scan3A_86, %jit3A : i32
      %ne3A_101 = arith.constant 0 : i32
      %ne3A_102 = arith.cmpi ne, %rem3A, %ne3A_101 : i32
      %and3A = arith.andi %ne3A, %ne3A_102 : i1
      %sub3A = arith.constant 1 : i32
      %sub3A_103 = arith.subi %div3A, %sub3A : i32
      %select_n3A = arith.select %and3A, %sub3A_103, %div3A : i32
      %jit3A_104 = arith.constant 8 : i32
      %eq3A = arith.constant 0 : i32
      %eq3A_105 = arith.cmpi eq, %jit3A_104, %eq3A : i32
      %jit3A_106 = arith.constant 1 : i32
      %select_n3A_107 = arith.select %eq3A_105, %jit3A_106, %jit3A_104 : i32
      %rem3A_108 = arith.remsi %scan3A_86, %select_n3A_107 : i32
      %ne3A_109 = arith.constant 0 : i32
      %ne3A_110 = arith.cmpi ne, %rem3A_108, %ne3A_109 : i32
      %lt3A = arith.constant 0 : i32
      %lt3A_111 = arith.cmpi slt, %rem3A_108, %lt3A : i32
      %lt3A_112 = arith.constant 0 : i32
      %lt3A_113 = arith.cmpi slt, %select_n3A_107, %lt3A_112 : i32
      %ne3A_114 = arith.xori %lt3A_111, %lt3A_113 : i1
      %and3A_115 = arith.andi %ne3A_114, %ne3A_110 : i1
      %add3A_116 = arith.addi %rem3A_108, %select_n3A_107 : i32
      %select_n3A_117 = arith.select %and3A_115, %add3A_116, %rem3A_108 : i32
      %mul3A_118 = arith.constant 16 : i32
      %mul3A_119 = arith.muli %select_n3A_117, %mul3A_118 : i32
      %swap3A = arith.index_cast %select_n3A : i32 to index
      %swap3A_120 = arith.index_cast %mul3A_119 : i32 to index
      %swap3A_121 = tpu.vector_load %arg8[%swap3A, %swap3A_120] {strides = array<i32>} : memref<128x128xf32, #tpu.memory_space<vmem>>, vector<1x16xf32>,
      %swap3A_122 = vector.shape_cast %swap3A_121 : vector<1x16xf32> to vector<16xf32>
      %swap3A_123 = vector.shape_cast %broadcast_in_dim3A_0 : vector<16xf32> to vector<1x16xf32>
      tpu.vector_store %arg8[%swap3A, %swap3A_120], %swap3A_123 {strides = array<i32>} : memref<128x128xf32, #tpu.memory_space<vmem>>, vector<1x16xf32>,
      %scan3A_124 = arith.constant 0 : i32
      %scan3A_125 = arith.constant 1 : i32
      %scan3A_126 = arith.addi %scan3A_86, %scan3A_125 : i32
      %jit3A_127 = arith.constant 8 : i32
      %div3A_128 = arith.divsi %scan3A_126, %jit3A_127 : i32
      %sign3A_129 = arith.constant 0 : i32
      %sign3A_130 = arith.cmpi sgt, %scan3A_126, %sign3A_129 : i32
      %sign3A_131 = arith.extui %sign3A_130 : i1 to i32
      %sign3A_132 = arith.constant 0 : i32
      %sign3A_133 = arith.cmpi slt, %scan3A_126, %sign3A_132 : i32
      %sign3A_134 = arith.extui %sign3A_133 : i1 to i32
      %sign3A_135 = arith.subi %sign3A_131, %sign3A_134 : i32
      %sign3A_136 = arith.constant 0 : i32
      %sign3A_137 = arith.cmpi sgt, %jit3A_127, %sign3A_136 : i32
      %sign3A_138 = arith.extui %sign3A_137 : i1 to i32
      %sign3A_139 = arith.constant 0 : i32
      %sign3A_140 = arith.cmpi slt, %jit3A_127, %sign3A_139 : i32
      %sign3A_141 = arith.extui %sign3A_140 : i1 to i32
      %sign3A_142 = arith.subi %sign3A_138, %sign3A_141 : i32
      %ne3A_143 = arith.cmpi ne, %sign3A_135, %sign3A_142 : i32
      %rem3A_144 = arith.remsi %scan3A_126, %jit3A_127 : i32
      %ne3A_145 = arith.constant 0 : i32
      %ne3A_146 = arith.cmpi ne, %rem3A_144, %ne3A_145 : i32
      %and3A_147 = arith.andi %ne3A_143, %ne3A_146 : i1
      %sub3A_148 = arith.constant 1 : i32
      %sub3A_149 = arith.subi %div3A_128, %sub3A_148 : i32
      %select_n3A_150 = arith.select %and3A_147, %sub3A_149, %div3A_128 : i32
      %jit3A_151 = arith.constant 8 : i32
      %eq3A_152 = arith.constant 0 : i32
      %eq3A_153 = arith.cmpi eq, %jit3A_151, %eq3A_152 : i32
      %jit3A_154 = arith.constant 1 : i32
      %select_n3A_155 = arith.select %eq3A_153, %jit3A_154, %jit3A_151 : i32
      %rem3A_156 = arith.remsi %scan3A_126, %select_n3A_155 : i32
      %ne3A_157 = arith.constant 0 : i32
      %ne3A_158 = arith.cmpi ne, %rem3A_156, %ne3A_157 : i32
      %lt3A_159 = arith.constant 0 : i32
      %lt3A_160 = arith.cmpi slt, %rem3A_156, %lt3A_159 : i32
      %lt3A_161 = arith.constant 0 : i32
      %lt3A_162 = arith.cmpi slt, %select_n3A_155, %lt3A_161 : i32
      %ne3A_163 = arith.xori %lt3A_160, %lt3A_162 : i1
      %and3A_164 = arith.andi %ne3A_163, %ne3A_158 : i1
      %add3A_165 = arith.addi %rem3A_156, %select_n3A_155 : i32
      %select_n3A_166 = arith.select %and3A_164, %add3A_165, %rem3A_156 : i32
      %mul3A_167 = arith.constant 16 : i32
      %mul3A_168 = arith.muli %select_n3A_166, %mul3A_167 : i32
      %swap3A_169 = arith.index_cast %select_n3A_150 : i32 to index
      %swap3A_170 = arith.index_cast %mul3A_168 : i32 to index
      %swap3A_171 = tpu.vector_load %arg8[%swap3A_169, %swap3A_170] {strides = array<i32>} : memref<128x128xf32, #tpu.memory_space<vmem>>, vector<1x16xf32>,
      %swap3A_172 = vector.shape_cast %swap3A_171 : vector<1x16xf32> to vector<16xf32>
      %swap3A_173 = vector.shape_cast %broadcast_in_dim3A_0 : vector<16xf32> to vector<1x16xf32>
      tpu.vector_store %arg8[%swap3A_169, %swap3A_170], %swap3A_173 {strides = array<i32>} : memref<128x128xf32, #tpu.memory_space<vmem>>, vector<1x16xf32>,
      %scan3A_174 = arith.constant 0 : i32
      %scan3A_175 = arith.constant 2 : i32
      %scan3A_176 = arith.addi %scan3A_86, %scan3A_175 : i32
      %jit3A_177 = arith.constant 8 : i32
      %div3A_178 = arith.divsi %scan3A_176, %jit3A_177 : i32
      %sign3A_179 = arith.constant 0 : i32
      %sign3A_180 = arith.cmpi sgt, %scan3A_176, %sign3A_179 : i32
      %sign3A_181 = arith.extui %sign3A_180 : i1 to i32
      %sign3A_182 = arith.constant 0 : i32
      %sign3A_183 = arith.cmpi slt, %scan3A_176, %sign3A_182 : i32
      %sign3A_184 = arith.extui %sign3A_183 : i1 to i32
      %sign3A_185 = arith.subi %sign3A_181, %sign3A_184 : i32
      %sign3A_186 = arith.constant 0 : i32
      %sign3A_187 = arith.cmpi sgt, %jit3A_177, %sign3A_186 : i32
      %sign3A_188 = arith.extui %sign3A_187 : i1 to i32
      %sign3A_189 = arith.constant 0 : i32
      %sign3A_190 = arith.cmpi slt, %jit3A_177, %sign3A_189 : i32
      %sign3A_191 = arith.extui %sign3A_190 : i1 to i32
      %sign3A_192 = arith.subi %sign3A_188, %sign3A_191 : i32
      %ne3A_193 = arith.cmpi ne, %sign3A_185, %sign3A_192 : i32
      %rem3A_194 = arith.remsi %scan3A_176, %jit3A_177 : i32
      %ne3A_195 = arith.constant 0 : i32
      %ne3A_196 = arith.cmpi ne, %rem3A_194, %ne3A_195 : i32
      %and3A_197 = arith.andi %ne3A_193, %ne3A_196 : i1
      %sub3A_198 = arith.constant 1 : i32
      %sub3A_199 = arith.subi %div3A_178, %sub3A_198 : i32
      %select_n3A_200 = arith.select %and3A_197, %sub3A_199, %div3A_178 : i32
      %jit3A_201 = arith.constant 8 : i32
      %eq3A_202 = arith.constant 0 : i32
      %eq3A_203 = arith.cmpi eq, %jit3A_201, %eq3A_202 : i32
      %jit3A_204 = arith.constant 1 : i32
      %select_n3A_205 = arith.select %eq3A_203, %jit3A_204, %jit3A_201 : i32
      %rem3A_206 = arith.remsi %scan3A_176, %select_n3A_205 : i32
      %ne3A_207 = arith.constant 0 : i32
      %ne3A_208 = arith.cmpi ne, %rem3A_206, %ne3A_207 : i32
      %lt3A_209 = arith.constant 0 : i32
      %lt3A_210 = arith.cmpi slt, %rem3A_206, %lt3A_209 : i32
      %lt3A_211 = arith.constant 0 : i32
      %lt3A_212 = arith.cmpi slt, %select_n3A_205, %lt3A_211 : i32
      %ne3A_213 = arith.xori %lt3A_210, %lt3A_212 : i1
      %and3A_214 = arith.andi %ne3A_213, %ne3A_208 : i1
      %add3A_215 = arith.addi %rem3A_206, %select_n3A_205 : i32
      %select_n3A_216 = arith.select %and3A_214, %add3A_215, %rem3A_206 : i32
      %mul3A_217 = arith.constant 16 : i32
      %mul3A_218 = arith.muli %select_n3A_216, %mul3A_217 : i32
      %swap3A_219 = arith.index_cast %select_n3A_200 : i32 to index
      %swap3A_220 = arith.index_cast %mul3A_218 : i32 to index
      %swap3A_221 = tpu.vector_load %arg8[%swap3A_219, %swap3A_220] {strides = array<i32>} : memref<128x128xf32, #tpu.memory_space<vmem>>, vector<1x16xf32>,
      %swap3A_222 = vector.shape_cast %swap3A_221 : vector<1x16xf32> to vector<16xf32>
      %swap3A_223 = vector.shape_cast %broadcast_in_dim3A_0 : vector<16xf32> to vector<1x16xf32>
      tpu.vector_store %arg8[%swap3A_219, %swap3A_220], %swap3A_223 {strides = array<i32>} : memref<128x128xf32, #tpu.memory_space<vmem>>, vector<1x16xf32>,
      %scan3A_224 = arith.constant 0 : i32
      %scan3A_225 = arith.constant 3 : i32
      %scan3A_226 = arith.addi %scan3A_86, %scan3A_225 : i32
      %jit3A_227 = arith.constant 8 : i32
      %div3A_228 = arith.divsi %scan3A_226, %jit3A_227 : i32
      %sign3A_229 = arith.constant 0 : i32
      %sign3A_230 = arith.cmpi sgt, %scan3A_226, %sign3A_229 : i32
      %sign3A_231 = arith.extui %sign3A_230 : i1 to i32
      %sign3A_232 = arith.constant 0 : i32
      %sign3A_233 = arith.cmpi slt, %scan3A_226, %sign3A_232 : i32
      %sign3A_234 = arith.extui %sign3A_233 : i1 to i32
      %sign3A_235 = arith.subi %sign3A_231, %sign3A_234 : i32
      %sign3A_236 = arith.constant 0 : i32
      %sign3A_237 = arith.cmpi sgt, %jit3A_227, %sign3A_236 : i32
      %sign3A_238 = arith.extui %sign3A_237 : i1 to i32
      %sign3A_239 = arith.constant 0 : i32
      %sign3A_240 = arith.cmpi slt, %jit3A_227, %sign3A_239 : i32
      %sign3A_241 = arith.extui %sign3A_240 : i1 to i32
      %sign3A_242 = arith.subi %sign3A_238, %sign3A_241 : i32
      %ne3A_243 = arith.cmpi ne, %sign3A_235, %sign3A_242 : i32
      %rem3A_244 = arith.remsi %scan3A_226, %jit3A_227 : i32
      %ne3A_245 = arith.constant 0 : i32
      %ne3A_246 = arith.cmpi ne, %rem3A_244, %ne3A_245 : i32
      %and3A_247 = arith.andi %ne3A_243, %ne3A_246 : i1
      %sub3A_248 = arith.constant 1 : i32
      %sub3A_249 = arith.subi %div3A_228, %sub3A_248 : i32
      %select_n3A_250 = arith.select %and3A_247, %sub3A_249, %div3A_228 : i32
      %jit3A_251 = arith.constant 8 : i32
      %eq3A_252 = arith.constant 0 : i32
      %eq3A_253 = arith.cmpi eq, %jit3A_251, %eq3A_252 : i32
      %jit3A_254 = arith.constant 1 : i32
      %select_n3A_255 = arith.select %eq3A_253, %jit3A_254, %jit3A_251 : i32
      %rem3A_256 = arith.remsi %scan3A_226, %select_n3A_255 : i32
      %ne3A_257 = arith.constant 0 : i32
      %ne3A_258 = arith.cmpi ne, %rem3A_256, %ne3A_257 : i32
      %lt3A_259 = arith.constant 0 : i32
      %lt3A_260 = arith.cmpi slt, %rem3A_256, %lt3A_259 : i32
      %lt3A_261 = arith.constant 0 : i32
      %lt3A_262 = arith.cmpi slt, %select_n3A_255, %lt3A_261 : i32
      %ne3A_263 = arith.xori %lt3A_260, %lt3A_262 : i1
      %and3A_264 = arith.andi %ne3A_263, %ne3A_258 : i1
      %add3A_265 = arith.addi %rem3A_256, %select_n3A_255 : i32
      %select_n3A_266 = arith.select %and3A_264, %add3A_265, %rem3A_256 : i32
      %mul3A_267 = arith.constant 16 : i32
      %mul3A_268 = arith.muli %select_n3A_266, %mul3A_267 : i32
      %swap3A_269 = arith.index_cast %select_n3A_250 : i32 to index
      %swap3A_270 = arith.index_cast %mul3A_268 : i32 to index
      %swap3A_271 = tpu.vector_load %arg8[%swap3A_269, %swap3A_270] {strides = array<i32>} : memref<128x128xf32, #tpu.memory_space<vmem>>, vector<1x16xf32>,
      %swap3A_272 = vector.shape_cast %swap3A_271 : vector<1x16xf32> to vector<16xf32>
      %swap3A_273 = vector.shape_cast %broadcast_in_dim3A_0 : vector<16xf32> to vector<1x16xf32>
      tpu.vector_store %arg8[%swap3A_269, %swap3A_270], %swap3A_273 {strides = array<i32>} : memref<128x128xf32, #tpu.memory_space<vmem>>, vector<1x16xf32>,
      %scan3A_274 = arith.constant 0 : i32
      scf.yield %scan3A_274 : i32
    }
    %scan3A_6 = arith.constant 1024 : i32
    %mul3A = arith.constant 640 : i32
    %mul3A_7 = arith.muli %arg1, %mul3A : i32
    %add3A = arith.constant 0 : i32
    %add3A_8 = arith.addi %mul3A_7, %add3A : i32
    "tpu.region"() ({
      %run_scoped3A = tpu.sem_alloc : memref<!tpu.dma_semaphore, #tpu.memory_space<semaphore_mem>>
      %dma_start3A_86 = arith.constant 0 : i32
      %dma_start3A_87 = tpu.memref_slice %arg10[%add3A_8, %dma_start3A_86] : memref<10240x128xf32, #tpu.memory_space<vmem_shared>> -> memref<128x128xf32, #tpu.memory_space<vmem_shared>>
      %dma_start3A_88 = arith.constant 0 : i32
      %dma_start3A_89 = tpu.memref_slice %arg10[%add3A_8, %dma_start3A_88] : memref<10240x128xf32, #tpu.memory_space<vmem_shared>> -> memref<128x128xf32, #tpu.memory_space<vmem_shared>>
      tpu.enqueue_dma source(%arg8 : memref<128x128xf32, #tpu.memory_space<vmem>>) target(%dma_start3A_89 : memref<128x128xf32, #tpu.memory_space<vmem_shared>>) target_semaphore(%run_scoped3A : memref<!tpu.dma_semaphore, #tpu.memory_space<semaphore_mem>>)
      %dma_wait3A_90 = arith.constant 0 : i32
      %dma_wait3A_91 = tpu.memref_slice %arg10[%add3A_8, %dma_wait3A_90] : memref<10240x128xf32, #tpu.memory_space<vmem_shared>> -> memref<128x128xf32, #tpu.memory_space<vmem_shared>>
      %dma_wait3A_92 = arith.constant 0 : i32
      %dma_wait3A_93 = tpu.memref_slice %arg10[%add3A_8, %dma_wait3A_92] : memref<10240x128xf32, #tpu.memory_space<vmem_shared>> -> memref<128x128xf32, #tpu.memory_space<vmem_shared>>
      tpu.wait_dma2 semaphore(%run_scoped3A : memref<!tpu.dma_semaphore, #tpu.memory_space<semaphore_mem>>) src(%arg8 : memref<128x128xf32, #tpu.memory_space<vmem>>) dst(%dma_wait3A_93 : memref<128x128xf32, #tpu.memory_space<vmem_shared>>)
      tpu.yield
    }) : () -> ()
    %mul3A_9 = arith.constant 640 : i32
    %mul3A_10 = arith.muli %arg1, %mul3A_9 : i32
    %add3A_11 = arith.constant 128 : i32
    %add3A_12 = arith.addi %mul3A_10, %add3A_11 : i32
    "tpu.region"() ({
      %run_scoped3A = tpu.sem_alloc : memref<!tpu.dma_semaphore, #tpu.memory_space<semaphore_mem>>
      %dma_start3A_86 = arith.constant 0 : i32
      %dma_start3A_87 = tpu.memref_slice %arg10[%add3A_12, %dma_start3A_86] : memref<10240x128xf32, #tpu.memory_space<vmem_shared>> -> memref<128x128xf32, #tpu.memory_space<vmem_shared>>
      %dma_start3A_88 = arith.constant 0 : i32
      %dma_start3A_89 = tpu.memref_slice %arg10[%add3A_12, %dma_start3A_88] : memref<10240x128xf32, #tpu.memory_space<vmem_shared>> -> memref<128x128xf32, #tpu.memory_space<vmem_shared>>
      tpu.enqueue_dma source(%arg8 : memref<128x128xf32, #tpu.memory_space<vmem>>) target(%dma_start3A_89 : memref<128x128xf32, #tpu.memory_space<vmem_shared>>) target_semaphore(%run_scoped3A : memref<!tpu.dma_semaphore, #tpu.memory_space<semaphore_mem>>)
      %dma_wait3A_90 = arith.constant 0 : i32
      %dma_wait3A_91 = tpu.memref_slice %arg10[%add3A_12, %dma_wait3A_90] : memref<10240x128xf32, #tpu.memory_space<vmem_shared>> -> memref<128x128xf32, #tpu.memory_space<vmem_shared>>
      %dma_wait3A_92 = arith.constant 0 : i32
      %dma_wait3A_93 = tpu.memref_slice %arg10[%add3A_12, %dma_wait3A_92] : memref<10240x128xf32, #tpu.memory_space<vmem_shared>> -> memref<128x128xf32, #tpu.memory_space<vmem_shared>>
      tpu.wait_dma2 semaphore(%run_scoped3A : memref<!tpu.dma_semaphore, #tpu.memory_space<semaphore_mem>>) src(%arg8 : memref<128x128xf32, #tpu.memory_space<vmem>>) dst(%dma_wait3A_93 : memref<128x128xf32, #tpu.memory_space<vmem_shared>>)
      tpu.yield
    }) : () -> ()
    %mul3A_13 = arith.constant 640 : i32
    %mul3A_14 = arith.muli %arg1, %mul3A_13 : i32
    %add3A_15 = arith.constant 256 : i32
    %add3A_16 = arith.addi %mul3A_14, %add3A_15 : i32
    "tpu.region"() ({
      %run_scoped3A = tpu.sem_alloc : memref<!tpu.dma_semaphore, #tpu.memory_space<semaphore_mem>>
      %dma_start3A_86 = arith.constant 0 : i32
      %dma_start3A_87 = tpu.memref_slice %arg10[%add3A_16, %dma_start3A_86] : memref<10240x128xf32, #tpu.memory_space<vmem_shared>> -> memref<128x128xf32, #tpu.memory_space<vmem_shared>>
      %dma_start3A_88 = arith.constant 0 : i32
      %dma_start3A_89 = tpu.memref_slice %arg10[%add3A_16, %dma_start3A_88] : memref<10240x128xf32, #tpu.memory_space<vmem_shared>> -> memref<128x128xf32, #tpu.memory_space<vmem_shared>>
      tpu.enqueue_dma source(%arg8 : memref<128x128xf32, #tpu.memory_space<vmem>>) target(%dma_start3A_89 : memref<128x128xf32, #tpu.memory_space<vmem_shared>>) target_semaphore(%run_scoped3A : memref<!tpu.dma_semaphore, #tpu.memory_space<semaphore_mem>>)
      %dma_wait3A_90 = arith.constant 0 : i32
      %dma_wait3A_91 = tpu.memref_slice %arg10[%add3A_16, %dma_wait3A_90] : memref<10240x128xf32, #tpu.memory_space<vmem_shared>> -> memref<128x128xf32, #tpu.memory_space<vmem_shared>>
      %dma_wait3A_92 = arith.constant 0 : i32
      %dma_wait3A_93 = tpu.memref_slice %arg10[%add3A_16, %dma_wait3A_92] : memref<10240x128xf32, #tpu.memory_space<vmem_shared>> -> memref<128x128xf32, #tpu.memory_space<vmem_shared>>
      tpu.wait_dma2 semaphore(%run_scoped3A : memref<!tpu.dma_semaphore, #tpu.memory_space<semaphore_mem>>) src(%arg8 : memref<128x128xf32, #tpu.memory_space<vmem>>) dst(%dma_wait3A_93 : memref<128x128xf32, #tpu.memory_space<vmem_shared>>)
      tpu.yield
    }) : () -> ()
    %mul3A_17 = arith.constant 640 : i32
    %mul3A_18 = arith.muli %arg1, %mul3A_17 : i32
    %add3A_19 = arith.constant 384 : i32
    %add3A_20 = arith.addi %mul3A_18, %add3A_19 : i32
    "tpu.region"() ({
      %run_scoped3A = tpu.sem_alloc : memref<!tpu.dma_semaphore, #tpu.memory_space<semaphore_mem>>
      %dma_start3A_86 = arith.constant 0 : i32
      %dma_start3A_87 = tpu.memref_slice %arg10[%add3A_20, %dma_start3A_86] : memref<10240x128xf32, #tpu.memory_space<vmem_shared>> -> memref<128x128xf32, #tpu.memory_space<vmem_shared>>
      %dma_start3A_88 = arith.constant 0 : i32
      %dma_start3A_89 = tpu.memref_slice %arg10[%add3A_20, %dma_start3A_88] : memref<10240x128xf32, #tpu.memory_space<vmem_shared>> -> memref<128x128xf32, #tpu.memory_space<vmem_shared>>
      tpu.enqueue_dma source(%arg8 : memref<128x128xf32, #tpu.memory_space<vmem>>) target(%dma_start3A_89 : memref<128x128xf32, #tpu.memory_space<vmem_shared>>) target_semaphore(%run_scoped3A : memref<!tpu.dma_semaphore, #tpu.memory_space<semaphore_mem>>)
      %dma_wait3A_90 = arith.constant 0 : i32
      %dma_wait3A_91 = tpu.memref_slice %arg10[%add3A_20, %dma_wait3A_90] : memref<10240x128xf32, #tpu.memory_space<vmem_shared>> -> memref<128x128xf32, #tpu.memory_space<vmem_shared>>
      %dma_wait3A_92 = arith.constant 0 : i32
      %dma_wait3A_93 = tpu.memref_slice %arg10[%add3A_20, %dma_wait3A_92] : memref<10240x128xf32, #tpu.memory_space<vmem_shared>> -> memref<128x128xf32, #tpu.memory_space<vmem_shared>>
      tpu.wait_dma2 semaphore(%run_scoped3A : memref<!tpu.dma_semaphore, #tpu.memory_space<semaphore_mem>>) src(%arg8 : memref<128x128xf32, #tpu.memory_space<vmem>>) dst(%dma_wait3A_93 : memref<128x128xf32, #tpu.memory_space<vmem_shared>>)
      tpu.yield
    }) : () -> ()
    %mul3A_21 = arith.constant 640 : i32
    %mul3A_22 = arith.muli %arg1, %mul3A_21 : i32
    %add3A_23 = arith.constant 512 : i32
    %add3A_24 = arith.addi %mul3A_22, %add3A_23 : i32
    "tpu.region"() ({
      %run_scoped3A = tpu.sem_alloc : memref<!tpu.dma_semaphore, #tpu.memory_space<semaphore_mem>>
      %dma_start3A_86 = arith.constant 0 : i32
      %dma_start3A_87 = tpu.memref_slice %arg10[%add3A_24, %dma_start3A_86] : memref<10240x128xf32, #tpu.memory_space<vmem_shared>> -> memref<128x128xf32, #tpu.memory_space<vmem_shared>>
      %dma_start3A_88 = arith.constant 0 : i32
      %dma_start3A_89 = tpu.memref_slice %arg10[%add3A_24, %dma_start3A_88] : memref<10240x128xf32, #tpu.memory_space<vmem_shared>> -> memref<128x128xf32, #tpu.memory_space<vmem_shared>>
      tpu.enqueue_dma source(%arg8 : memref<128x128xf32, #tpu.memory_space<vmem>>) target(%dma_start3A_89 : memref<128x128xf32, #tpu.memory_space<vmem_shared>>) target_semaphore(%run_scoped3A : memref<!tpu.dma_semaphore, #tpu.memory_space<semaphore_mem>>)
      %dma_wait3A_90 = arith.constant 0 : i32
      %dma_wait3A_91 = tpu.memref_slice %arg10[%add3A_24, %dma_wait3A_90] : memref<10240x128xf32, #tpu.memory_space<vmem_shared>> -> memref<128x128xf32, #tpu.memory_space<vmem_shared>>
      %dma_wait3A_92 = arith.constant 0 : i32
      %dma_wait3A_93 = tpu.memref_slice %arg10[%add3A_24, %dma_wait3A_92] : memref<10240x128xf32, #tpu.memory_space<vmem_shared>> -> memref<128x128xf32, #tpu.memory_space<vmem_shared>>
      tpu.wait_dma2 semaphore(%run_scoped3A : memref<!tpu.dma_semaphore, #tpu.memory_space<semaphore_mem>>) src(%arg8 : memref<128x128xf32, #tpu.memory_space<vmem>>) dst(%dma_wait3A_93 : memref<128x128xf32, #tpu.memory_space<vmem_shared>>)
      tpu.yield
    }) : () -> ()
    %barrier3A = arith.constant 0 : index
    tpu.barrier barrier_id(%barrier3A)
    %mul3A_25 = arith.constant 80 : i32
    %mul3A_26 = arith.muli %arg1, %mul3A_25 : i32
    %add3A_27 = arith.constant 0 : i32
    %add3A_28 = arith.addi %mul3A_26, %add3A_27 : i32
    "tpu.region"() ({
      %run_scoped3A = tpu.sem_alloc : memref<!tpu.dma_semaphore, #tpu.memory_space<semaphore_mem>>
      %dma_start3A_86 = arith.constant 0 : i32
      %dma_start3A_87 = tpu.memref_slice %arg3[%add3A_28, %dma_start3A_86] : memref<1280x128xi32, #tpu.memory_space<hbm>> -> memref<40x128xi32, #tpu.memory_space<hbm>>
      %dma_start3A_88 = arith.constant 0 : i32
      %dma_start3A_89 = tpu.memref_slice %arg3[%add3A_28, %dma_start3A_88] : memref<1280x128xi32, #tpu.memory_space<hbm>> -> memref<40x128xi32, #tpu.memory_space<hbm>>
      tpu.enqueue_dma source(%dma_start3A_89 : memref<40x128xi32, #tpu.memory_space<hbm>>) target(%arg6 : memref<40x128xi32, #tpu.memory_space<vmem>>) target_semaphore(%run_scoped3A : memref<!tpu.dma_semaphore, #tpu.memory_space<semaphore_mem>>)
      %dma_wait3A_90 = arith.constant 0 : i32
      %dma_wait3A_91 = tpu.memref_slice %arg3[%add3A_28, %dma_wait3A_90] : memref<1280x128xi32, #tpu.memory_space<hbm>> -> memref<40x128xi32, #tpu.memory_space<hbm>>
      %dma_wait3A_92 = arith.constant 0 : i32
      %dma_wait3A_93 = tpu.memref_slice %arg3[%add3A_28, %dma_wait3A_92] : memref<1280x128xi32, #tpu.memory_space<hbm>> -> memref<40x128xi32, #tpu.memory_space<hbm>>
      tpu.wait_dma2 semaphore(%run_scoped3A : memref<!tpu.dma_semaphore, #tpu.memory_space<semaphore_mem>>) src(%dma_wait3A_93 : memref<40x128xi32, #tpu.memory_space<hbm>>) dst(%arg6 : memref<40x128xi32, #tpu.memory_space<vmem>>)
      tpu.yield
    }) : () -> ()
    "tpu.region"() ({
      %run_scoped3A = tpu.sem_alloc : memref<!tpu.dma_semaphore, #tpu.memory_space<semaphore_mem>>
      %dma_start3A_86 = arith.constant 0 : i32
      %dma_start3A_87 = tpu.memref_slice %arg4[%add3A_28, %dma_start3A_86] : memref<1280x128xi32, #tpu.memory_space<hbm>> -> memref<40x128xi32, #tpu.memory_space<hbm>>
      %dma_start3A_88 = arith.constant 0 : i32
      %dma_start3A_89 = tpu.memref_slice %arg4[%add3A_28, %dma_start3A_88] : memref<1280x128xi32, #tpu.memory_space<hbm>> -> memref<40x128xi32, #tpu.memory_space<hbm>>
      tpu.enqueue_dma source(%dma_start3A_89 : memref<40x128xi32, #tpu.memory_space<hbm>>) target(%arg7 : memref<40x128xi32, #tpu.memory_space<vmem>>) target_semaphore(%run_scoped3A : memref<!tpu.dma_semaphore, #tpu.memory_space<semaphore_mem>>)
      %dma_wait3A_90 = arith.constant 0 : i32
      %dma_wait3A_91 = tpu.memref_slice %arg4[%add3A_28, %dma_wait3A_90] : memref<1280x128xi32, #tpu.memory_space<hbm>> -> memref<40x128xi32, #tpu.memory_space<hbm>>
      %dma_wait3A_92 = arith.constant 0 : i32
      %dma_wait3A_93 = tpu.memref_slice %arg4[%add3A_28, %dma_wait3A_92] : memref<1280x128xi32, #tpu.memory_space<hbm>> -> memref<40x128xi32, #tpu.memory_space<hbm>>
      tpu.wait_dma2 semaphore(%run_scoped3A : memref<!tpu.dma_semaphore, #tpu.memory_space<semaphore_mem>>) src(%dma_wait3A_93 : memref<40x128xi32, #tpu.memory_space<hbm>>) dst(%arg7 : memref<40x128xi32, #tpu.memory_space<vmem>>)
      tpu.yield
    }) : () -> ()
    %dma_start3A = arith.constant 0 : i32
    %dma_start3A_29 = arith.constant 0 : i32
    %dma_start3A_30 = tpu.memref_slice %arg6[%dma_start3A, %dma_start3A_29] : memref<40x128xi32, #tpu.memory_space<vmem>> -> memref<1x128xi32, #tpu.memory_space<vmem>>
    %dma_start3A_31 = tpu.memref_squeeze %dma_start3A_30 : memref<1x128xi32, #tpu.memory_space<vmem>> -> memref<128xi32, #tpu.memory_space<vmem>>
    %dma_start3A_32 = arith.constant 0 : i32
    %dma_start3A_33 = arith.constant 0 : i32
    %dma_start3A_34 = tpu.memref_slice %arg2[%arg0, %dma_start3A_32, %dma_start3A_33] : memref<2x10000x128xf32, #tpu.memory_space<hbm>> -> memref<1x10000x128xf32, #tpu.memory_space<hbm>>
    %dma_start3A_35 = tpu.memref_squeeze %dma_start3A_34 : memref<1x10000x128xf32, #tpu.memory_space<hbm>> -> memref<10000x128xf32, #tpu.memory_space<hbm>>
    %dma_start3A_36 = arith.constant 0 : i32
    %dma_start3A_37 = arith.constant 0 : i32
    %dma_start3A_38 = tpu.memref_slice %dma_start3A_35[%dma_start3A_36, %dma_start3A_37] : memref<10000x128xf32, #tpu.memory_space<hbm>> -> memref<10000x128xf32, #tpu.memory_space<hbm>>
    tpu.enqueue_indirect_dma source(%dma_start3A_38 : memref<10000x128xf32, #tpu.memory_space<hbm>>) target(%arg8 : memref<128x128xf32, #tpu.memory_space<vmem>>) offsets(%dma_start3A_31 : memref<128xi32, #tpu.memory_space<vmem>>) semaphore(%arg11 : memref<!tpu.dma_semaphore, #tpu.memory_space<semaphore_mem>>)
    %scan3A_39 = arith.constant 0 : i32
    %scan3A_40 = arith.constant 0 : i32
    %scan3A_41 = arith.constant 20 : i32
    %scan3A_42 = arith.addi %scan3A_40, %scan3A_41 : i32
    %scan3A_43 = arith.constant 1 : i32
    %scan3A_44 = scf.for %scan3A_86 = %scan3A_40 to %scan3A_42 step %scan3A_43 iter_args(%scan3A_87 = %scan3A_39) -> (i32)  : i32 {
      %mul3A_88 = arith.constant 2 : i32
      %mul3A_89 = arith.muli %scan3A_86, %mul3A_88 : i32
      %add3A_90 = arith.constant 0 : i32
      %add3A_91 = arith.addi %mul3A_89, %add3A_90 : i32
      %dma_wait3A_92 = arith.constant 0 : i32
      %dma_wait3A_93 = tpu.memref_slice %arg6[%add3A_91, %dma_wait3A_92] : memref<40x128xi32, #tpu.memory_space<vmem>> -> memref<1x128xi32, #tpu.memory_space<vmem>>
      %dma_wait3A_94 = tpu.memref_squeeze %dma_wait3A_93 : memref<1x128xi32, #tpu.memory_space<vmem>> -> memref<128xi32, #tpu.memory_space<vmem>>
      %dma_wait3A_95 = arith.constant 0 : i32
      %dma_wait3A_96 = arith.constant 0 : i32
      %dma_wait3A_97 = tpu.memref_slice %arg2[%arg0, %dma_wait3A_95, %dma_wait3A_96] : memref<2x10000x128xf32, #tpu.memory_space<hbm>> -> memref<1x10000x128xf32, #tpu.memory_space<hbm>>
      %dma_wait3A_98 = tpu.memref_squeeze %dma_wait3A_97 : memref<1x10000x128xf32, #tpu.memory_space<hbm>> -> memref<10000x128xf32, #tpu.memory_space<hbm>>
      %dma_wait3A_99 = arith.constant 0 : i32
      %dma_wait3A_100 = arith.constant 0 : i32
      %dma_wait3A_101 = tpu.memref_slice %dma_wait3A_98[%dma_wait3A_99, %dma_wait3A_100] : memref<10000x128xf32, #tpu.memory_space<hbm>> -> memref<10000x128xf32, #tpu.memory_space<hbm>>
      tpu.wait_indirect_dma semaphore(%arg11 : memref<!tpu.dma_semaphore, #tpu.memory_space<semaphore_mem>>) src(%dma_wait3A_101 : memref<10000x128xf32, #tpu.memory_space<hbm>>) dst(%arg8 : memref<128x128xf32, #tpu.memory_space<vmem>>)
      %dma_start3A_102 = arith.constant 0 : i32
      %dma_start3A_103 = tpu.memref_slice %arg7[%add3A_91, %dma_start3A_102] : memref<40x128xi32, #tpu.memory_space<vmem>> -> memref<1x128xi32, #tpu.memory_space<vmem>>
      %dma_start3A_104 = tpu.memref_squeeze %dma_start3A_103 : memref<1x128xi32, #tpu.memory_space<vmem>> -> memref<128xi32, #tpu.memory_space<vmem>>
      %dma_start3A_105 = arith.constant 0 : i32
      %dma_start3A_106 = arith.constant 0 : i32
      %dma_start3A_107 = tpu.memref_slice %arg10[%dma_start3A_105, %dma_start3A_106] : memref<10240x128xf32, #tpu.memory_space<vmem_shared>> -> memref<10240x128xf32, #tpu.memory_space<vmem_shared>>
      tpu.enqueue_indirect_dma source(%arg8 : memref<128x128xf32, #tpu.memory_space<vmem>>) target(%dma_start3A_107 : memref<10240x128xf32, #tpu.memory_space<vmem_shared>>) offsets(%dma_start3A_104 : memref<128xi32, #tpu.memory_space<vmem>>) semaphore(%arg13 : memref<!tpu.dma_semaphore, #tpu.memory_space<semaphore_mem>>) {add = true}
      %ge3A = arith.constant 1 : i32
      %ge3A_108 = arith.cmpi sge, %add3A_91, %ge3A : i32
      %convert_element_type3A = arith.extui %ge3A_108 : i1 to i32
      %cond3A = arith.constant 0 : i32
      %cond3A_109 = arith.cmpi ne, %convert_element_type3A, %cond3A : i32
      scf.if %cond3A_109 {
        %sub3A = arith.constant 1 : i32
        %sub3A_149 = arith.subi %add3A_91, %sub3A : i32
        %dma_wait3A_150 = arith.constant 0 : i32
        %dma_wait3A_151 = tpu.memref_slice %arg7[%sub3A_149, %dma_wait3A_150] : memref<40x128xi32, #tpu.memory_space<vmem>> -> memref<1x128xi32, #tpu.memory_space<vmem>>
        %dma_wait3A_152 = tpu.memref_squeeze %dma_wait3A_151 : memref<1x128xi32, #tpu.memory_space<vmem>> -> memref<128xi32, #tpu.memory_space<vmem>>
        %dma_wait3A_153 = arith.constant 0 : i32
        %dma_wait3A_154 = arith.constant 0 : i32
        %dma_wait3A_155 = tpu.memref_slice %arg10[%dma_wait3A_153, %dma_wait3A_154] : memref<10240x128xf32, #tpu.memory_space<vmem_shared>> -> memref<10240x128xf32, #tpu.memory_space<vmem_shared>>
        tpu.wait_indirect_dma semaphore(%arg14 : memref<!tpu.dma_semaphore, #tpu.memory_space<semaphore_mem>>) src(%arg9 : memref<128x128xf32, #tpu.memory_space<vmem>>) dst(%dma_wait3A_155 : memref<10240x128xf32, #tpu.memory_space<vmem_shared>>)
      } else {
      }
      %add3A_110 = arith.constant 1 : i32
      %add3A_111 = arith.addi %add3A_91, %add3A_110 : i32
      %lt3A = arith.constant 40 : i32
      %lt3A_112 = arith.cmpi slt, %add3A_111, %lt3A : i32
      %convert_element_type3A_113 = arith.extui %lt3A_112 : i1 to i32
      %cond3A_114 = arith.constant 0 : i32
      %cond3A_115 = arith.cmpi ne, %convert_element_type3A_113, %cond3A_114 : i32
      scf.if %cond3A_115 {
        %add3A_149 = arith.constant 1 : i32
        %add3A_150 = arith.addi %add3A_91, %add3A_149 : i32
        %dma_start3A_151 = arith.constant 0 : i32
        %dma_start3A_152 = tpu.memref_slice %arg6[%add3A_150, %dma_start3A_151] : memref<40x128xi32, #tpu.memory_space<vmem>> -> memref<1x128xi32, #tpu.memory_space<vmem>>
        %dma_start3A_153 = tpu.memref_squeeze %dma_start3A_152 : memref<1x128xi32, #tpu.memory_space<vmem>> -> memref<128xi32, #tpu.memory_space<vmem>>
        %dma_start3A_154 = arith.constant 0 : i32
        %dma_start3A_155 = arith.constant 0 : i32
        %dma_start3A_156 = tpu.memref_slice %arg2[%arg0, %dma_start3A_154, %dma_start3A_155] : memref<2x10000x128xf32, #tpu.memory_space<hbm>> -> memref<1x10000x128xf32, #tpu.memory_space<hbm>>
        %dma_start3A_157 = tpu.memref_squeeze %dma_start3A_156 : memref<1x10000x128xf32, #tpu.memory_space<hbm>> -> memref<10000x128xf32, #tpu.memory_space<hbm>>
        %dma_start3A_158 = arith.constant 0 : i32
        %dma_start3A_159 = arith.constant 0 : i32
        %dma_start3A_160 = tpu.memref_slice %dma_start3A_157[%dma_start3A_158, %dma_start3A_159] : memref<10000x128xf32, #tpu.memory_space<hbm>> -> memref<10000x128xf32, #tpu.memory_space<hbm>>
        tpu.enqueue_indirect_dma source(%dma_start3A_160 : memref<10000x128xf32, #tpu.memory_space<hbm>>) target(%arg9 : memref<128x128xf32, #tpu.memory_space<vmem>>) offsets(%dma_start3A_153 : memref<128xi32, #tpu.memory_space<vmem>>) semaphore(%arg12 : memref<!tpu.dma_semaphore, #tpu.memory_space<semaphore_mem>>)
      } else {
      }
      %mul3A_116 = arith.constant 2 : i32
      %mul3A_117 = arith.muli %scan3A_86, %mul3A_116 : i32
      %add3A_118 = arith.constant 1 : i32
      %add3A_119 = arith.addi %mul3A_117, %add3A_118 : i32
      %dma_wait3A_120 = arith.constant 0 : i32
      %dma_wait3A_121 = tpu.memref_slice %arg6[%add3A_119, %dma_wait3A_120] : memref<40x128xi32, #tpu.memory_space<vmem>> -> memref<1x128xi32, #tpu.memory_space<vmem>>
      %dma_wait3A_122 = tpu.memref_squeeze %dma_wait3A_121 : memref<1x128xi32, #tpu.memory_space<vmem>> -> memref<128xi32, #tpu.memory_space<vmem>>
      %dma_wait3A_123 = arith.constant 0 : i32
      %dma_wait3A_124 = arith.constant 0 : i32
      %dma_wait3A_125 = tpu.memref_slice %arg2[%arg0, %dma_wait3A_123, %dma_wait3A_124] : memref<2x10000x128xf32, #tpu.memory_space<hbm>> -> memref<1x10000x128xf32, #tpu.memory_space<hbm>>
      %dma_wait3A_126 = tpu.memref_squeeze %dma_wait3A_125 : memref<1x10000x128xf32, #tpu.memory_space<hbm>> -> memref<10000x128xf32, #tpu.memory_space<hbm>>
      %dma_wait3A_127 = arith.constant 0 : i32
      %dma_wait3A_128 = arith.constant 0 : i32
      %dma_wait3A_129 = tpu.memref_slice %dma_wait3A_126[%dma_wait3A_127, %dma_wait3A_128] : memref<10000x128xf32, #tpu.memory_space<hbm>> -> memref<10000x128xf32, #tpu.memory_space<hbm>>
      tpu.wait_indirect_dma semaphore(%arg12 : memref<!tpu.dma_semaphore, #tpu.memory_space<semaphore_mem>>) src(%dma_wait3A_129 : memref<10000x128xf32, #tpu.memory_space<hbm>>) dst(%arg9 : memref<128x128xf32, #tpu.memory_space<vmem>>)
      %dma_start3A_130 = arith.constant 0 : i32
      %dma_start3A_131 = tpu.memref_slice %arg7[%add3A_119, %dma_start3A_130] : memref<40x128xi32, #tpu.memory_space<vmem>> -> memref<1x128xi32, #tpu.memory_space<vmem>>
      %dma_start3A_132 = tpu.memref_squeeze %dma_start3A_131 : memref<1x128xi32, #tpu.memory_space<vmem>> -> memref<128xi32, #tpu.memory_space<vmem>>
      %dma_start3A_133 = arith.constant 0 : i32
      %dma_start3A_134 = arith.constant 0 : i32
      %dma_start3A_135 = tpu.memref_slice %arg10[%dma_start3A_133, %dma_start3A_134] : memref<10240x128xf32, #tpu.memory_space<vmem_shared>> -> memref<10240x128xf32, #tpu.memory_space<vmem_shared>>
      tpu.enqueue_indirect_dma source(%arg9 : memref<128x128xf32, #tpu.memory_space<vmem>>) target(%dma_start3A_135 : memref<10240x128xf32, #tpu.memory_space<vmem_shared>>) offsets(%dma_start3A_132 : memref<128xi32, #tpu.memory_space<vmem>>) semaphore(%arg14 : memref<!tpu.dma_semaphore, #tpu.memory_space<semaphore_mem>>) {add = true}
      %ge3A_136 = arith.constant 1 : i32
      %ge3A_137 = arith.cmpi sge, %add3A_119, %ge3A_136 : i32
      %convert_element_type3A_138 = arith.extui %ge3A_137 : i1 to i32
      %cond3A_139 = arith.constant 0 : i32
      %cond3A_140 = arith.cmpi ne, %convert_element_type3A_138, %cond3A_139 : i32
      scf.if %cond3A_140 {
        %sub3A = arith.constant 1 : i32
        %sub3A_149 = arith.subi %add3A_119, %sub3A : i32
        %dma_wait3A_150 = arith.constant 0 : i32
        %dma_wait3A_151 = tpu.memref_slice %arg7[%sub3A_149, %dma_wait3A_150] : memref<40x128xi32, #tpu.memory_space<vmem>> -> memref<1x128xi32, #tpu.memory_space<vmem>>
        %dma_wait3A_152 = tpu.memref_squeeze %dma_wait3A_151 : memref<1x128xi32, #tpu.memory_space<vmem>> -> memref<128xi32, #tpu.memory_space<vmem>>
        %dma_wait3A_153 = arith.constant 0 : i32
        %dma_wait3A_154 = arith.constant 0 : i32
        %dma_wait3A_155 = tpu.memref_slice %arg10[%dma_wait3A_153, %dma_wait3A_154] : memref<10240x128xf32, #tpu.memory_space<vmem_shared>> -> memref<10240x128xf32, #tpu.memory_space<vmem_shared>>
        tpu.wait_indirect_dma semaphore(%arg13 : memref<!tpu.dma_semaphore, #tpu.memory_space<semaphore_mem>>) src(%arg8 : memref<128x128xf32, #tpu.memory_space<vmem>>) dst(%dma_wait3A_155 : memref<10240x128xf32, #tpu.memory_space<vmem_shared>>)
      } else {
      }
      %add3A_141 = arith.constant 1 : i32
      %add3A_142 = arith.addi %add3A_119, %add3A_141 : i32
      %lt3A_143 = arith.constant 40 : i32
      %lt3A_144 = arith.cmpi slt, %add3A_142, %lt3A_143 : i32
      %convert_element_type3A_145 = arith.extui %lt3A_144 : i1 to i32
      %cond3A_146 = arith.constant 0 : i32
      %cond3A_147 = arith.cmpi ne, %convert_element_type3A_145, %cond3A_146 : i32
      scf.if %cond3A_147 {
        %add3A_149 = arith.constant 1 : i32
        %add3A_150 = arith.addi %add3A_119, %add3A_149 : i32
        %dma_start3A_151 = arith.constant 0 : i32
        %dma_start3A_152 = tpu.memref_slice %arg6[%add3A_150, %dma_start3A_151] : memref<40x128xi32, #tpu.memory_space<vmem>> -> memref<1x128xi32, #tpu.memory_space<vmem>>
        %dma_start3A_153 = tpu.memref_squeeze %dma_start3A_152 : memref<1x128xi32, #tpu.memory_space<vmem>> -> memref<128xi32, #tpu.memory_space<vmem>>
        %dma_start3A_154 = arith.constant 0 : i32
        %dma_start3A_155 = arith.constant 0 : i32
        %dma_start3A_156 = tpu.memref_slice %arg2[%arg0, %dma_start3A_154, %dma_start3A_155] : memref<2x10000x128xf32, #tpu.memory_space<hbm>> -> memref<1x10000x128xf32, #tpu.memory_space<hbm>>
        %dma_start3A_157 = tpu.memref_squeeze %dma_start3A_156 : memref<1x10000x128xf32, #tpu.memory_space<hbm>> -> memref<10000x128xf32, #tpu.memory_space<hbm>>
        %dma_start3A_158 = arith.constant 0 : i32
        %dma_start3A_159 = arith.constant 0 : i32
        %dma_start3A_160 = tpu.memref_slice %dma_start3A_157[%dma_start3A_158, %dma_start3A_159] : memref<10000x128xf32, #tpu.memory_space<hbm>> -> memref<10000x128xf32, #tpu.memory_space<hbm>>
        tpu.enqueue_indirect_dma source(%dma_start3A_160 : memref<10000x128xf32, #tpu.memory_space<hbm>>) target(%arg8 : memref<128x128xf32, #tpu.memory_space<vmem>>) offsets(%dma_start3A_153 : memref<128xi32, #tpu.memory_space<vmem>>) semaphore(%arg11 : memref<!tpu.dma_semaphore, #tpu.memory_space<semaphore_mem>>)
      } else {
      }
      %scan3A_148 = arith.constant 0 : i32
      scf.yield %scan3A_148 : i32
    }
    %scan3A_45 = arith.constant 20 : i32
    %dma_wait3A = arith.constant 39 : i32
    %dma_wait3A_46 = arith.constant 0 : i32
    %dma_wait3A_47 = tpu.memref_slice %arg7[%dma_wait3A, %dma_wait3A_46] : memref<40x128xi32, #tpu.memory_space<vmem>> -> memref<1x128xi32, #tpu.memory_space<vmem>>
    %dma_wait3A_48 = tpu.memref_squeeze %dma_wait3A_47 : memref<1x128xi32, #tpu.memory_space<vmem>> -> memref<128xi32, #tpu.memory_space<vmem>>
    %dma_wait3A_49 = arith.constant 0 : i32
    %dma_wait3A_50 = arith.constant 0 : i32
    %dma_wait3A_51 = tpu.memref_slice %arg10[%dma_wait3A_49, %dma_wait3A_50] : memref<10240x128xf32, #tpu.memory_space<vmem_shared>> -> memref<10240x128xf32, #tpu.memory_space<vmem_shared>>
    tpu.wait_indirect_dma semaphore(%arg14 : memref<!tpu.dma_semaphore, #tpu.memory_space<semaphore_mem>>) src(%arg9 : memref<128x128xf32, #tpu.memory_space<vmem>>) dst(%dma_wait3A_51 : memref<10240x128xf32, #tpu.memory_space<vmem_shared>>)
    %mul3A_52 = arith.constant 80 : i32
    %mul3A_53 = arith.muli %arg1, %mul3A_52 : i32
    %add3A_54 = arith.constant 40 : i32
    %add3A_55 = arith.addi %mul3A_53, %add3A_54 : i32
    "tpu.region"() ({
      %run_scoped3A = tpu.sem_alloc : memref<!tpu.dma_semaphore, #tpu.memory_space<semaphore_mem>>
      %dma_start3A_86 = arith.constant 0 : i32
      %dma_start3A_87 = tpu.memref_slice %arg3[%add3A_55, %dma_start3A_86] : memref<1280x128xi32, #tpu.memory_space<hbm>> -> memref<40x128xi32, #tpu.memory_space<hbm>>
      %dma_start3A_88 = arith.constant 0 : i32
      %dma_start3A_89 = tpu.memref_slice %arg3[%add3A_55, %dma_start3A_88] : memref<1280x128xi32, #tpu.memory_space<hbm>> -> memref<40x128xi32, #tpu.memory_space<hbm>>
      tpu.enqueue_dma source(%dma_start3A_89 : memref<40x128xi32, #tpu.memory_space<hbm>>) target(%arg6 : memref<40x128xi32, #tpu.memory_space<vmem>>) target_semaphore(%run_scoped3A : memref<!tpu.dma_semaphore, #tpu.memory_space<semaphore_mem>>)
      %dma_wait3A_90 = arith.constant 0 : i32
      %dma_wait3A_91 = tpu.memref_slice %arg3[%add3A_55, %dma_wait3A_90] : memref<1280x128xi32, #tpu.memory_space<hbm>> -> memref<40x128xi32, #tpu.memory_space<hbm>>
      %dma_wait3A_92 = arith.constant 0 : i32
      %dma_wait3A_93 = tpu.memref_slice %arg3[%add3A_55, %dma_wait3A_92] : memref<1280x128xi32, #tpu.memory_space<hbm>> -> memref<40x128xi32, #tpu.memory_space<hbm>>
      tpu.wait_dma2 semaphore(%run_scoped3A : memref<!tpu.dma_semaphore, #tpu.memory_space<semaphore_mem>>) src(%dma_wait3A_93 : memref<40x128xi32, #tpu.memory_space<hbm>>) dst(%arg6 : memref<40x128xi32, #tpu.memory_space<vmem>>)
      tpu.yield
    }) : () -> ()
    "tpu.region"() ({
      %run_scoped3A = tpu.sem_alloc : memref<!tpu.dma_semaphore, #tpu.memory_space<semaphore_mem>>
      %dma_start3A_86 = arith.constant 0 : i32
      %dma_start3A_87 = tpu.memref_slice %arg4[%add3A_55, %dma_start3A_86] : memref<1280x128xi32, #tpu.memory_space<hbm>> -> memref<40x128xi32, #tpu.memory_space<hbm>>
      %dma_start3A_88 = arith.constant 0 : i32
      %dma_start3A_89 = tpu.memref_slice %arg4[%add3A_55, %dma_start3A_88] : memref<1280x128xi32, #tpu.memory_space<hbm>> -> memref<40x128xi32, #tpu.memory_space<hbm>>
      tpu.enqueue_dma source(%dma_start3A_89 : memref<40x128xi32, #tpu.memory_space<hbm>>) target(%arg7 : memref<40x128xi32, #tpu.memory_space<vmem>>) target_semaphore(%run_scoped3A : memref<!tpu.dma_semaphore, #tpu.memory_space<semaphore_mem>>)
      %dma_wait3A_90 = arith.constant 0 : i32
      %dma_wait3A_91 = tpu.memref_slice %arg4[%add3A_55, %dma_wait3A_90] : memref<1280x128xi32, #tpu.memory_space<hbm>> -> memref<40x128xi32, #tpu.memory_space<hbm>>
      %dma_wait3A_92 = arith.constant 0 : i32
      %dma_wait3A_93 = tpu.memref_slice %arg4[%add3A_55, %dma_wait3A_92] : memref<1280x128xi32, #tpu.memory_space<hbm>> -> memref<40x128xi32, #tpu.memory_space<hbm>>
      tpu.wait_dma2 semaphore(%run_scoped3A : memref<!tpu.dma_semaphore, #tpu.memory_space<semaphore_mem>>) src(%dma_wait3A_93 : memref<40x128xi32, #tpu.memory_space<hbm>>) dst(%arg7 : memref<40x128xi32, #tpu.memory_space<vmem>>)
      tpu.yield
    }) : () -> ()
    %dma_start3A_56 = arith.constant 0 : i32
    %dma_start3A_57 = arith.constant 0 : i32
    %dma_start3A_58 = tpu.memref_slice %arg6[%dma_start3A_56, %dma_start3A_57] : memref<40x128xi32, #tpu.memory_space<vmem>> -> memref<1x128xi32, #tpu.memory_space<vmem>>
    %dma_start3A_59 = tpu.memref_squeeze %dma_start3A_58 : memref<1x128xi32, #tpu.memory_space<vmem>> -> memref<128xi32, #tpu.memory_space<vmem>>
    %dma_start3A_60 = arith.constant 0 : i32
    %dma_start3A_61 = arith.constant 0 : i32
    %dma_start3A_62 = tpu.memref_slice %arg2[%arg0, %dma_start3A_60, %dma_start3A_61] : memref<2x10000x128xf32, #tpu.memory_space<hbm>> -> memref<1x10000x128xf32, #tpu.memory_space<hbm>>
    %dma_start3A_63 = tpu.memref_squeeze %dma_start3A_62 : memref<1x10000x128xf32, #tpu.memory_space<hbm>> -> memref<10000x128xf32, #tpu.memory_space<hbm>>
    %dma_start3A_64 = arith.constant 0 : i32
    %dma_start3A_65 = arith.constant 0 : i32
    %dma_start3A_66 = tpu.memref_slice %dma_start3A_63[%dma_start3A_64, %dma_start3A_65] : memref<10000x128xf32, #tpu.memory_space<hbm>> -> memref<10000x128xf32, #tpu.memory_space<hbm>>
    tpu.enqueue_indirect_dma source(%dma_start3A_66 : memref<10000x128xf32, #tpu.memory_space<hbm>>) target(%arg8 : memref<128x128xf32, #tpu.memory_space<vmem>>) offsets(%dma_start3A_59 : memref<128xi32, #tpu.memory_space<vmem>>) semaphore(%arg11 : memref<!tpu.dma_semaphore, #tpu.memory_space<semaphore_mem>>)
    %scan3A_67 = arith.constant 0 : i32
    %scan3A_68 = arith.constant 0 : i32
    %scan3A_69 = arith.constant 20 : i32
    %scan3A_70 = arith.addi %scan3A_68, %scan3A_69 : i32
    %scan3A_71 = arith.constant 1 : i32
    %scan3A_72 = scf.for %scan3A_86 = %scan3A_68 to %scan3A_70 step %scan3A_71 iter_args(%scan3A_87 = %scan3A_67) -> (i32)  : i32 {
      %mul3A_88 = arith.constant 2 : i32
      %mul3A_89 = arith.muli %scan3A_86, %mul3A_88 : i32
      %add3A_90 = arith.constant 0 : i32
      %add3A_91 = arith.addi %mul3A_89, %add3A_90 : i32
      %dma_wait3A_92 = arith.constant 0 : i32
      %dma_wait3A_93 = tpu.memref_slice %arg6[%add3A_91, %dma_wait3A_92] : memref<40x128xi32, #tpu.memory_space<vmem>> -> memref<1x128xi32, #tpu.memory_space<vmem>>
      %dma_wait3A_94 = tpu.memref_squeeze %dma_wait3A_93 : memref<1x128xi32, #tpu.memory_space<vmem>> -> memref<128xi32, #tpu.memory_space<vmem>>
      %dma_wait3A_95 = arith.constant 0 : i32
      %dma_wait3A_96 = arith.constant 0 : i32
      %dma_wait3A_97 = tpu.memref_slice %arg2[%arg0, %dma_wait3A_95, %dma_wait3A_96] : memref<2x10000x128xf32, #tpu.memory_space<hbm>> -> memref<1x10000x128xf32, #tpu.memory_space<hbm>>
      %dma_wait3A_98 = tpu.memref_squeeze %dma_wait3A_97 : memref<1x10000x128xf32, #tpu.memory_space<hbm>> -> memref<10000x128xf32, #tpu.memory_space<hbm>>
      %dma_wait3A_99 = arith.constant 0 : i32
      %dma_wait3A_100 = arith.constant 0 : i32
      %dma_wait3A_101 = tpu.memref_slice %dma_wait3A_98[%dma_wait3A_99, %dma_wait3A_100] : memref<10000x128xf32, #tpu.memory_space<hbm>> -> memref<10000x128xf32, #tpu.memory_space<hbm>>
      tpu.wait_indirect_dma semaphore(%arg11 : memref<!tpu.dma_semaphore, #tpu.memory_space<semaphore_mem>>) src(%dma_wait3A_101 : memref<10000x128xf32, #tpu.memory_space<hbm>>) dst(%arg8 : memref<128x128xf32, #tpu.memory_space<vmem>>)
      %dma_start3A_102 = arith.constant 0 : i32
      %dma_start3A_103 = tpu.memref_slice %arg7[%add3A_91, %dma_start3A_102] : memref<40x128xi32, #tpu.memory_space<vmem>> -> memref<1x128xi32, #tpu.memory_space<vmem>>
      %dma_start3A_104 = tpu.memref_squeeze %dma_start3A_103 : memref<1x128xi32, #tpu.memory_space<vmem>> -> memref<128xi32, #tpu.memory_space<vmem>>
      %dma_start3A_105 = arith.constant 0 : i32
      %dma_start3A_106 = arith.constant 0 : i32
      %dma_start3A_107 = tpu.memref_slice %arg10[%dma_start3A_105, %dma_start3A_106] : memref<10240x128xf32, #tpu.memory_space<vmem_shared>> -> memref<10240x128xf32, #tpu.memory_space<vmem_shared>>
      tpu.enqueue_indirect_dma source(%arg8 : memref<128x128xf32, #tpu.memory_space<vmem>>) target(%dma_start3A_107 : memref<10240x128xf32, #tpu.memory_space<vmem_shared>>) offsets(%dma_start3A_104 : memref<128xi32, #tpu.memory_space<vmem>>) semaphore(%arg13 : memref<!tpu.dma_semaphore, #tpu.memory_space<semaphore_mem>>) {add = true}
      %ge3A = arith.constant 1 : i32
      %ge3A_108 = arith.cmpi sge, %add3A_91, %ge3A : i32
      %convert_element_type3A = arith.extui %ge3A_108 : i1 to i32
      %cond3A = arith.constant 0 : i32
      %cond3A_109 = arith.cmpi ne, %convert_element_type3A, %cond3A : i32
      scf.if %cond3A_109 {
        %sub3A = arith.constant 1 : i32
        %sub3A_149 = arith.subi %add3A_91, %sub3A : i32
        %dma_wait3A_150 = arith.constant 0 : i32
        %dma_wait3A_151 = tpu.memref_slice %arg7[%sub3A_149, %dma_wait3A_150] : memref<40x128xi32, #tpu.memory_space<vmem>> -> memref<1x128xi32, #tpu.memory_space<vmem>>
        %dma_wait3A_152 = tpu.memref_squeeze %dma_wait3A_151 : memref<1x128xi32, #tpu.memory_space<vmem>> -> memref<128xi32, #tpu.memory_space<vmem>>
        %dma_wait3A_153 = arith.constant 0 : i32
        %dma_wait3A_154 = arith.constant 0 : i32
        %dma_wait3A_155 = tpu.memref_slice %arg10[%dma_wait3A_153, %dma_wait3A_154] : memref<10240x128xf32, #tpu.memory_space<vmem_shared>> -> memref<10240x128xf32, #tpu.memory_space<vmem_shared>>
        tpu.wait_indirect_dma semaphore(%arg14 : memref<!tpu.dma_semaphore, #tpu.memory_space<semaphore_mem>>) src(%arg9 : memref<128x128xf32, #tpu.memory_space<vmem>>) dst(%dma_wait3A_155 : memref<10240x128xf32, #tpu.memory_space<vmem_shared>>)
      } else {
      }
      %add3A_110 = arith.constant 1 : i32
      %add3A_111 = arith.addi %add3A_91, %add3A_110 : i32
      %lt3A = arith.constant 40 : i32
      %lt3A_112 = arith.cmpi slt, %add3A_111, %lt3A : i32
      %convert_element_type3A_113 = arith.extui %lt3A_112 : i1 to i32
      %cond3A_114 = arith.constant 0 : i32
      %cond3A_115 = arith.cmpi ne, %convert_element_type3A_113, %cond3A_114 : i32
      scf.if %cond3A_115 {
        %add3A_149 = arith.constant 1 : i32
        %add3A_150 = arith.addi %add3A_91, %add3A_149 : i32
        %dma_start3A_151 = arith.constant 0 : i32
        %dma_start3A_152 = tpu.memref_slice %arg6[%add3A_150, %dma_start3A_151] : memref<40x128xi32, #tpu.memory_space<vmem>> -> memref<1x128xi32, #tpu.memory_space<vmem>>
        %dma_start3A_153 = tpu.memref_squeeze %dma_start3A_152 : memref<1x128xi32, #tpu.memory_space<vmem>> -> memref<128xi32, #tpu.memory_space<vmem>>
        %dma_start3A_154 = arith.constant 0 : i32
        %dma_start3A_155 = arith.constant 0 : i32
        %dma_start3A_156 = tpu.memref_slice %arg2[%arg0, %dma_start3A_154, %dma_start3A_155] : memref<2x10000x128xf32, #tpu.memory_space<hbm>> -> memref<1x10000x128xf32, #tpu.memory_space<hbm>>
        %dma_start3A_157 = tpu.memref_squeeze %dma_start3A_156 : memref<1x10000x128xf32, #tpu.memory_space<hbm>> -> memref<10000x128xf32, #tpu.memory_space<hbm>>
        %dma_start3A_158 = arith.constant 0 : i32
        %dma_start3A_159 = arith.constant 0 : i32
        %dma_start3A_160 = tpu.memref_slice %dma_start3A_157[%dma_start3A_158, %dma_start3A_159] : memref<10000x128xf32, #tpu.memory_space<hbm>> -> memref<10000x128xf32, #tpu.memory_space<hbm>>
        tpu.enqueue_indirect_dma source(%dma_start3A_160 : memref<10000x128xf32, #tpu.memory_space<hbm>>) target(%arg9 : memref<128x128xf32, #tpu.memory_space<vmem>>) offsets(%dma_start3A_153 : memref<128xi32, #tpu.memory_space<vmem>>) semaphore(%arg12 : memref<!tpu.dma_semaphore, #tpu.memory_space<semaphore_mem>>)
      } else {
      }
      %mul3A_116 = arith.constant 2 : i32
      %mul3A_117 = arith.muli %scan3A_86, %mul3A_116 : i32
      %add3A_118 = arith.constant 1 : i32
      %add3A_119 = arith.addi %mul3A_117, %add3A_118 : i32
      %dma_wait3A_120 = arith.constant 0 : i32
      %dma_wait3A_121 = tpu.memref_slice %arg6[%add3A_119, %dma_wait3A_120] : memref<40x128xi32, #tpu.memory_space<vmem>> -> memref<1x128xi32, #tpu.memory_space<vmem>>
      %dma_wait3A_122 = tpu.memref_squeeze %dma_wait3A_121 : memref<1x128xi32, #tpu.memory_space<vmem>> -> memref<128xi32, #tpu.memory_space<vmem>>
      %dma_wait3A_123 = arith.constant 0 : i32
      %dma_wait3A_124 = arith.constant 0 : i32
      %dma_wait3A_125 = tpu.memref_slice %arg2[%arg0, %dma_wait3A_123, %dma_wait3A_124] : memref<2x10000x128xf32, #tpu.memory_space<hbm>> -> memref<1x10000x128xf32, #tpu.memory_space<hbm>>
      %dma_wait3A_126 = tpu.memref_squeeze %dma_wait3A_125 : memref<1x10000x128xf32, #tpu.memory_space<hbm>> -> memref<10000x128xf32, #tpu.memory_space<hbm>>
      %dma_wait3A_127 = arith.constant 0 : i32
      %dma_wait3A_128 = arith.constant 0 : i32
      %dma_wait3A_129 = tpu.memref_slice %dma_wait3A_126[%dma_wait3A_127, %dma_wait3A_128] : memref<10000x128xf32, #tpu.memory_space<hbm>> -> memref<10000x128xf32, #tpu.memory_space<hbm>>
      tpu.wait_indirect_dma semaphore(%arg12 : memref<!tpu.dma_semaphore, #tpu.memory_space<semaphore_mem>>) src(%dma_wait3A_129 : memref<10000x128xf32, #tpu.memory_space<hbm>>) dst(%arg9 : memref<128x128xf32, #tpu.memory_space<vmem>>)
      %dma_start3A_130 = arith.constant 0 : i32
      %dma_start3A_131 = tpu.memref_slice %arg7[%add3A_119, %dma_start3A_130] : memref<40x128xi32, #tpu.memory_space<vmem>> -> memref<1x128xi32, #tpu.memory_space<vmem>>
      %dma_start3A_132 = tpu.memref_squeeze %dma_start3A_131 : memref<1x128xi32, #tpu.memory_space<vmem>> -> memref<128xi32, #tpu.memory_space<vmem>>
      %dma_start3A_133 = arith.constant 0 : i32
      %dma_start3A_134 = arith.constant 0 : i32
      %dma_start3A_135 = tpu.memref_slice %arg10[%dma_start3A_133, %dma_start3A_134] : memref<10240x128xf32, #tpu.memory_space<vmem_shared>> -> memref<10240x128xf32, #tpu.memory_space<vmem_shared>>
      tpu.enqueue_indirect_dma source(%arg9 : memref<128x128xf32, #tpu.memory_space<vmem>>) target(%dma_start3A_135 : memref<10240x128xf32, #tpu.memory_space<vmem_shared>>) offsets(%dma_start3A_132 : memref<128xi32, #tpu.memory_space<vmem>>) semaphore(%arg14 : memref<!tpu.dma_semaphore, #tpu.memory_space<semaphore_mem>>) {add = true}
      %ge3A_136 = arith.constant 1 : i32
      %ge3A_137 = arith.cmpi sge, %add3A_119, %ge3A_136 : i32
      %convert_element_type3A_138 = arith.extui %ge3A_137 : i1 to i32
      %cond3A_139 = arith.constant 0 : i32
      %cond3A_140 = arith.cmpi ne, %convert_element_type3A_138, %cond3A_139 : i32
      scf.if %cond3A_140 {
        %sub3A = arith.constant 1 : i32
        %sub3A_149 = arith.subi %add3A_119, %sub3A : i32
        %dma_wait3A_150 = arith.constant 0 : i32
        %dma_wait3A_151 = tpu.memref_slice %arg7[%sub3A_149, %dma_wait3A_150] : memref<40x128xi32, #tpu.memory_space<vmem>> -> memref<1x128xi32, #tpu.memory_space<vmem>>
        %dma_wait3A_152 = tpu.memref_squeeze %dma_wait3A_151 : memref<1x128xi32, #tpu.memory_space<vmem>> -> memref<128xi32, #tpu.memory_space<vmem>>
        %dma_wait3A_153 = arith.constant 0 : i32
        %dma_wait3A_154 = arith.constant 0 : i32
        %dma_wait3A_155 = tpu.memref_slice %arg10[%dma_wait3A_153, %dma_wait3A_154] : memref<10240x128xf32, #tpu.memory_space<vmem_shared>> -> memref<10240x128xf32, #tpu.memory_space<vmem_shared>>
        tpu.wait_indirect_dma semaphore(%arg13 : memref<!tpu.dma_semaphore, #tpu.memory_space<semaphore_mem>>) src(%arg8 : memref<128x128xf32, #tpu.memory_space<vmem>>) dst(%dma_wait3A_155 : memref<10240x128xf32, #tpu.memory_space<vmem_shared>>)
      } else {
      }
      %add3A_141 = arith.constant 1 : i32
      %add3A_142 = arith.addi %add3A_119, %add3A_141 : i32
      %lt3A_143 = arith.constant 40 : i32
      %lt3A_144 = arith.cmpi slt, %add3A_142, %lt3A_143 : i32
      %convert_element_type3A_145 = arith.extui %lt3A_144 : i1 to i32
      %cond3A_146 = arith.constant 0 : i32
      %cond3A_147 = arith.cmpi ne, %convert_element_type3A_145, %cond3A_146 : i32
      scf.if %cond3A_147 {
        %add3A_149 = arith.constant 1 : i32
        %add3A_150 = arith.addi %add3A_119, %add3A_149 : i32
        %dma_start3A_151 = arith.constant 0 : i32
        %dma_start3A_152 = tpu.memref_slice %arg6[%add3A_150, %dma_start3A_151] : memref<40x128xi32, #tpu.memory_space<vmem>> -> memref<1x128xi32, #tpu.memory_space<vmem>>
        %dma_start3A_153 = tpu.memref_squeeze %dma_start3A_152 : memref<1x128xi32, #tpu.memory_space<vmem>> -> memref<128xi32, #tpu.memory_space<vmem>>
        %dma_start3A_154 = arith.constant 0 : i32
        %dma_start3A_155 = arith.constant 0 : i32
        %dma_start3A_156 = tpu.memref_slice %arg2[%arg0, %dma_start3A_154, %dma_start3A_155] : memref<2x10000x128xf32, #tpu.memory_space<hbm>> -> memref<1x10000x128xf32, #tpu.memory_space<hbm>>
        %dma_start3A_157 = tpu.memref_squeeze %dma_start3A_156 : memref<1x10000x128xf32, #tpu.memory_space<hbm>> -> memref<10000x128xf32, #tpu.memory_space<hbm>>
        %dma_start3A_158 = arith.constant 0 : i32
        %dma_start3A_159 = arith.constant 0 : i32
        %dma_start3A_160 = tpu.memref_slice %dma_start3A_157[%dma_start3A_158, %dma_start3A_159] : memref<10000x128xf32, #tpu.memory_space<hbm>> -> memref<10000x128xf32, #tpu.memory_space<hbm>>
        tpu.enqueue_indirect_dma source(%dma_start3A_160 : memref<10000x128xf32, #tpu.memory_space<hbm>>) target(%arg8 : memref<128x128xf32, #tpu.memory_space<vmem>>) offsets(%dma_start3A_153 : memref<128xi32, #tpu.memory_space<vmem>>) semaphore(%arg11 : memref<!tpu.dma_semaphore, #tpu.memory_space<semaphore_mem>>)
      } else {
      }
      %scan3A_148 = arith.constant 0 : i32
      scf.yield %scan3A_148 : i32
    }
    %scan3A_73 = arith.constant 20 : i32
    %dma_wait3A_74 = arith.constant 39 : i32
    %dma_wait3A_75 = arith.constant 0 : i32
    %dma_wait3A_76 = tpu.memref_slice %arg7[%dma_wait3A_74, %dma_wait3A_75] : memref<40x128xi32, #tpu.memory_space<vmem>> -> memref<1x128xi32, #tpu.memory_space<vmem>>
    %dma_wait3A_77 = tpu.memref_squeeze %dma_wait3A_76 : memref<1x128xi32, #tpu.memory_space<vmem>> -> memref<128xi32, #tpu.memory_space<vmem>>
    %dma_wait3A_78 = arith.constant 0 : i32
    %dma_wait3A_79 = arith.constant 0 : i32
    %dma_wait3A_80 = tpu.memref_slice %arg10[%dma_wait3A_78, %dma_wait3A_79] : memref<10240x128xf32, #tpu.memory_space<vmem_shared>> -> memref<10240x128xf32, #tpu.memory_space<vmem_shared>>
    tpu.wait_indirect_dma semaphore(%arg14 : memref<!tpu.dma_semaphore, #tpu.memory_space<semaphore_mem>>) src(%arg9 : memref<128x128xf32, #tpu.memory_space<vmem>>) dst(%dma_wait3A_80 : memref<10240x128xf32, #tpu.memory_space<vmem_shared>>)
    %barrier3A_81 = arith.constant 0 : index
    tpu.barrier barrier_id(%barrier3A_81)
    %mul3A_82 = arith.constant 640 : i32
    %mul3A_83 = arith.muli %arg1, %mul3A_82 : i32
    %mul3A_84 = arith.constant 640 : i32
    %mul3A_85 = arith.muli %arg1, %mul3A_84 : i32
    "tpu.region"() ({
      %run_scoped3A = tpu.sem_alloc : memref<!tpu.dma_semaphore, #tpu.memory_space<semaphore_mem>>
      %dma_start3A_86 = arith.constant 0 : i32
      %dma_start3A_87 = tpu.memref_slice %arg5[%arg0, %mul3A_85, %dma_start3A_86] : memref<2x10240x128xf32, #tpu.memory_space<hbm>> -> memref<1x640x128xf32, #tpu.memory_space<hbm>>
      %dma_start3A_88 = tpu.memref_squeeze %dma_start3A_87 : memref<1x640x128xf32, #tpu.memory_space<hbm>> -> memref<640x128xf32, #tpu.memory_space<hbm>>
      %dma_start3A_89 = arith.constant 0 : i32
      %dma_start3A_90 = tpu.memref_slice %arg10[%mul3A_83, %dma_start3A_89] : memref<10240x128xf32, #tpu.memory_space<vmem_shared>> -> memref<640x128xf32, #tpu.memory_space<vmem_shared>>
      tpu.enqueue_dma source(%dma_start3A_90 : memref<640x128xf32, #tpu.memory_space<vmem_shared>>) target(%dma_start3A_88 : memref<640x128xf32, #tpu.memory_space<hbm>>) target_semaphore(%run_scoped3A : memref<!tpu.dma_semaphore, #tpu.memory_space<semaphore_mem>>)
      %dma_wait3A_91 = arith.constant 0 : i32
      %dma_wait3A_92 = tpu.memref_slice %arg5[%arg0, %mul3A_85, %dma_wait3A_91] : memref<2x10240x128xf32, #tpu.memory_space<hbm>> -> memref<1x640x128xf32, #tpu.memory_space<hbm>>
      %dma_wait3A_93 = tpu.memref_squeeze %dma_wait3A_92 : memref<1x640x128xf32, #tpu.memory_space<hbm>> -> memref<640x128xf32, #tpu.memory_space<hbm>>
      %dma_wait3A_94 = arith.constant 0 : i32
      %dma_wait3A_95 = tpu.memref_slice %arg10[%mul3A_83, %dma_wait3A_94] : memref<10240x128xf32, #tpu.memory_space<vmem_shared>> -> memref<640x128xf32, #tpu.memory_space<vmem_shared>>
      tpu.wait_dma2 semaphore(%run_scoped3A : memref<!tpu.dma_semaphore, #tpu.memory_space<semaphore_mem>>) src(%dma_wait3A_95 : memref<640x128xf32, #tpu.memory_space<vmem_shared>>) dst(%dma_wait3A_93 : memref<640x128xf32, #tpu.memory_space<hbm>>)
      tpu.yield
    }) : () -> ()
    return
  }
}

#map = affine_map<(d0, d1) -> (0, 0, 0)>
#map1 = affine_map<(d0, d1) -> (0, 0)>
module attributes {stable_mosaic.version = 14 : i64} {
  func.func @_segsum(%arg0: i32, %arg1: i32, %arg2: memref<2x10000x128xf32, #tpu.memory_space<hbm>>, %arg3: memref<1280x128xi32, #tpu.memory_space<hbm>>, %arg4: memref<1280x128xi32, #tpu.memory_space<hbm>>, %arg5: memref<2x10240x128xf32, #tpu.memory_space<hbm>>, %arg6: memref<40x128xi32, #tpu.memory_space<vmem>>, %arg7: memref<40x128xi32, #tpu.memory_space<vmem>>, %arg8: memref<128x128xf32, #tpu.memory_space<vmem>>, %arg9: memref<128x128xf32, #tpu.memory_space<vmem>>, %arg10: memref<10240x128xf32, #tpu.memory_space<vmem_shared>>, %arg11: memref<!tpu.dma_semaphore, #tpu.memory_space<semaphore_mem>>, %arg12: memref<!tpu.dma_semaphore, #tpu.memory_space<semaphore_mem>>, %arg13: memref<!tpu.dma_semaphore, #tpu.memory_space<semaphore_mem>>, %arg14: memref<!tpu.dma_semaphore, #tpu.memory_space<semaphore_mem>>) attributes {dimension_semantics = [#tpu.dimension_semantics<core_parallel>, #tpu.dimension_semantics<subcore_parallel>], iteration_bounds = array<i64: 2, 16>, scalar_prefetch = 0 : i64, scratch_operands = 9 : i64, tpu.core_type = #tpu.core_type<sc_vector_subcore>, window_params = [{transform_indices = #map}, {transform_indices = #map1}, {transform_indices = #map1}, {transform_indices = #map}]} {
    %broadcast_in_dim3A = arith.constant 0.000000e+00 : f32
    %broadcast_in_dim3A_0 = vector.broadcast %broadcast_in_dim3A : f32 to vector<16xf32>
    %scan3A = arith.constant 0 : i32
    %scan3A_1 = arith.constant 0 : i32
    %scan3A_2 = arith.constant 1024 : i32
    %scan3A_3 = arith.addi %scan3A_1, %scan3A_2 : i32
    %scan3A_4 = arith.constant 4 : i32
    %scan3A_5 = scf.for %scan3A_86 = %scan3A_1 to %scan3A_3 step %scan3A_4 iter_args(%scan3A_87 = %scan3A) -> (i32)  : i32 {
      %jit3A = arith.constant 8 : i32
      %div3A = arith.divsi %scan3A_86, %jit3A : i32
      %sign3A = arith.constant 0 : i32
      %sign3A_88 = arith.cmpi sgt, %scan3A_86, %sign3A : i32
      %sign3A_89 = arith.extui %sign3A_88 : i1 to i32
      %sign3A_90 = arith.constant 0 : i32
      %sign3A_91 = arith.cmpi slt, %scan3A_86, %sign3A_90 : i32
      %sign3A_92 = arith.extui %sign3A_91 : i1 to i32
      %sign3A_93 = arith.subi %sign3A_89, %sign3A_92 : i32
      %sign3A_94 = arith.constant 0 : i32
      %sign3A_95 = arith.cmpi sgt, %jit3A, %sign3A_94 : i32
      %sign3A_96 = arith.extui %sign3A_95 : i1 to i32
      %sign3A_97 = arith.constant 0 : i32
      %sign3A_98 = arith.cmpi slt, %jit3A, %sign3A_97 : i32
      %sign3A_99 = arith.extui %sign3A_98 : i1 to i32
      %sign3A_100 = arith.subi %sign3A_96, %sign3A_99 : i32
      %ne3A = arith.cmpi ne, %sign3A_93, %sign3A_100 : i32
      %rem3A = arith.remsi %scan3A_86, %jit3A : i32
      %ne3A_101 = arith.constant 0 : i32
      %ne3A_102 = arith.cmpi ne, %rem3A, %ne3A_101 : i32
      %and3A = arith.andi %ne3A, %ne3A_102 : i1
      %sub3A = arith.constant 1 : i32
      %sub3A_103 = arith.subi %div3A, %sub3A : i32
      %select_n3A = arith.select %and3A, %sub3A_103, %div3A : i32
      %jit3A_104 = arith.constant 8 : i32
      %eq3A = arith.constant 0 : i32
      %eq3A_105 = arith.cmpi eq, %jit3A_104, %eq3A : i32
      %jit3A_106 = arith.constant 1 : i32
      %select_n3A_107 = arith.select %eq3A_105, %jit3A_106, %jit3A_104 : i32
      %rem3A_108 = arith.remsi %scan3A_86, %select_n3A_107 : i32
      %ne3A_109 = arith.constant 0 : i32
      %ne3A_110 = arith.cmpi ne, %rem3A_108, %ne3A_109 : i32
      %lt3A = arith.constant 0 : i32
      %lt3A_111 = arith.cmpi slt, %rem3A_108, %lt3A : i32
      %lt3A_112 = arith.constant 0 : i32
      %lt3A_113 = arith.cmpi slt, %select_n3A_107, %lt3A_112 : i32
      %ne3A_114 = arith.xori %lt3A_111, %lt3A_113 : i1
      %and3A_115 = arith.andi %ne3A_114, %ne3A_110 : i1
      %add3A_116 = arith.addi %rem3A_108, %select_n3A_107 : i32
      %select_n3A_117 = arith.select %and3A_115, %add3A_116, %rem3A_108 : i32
      %mul3A_118 = arith.constant 16 : i32
      %mul3A_119 = arith.muli %select_n3A_117, %mul3A_118 : i32
      %swap3A = arith.index_cast %select_n3A : i32 to index
      %swap3A_120 = arith.index_cast %mul3A_119 : i32 to index
      %swap3A_121 = tpu.vector_load %arg8[%swap3A, %swap3A_120] {strides = array<i32>} : memref<128x128xf32, #tpu.memory_space<vmem>>, vector<1x16xf32>,
      %swap3A_122 = vector.shape_cast %swap3A_121 : vector<1x16xf32> to vector<16xf32>
      %swap3A_123 = vector.shape_cast %broadcast_in_dim3A_0 : vector<16xf32> to vector<1x16xf32>
      tpu.vector_store %arg8[%swap3A, %swap3A_120], %swap3A_123 {strides = array<i32>} : memref<128x128xf32, #tpu.memory_space<vmem>>, vector<1x16xf32>,
      %scan3A_124 = arith.constant 0 : i32
      %scan3A_125 = arith.constant 1 : i32
      %scan3A_126 = arith.addi %scan3A_86, %scan3A_125 : i32
      %jit3A_127 = arith.constant 8 : i32
      %div3A_128 = arith.divsi %scan3A_126, %jit3A_127 : i32
      %sign3A_129 = arith.constant 0 : i32
      %sign3A_130 = arith.cmpi sgt, %scan3A_126, %sign3A_129 : i32
      %sign3A_131 = arith.extui %sign3A_130 : i1 to i32
      %sign3A_132 = arith.constant 0 : i32
      %sign3A_133 = arith.cmpi slt, %scan3A_126, %sign3A_132 : i32
      %sign3A_134 = arith.extui %sign3A_133 : i1 to i32
      %sign3A_135 = arith.subi %sign3A_131, %sign3A_134 : i32
      %sign3A_136 = arith.constant 0 : i32
      %sign3A_137 = arith.cmpi sgt, %jit3A_127, %sign3A_136 : i32
      %sign3A_138 = arith.extui %sign3A_137 : i1 to i32
      %sign3A_139 = arith.constant 0 : i32
      %sign3A_140 = arith.cmpi slt, %jit3A_127, %sign3A_139 : i32
      %sign3A_141 = arith.extui %sign3A_140 : i1 to i32
      %sign3A_142 = arith.subi %sign3A_138, %sign3A_141 : i32
      %ne3A_143 = arith.cmpi ne, %sign3A_135, %sign3A_142 : i32
      %rem3A_144 = arith.remsi %scan3A_126, %jit3A_127 : i32
      %ne3A_145 = arith.constant 0 : i32
      %ne3A_146 = arith.cmpi ne, %rem3A_144, %ne3A_145 : i32
      %and3A_147 = arith.andi %ne3A_143, %ne3A_146 : i1
      %sub3A_148 = arith.constant 1 : i32
      %sub3A_149 = arith.subi %div3A_128, %sub3A_148 : i32
      %select_n3A_150 = arith.select %and3A_147, %sub3A_149, %div3A_128 : i32
      %jit3A_151 = arith.constant 8 : i32
      %eq3A_152 = arith.constant 0 : i32
      %eq3A_153 = arith.cmpi eq, %jit3A_151, %eq3A_152 : i32
      %jit3A_154 = arith.constant 1 : i32
      %select_n3A_155 = arith.select %eq3A_153, %jit3A_154, %jit3A_151 : i32
      %rem3A_156 = arith.remsi %scan3A_126, %select_n3A_155 : i32
      %ne3A_157 = arith.constant 0 : i32
      %ne3A_158 = arith.cmpi ne, %rem3A_156, %ne3A_157 : i32
      %lt3A_159 = arith.constant 0 : i32
      %lt3A_160 = arith.cmpi slt, %rem3A_156, %lt3A_159 : i32
      %lt3A_161 = arith.constant 0 : i32
      %lt3A_162 = arith.cmpi slt, %select_n3A_155, %lt3A_161 : i32
      %ne3A_163 = arith.xori %lt3A_160, %lt3A_162 : i1
      %and3A_164 = arith.andi %ne3A_163, %ne3A_158 : i1
      %add3A_165 = arith.addi %rem3A_156, %select_n3A_155 : i32
      %select_n3A_166 = arith.select %and3A_164, %add3A_165, %rem3A_156 : i32
      %mul3A_167 = arith.constant 16 : i32
      %mul3A_168 = arith.muli %select_n3A_166, %mul3A_167 : i32
      %swap3A_169 = arith.index_cast %select_n3A_150 : i32 to index
      %swap3A_170 = arith.index_cast %mul3A_168 : i32 to index
      %swap3A_171 = tpu.vector_load %arg8[%swap3A_169, %swap3A_170] {strides = array<i32>} : memref<128x128xf32, #tpu.memory_space<vmem>>, vector<1x16xf32>,
      %swap3A_172 = vector.shape_cast %swap3A_171 : vector<1x16xf32> to vector<16xf32>
      %swap3A_173 = vector.shape_cast %broadcast_in_dim3A_0 : vector<16xf32> to vector<1x16xf32>
      tpu.vector_store %arg8[%swap3A_169, %swap3A_170], %swap3A_173 {strides = array<i32>} : memref<128x128xf32, #tpu.memory_space<vmem>>, vector<1x16xf32>,
      %scan3A_174 = arith.constant 0 : i32
      %scan3A_175 = arith.constant 2 : i32
      %scan3A_176 = arith.addi %scan3A_86, %scan3A_175 : i32
      %jit3A_177 = arith.constant 8 : i32
      %div3A_178 = arith.divsi %scan3A_176, %jit3A_177 : i32
      %sign3A_179 = arith.constant 0 : i32
      %sign3A_180 = arith.cmpi sgt, %scan3A_176, %sign3A_179 : i32
      %sign3A_181 = arith.extui %sign3A_180 : i1 to i32
      %sign3A_182 = arith.constant 0 : i32
      %sign3A_183 = arith.cmpi slt, %scan3A_176, %sign3A_182 : i32
      %sign3A_184 = arith.extui %sign3A_183 : i1 to i32
      %sign3A_185 = arith.subi %sign3A_181, %sign3A_184 : i32
      %sign3A_186 = arith.constant 0 : i32
      %sign3A_187 = arith.cmpi sgt, %jit3A_177, %sign3A_186 : i32
      %sign3A_188 = arith.extui %sign3A_187 : i1 to i32
      %sign3A_189 = arith.constant 0 : i32
      %sign3A_190 = arith.cmpi slt, %jit3A_177, %sign3A_189 : i32
      %sign3A_191 = arith.extui %sign3A_190 : i1 to i32
      %sign3A_192 = arith.subi %sign3A_188, %sign3A_191 : i32
      %ne3A_193 = arith.cmpi ne, %sign3A_185, %sign3A_192 : i32
      %rem3A_194 = arith.remsi %scan3A_176, %jit3A_177 : i32
      %ne3A_195 = arith.constant 0 : i32
      %ne3A_196 = arith.cmpi ne, %rem3A_194, %ne3A_195 : i32
      %and3A_197 = arith.andi %ne3A_193, %ne3A_196 : i1
      %sub3A_198 = arith.constant 1 : i32
      %sub3A_199 = arith.subi %div3A_178, %sub3A_198 : i32
      %select_n3A_200 = arith.select %and3A_197, %sub3A_199, %div3A_178 : i32
      %jit3A_201 = arith.constant 8 : i32
      %eq3A_202 = arith.constant 0 : i32
      %eq3A_203 = arith.cmpi eq, %jit3A_201, %eq3A_202 : i32
      %jit3A_204 = arith.constant 1 : i32
      %select_n3A_205 = arith.select %eq3A_203, %jit3A_204, %jit3A_201 : i32
      %rem3A_206 = arith.remsi %scan3A_176, %select_n3A_205 : i32
      %ne3A_207 = arith.constant 0 : i32
      %ne3A_208 = arith.cmpi ne, %rem3A_206, %ne3A_207 : i32
      %lt3A_209 = arith.constant 0 : i32
      %lt3A_210 = arith.cmpi slt, %rem3A_206, %lt3A_209 : i32
      %lt3A_211 = arith.constant 0 : i32
      %lt3A_212 = arith.cmpi slt, %select_n3A_205, %lt3A_211 : i32
      %ne3A_213 = arith.xori %lt3A_210, %lt3A_212 : i1
      %and3A_214 = arith.andi %ne3A_213, %ne3A_208 : i1
      %add3A_215 = arith.addi %rem3A_206, %select_n3A_205 : i32
      %select_n3A_216 = arith.select %and3A_214, %add3A_215, %rem3A_206 : i32
      %mul3A_217 = arith.constant 16 : i32
      %mul3A_218 = arith.muli %select_n3A_216, %mul3A_217 : i32
      %swap3A_219 = arith.index_cast %select_n3A_200 : i32 to index
      %swap3A_220 = arith.index_cast %mul3A_218 : i32 to index
      %swap3A_221 = tpu.vector_load %arg8[%swap3A_219, %swap3A_220] {strides = array<i32>} : memref<128x128xf32, #tpu.memory_space<vmem>>, vector<1x16xf32>,
      %swap3A_222 = vector.shape_cast %swap3A_221 : vector<1x16xf32> to vector<16xf32>
      %swap3A_223 = vector.shape_cast %broadcast_in_dim3A_0 : vector<16xf32> to vector<1x16xf32>
      tpu.vector_store %arg8[%swap3A_219, %swap3A_220], %swap3A_223 {strides = array<i32>} : memref<128x128xf32, #tpu.memory_space<vmem>>, vector<1x16xf32>,
      %scan3A_224 = arith.constant 0 : i32
      %scan3A_225 = arith.constant 3 : i32
      %scan3A_226 = arith.addi %scan3A_86, %scan3A_225 : i32
      %jit3A_227 = arith.constant 8 : i32
      %div3A_228 = arith.divsi %scan3A_226, %jit3A_227 : i32
      %sign3A_229 = arith.constant 0 : i32
      %sign3A_230 = arith.cmpi sgt, %scan3A_226, %sign3A_229 : i32
      %sign3A_231 = arith.extui %sign3A_230 : i1 to i32
      %sign3A_232 = arith.constant 0 : i32
      %sign3A_233 = arith.cmpi slt, %scan3A_226, %sign3A_232 : i32
      %sign3A_234 = arith.extui %sign3A_233 : i1 to i32
      %sign3A_235 = arith.subi %sign3A_231, %sign3A_234 : i32
      %sign3A_236 = arith.constant 0 : i32
      %sign3A_237 = arith.cmpi sgt, %jit3A_227, %sign3A_236 : i32
      %sign3A_238 = arith.extui %sign3A_237 : i1 to i32
      %sign3A_239 = arith.constant 0 : i32
      %sign3A_240 = arith.cmpi slt, %jit3A_227, %sign3A_239 : i32
      %sign3A_241 = arith.extui %sign3A_240 : i1 to i32
      %sign3A_242 = arith.subi %sign3A_238, %sign3A_241 : i32
      %ne3A_243 = arith.cmpi ne, %sign3A_235, %sign3A_242 : i32
      %rem3A_244 = arith.remsi %scan3A_226, %jit3A_227 : i32
      %ne3A_245 = arith.constant 0 : i32
      %ne3A_246 = arith.cmpi ne, %rem3A_244, %ne3A_245 : i32
      %and3A_247 = arith.andi %ne3A_243, %ne3A_246 : i1
      %sub3A_248 = arith.constant 1 : i32
      %sub3A_249 = arith.subi %div3A_228, %sub3A_248 : i32
      %select_n3A_250 = arith.select %and3A_247, %sub3A_249, %div3A_228 : i32
      %jit3A_251 = arith.constant 8 : i32
      %eq3A_252 = arith.constant 0 : i32
      %eq3A_253 = arith.cmpi eq, %jit3A_251, %eq3A_252 : i32
      %jit3A_254 = arith.constant 1 : i32
      %select_n3A_255 = arith.select %eq3A_253, %jit3A_254, %jit3A_251 : i32
      %rem3A_256 = arith.remsi %scan3A_226, %select_n3A_255 : i32
      %ne3A_257 = arith.constant 0 : i32
      %ne3A_258 = arith.cmpi ne, %rem3A_256, %ne3A_257 : i32
      %lt3A_259 = arith.constant 0 : i32
      %lt3A_260 = arith.cmpi slt, %rem3A_256, %lt3A_259 : i32
      %lt3A_261 = arith.constant 0 : i32
      %lt3A_262 = arith.cmpi slt, %select_n3A_255, %lt3A_261 : i32
      %ne3A_263 = arith.xori %lt3A_260, %lt3A_262 : i1
      %and3A_264 = arith.andi %ne3A_263, %ne3A_258 : i1
      %add3A_265 = arith.addi %rem3A_256, %select_n3A_255 : i32
      %select_n3A_266 = arith.select %and3A_264, %add3A_265, %rem3A_256 : i32
      %mul3A_267 = arith.constant 16 : i32
      %mul3A_268 = arith.muli %select_n3A_266, %mul3A_267 : i32
      %swap3A_269 = arith.index_cast %select_n3A_250 : i32 to index
      %swap3A_270 = arith.index_cast %mul3A_268 : i32 to index
      %swap3A_271 = tpu.vector_load %arg8[%swap3A_269, %swap3A_270] {strides = array<i32>} : memref<128x128xf32, #tpu.memory_space<vmem>>, vector<1x16xf32>,
      %swap3A_272 = vector.shape_cast %swap3A_271 : vector<1x16xf32> to vector<16xf32>
      %swap3A_273 = vector.shape_cast %broadcast_in_dim3A_0 : vector<16xf32> to vector<1x16xf32>
      tpu.vector_store %arg8[%swap3A_269, %swap3A_270], %swap3A_273 {strides = array<i32>} : memref<128x128xf32, #tpu.memory_space<vmem>>, vector<1x16xf32>,
      %scan3A_274 = arith.constant 0 : i32
      scf.yield %scan3A_274 : i32
    }
    %scan3A_6 = arith.constant 1024 : i32
    %mul3A = arith.constant 640 : i32
    %mul3A_7 = arith.muli %arg1, %mul3A : i32
    %add3A = arith.constant 0 : i32
    %add3A_8 = arith.addi %mul3A_7, %add3A : i32
    "tpu.region"() ({
      %run_scoped3A = tpu.sem_alloc : memref<!tpu.dma_semaphore, #tpu.memory_space<semaphore_mem>>
      %dma_start3A_86 = arith.constant 0 : i32
      %dma_start3A_87 = tpu.memref_slice %arg10[%add3A_8, %dma_start3A_86] : memref<10240x128xf32, #tpu.memory_space<vmem_shared>> -> memref<128x128xf32, #tpu.memory_space<vmem_shared>>
      %dma_start3A_88 = arith.constant 0 : i32
      %dma_start3A_89 = tpu.memref_slice %arg10[%add3A_8, %dma_start3A_88] : memref<10240x128xf32, #tpu.memory_space<vmem_shared>> -> memref<128x128xf32, #tpu.memory_space<vmem_shared>>
      tpu.enqueue_dma source(%arg8 : memref<128x128xf32, #tpu.memory_space<vmem>>) target(%dma_start3A_89 : memref<128x128xf32, #tpu.memory_space<vmem_shared>>) target_semaphore(%run_scoped3A : memref<!tpu.dma_semaphore, #tpu.memory_space<semaphore_mem>>)
      %dma_wait3A_90 = arith.constant 0 : i32
      %dma_wait3A_91 = tpu.memref_slice %arg10[%add3A_8, %dma_wait3A_90] : memref<10240x128xf32, #tpu.memory_space<vmem_shared>> -> memref<128x128xf32, #tpu.memory_space<vmem_shared>>
      %dma_wait3A_92 = arith.constant 0 : i32
      %dma_wait3A_93 = tpu.memref_slice %arg10[%add3A_8, %dma_wait3A_92] : memref<10240x128xf32, #tpu.memory_space<vmem_shared>> -> memref<128x128xf32, #tpu.memory_space<vmem_shared>>
      tpu.wait_dma2 semaphore(%run_scoped3A : memref<!tpu.dma_semaphore, #tpu.memory_space<semaphore_mem>>) src(%arg8 : memref<128x128xf32, #tpu.memory_space<vmem>>) dst(%dma_wait3A_93 : memref<128x128xf32, #tpu.memory_space<vmem_shared>>)
      tpu.yield
    }) : () -> ()
    %mul3A_9 = arith.constant 640 : i32
    %mul3A_10 = arith.muli %arg1, %mul3A_9 : i32
    %add3A_11 = arith.constant 128 : i32
    %add3A_12 = arith.addi %mul3A_10, %add3A_11 : i32
    "tpu.region"() ({
      %run_scoped3A = tpu.sem_alloc : memref<!tpu.dma_semaphore, #tpu.memory_space<semaphore_mem>>
      %dma_start3A_86 = arith.constant 0 : i32
      %dma_start3A_87 = tpu.memref_slice %arg10[%add3A_12, %dma_start3A_86] : memref<10240x128xf32, #tpu.memory_space<vmem_shared>> -> memref<128x128xf32, #tpu.memory_space<vmem_shared>>
      %dma_start3A_88 = arith.constant 0 : i32
      %dma_start3A_89 = tpu.memref_slice %arg10[%add3A_12, %dma_start3A_88] : memref<10240x128xf32, #tpu.memory_space<vmem_shared>> -> memref<128x128xf32, #tpu.memory_space<vmem_shared>>
      tpu.enqueue_dma source(%arg8 : memref<128x128xf32, #tpu.memory_space<vmem>>) target(%dma_start3A_89 : memref<128x128xf32, #tpu.memory_space<vmem_shared>>) target_semaphore(%run_scoped3A : memref<!tpu.dma_semaphore, #tpu.memory_space<semaphore_mem>>)
      %dma_wait3A_90 = arith.constant 0 : i32
      %dma_wait3A_91 = tpu.memref_slice %arg10[%add3A_12, %dma_wait3A_90] : memref<10240x128xf32, #tpu.memory_space<vmem_shared>> -> memref<128x128xf32, #tpu.memory_space<vmem_shared>>
      %dma_wait3A_92 = arith.constant 0 : i32
      %dma_wait3A_93 = tpu.memref_slice %arg10[%add3A_12, %dma_wait3A_92] : memref<10240x128xf32, #tpu.memory_space<vmem_shared>> -> memref<128x128xf32, #tpu.memory_space<vmem_shared>>
      tpu.wait_dma2 semaphore(%run_scoped3A : memref<!tpu.dma_semaphore, #tpu.memory_space<semaphore_mem>>) src(%arg8 : memref<128x128xf32, #tpu.memory_space<vmem>>) dst(%dma_wait3A_93 : memref<128x128xf32, #tpu.memory_space<vmem_shared>>)
      tpu.yield
    }) : () -> ()
    %mul3A_13 = arith.constant 640 : i32
    %mul3A_14 = arith.muli %arg1, %mul3A_13 : i32
    %add3A_15 = arith.constant 256 : i32
    %add3A_16 = arith.addi %mul3A_14, %add3A_15 : i32
    "tpu.region"() ({
      %run_scoped3A = tpu.sem_alloc : memref<!tpu.dma_semaphore, #tpu.memory_space<semaphore_mem>>
      %dma_start3A_86 = arith.constant 0 : i32
      %dma_start3A_87 = tpu.memref_slice %arg10[%add3A_16, %dma_start3A_86] : memref<10240x128xf32, #tpu.memory_space<vmem_shared>> -> memref<128x128xf32, #tpu.memory_space<vmem_shared>>
      %dma_start3A_88 = arith.constant 0 : i32
      %dma_start3A_89 = tpu.memref_slice %arg10[%add3A_16, %dma_start3A_88] : memref<10240x128xf32, #tpu.memory_space<vmem_shared>> -> memref<128x128xf32, #tpu.memory_space<vmem_shared>>
      tpu.enqueue_dma source(%arg8 : memref<128x128xf32, #tpu.memory_space<vmem>>) target(%dma_start3A_89 : memref<128x128xf32, #tpu.memory_space<vmem_shared>>) target_semaphore(%run_scoped3A : memref<!tpu.dma_semaphore, #tpu.memory_space<semaphore_mem>>)
      %dma_wait3A_90 = arith.constant 0 : i32
      %dma_wait3A_91 = tpu.memref_slice %arg10[%add3A_16, %dma_wait3A_90] : memref<10240x128xf32, #tpu.memory_space<vmem_shared>> -> memref<128x128xf32, #tpu.memory_space<vmem_shared>>
      %dma_wait3A_92 = arith.constant 0 : i32
      %dma_wait3A_93 = tpu.memref_slice %arg10[%add3A_16, %dma_wait3A_92] : memref<10240x128xf32, #tpu.memory_space<vmem_shared>> -> memref<128x128xf32, #tpu.memory_space<vmem_shared>>
      tpu.wait_dma2 semaphore(%run_scoped3A : memref<!tpu.dma_semaphore, #tpu.memory_space<semaphore_mem>>) src(%arg8 : memref<128x128xf32, #tpu.memory_space<vmem>>) dst(%dma_wait3A_93 : memref<128x128xf32, #tpu.memory_space<vmem_shared>>)
      tpu.yield
    }) : () -> ()
    %mul3A_17 = arith.constant 640 : i32
    %mul3A_18 = arith.muli %arg1, %mul3A_17 : i32
    %add3A_19 = arith.constant 384 : i32
    %add3A_20 = arith.addi %mul3A_18, %add3A_19 : i32
    "tpu.region"() ({
      %run_scoped3A = tpu.sem_alloc : memref<!tpu.dma_semaphore, #tpu.memory_space<semaphore_mem>>
      %dma_start3A_86 = arith.constant 0 : i32
      %dma_start3A_87 = tpu.memref_slice %arg10[%add3A_20, %dma_start3A_86] : memref<10240x128xf32, #tpu.memory_space<vmem_shared>> -> memref<128x128xf32, #tpu.memory_space<vmem_shared>>
      %dma_start3A_88 = arith.constant 0 : i32
      %dma_start3A_89 = tpu.memref_slice %arg10[%add3A_20, %dma_start3A_88] : memref<10240x128xf32, #tpu.memory_space<vmem_shared>> -> memref<128x128xf32, #tpu.memory_space<vmem_shared>>
      tpu.enqueue_dma source(%arg8 : memref<128x128xf32, #tpu.memory_space<vmem>>) target(%dma_start3A_89 : memref<128x128xf32, #tpu.memory_space<vmem_shared>>) target_semaphore(%run_scoped3A : memref<!tpu.dma_semaphore, #tpu.memory_space<semaphore_mem>>)
      %dma_wait3A_90 = arith.constant 0 : i32
      %dma_wait3A_91 = tpu.memref_slice %arg10[%add3A_20, %dma_wait3A_90] : memref<10240x128xf32, #tpu.memory_space<vmem_shared>> -> memref<128x128xf32, #tpu.memory_space<vmem_shared>>
      %dma_wait3A_92 = arith.constant 0 : i32
      %dma_wait3A_93 = tpu.memref_slice %arg10[%add3A_20, %dma_wait3A_92] : memref<10240x128xf32, #tpu.memory_space<vmem_shared>> -> memref<128x128xf32, #tpu.memory_space<vmem_shared>>
      tpu.wait_dma2 semaphore(%run_scoped3A : memref<!tpu.dma_semaphore, #tpu.memory_space<semaphore_mem>>) src(%arg8 : memref<128x128xf32, #tpu.memory_space<vmem>>) dst(%dma_wait3A_93 : memref<128x128xf32, #tpu.memory_space<vmem_shared>>)
      tpu.yield
    }) : () -> ()
    %mul3A_21 = arith.constant 640 : i32
    %mul3A_22 = arith.muli %arg1, %mul3A_21 : i32
    %add3A_23 = arith.constant 512 : i32
    %add3A_24 = arith.addi %mul3A_22, %add3A_23 : i32
    "tpu.region"() ({
      %run_scoped3A = tpu.sem_alloc : memref<!tpu.dma_semaphore, #tpu.memory_space<semaphore_mem>>
      %dma_start3A_86 = arith.constant 0 : i32
      %dma_start3A_87 = tpu.memref_slice %arg10[%add3A_24, %dma_start3A_86] : memref<10240x128xf32, #tpu.memory_space<vmem_shared>> -> memref<128x128xf32, #tpu.memory_space<vmem_shared>>
      %dma_start3A_88 = arith.constant 0 : i32
      %dma_start3A_89 = tpu.memref_slice %arg10[%add3A_24, %dma_start3A_88] : memref<10240x128xf32, #tpu.memory_space<vmem_shared>> -> memref<128x128xf32, #tpu.memory_space<vmem_shared>>
      tpu.enqueue_dma source(%arg8 : memref<128x128xf32, #tpu.memory_space<vmem>>) target(%dma_start3A_89 : memref<128x128xf32, #tpu.memory_space<vmem_shared>>) target_semaphore(%run_scoped3A : memref<!tpu.dma_semaphore, #tpu.memory_space<semaphore_mem>>)
      %dma_wait3A_90 = arith.constant 0 : i32
      %dma_wait3A_91 = tpu.memref_slice %arg10[%add3A_24, %dma_wait3A_90] : memref<10240x128xf32, #tpu.memory_space<vmem_shared>> -> memref<128x128xf32, #tpu.memory_space<vmem_shared>>
      %dma_wait3A_92 = arith.constant 0 : i32
      %dma_wait3A_93 = tpu.memref_slice %arg10[%add3A_24, %dma_wait3A_92] : memref<10240x128xf32, #tpu.memory_space<vmem_shared>> -> memref<128x128xf32, #tpu.memory_space<vmem_shared>>
      tpu.wait_dma2 semaphore(%run_scoped3A : memref<!tpu.dma_semaphore, #tpu.memory_space<semaphore_mem>>) src(%arg8 : memref<128x128xf32, #tpu.memory_space<vmem>>) dst(%dma_wait3A_93 : memref<128x128xf32, #tpu.memory_space<vmem_shared>>)
      tpu.yield
    }) : () -> ()
    %barrier3A = arith.constant 0 : index
    tpu.barrier barrier_id(%barrier3A)
    %mul3A_25 = arith.constant 80 : i32
    %mul3A_26 = arith.muli %arg1, %mul3A_25 : i32
    %add3A_27 = arith.constant 0 : i32
    %add3A_28 = arith.addi %mul3A_26, %add3A_27 : i32
    "tpu.region"() ({
      %run_scoped3A = tpu.sem_alloc : memref<!tpu.dma_semaphore, #tpu.memory_space<semaphore_mem>>
      %dma_start3A_86 = arith.constant 0 : i32
      %dma_start3A_87 = tpu.memref_slice %arg3[%add3A_28, %dma_start3A_86] : memref<1280x128xi32, #tpu.memory_space<hbm>> -> memref<40x128xi32, #tpu.memory_space<hbm>>
      %dma_start3A_88 = arith.constant 0 : i32
      %dma_start3A_89 = tpu.memref_slice %arg3[%add3A_28, %dma_start3A_88] : memref<1280x128xi32, #tpu.memory_space<hbm>> -> memref<40x128xi32, #tpu.memory_space<hbm>>
      tpu.enqueue_dma source(%dma_start3A_89 : memref<40x128xi32, #tpu.memory_space<hbm>>) target(%arg6 : memref<40x128xi32, #tpu.memory_space<vmem>>) target_semaphore(%run_scoped3A : memref<!tpu.dma_semaphore, #tpu.memory_space<semaphore_mem>>)
      %dma_wait3A_90 = arith.constant 0 : i32
      %dma_wait3A_91 = tpu.memref_slice %arg3[%add3A_28, %dma_wait3A_90] : memref<1280x128xi32, #tpu.memory_space<hbm>> -> memref<40x128xi32, #tpu.memory_space<hbm>>
      %dma_wait3A_92 = arith.constant 0 : i32
      %dma_wait3A_93 = tpu.memref_slice %arg3[%add3A_28, %dma_wait3A_92] : memref<1280x128xi32, #tpu.memory_space<hbm>> -> memref<40x128xi32, #tpu.memory_space<hbm>>
      tpu.wait_dma2 semaphore(%run_scoped3A : memref<!tpu.dma_semaphore, #tpu.memory_space<semaphore_mem>>) src(%dma_wait3A_93 : memref<40x128xi32, #tpu.memory_space<hbm>>) dst(%arg6 : memref<40x128xi32, #tpu.memory_space<vmem>>)
      tpu.yield
    }) : () -> ()
    "tpu.region"() ({
      %run_scoped3A = tpu.sem_alloc : memref<!tpu.dma_semaphore, #tpu.memory_space<semaphore_mem>>
      %dma_start3A_86 = arith.constant 0 : i32
      %dma_start3A_87 = tpu.memref_slice %arg4[%add3A_28, %dma_start3A_86] : memref<1280x128xi32, #tpu.memory_space<hbm>> -> memref<40x128xi32, #tpu.memory_space<hbm>>
      %dma_start3A_88 = arith.constant 0 : i32
      %dma_start3A_89 = tpu.memref_slice %arg4[%add3A_28, %dma_start3A_88] : memref<1280x128xi32, #tpu.memory_space<hbm>> -> memref<40x128xi32, #tpu.memory_space<hbm>>
      tpu.enqueue_dma source(%dma_start3A_89 : memref<40x128xi32, #tpu.memory_space<hbm>>) target(%arg7 : memref<40x128xi32, #tpu.memory_space<vmem>>) target_semaphore(%run_scoped3A : memref<!tpu.dma_semaphore, #tpu.memory_space<semaphore_mem>>)
      %dma_wait3A_90 = arith.constant 0 : i32
      %dma_wait3A_91 = tpu.memref_slice %arg4[%add3A_28, %dma_wait3A_90] : memref<1280x128xi32, #tpu.memory_space<hbm>> -> memref<40x128xi32, #tpu.memory_space<hbm>>
      %dma_wait3A_92 = arith.constant 0 : i32
      %dma_wait3A_93 = tpu.memref_slice %arg4[%add3A_28, %dma_wait3A_92] : memref<1280x128xi32, #tpu.memory_space<hbm>> -> memref<40x128xi32, #tpu.memory_space<hbm>>
      tpu.wait_dma2 semaphore(%run_scoped3A : memref<!tpu.dma_semaphore, #tpu.memory_space<semaphore_mem>>) src(%dma_wait3A_93 : memref<40x128xi32, #tpu.memory_space<hbm>>) dst(%arg7 : memref<40x128xi32, #tpu.memory_space<vmem>>)
      tpu.yield
    }) : () -> ()
    %dma_start3A = arith.constant 0 : i32
    %dma_start3A_29 = arith.constant 0 : i32
    %dma_start3A_30 = tpu.memref_slice %arg6[%dma_start3A, %dma_start3A_29] : memref<40x128xi32, #tpu.memory_space<vmem>> -> memref<1x128xi32, #tpu.memory_space<vmem>>
    %dma_start3A_31 = tpu.memref_squeeze %dma_start3A_30 : memref<1x128xi32, #tpu.memory_space<vmem>> -> memref<128xi32, #tpu.memory_space<vmem>>
    %dma_start3A_32 = arith.constant 0 : i32
    %dma_start3A_33 = arith.constant 0 : i32
    %dma_start3A_34 = tpu.memref_slice %arg2[%arg0, %dma_start3A_32, %dma_start3A_33] : memref<2x10000x128xf32, #tpu.memory_space<hbm>> -> memref<1x10000x128xf32, #tpu.memory_space<hbm>>
    %dma_start3A_35 = tpu.memref_squeeze %dma_start3A_34 : memref<1x10000x128xf32, #tpu.memory_space<hbm>> -> memref<10000x128xf32, #tpu.memory_space<hbm>>
    %dma_start3A_36 = arith.constant 0 : i32
    %dma_start3A_37 = arith.constant 0 : i32
    %dma_start3A_38 = tpu.memref_slice %dma_start3A_35[%dma_start3A_36, %dma_start3A_37] : memref<10000x128xf32, #tpu.memory_space<hbm>> -> memref<10000x128xf32, #tpu.memory_space<hbm>>
    tpu.enqueue_indirect_dma source(%dma_start3A_38 : memref<10000x128xf32, #tpu.memory_space<hbm>>) target(%arg8 : memref<128x128xf32, #tpu.memory_space<vmem>>) offsets(%dma_start3A_31 : memref<128xi32, #tpu.memory_space<vmem>>) semaphore(%arg11 : memref<!tpu.dma_semaphore, #tpu.memory_space<semaphore_mem>>)
    %scan3A_39 = arith.constant 0 : i32
    %scan3A_40 = arith.constant 0 : i32
    %scan3A_41 = arith.constant 20 : i32
    %scan3A_42 = arith.addi %scan3A_40, %scan3A_41 : i32
    %scan3A_43 = arith.constant 1 : i32
    %scan3A_44 = scf.for %scan3A_86 = %scan3A_40 to %scan3A_42 step %scan3A_43 iter_args(%scan3A_87 = %scan3A_39) -> (i32)  : i32 {
      %mul3A_88 = arith.constant 2 : i32
      %mul3A_89 = arith.muli %scan3A_86, %mul3A_88 : i32
      %add3A_90 = arith.constant 0 : i32
      %add3A_91 = arith.addi %mul3A_89, %add3A_90 : i32
      %dma_wait3A_92 = arith.constant 0 : i32
      %dma_wait3A_93 = tpu.memref_slice %arg6[%add3A_91, %dma_wait3A_92] : memref<40x128xi32, #tpu.memory_space<vmem>> -> memref<1x128xi32, #tpu.memory_space<vmem>>
      %dma_wait3A_94 = tpu.memref_squeeze %dma_wait3A_93 : memref<1x128xi32, #tpu.memory_space<vmem>> -> memref<128xi32, #tpu.memory_space<vmem>>
      %dma_wait3A_95 = arith.constant 0 : i32
      %dma_wait3A_96 = arith.constant 0 : i32
      %dma_wait3A_97 = tpu.memref_slice %arg2[%arg0, %dma_wait3A_95, %dma_wait3A_96] : memref<2x10000x128xf32, #tpu.memory_space<hbm>> -> memref<1x10000x128xf32, #tpu.memory_space<hbm>>
      %dma_wait3A_98 = tpu.memref_squeeze %dma_wait3A_97 : memref<1x10000x128xf32, #tpu.memory_space<hbm>> -> memref<10000x128xf32, #tpu.memory_space<hbm>>
      %dma_wait3A_99 = arith.constant 0 : i32
      %dma_wait3A_100 = arith.constant 0 : i32
      %dma_wait3A_101 = tpu.memref_slice %dma_wait3A_98[%dma_wait3A_99, %dma_wait3A_100] : memref<10000x128xf32, #tpu.memory_space<hbm>> -> memref<10000x128xf32, #tpu.memory_space<hbm>>
      tpu.wait_indirect_dma semaphore(%arg11 : memref<!tpu.dma_semaphore, #tpu.memory_space<semaphore_mem>>) src(%dma_wait3A_101 : memref<10000x128xf32, #tpu.memory_space<hbm>>) dst(%arg8 : memref<128x128xf32, #tpu.memory_space<vmem>>)
      %dma_start3A_102 = arith.constant 0 : i32
      %dma_start3A_103 = tpu.memref_slice %arg7[%add3A_91, %dma_start3A_102] : memref<40x128xi32, #tpu.memory_space<vmem>> -> memref<1x128xi32, #tpu.memory_space<vmem>>
      %dma_start3A_104 = tpu.memref_squeeze %dma_start3A_103 : memref<1x128xi32, #tpu.memory_space<vmem>> -> memref<128xi32, #tpu.memory_space<vmem>>
      %dma_start3A_105 = arith.constant 0 : i32
      %dma_start3A_106 = arith.constant 0 : i32
      %dma_start3A_107 = tpu.memref_slice %arg10[%dma_start3A_105, %dma_start3A_106] : memref<10240x128xf32, #tpu.memory_space<vmem_shared>> -> memref<10240x128xf32, #tpu.memory_space<vmem_shared>>
      tpu.enqueue_indirect_dma source(%arg8 : memref<128x128xf32, #tpu.memory_space<vmem>>) target(%dma_start3A_107 : memref<10240x128xf32, #tpu.memory_space<vmem_shared>>) offsets(%dma_start3A_104 : memref<128xi32, #tpu.memory_space<vmem>>) semaphore(%arg13 : memref<!tpu.dma_semaphore, #tpu.memory_space<semaphore_mem>>) {add = true}
      %ge3A = arith.constant 1 : i32
      %ge3A_108 = arith.cmpi sge, %add3A_91, %ge3A : i32
      %convert_element_type3A = arith.extui %ge3A_108 : i1 to i32
      %cond3A = arith.constant 0 : i32
      %cond3A_109 = arith.cmpi ne, %convert_element_type3A, %cond3A : i32
      scf.if %cond3A_109 {
        %sub3A = arith.constant 1 : i32
        %sub3A_149 = arith.subi %add3A_91, %sub3A : i32
        %dma_wait3A_150 = arith.constant 0 : i32
        %dma_wait3A_151 = tpu.memref_slice %arg7[%sub3A_149, %dma_wait3A_150] : memref<40x128xi32, #tpu.memory_space<vmem>> -> memref<1x128xi32, #tpu.memory_space<vmem>>
        %dma_wait3A_152 = tpu.memref_squeeze %dma_wait3A_151 : memref<1x128xi32, #tpu.memory_space<vmem>> -> memref<128xi32, #tpu.memory_space<vmem>>
        %dma_wait3A_153 = arith.constant 0 : i32
        %dma_wait3A_154 = arith.constant 0 : i32
        %dma_wait3A_155 = tpu.memref_slice %arg10[%dma_wait3A_153, %dma_wait3A_154] : memref<10240x128xf32, #tpu.memory_space<vmem_shared>> -> memref<10240x128xf32, #tpu.memory_space<vmem_shared>>
        tpu.wait_indirect_dma semaphore(%arg14 : memref<!tpu.dma_semaphore, #tpu.memory_space<semaphore_mem>>) src(%arg9 : memref<128x128xf32, #tpu.memory_space<vmem>>) dst(%dma_wait3A_155 : memref<10240x128xf32, #tpu.memory_space<vmem_shared>>)
      } else {
      }
      %add3A_110 = arith.constant 1 : i32
      %add3A_111 = arith.addi %add3A_91, %add3A_110 : i32
      %lt3A = arith.constant 40 : i32
      %lt3A_112 = arith.cmpi slt, %add3A_111, %lt3A : i32
      %convert_element_type3A_113 = arith.extui %lt3A_112 : i1 to i32
      %cond3A_114 = arith.constant 0 : i32
      %cond3A_115 = arith.cmpi ne, %convert_element_type3A_113, %cond3A_114 : i32
      scf.if %cond3A_115 {
        %add3A_149 = arith.constant 1 : i32
        %add3A_150 = arith.addi %add3A_91, %add3A_149 : i32
        %dma_start3A_151 = arith.constant 0 : i32
        %dma_start3A_152 = tpu.memref_slice %arg6[%add3A_150, %dma_start3A_151] : memref<40x128xi32, #tpu.memory_space<vmem>> -> memref<1x128xi32, #tpu.memory_space<vmem>>
        %dma_start3A_153 = tpu.memref_squeeze %dma_start3A_152 : memref<1x128xi32, #tpu.memory_space<vmem>> -> memref<128xi32, #tpu.memory_space<vmem>>
        %dma_start3A_154 = arith.constant 0 : i32
        %dma_start3A_155 = arith.constant 0 : i32
        %dma_start3A_156 = tpu.memref_slice %arg2[%arg0, %dma_start3A_154, %dma_start3A_155] : memref<2x10000x128xf32, #tpu.memory_space<hbm>> -> memref<1x10000x128xf32, #tpu.memory_space<hbm>>
        %dma_start3A_157 = tpu.memref_squeeze %dma_start3A_156 : memref<1x10000x128xf32, #tpu.memory_space<hbm>> -> memref<10000x128xf32, #tpu.memory_space<hbm>>
        %dma_start3A_158 = arith.constant 0 : i32
        %dma_start3A_159 = arith.constant 0 : i32
        %dma_start3A_160 = tpu.memref_slice %dma_start3A_157[%dma_start3A_158, %dma_start3A_159] : memref<10000x128xf32, #tpu.memory_space<hbm>> -> memref<10000x128xf32, #tpu.memory_space<hbm>>
        tpu.enqueue_indirect_dma source(%dma_start3A_160 : memref<10000x128xf32, #tpu.memory_space<hbm>>) target(%arg9 : memref<128x128xf32, #tpu.memory_space<vmem>>) offsets(%dma_start3A_153 : memref<128xi32, #tpu.memory_space<vmem>>) semaphore(%arg12 : memref<!tpu.dma_semaphore, #tpu.memory_space<semaphore_mem>>)
      } else {
      }
      %mul3A_116 = arith.constant 2 : i32
      %mul3A_117 = arith.muli %scan3A_86, %mul3A_116 : i32
      %add3A_118 = arith.constant 1 : i32
      %add3A_119 = arith.addi %mul3A_117, %add3A_118 : i32
      %dma_wait3A_120 = arith.constant 0 : i32
      %dma_wait3A_121 = tpu.memref_slice %arg6[%add3A_119, %dma_wait3A_120] : memref<40x128xi32, #tpu.memory_space<vmem>> -> memref<1x128xi32, #tpu.memory_space<vmem>>
      %dma_wait3A_122 = tpu.memref_squeeze %dma_wait3A_121 : memref<1x128xi32, #tpu.memory_space<vmem>> -> memref<128xi32, #tpu.memory_space<vmem>>
      %dma_wait3A_123 = arith.constant 0 : i32
      %dma_wait3A_124 = arith.constant 0 : i32
      %dma_wait3A_125 = tpu.memref_slice %arg2[%arg0, %dma_wait3A_123, %dma_wait3A_124] : memref<2x10000x128xf32, #tpu.memory_space<hbm>> -> memref<1x10000x128xf32, #tpu.memory_space<hbm>>
      %dma_wait3A_126 = tpu.memref_squeeze %dma_wait3A_125 : memref<1x10000x128xf32, #tpu.memory_space<hbm>> -> memref<10000x128xf32, #tpu.memory_space<hbm>>
      %dma_wait3A_127 = arith.constant 0 : i32
      %dma_wait3A_128 = arith.constant 0 : i32
      %dma_wait3A_129 = tpu.memref_slice %dma_wait3A_126[%dma_wait3A_127, %dma_wait3A_128] : memref<10000x128xf32, #tpu.memory_space<hbm>> -> memref<10000x128xf32, #tpu.memory_space<hbm>>
      tpu.wait_indirect_dma semaphore(%arg12 : memref<!tpu.dma_semaphore, #tpu.memory_space<semaphore_mem>>) src(%dma_wait3A_129 : memref<10000x128xf32, #tpu.memory_space<hbm>>) dst(%arg9 : memref<128x128xf32, #tpu.memory_space<vmem>>)
      %dma_start3A_130 = arith.constant 0 : i32
      %dma_start3A_131 = tpu.memref_slice %arg7[%add3A_119, %dma_start3A_130] : memref<40x128xi32, #tpu.memory_space<vmem>> -> memref<1x128xi32, #tpu.memory_space<vmem>>
      %dma_start3A_132 = tpu.memref_squeeze %dma_start3A_131 : memref<1x128xi32, #tpu.memory_space<vmem>> -> memref<128xi32, #tpu.memory_space<vmem>>
      %dma_start3A_133 = arith.constant 0 : i32
      %dma_start3A_134 = arith.constant 0 : i32
      %dma_start3A_135 = tpu.memref_slice %arg10[%dma_start3A_133, %dma_start3A_134] : memref<10240x128xf32, #tpu.memory_space<vmem_shared>> -> memref<10240x128xf32, #tpu.memory_space<vmem_shared>>
      tpu.enqueue_indirect_dma source(%arg9 : memref<128x128xf32, #tpu.memory_space<vmem>>) target(%dma_start3A_135 : memref<10240x128xf32, #tpu.memory_space<vmem_shared>>) offsets(%dma_start3A_132 : memref<128xi32, #tpu.memory_space<vmem>>) semaphore(%arg14 : memref<!tpu.dma_semaphore, #tpu.memory_space<semaphore_mem>>) {add = true}
      %ge3A_136 = arith.constant 1 : i32
      %ge3A_137 = arith.cmpi sge, %add3A_119, %ge3A_136 : i32
      %convert_element_type3A_138 = arith.extui %ge3A_137 : i1 to i32
      %cond3A_139 = arith.constant 0 : i32
      %cond3A_140 = arith.cmpi ne, %convert_element_type3A_138, %cond3A_139 : i32
      scf.if %cond3A_140 {
        %sub3A = arith.constant 1 : i32
        %sub3A_149 = arith.subi %add3A_119, %sub3A : i32
        %dma_wait3A_150 = arith.constant 0 : i32
        %dma_wait3A_151 = tpu.memref_slice %arg7[%sub3A_149, %dma_wait3A_150] : memref<40x128xi32, #tpu.memory_space<vmem>> -> memref<1x128xi32, #tpu.memory_space<vmem>>
        %dma_wait3A_152 = tpu.memref_squeeze %dma_wait3A_151 : memref<1x128xi32, #tpu.memory_space<vmem>> -> memref<128xi32, #tpu.memory_space<vmem>>
        %dma_wait3A_153 = arith.constant 0 : i32
        %dma_wait3A_154 = arith.constant 0 : i32
        %dma_wait3A_155 = tpu.memref_slice %arg10[%dma_wait3A_153, %dma_wait3A_154] : memref<10240x128xf32, #tpu.memory_space<vmem_shared>> -> memref<10240x128xf32, #tpu.memory_space<vmem_shared>>
        tpu.wait_indirect_dma semaphore(%arg13 : memref<!tpu.dma_semaphore, #tpu.memory_space<semaphore_mem>>) src(%arg8 : memref<128x128xf32, #tpu.memory_space<vmem>>) dst(%dma_wait3A_155 : memref<10240x128xf32, #tpu.memory_space<vmem_shared>>)
      } else {
      }
      %add3A_141 = arith.constant 1 : i32
      %add3A_142 = arith.addi %add3A_119, %add3A_141 : i32
      %lt3A_143 = arith.constant 40 : i32
      %lt3A_144 = arith.cmpi slt, %add3A_142, %lt3A_143 : i32
      %convert_element_type3A_145 = arith.extui %lt3A_144 : i1 to i32
      %cond3A_146 = arith.constant 0 : i32
      %cond3A_147 = arith.cmpi ne, %convert_element_type3A_145, %cond3A_146 : i32
      scf.if %cond3A_147 {
        %add3A_149 = arith.constant 1 : i32
        %add3A_150 = arith.addi %add3A_119, %add3A_149 : i32
        %dma_start3A_151 = arith.constant 0 : i32
        %dma_start3A_152 = tpu.memref_slice %arg6[%add3A_150, %dma_start3A_151] : memref<40x128xi32, #tpu.memory_space<vmem>> -> memref<1x128xi32, #tpu.memory_space<vmem>>
        %dma_start3A_153 = tpu.memref_squeeze %dma_start3A_152 : memref<1x128xi32, #tpu.memory_space<vmem>> -> memref<128xi32, #tpu.memory_space<vmem>>
        %dma_start3A_154 = arith.constant 0 : i32
        %dma_start3A_155 = arith.constant 0 : i32
        %dma_start3A_156 = tpu.memref_slice %arg2[%arg0, %dma_start3A_154, %dma_start3A_155] : memref<2x10000x128xf32, #tpu.memory_space<hbm>> -> memref<1x10000x128xf32, #tpu.memory_space<hbm>>
        %dma_start3A_157 = tpu.memref_squeeze %dma_start3A_156 : memref<1x10000x128xf32, #tpu.memory_space<hbm>> -> memref<10000x128xf32, #tpu.memory_space<hbm>>
        %dma_start3A_158 = arith.constant 0 : i32
        %dma_start3A_159 = arith.constant 0 : i32
        %dma_start3A_160 = tpu.memref_slice %dma_start3A_157[%dma_start3A_158, %dma_start3A_159] : memref<10000x128xf32, #tpu.memory_space<hbm>> -> memref<10000x128xf32, #tpu.memory_space<hbm>>
        tpu.enqueue_indirect_dma source(%dma_start3A_160 : memref<10000x128xf32, #tpu.memory_space<hbm>>) target(%arg8 : memref<128x128xf32, #tpu.memory_space<vmem>>) offsets(%dma_start3A_153 : memref<128xi32, #tpu.memory_space<vmem>>) semaphore(%arg11 : memref<!tpu.dma_semaphore, #tpu.memory_space<semaphore_mem>>)
      } else {
      }
      %scan3A_148 = arith.constant 0 : i32
      scf.yield %scan3A_148 : i32
    }
    %scan3A_45 = arith.constant 20 : i32
    %dma_wait3A = arith.constant 39 : i32
    %dma_wait3A_46 = arith.constant 0 : i32
    %dma_wait3A_47 = tpu.memref_slice %arg7[%dma_wait3A, %dma_wait3A_46] : memref<40x128xi32, #tpu.memory_space<vmem>> -> memref<1x128xi32, #tpu.memory_space<vmem>>
    %dma_wait3A_48 = tpu.memref_squeeze %dma_wait3A_47 : memref<1x128xi32, #tpu.memory_space<vmem>> -> memref<128xi32, #tpu.memory_space<vmem>>
    %dma_wait3A_49 = arith.constant 0 : i32
    %dma_wait3A_50 = arith.constant 0 : i32
    %dma_wait3A_51 = tpu.memref_slice %arg10[%dma_wait3A_49, %dma_wait3A_50] : memref<10240x128xf32, #tpu.memory_space<vmem_shared>> -> memref<10240x128xf32, #tpu.memory_space<vmem_shared>>
    tpu.wait_indirect_dma semaphore(%arg14 : memref<!tpu.dma_semaphore, #tpu.memory_space<semaphore_mem>>) src(%arg9 : memref<128x128xf32, #tpu.memory_space<vmem>>) dst(%dma_wait3A_51 : memref<10240x128xf32, #tpu.memory_space<vmem_shared>>)
    %mul3A_52 = arith.constant 80 : i32
    %mul3A_53 = arith.muli %arg1, %mul3A_52 : i32
    %add3A_54 = arith.constant 40 : i32
    %add3A_55 = arith.addi %mul3A_53, %add3A_54 : i32
    "tpu.region"() ({
      %run_scoped3A = tpu.sem_alloc : memref<!tpu.dma_semaphore, #tpu.memory_space<semaphore_mem>>
      %dma_start3A_86 = arith.constant 0 : i32
      %dma_start3A_87 = tpu.memref_slice %arg3[%add3A_55, %dma_start3A_86] : memref<1280x128xi32, #tpu.memory_space<hbm>> -> memref<40x128xi32, #tpu.memory_space<hbm>>
      %dma_start3A_88 = arith.constant 0 : i32
      %dma_start3A_89 = tpu.memref_slice %arg3[%add3A_55, %dma_start3A_88] : memref<1280x128xi32, #tpu.memory_space<hbm>> -> memref<40x128xi32, #tpu.memory_space<hbm>>
      tpu.enqueue_dma source(%dma_start3A_89 : memref<40x128xi32, #tpu.memory_space<hbm>>) target(%arg6 : memref<40x128xi32, #tpu.memory_space<vmem>>) target_semaphore(%run_scoped3A : memref<!tpu.dma_semaphore, #tpu.memory_space<semaphore_mem>>)
      %dma_wait3A_90 = arith.constant 0 : i32
      %dma_wait3A_91 = tpu.memref_slice %arg3[%add3A_55, %dma_wait3A_90] : memref<1280x128xi32, #tpu.memory_space<hbm>> -> memref<40x128xi32, #tpu.memory_space<hbm>>
      %dma_wait3A_92 = arith.constant 0 : i32
      %dma_wait3A_93 = tpu.memref_slice %arg3[%add3A_55, %dma_wait3A_92] : memref<1280x128xi32, #tpu.memory_space<hbm>> -> memref<40x128xi32, #tpu.memory_space<hbm>>
      tpu.wait_dma2 semaphore(%run_scoped3A : memref<!tpu.dma_semaphore, #tpu.memory_space<semaphore_mem>>) src(%dma_wait3A_93 : memref<40x128xi32, #tpu.memory_space<hbm>>) dst(%arg6 : memref<40x128xi32, #tpu.memory_space<vmem>>)
      tpu.yield
    }) : () -> ()
    "tpu.region"() ({
      %run_scoped3A = tpu.sem_alloc : memref<!tpu.dma_semaphore, #tpu.memory_space<semaphore_mem>>
      %dma_start3A_86 = arith.constant 0 : i32
      %dma_start3A_87 = tpu.memref_slice %arg4[%add3A_55, %dma_start3A_86] : memref<1280x128xi32, #tpu.memory_space<hbm>> -> memref<40x128xi32, #tpu.memory_space<hbm>>
      %dma_start3A_88 = arith.constant 0 : i32
      %dma_start3A_89 = tpu.memref_slice %arg4[%add3A_55, %dma_start3A_88] : memref<1280x128xi32, #tpu.memory_space<hbm>> -> memref<40x128xi32, #tpu.memory_space<hbm>>
      tpu.enqueue_dma source(%dma_start3A_89 : memref<40x128xi32, #tpu.memory_space<hbm>>) target(%arg7 : memref<40x128xi32, #tpu.memory_space<vmem>>) target_semaphore(%run_scoped3A : memref<!tpu.dma_semaphore, #tpu.memory_space<semaphore_mem>>)
      %dma_wait3A_90 = arith.constant 0 : i32
      %dma_wait3A_91 = tpu.memref_slice %arg4[%add3A_55, %dma_wait3A_90] : memref<1280x128xi32, #tpu.memory_space<hbm>> -> memref<40x128xi32, #tpu.memory_space<hbm>>
      %dma_wait3A_92 = arith.constant 0 : i32
      %dma_wait3A_93 = tpu.memref_slice %arg4[%add3A_55, %dma_wait3A_92] : memref<1280x128xi32, #tpu.memory_space<hbm>> -> memref<40x128xi32, #tpu.memory_space<hbm>>
      tpu.wait_dma2 semaphore(%run_scoped3A : memref<!tpu.dma_semaphore, #tpu.memory_space<semaphore_mem>>) src(%dma_wait3A_93 : memref<40x128xi32, #tpu.memory_space<hbm>>) dst(%arg7 : memref<40x128xi32, #tpu.memory_space<vmem>>)
      tpu.yield
    }) : () -> ()
    %dma_start3A_56 = arith.constant 0 : i32
    %dma_start3A_57 = arith.constant 0 : i32
    %dma_start3A_58 = tpu.memref_slice %arg6[%dma_start3A_56, %dma_start3A_57] : memref<40x128xi32, #tpu.memory_space<vmem>> -> memref<1x128xi32, #tpu.memory_space<vmem>>
    %dma_start3A_59 = tpu.memref_squeeze %dma_start3A_58 : memref<1x128xi32, #tpu.memory_space<vmem>> -> memref<128xi32, #tpu.memory_space<vmem>>
    %dma_start3A_60 = arith.constant 0 : i32
    %dma_start3A_61 = arith.constant 0 : i32
    %dma_start3A_62 = tpu.memref_slice %arg2[%arg0, %dma_start3A_60, %dma_start3A_61] : memref<2x10000x128xf32, #tpu.memory_space<hbm>> -> memref<1x10000x128xf32, #tpu.memory_space<hbm>>
    %dma_start3A_63 = tpu.memref_squeeze %dma_start3A_62 : memref<1x10000x128xf32, #tpu.memory_space<hbm>> -> memref<10000x128xf32, #tpu.memory_space<hbm>>
    %dma_start3A_64 = arith.constant 0 : i32
    %dma_start3A_65 = arith.constant 0 : i32
    %dma_start3A_66 = tpu.memref_slice %dma_start3A_63[%dma_start3A_64, %dma_start3A_65] : memref<10000x128xf32, #tpu.memory_space<hbm>> -> memref<10000x128xf32, #tpu.memory_space<hbm>>
    tpu.enqueue_indirect_dma source(%dma_start3A_66 : memref<10000x128xf32, #tpu.memory_space<hbm>>) target(%arg8 : memref<128x128xf32, #tpu.memory_space<vmem>>) offsets(%dma_start3A_59 : memref<128xi32, #tpu.memory_space<vmem>>) semaphore(%arg11 : memref<!tpu.dma_semaphore, #tpu.memory_space<semaphore_mem>>)
    %scan3A_67 = arith.constant 0 : i32
    %scan3A_68 = arith.constant 0 : i32
    %scan3A_69 = arith.constant 20 : i32
    %scan3A_70 = arith.addi %scan3A_68, %scan3A_69 : i32
    %scan3A_71 = arith.constant 1 : i32
    %scan3A_72 = scf.for %scan3A_86 = %scan3A_68 to %scan3A_70 step %scan3A_71 iter_args(%scan3A_87 = %scan3A_67) -> (i32)  : i32 {
      %mul3A_88 = arith.constant 2 : i32
      %mul3A_89 = arith.muli %scan3A_86, %mul3A_88 : i32
      %add3A_90 = arith.constant 0 : i32
      %add3A_91 = arith.addi %mul3A_89, %add3A_90 : i32
      %dma_wait3A_92 = arith.constant 0 : i32
      %dma_wait3A_93 = tpu.memref_slice %arg6[%add3A_91, %dma_wait3A_92] : memref<40x128xi32, #tpu.memory_space<vmem>> -> memref<1x128xi32, #tpu.memory_space<vmem>>
      %dma_wait3A_94 = tpu.memref_squeeze %dma_wait3A_93 : memref<1x128xi32, #tpu.memory_space<vmem>> -> memref<128xi32, #tpu.memory_space<vmem>>
      %dma_wait3A_95 = arith.constant 0 : i32
      %dma_wait3A_96 = arith.constant 0 : i32
      %dma_wait3A_97 = tpu.memref_slice %arg2[%arg0, %dma_wait3A_95, %dma_wait3A_96] : memref<2x10000x128xf32, #tpu.memory_space<hbm>> -> memref<1x10000x128xf32, #tpu.memory_space<hbm>>
      %dma_wait3A_98 = tpu.memref_squeeze %dma_wait3A_97 : memref<1x10000x128xf32, #tpu.memory_space<hbm>> -> memref<10000x128xf32, #tpu.memory_space<hbm>>
      %dma_wait3A_99 = arith.constant 0 : i32
      %dma_wait3A_100 = arith.constant 0 : i32
      %dma_wait3A_101 = tpu.memref_slice %dma_wait3A_98[%dma_wait3A_99, %dma_wait3A_100] : memref<10000x128xf32, #tpu.memory_space<hbm>> -> memref<10000x128xf32, #tpu.memory_space<hbm>>
      tpu.wait_indirect_dma semaphore(%arg11 : memref<!tpu.dma_semaphore, #tpu.memory_space<semaphore_mem>>) src(%dma_wait3A_101 : memref<10000x128xf32, #tpu.memory_space<hbm>>) dst(%arg8 : memref<128x128xf32, #tpu.memory_space<vmem>>)
      %dma_start3A_102 = arith.constant 0 : i32
      %dma_start3A_103 = tpu.memref_slice %arg7[%add3A_91, %dma_start3A_102] : memref<40x128xi32, #tpu.memory_space<vmem>> -> memref<1x128xi32, #tpu.memory_space<vmem>>
      %dma_start3A_104 = tpu.memref_squeeze %dma_start3A_103 : memref<1x128xi32, #tpu.memory_space<vmem>> -> memref<128xi32, #tpu.memory_space<vmem>>
      %dma_start3A_105 = arith.constant 0 : i32
      %dma_start3A_106 = arith.constant 0 : i32
      %dma_start3A_107 = tpu.memref_slice %arg10[%dma_start3A_105, %dma_start3A_106] : memref<10240x128xf32, #tpu.memory_space<vmem_shared>> -> memref<10240x128xf32, #tpu.memory_space<vmem_shared>>
      tpu.enqueue_indirect_dma source(%arg8 : memref<128x128xf32, #tpu.memory_space<vmem>>) target(%dma_start3A_107 : memref<10240x128xf32, #tpu.memory_space<vmem_shared>>) offsets(%dma_start3A_104 : memref<128xi32, #tpu.memory_space<vmem>>) semaphore(%arg13 : memref<!tpu.dma_semaphore, #tpu.memory_space<semaphore_mem>>) {add = true}
      %ge3A = arith.constant 1 : i32
      %ge3A_108 = arith.cmpi sge, %add3A_91, %ge3A : i32
      %convert_element_type3A = arith.extui %ge3A_108 : i1 to i32
      %cond3A = arith.constant 0 : i32
      %cond3A_109 = arith.cmpi ne, %convert_element_type3A, %cond3A : i32
      scf.if %cond3A_109 {
        %sub3A = arith.constant 1 : i32
        %sub3A_149 = arith.subi %add3A_91, %sub3A : i32
        %dma_wait3A_150 = arith.constant 0 : i32
        %dma_wait3A_151 = tpu.memref_slice %arg7[%sub3A_149, %dma_wait3A_150] : memref<40x128xi32, #tpu.memory_space<vmem>> -> memref<1x128xi32, #tpu.memory_space<vmem>>
        %dma_wait3A_152 = tpu.memref_squeeze %dma_wait3A_151 : memref<1x128xi32, #tpu.memory_space<vmem>> -> memref<128xi32, #tpu.memory_space<vmem>>
        %dma_wait3A_153 = arith.constant 0 : i32
        %dma_wait3A_154 = arith.constant 0 : i32
        %dma_wait3A_155 = tpu.memref_slice %arg10[%dma_wait3A_153, %dma_wait3A_154] : memref<10240x128xf32, #tpu.memory_space<vmem_shared>> -> memref<10240x128xf32, #tpu.memory_space<vmem_shared>>
        tpu.wait_indirect_dma semaphore(%arg14 : memref<!tpu.dma_semaphore, #tpu.memory_space<semaphore_mem>>) src(%arg9 : memref<128x128xf32, #tpu.memory_space<vmem>>) dst(%dma_wait3A_155 : memref<10240x128xf32, #tpu.memory_space<vmem_shared>>)
      } else {
      }
      %add3A_110 = arith.constant 1 : i32
      %add3A_111 = arith.addi %add3A_91, %add3A_110 : i32
      %lt3A = arith.constant 40 : i32
      %lt3A_112 = arith.cmpi slt, %add3A_111, %lt3A : i32
      %convert_element_type3A_113 = arith.extui %lt3A_112 : i1 to i32
      %cond3A_114 = arith.constant 0 : i32
      %cond3A_115 = arith.cmpi ne, %convert_element_type3A_113, %cond3A_114 : i32
      scf.if %cond3A_115 {
        %add3A_149 = arith.constant 1 : i32
        %add3A_150 = arith.addi %add3A_91, %add3A_149 : i32
        %dma_start3A_151 = arith.constant 0 : i32
        %dma_start3A_152 = tpu.memref_slice %arg6[%add3A_150, %dma_start3A_151] : memref<40x128xi32, #tpu.memory_space<vmem>> -> memref<1x128xi32, #tpu.memory_space<vmem>>
        %dma_start3A_153 = tpu.memref_squeeze %dma_start3A_152 : memref<1x128xi32, #tpu.memory_space<vmem>> -> memref<128xi32, #tpu.memory_space<vmem>>
        %dma_start3A_154 = arith.constant 0 : i32
        %dma_start3A_155 = arith.constant 0 : i32
        %dma_start3A_156 = tpu.memref_slice %arg2[%arg0, %dma_start3A_154, %dma_start3A_155] : memref<2x10000x128xf32, #tpu.memory_space<hbm>> -> memref<1x10000x128xf32, #tpu.memory_space<hbm>>
        %dma_start3A_157 = tpu.memref_squeeze %dma_start3A_156 : memref<1x10000x128xf32, #tpu.memory_space<hbm>> -> memref<10000x128xf32, #tpu.memory_space<hbm>>
        %dma_start3A_158 = arith.constant 0 : i32
        %dma_start3A_159 = arith.constant 0 : i32
        %dma_start3A_160 = tpu.memref_slice %dma_start3A_157[%dma_start3A_158, %dma_start3A_159] : memref<10000x128xf32, #tpu.memory_space<hbm>> -> memref<10000x128xf32, #tpu.memory_space<hbm>>
        tpu.enqueue_indirect_dma source(%dma_start3A_160 : memref<10000x128xf32, #tpu.memory_space<hbm>>) target(%arg9 : memref<128x128xf32, #tpu.memory_space<vmem>>) offsets(%dma_start3A_153 : memref<128xi32, #tpu.memory_space<vmem>>) semaphore(%arg12 : memref<!tpu.dma_semaphore, #tpu.memory_space<semaphore_mem>>)
      } else {
      }
      %mul3A_116 = arith.constant 2 : i32
      %mul3A_117 = arith.muli %scan3A_86, %mul3A_116 : i32
      %add3A_118 = arith.constant 1 : i32
      %add3A_119 = arith.addi %mul3A_117, %add3A_118 : i32
      %dma_wait3A_120 = arith.constant 0 : i32
      %dma_wait3A_121 = tpu.memref_slice %arg6[%add3A_119, %dma_wait3A_120] : memref<40x128xi32, #tpu.memory_space<vmem>> -> memref<1x128xi32, #tpu.memory_space<vmem>>
      %dma_wait3A_122 = tpu.memref_squeeze %dma_wait3A_121 : memref<1x128xi32, #tpu.memory_space<vmem>> -> memref<128xi32, #tpu.memory_space<vmem>>
      %dma_wait3A_123 = arith.constant 0 : i32
      %dma_wait3A_124 = arith.constant 0 : i32
      %dma_wait3A_125 = tpu.memref_slice %arg2[%arg0, %dma_wait3A_123, %dma_wait3A_124] : memref<2x10000x128xf32, #tpu.memory_space<hbm>> -> memref<1x10000x128xf32, #tpu.memory_space<hbm>>
      %dma_wait3A_126 = tpu.memref_squeeze %dma_wait3A_125 : memref<1x10000x128xf32, #tpu.memory_space<hbm>> -> memref<10000x128xf32, #tpu.memory_space<hbm>>
      %dma_wait3A_127 = arith.constant 0 : i32
      %dma_wait3A_128 = arith.constant 0 : i32
      %dma_wait3A_129 = tpu.memref_slice %dma_wait3A_126[%dma_wait3A_127, %dma_wait3A_128] : memref<10000x128xf32, #tpu.memory_space<hbm>> -> memref<10000x128xf32, #tpu.memory_space<hbm>>
      tpu.wait_indirect_dma semaphore(%arg12 : memref<!tpu.dma_semaphore, #tpu.memory_space<semaphore_mem>>) src(%dma_wait3A_129 : memref<10000x128xf32, #tpu.memory_space<hbm>>) dst(%arg9 : memref<128x128xf32, #tpu.memory_space<vmem>>)
      %dma_start3A_130 = arith.constant 0 : i32
      %dma_start3A_131 = tpu.memref_slice %arg7[%add3A_119, %dma_start3A_130] : memref<40x128xi32, #tpu.memory_space<vmem>> -> memref<1x128xi32, #tpu.memory_space<vmem>>
      %dma_start3A_132 = tpu.memref_squeeze %dma_start3A_131 : memref<1x128xi32, #tpu.memory_space<vmem>> -> memref<128xi32, #tpu.memory_space<vmem>>
      %dma_start3A_133 = arith.constant 0 : i32
      %dma_start3A_134 = arith.constant 0 : i32
      %dma_start3A_135 = tpu.memref_slice %arg10[%dma_start3A_133, %dma_start3A_134] : memref<10240x128xf32, #tpu.memory_space<vmem_shared>> -> memref<10240x128xf32, #tpu.memory_space<vmem_shared>>
      tpu.enqueue_indirect_dma source(%arg9 : memref<128x128xf32, #tpu.memory_space<vmem>>) target(%dma_start3A_135 : memref<10240x128xf32, #tpu.memory_space<vmem_shared>>) offsets(%dma_start3A_132 : memref<128xi32, #tpu.memory_space<vmem>>) semaphore(%arg14 : memref<!tpu.dma_semaphore, #tpu.memory_space<semaphore_mem>>) {add = true}
      %ge3A_136 = arith.constant 1 : i32
      %ge3A_137 = arith.cmpi sge, %add3A_119, %ge3A_136 : i32
      %convert_element_type3A_138 = arith.extui %ge3A_137 : i1 to i32
      %cond3A_139 = arith.constant 0 : i32
      %cond3A_140 = arith.cmpi ne, %convert_element_type3A_138, %cond3A_139 : i32
      scf.if %cond3A_140 {
        %sub3A = arith.constant 1 : i32
        %sub3A_149 = arith.subi %add3A_119, %sub3A : i32
        %dma_wait3A_150 = arith.constant 0 : i32
        %dma_wait3A_151 = tpu.memref_slice %arg7[%sub3A_149, %dma_wait3A_150] : memref<40x128xi32, #tpu.memory_space<vmem>> -> memref<1x128xi32, #tpu.memory_space<vmem>>
        %dma_wait3A_152 = tpu.memref_squeeze %dma_wait3A_151 : memref<1x128xi32, #tpu.memory_space<vmem>> -> memref<128xi32, #tpu.memory_space<vmem>>
        %dma_wait3A_153 = arith.constant 0 : i32
        %dma_wait3A_154 = arith.constant 0 : i32
        %dma_wait3A_155 = tpu.memref_slice %arg10[%dma_wait3A_153, %dma_wait3A_154] : memref<10240x128xf32, #tpu.memory_space<vmem_shared>> -> memref<10240x128xf32, #tpu.memory_space<vmem_shared>>
        tpu.wait_indirect_dma semaphore(%arg13 : memref<!tpu.dma_semaphore, #tpu.memory_space<semaphore_mem>>) src(%arg8 : memref<128x128xf32, #tpu.memory_space<vmem>>) dst(%dma_wait3A_155 : memref<10240x128xf32, #tpu.memory_space<vmem_shared>>)
      } else {
      }
      %add3A_141 = arith.constant 1 : i32
      %add3A_142 = arith.addi %add3A_119, %add3A_141 : i32
      %lt3A_143 = arith.constant 40 : i32
      %lt3A_144 = arith.cmpi slt, %add3A_142, %lt3A_143 : i32
      %convert_element_type3A_145 = arith.extui %lt3A_144 : i1 to i32
      %cond3A_146 = arith.constant 0 : i32
      %cond3A_147 = arith.cmpi ne, %convert_element_type3A_145, %cond3A_146 : i32
      scf.if %cond3A_147 {
        %add3A_149 = arith.constant 1 : i32
        %add3A_150 = arith.addi %add3A_119, %add3A_149 : i32
        %dma_start3A_151 = arith.constant 0 : i32
        %dma_start3A_152 = tpu.memref_slice %arg6[%add3A_150, %dma_start3A_151] : memref<40x128xi32, #tpu.memory_space<vmem>> -> memref<1x128xi32, #tpu.memory_space<vmem>>
        %dma_start3A_153 = tpu.memref_squeeze %dma_start3A_152 : memref<1x128xi32, #tpu.memory_space<vmem>> -> memref<128xi32, #tpu.memory_space<vmem>>
        %dma_start3A_154 = arith.constant 0 : i32
        %dma_start3A_155 = arith.constant 0 : i32
        %dma_start3A_156 = tpu.memref_slice %arg2[%arg0, %dma_start3A_154, %dma_start3A_155] : memref<2x10000x128xf32, #tpu.memory_space<hbm>> -> memref<1x10000x128xf32, #tpu.memory_space<hbm>>
        %dma_start3A_157 = tpu.memref_squeeze %dma_start3A_156 : memref<1x10000x128xf32, #tpu.memory_space<hbm>> -> memref<10000x128xf32, #tpu.memory_space<hbm>>
        %dma_start3A_158 = arith.constant 0 : i32
        %dma_start3A_159 = arith.constant 0 : i32
        %dma_start3A_160 = tpu.memref_slice %dma_start3A_157[%dma_start3A_158, %dma_start3A_159] : memref<10000x128xf32, #tpu.memory_space<hbm>> -> memref<10000x128xf32, #tpu.memory_space<hbm>>
        tpu.enqueue_indirect_dma source(%dma_start3A_160 : memref<10000x128xf32, #tpu.memory_space<hbm>>) target(%arg8 : memref<128x128xf32, #tpu.memory_space<vmem>>) offsets(%dma_start3A_153 : memref<128xi32, #tpu.memory_space<vmem>>) semaphore(%arg11 : memref<!tpu.dma_semaphore, #tpu.memory_space<semaphore_mem>>)
      } else {
      }
      %scan3A_148 = arith.constant 0 : i32
      scf.yield %scan3A_148 : i32
    }
    %scan3A_73 = arith.constant 20 : i32
    %dma_wait3A_74 = arith.constant 39 : i32
    %dma_wait3A_75 = arith.constant 0 : i32
    %dma_wait3A_76 = tpu.memref_slice %arg7[%dma_wait3A_74, %dma_wait3A_75] : memref<40x128xi32, #tpu.memory_space<vmem>> -> memref<1x128xi32, #tpu.memory_space<vmem>>
    %dma_wait3A_77 = tpu.memref_squeeze %dma_wait3A_76 : memref<1x128xi32, #tpu.memory_space<vmem>> -> memref<128xi32, #tpu.memory_space<vmem>>
    %dma_wait3A_78 = arith.constant 0 : i32
    %dma_wait3A_79 = arith.constant 0 : i32
    %dma_wait3A_80 = tpu.memref_slice %arg10[%dma_wait3A_78, %dma_wait3A_79] : memref<10240x128xf32, #tpu.memory_space<vmem_shared>> -> memref<10240x128xf32, #tpu.memory_space<vmem_shared>>
    tpu.wait_indirect_dma semaphore(%arg14 : memref<!tpu.dma_semaphore, #tpu.memory_space<semaphore_mem>>) src(%arg9 : memref<128x128xf32, #tpu.memory_space<vmem>>) dst(%dma_wait3A_80 : memref<10240x128xf32, #tpu.memory_space<vmem_shared>>)
    %barrier3A_81 = arith.constant 0 : index
    tpu.barrier barrier_id(%barrier3A_81)
    %mul3A_82 = arith.constant 640 : i32
    %mul3A_83 = arith.muli %arg1, %mul3A_82 : i32
    %mul3A_84 = arith.constant 640 : i32
    %mul3A_85 = arith.muli %arg1, %mul3A_84 : i32
    "tpu.region"() ({
      %run_scoped3A = tpu.sem_alloc : memref<!tpu.dma_semaphore, #tpu.memory_space<semaphore_mem>>
      %dma_start3A_86 = arith.constant 0 : i32
      %dma_start3A_87 = tpu.memref_slice %arg5[%arg0, %mul3A_85, %dma_start3A_86] : memref<2x10240x128xf32, #tpu.memory_space<hbm>> -> memref<1x640x128xf32, #tpu.memory_space<hbm>>
      %dma_start3A_88 = tpu.memref_squeeze %dma_start3A_87 : memref<1x640x128xf32, #tpu.memory_space<hbm>> -> memref<640x128xf32, #tpu.memory_space<hbm>>
      %dma_start3A_89 = arith.constant 0 : i32
      %dma_start3A_90 = tpu.memref_slice %arg10[%mul3A_83, %dma_start3A_89] : memref<10240x128xf32, #tpu.memory_space<vmem_shared>> -> memref<640x128xf32, #tpu.memory_space<vmem_shared>>
      tpu.enqueue_dma source(%dma_start3A_90 : memref<640x128xf32, #tpu.memory_space<vmem_shared>>) target(%dma_start3A_88 : memref<640x128xf32, #tpu.memory_space<hbm>>) target_semaphore(%run_scoped3A : memref<!tpu.dma_semaphore, #tpu.memory_space<semaphore_mem>>)
      %dma_wait3A_91 = arith.constant 0 : i32
      %dma_wait3A_92 = tpu.memref_slice %arg5[%arg0, %mul3A_85, %dma_wait3A_91] : memref<2x10240x128xf32, #tpu.memory_space<hbm>> -> memref<1x640x128xf32, #tpu.memory_space<hbm>>
      %dma_wait3A_93 = tpu.memref_squeeze %dma_wait3A_92 : memref<1x640x128xf32, #tpu.memory_space<hbm>> -> memref<640x128xf32, #tpu.memory_space<hbm>>
      %dma_wait3A_94 = arith.constant 0 : i32
      %dma_wait3A_95 = tpu.memref_slice %arg10[%mul3A_83, %dma_wait3A_94] : memref<10240x128xf32, #tpu.memory_space<vmem_shared>> -> memref<640x128xf32, #tpu.memory_space<vmem_shared>>
      tpu.wait_dma2 semaphore(%run_scoped3A : memref<!tpu.dma_semaphore, #tpu.memory_space<semaphore_mem>>) src(%dma_wait3A_95 : memref<640x128xf32, #tpu.memory_space<vmem_shared>>) dst(%dma_wait3A_93 : memref<640x128xf32, #tpu.memory_space<hbm>>)
      tpu.yield
    }) : () -> ()
    return
  }
}

#map = affine_map<(d0, d1) -> (0, 0, 0)>
#map1 = affine_map<(d0, d1) -> (0, 0)>
module attributes {stable_mosaic.version = 14 : i64} {
  func.func @_segsum(%arg0: i32, %arg1: i32, %arg2: memref<2x10000x128xf32, #tpu.memory_space<hbm>>, %arg3: memref<1280x128xi32, #tpu.memory_space<hbm>>, %arg4: memref<1280x128xi32, #tpu.memory_space<hbm>>, %arg5: memref<2x10240x128xf32, #tpu.memory_space<hbm>>, %arg6: memref<40x128xi32, #tpu.memory_space<vmem>>, %arg7: memref<40x128xi32, #tpu.memory_space<vmem>>, %arg8: memref<128x128xf32, #tpu.memory_space<vmem>>, %arg9: memref<128x128xf32, #tpu.memory_space<vmem>>, %arg10: memref<10240x128xf32, #tpu.memory_space<vmem_shared>>, %arg11: memref<!tpu.dma_semaphore, #tpu.memory_space<semaphore_mem>>, %arg12: memref<!tpu.dma_semaphore, #tpu.memory_space<semaphore_mem>>, %arg13: memref<!tpu.dma_semaphore, #tpu.memory_space<semaphore_mem>>, %arg14: memref<!tpu.dma_semaphore, #tpu.memory_space<semaphore_mem>>) attributes {dimension_semantics = [#tpu.dimension_semantics<core_parallel>, #tpu.dimension_semantics<subcore_parallel>], iteration_bounds = array<i64: 2, 16>, scalar_prefetch = 0 : i64, scratch_operands = 9 : i64, tpu.core_type = #tpu.core_type<sc_vector_subcore>, window_params = [{transform_indices = #map}, {transform_indices = #map1}, {transform_indices = #map1}, {transform_indices = #map}]} {
    %broadcast_in_dim3A = arith.constant 0.000000e+00 : f32
    %broadcast_in_dim3A_0 = vector.broadcast %broadcast_in_dim3A : f32 to vector<16xf32>
    %scan3A = arith.constant 0 : i32
    %scan3A_1 = arith.constant 0 : i32
    %scan3A_2 = arith.constant 1024 : i32
    %scan3A_3 = arith.addi %scan3A_1, %scan3A_2 : i32
    %scan3A_4 = arith.constant 4 : i32
    %scan3A_5 = scf.for %scan3A_86 = %scan3A_1 to %scan3A_3 step %scan3A_4 iter_args(%scan3A_87 = %scan3A) -> (i32)  : i32 {
      %jit3A = arith.constant 8 : i32
      %div3A = arith.divsi %scan3A_86, %jit3A : i32
      %sign3A = arith.constant 0 : i32
      %sign3A_88 = arith.cmpi sgt, %scan3A_86, %sign3A : i32
      %sign3A_89 = arith.extui %sign3A_88 : i1 to i32
      %sign3A_90 = arith.constant 0 : i32
      %sign3A_91 = arith.cmpi slt, %scan3A_86, %sign3A_90 : i32
      %sign3A_92 = arith.extui %sign3A_91 : i1 to i32
      %sign3A_93 = arith.subi %sign3A_89, %sign3A_92 : i32
      %sign3A_94 = arith.constant 0 : i32
      %sign3A_95 = arith.cmpi sgt, %jit3A, %sign3A_94 : i32
      %sign3A_96 = arith.extui %sign3A_95 : i1 to i32
      %sign3A_97 = arith.constant 0 : i32
      %sign3A_98 = arith.cmpi slt, %jit3A, %sign3A_97 : i32
      %sign3A_99 = arith.extui %sign3A_98 : i1 to i32
      %sign3A_100 = arith.subi %sign3A_96, %sign3A_99 : i32
      %ne3A = arith.cmpi ne, %sign3A_93, %sign3A_100 : i32
      %rem3A = arith.remsi %scan3A_86, %jit3A : i32
      %ne3A_101 = arith.constant 0 : i32
      %ne3A_102 = arith.cmpi ne, %rem3A, %ne3A_101 : i32
      %and3A = arith.andi %ne3A, %ne3A_102 : i1
      %sub3A = arith.constant 1 : i32
      %sub3A_103 = arith.subi %div3A, %sub3A : i32
      %select_n3A = arith.select %and3A, %sub3A_103, %div3A : i32
      %jit3A_104 = arith.constant 8 : i32
      %eq3A = arith.constant 0 : i32
      %eq3A_105 = arith.cmpi eq, %jit3A_104, %eq3A : i32
      %jit3A_106 = arith.constant 1 : i32
      %select_n3A_107 = arith.select %eq3A_105, %jit3A_106, %jit3A_104 : i32
      %rem3A_108 = arith.remsi %scan3A_86, %select_n3A_107 : i32
      %ne3A_109 = arith.constant 0 : i32
      %ne3A_110 = arith.cmpi ne, %rem3A_108, %ne3A_109 : i32
      %lt3A = arith.constant 0 : i32
      %lt3A_111 = arith.cmpi slt, %rem3A_108, %lt3A : i32
      %lt3A_112 = arith.constant 0 : i32
      %lt3A_113 = arith.cmpi slt, %select_n3A_107, %lt3A_112 : i32
      %ne3A_114 = arith.xori %lt3A_111, %lt3A_113 : i1
      %and3A_115 = arith.andi %ne3A_114, %ne3A_110 : i1
      %add3A_116 = arith.addi %rem3A_108, %select_n3A_107 : i32
      %select_n3A_117 = arith.select %and3A_115, %add3A_116, %rem3A_108 : i32
      %mul3A_118 = arith.constant 16 : i32
      %mul3A_119 = arith.muli %select_n3A_117, %mul3A_118 : i32
      %swap3A = arith.index_cast %select_n3A : i32 to index
      %swap3A_120 = arith.index_cast %mul3A_119 : i32 to index
      %swap3A_121 = tpu.vector_load %arg8[%swap3A, %swap3A_120] {strides = array<i32>} : memref<128x128xf32, #tpu.memory_space<vmem>>, vector<1x16xf32>,
      %swap3A_122 = vector.shape_cast %swap3A_121 : vector<1x16xf32> to vector<16xf32>
      %swap3A_123 = vector.shape_cast %broadcast_in_dim3A_0 : vector<16xf32> to vector<1x16xf32>
      tpu.vector_store %arg8[%swap3A, %swap3A_120], %swap3A_123 {strides = array<i32>} : memref<128x128xf32, #tpu.memory_space<vmem>>, vector<1x16xf32>,
      %scan3A_124 = arith.constant 0 : i32
      %scan3A_125 = arith.constant 1 : i32
      %scan3A_126 = arith.addi %scan3A_86, %scan3A_125 : i32
      %jit3A_127 = arith.constant 8 : i32
      %div3A_128 = arith.divsi %scan3A_126, %jit3A_127 : i32
      %sign3A_129 = arith.constant 0 : i32
      %sign3A_130 = arith.cmpi sgt, %scan3A_126, %sign3A_129 : i32
      %sign3A_131 = arith.extui %sign3A_130 : i1 to i32
      %sign3A_132 = arith.constant 0 : i32
      %sign3A_133 = arith.cmpi slt, %scan3A_126, %sign3A_132 : i32
      %sign3A_134 = arith.extui %sign3A_133 : i1 to i32
      %sign3A_135 = arith.subi %sign3A_131, %sign3A_134 : i32
      %sign3A_136 = arith.constant 0 : i32
      %sign3A_137 = arith.cmpi sgt, %jit3A_127, %sign3A_136 : i32
      %sign3A_138 = arith.extui %sign3A_137 : i1 to i32
      %sign3A_139 = arith.constant 0 : i32
      %sign3A_140 = arith.cmpi slt, %jit3A_127, %sign3A_139 : i32
      %sign3A_141 = arith.extui %sign3A_140 : i1 to i32
      %sign3A_142 = arith.subi %sign3A_138, %sign3A_141 : i32
      %ne3A_143 = arith.cmpi ne, %sign3A_135, %sign3A_142 : i32
      %rem3A_144 = arith.remsi %scan3A_126, %jit3A_127 : i32
      %ne3A_145 = arith.constant 0 : i32
      %ne3A_146 = arith.cmpi ne, %rem3A_144, %ne3A_145 : i32
      %and3A_147 = arith.andi %ne3A_143, %ne3A_146 : i1
      %sub3A_148 = arith.constant 1 : i32
      %sub3A_149 = arith.subi %div3A_128, %sub3A_148 : i32
      %select_n3A_150 = arith.select %and3A_147, %sub3A_149, %div3A_128 : i32
      %jit3A_151 = arith.constant 8 : i32
      %eq3A_152 = arith.constant 0 : i32
      %eq3A_153 = arith.cmpi eq, %jit3A_151, %eq3A_152 : i32
      %jit3A_154 = arith.constant 1 : i32
      %select_n3A_155 = arith.select %eq3A_153, %jit3A_154, %jit3A_151 : i32
      %rem3A_156 = arith.remsi %scan3A_126, %select_n3A_155 : i32
      %ne3A_157 = arith.constant 0 : i32
      %ne3A_158 = arith.cmpi ne, %rem3A_156, %ne3A_157 : i32
      %lt3A_159 = arith.constant 0 : i32
      %lt3A_160 = arith.cmpi slt, %rem3A_156, %lt3A_159 : i32
      %lt3A_161 = arith.constant 0 : i32
      %lt3A_162 = arith.cmpi slt, %select_n3A_155, %lt3A_161 : i32
      %ne3A_163 = arith.xori %lt3A_160, %lt3A_162 : i1
      %and3A_164 = arith.andi %ne3A_163, %ne3A_158 : i1
      %add3A_165 = arith.addi %rem3A_156, %select_n3A_155 : i32
      %select_n3A_166 = arith.select %and3A_164, %add3A_165, %rem3A_156 : i32
      %mul3A_167 = arith.constant 16 : i32
      %mul3A_168 = arith.muli %select_n3A_166, %mul3A_167 : i32
      %swap3A_169 = arith.index_cast %select_n3A_150 : i32 to index
      %swap3A_170 = arith.index_cast %mul3A_168 : i32 to index
      %swap3A_171 = tpu.vector_load %arg8[%swap3A_169, %swap3A_170] {strides = array<i32>} : memref<128x128xf32, #tpu.memory_space<vmem>>, vector<1x16xf32>,
      %swap3A_172 = vector.shape_cast %swap3A_171 : vector<1x16xf32> to vector<16xf32>
      %swap3A_173 = vector.shape_cast %broadcast_in_dim3A_0 : vector<16xf32> to vector<1x16xf32>
      tpu.vector_store %arg8[%swap3A_169, %swap3A_170], %swap3A_173 {strides = array<i32>} : memref<128x128xf32, #tpu.memory_space<vmem>>, vector<1x16xf32>,
      %scan3A_174 = arith.constant 0 : i32
      %scan3A_175 = arith.constant 2 : i32
      %scan3A_176 = arith.addi %scan3A_86, %scan3A_175 : i32
      %jit3A_177 = arith.constant 8 : i32
      %div3A_178 = arith.divsi %scan3A_176, %jit3A_177 : i32
      %sign3A_179 = arith.constant 0 : i32
      %sign3A_180 = arith.cmpi sgt, %scan3A_176, %sign3A_179 : i32
      %sign3A_181 = arith.extui %sign3A_180 : i1 to i32
      %sign3A_182 = arith.constant 0 : i32
      %sign3A_183 = arith.cmpi slt, %scan3A_176, %sign3A_182 : i32
      %sign3A_184 = arith.extui %sign3A_183 : i1 to i32
      %sign3A_185 = arith.subi %sign3A_181, %sign3A_184 : i32
      %sign3A_186 = arith.constant 0 : i32
      %sign3A_187 = arith.cmpi sgt, %jit3A_177, %sign3A_186 : i32
      %sign3A_188 = arith.extui %sign3A_187 : i1 to i32
      %sign3A_189 = arith.constant 0 : i32
      %sign3A_190 = arith.cmpi slt, %jit3A_177, %sign3A_189 : i32
      %sign3A_191 = arith.extui %sign3A_190 : i1 to i32
      %sign3A_192 = arith.subi %sign3A_188, %sign3A_191 : i32
      %ne3A_193 = arith.cmpi ne, %sign3A_185, %sign3A_192 : i32
      %rem3A_194 = arith.remsi %scan3A_176, %jit3A_177 : i32
      %ne3A_195 = arith.constant 0 : i32
      %ne3A_196 = arith.cmpi ne, %rem3A_194, %ne3A_195 : i32
      %and3A_197 = arith.andi %ne3A_193, %ne3A_196 : i1
      %sub3A_198 = arith.constant 1 : i32
      %sub3A_199 = arith.subi %div3A_178, %sub3A_198 : i32
      %select_n3A_200 = arith.select %and3A_197, %sub3A_199, %div3A_178 : i32
      %jit3A_201 = arith.constant 8 : i32
      %eq3A_202 = arith.constant 0 : i32
      %eq3A_203 = arith.cmpi eq, %jit3A_201, %eq3A_202 : i32
      %jit3A_204 = arith.constant 1 : i32
      %select_n3A_205 = arith.select %eq3A_203, %jit3A_204, %jit3A_201 : i32
      %rem3A_206 = arith.remsi %scan3A_176, %select_n3A_205 : i32
      %ne3A_207 = arith.constant 0 : i32
      %ne3A_208 = arith.cmpi ne, %rem3A_206, %ne3A_207 : i32
      %lt3A_209 = arith.constant 0 : i32
      %lt3A_210 = arith.cmpi slt, %rem3A_206, %lt3A_209 : i32
      %lt3A_211 = arith.constant 0 : i32
      %lt3A_212 = arith.cmpi slt, %select_n3A_205, %lt3A_211 : i32
      %ne3A_213 = arith.xori %lt3A_210, %lt3A_212 : i1
      %and3A_214 = arith.andi %ne3A_213, %ne3A_208 : i1
      %add3A_215 = arith.addi %rem3A_206, %select_n3A_205 : i32
      %select_n3A_216 = arith.select %and3A_214, %add3A_215, %rem3A_206 : i32
      %mul3A_217 = arith.constant 16 : i32
      %mul3A_218 = arith.muli %select_n3A_216, %mul3A_217 : i32
      %swap3A_219 = arith.index_cast %select_n3A_200 : i32 to index
      %swap3A_220 = arith.index_cast %mul3A_218 : i32 to index
      %swap3A_221 = tpu.vector_load %arg8[%swap3A_219, %swap3A_220] {strides = array<i32>} : memref<128x128xf32, #tpu.memory_space<vmem>>, vector<1x16xf32>,
      %swap3A_222 = vector.shape_cast %swap3A_221 : vector<1x16xf32> to vector<16xf32>
      %swap3A_223 = vector.shape_cast %broadcast_in_dim3A_0 : vector<16xf32> to vector<1x16xf32>
      tpu.vector_store %arg8[%swap3A_219, %swap3A_220], %swap3A_223 {strides = array<i32>} : memref<128x128xf32, #tpu.memory_space<vmem>>, vector<1x16xf32>,
      %scan3A_224 = arith.constant 0 : i32
      %scan3A_225 = arith.constant 3 : i32
      %scan3A_226 = arith.addi %scan3A_86, %scan3A_225 : i32
      %jit3A_227 = arith.constant 8 : i32
      %div3A_228 = arith.divsi %scan3A_226, %jit3A_227 : i32
      %sign3A_229 = arith.constant 0 : i32
      %sign3A_230 = arith.cmpi sgt, %scan3A_226, %sign3A_229 : i32
      %sign3A_231 = arith.extui %sign3A_230 : i1 to i32
      %sign3A_232 = arith.constant 0 : i32
      %sign3A_233 = arith.cmpi slt, %scan3A_226, %sign3A_232 : i32
      %sign3A_234 = arith.extui %sign3A_233 : i1 to i32
      %sign3A_235 = arith.subi %sign3A_231, %sign3A_234 : i32
      %sign3A_236 = arith.constant 0 : i32
      %sign3A_237 = arith.cmpi sgt, %jit3A_227, %sign3A_236 : i32
      %sign3A_238 = arith.extui %sign3A_237 : i1 to i32
      %sign3A_239 = arith.constant 0 : i32
      %sign3A_240 = arith.cmpi slt, %jit3A_227, %sign3A_239 : i32
      %sign3A_241 = arith.extui %sign3A_240 : i1 to i32
      %sign3A_242 = arith.subi %sign3A_238, %sign3A_241 : i32
      %ne3A_243 = arith.cmpi ne, %sign3A_235, %sign3A_242 : i32
      %rem3A_244 = arith.remsi %scan3A_226, %jit3A_227 : i32
      %ne3A_245 = arith.constant 0 : i32
      %ne3A_246 = arith.cmpi ne, %rem3A_244, %ne3A_245 : i32
      %and3A_247 = arith.andi %ne3A_243, %ne3A_246 : i1
      %sub3A_248 = arith.constant 1 : i32
      %sub3A_249 = arith.subi %div3A_228, %sub3A_248 : i32
      %select_n3A_250 = arith.select %and3A_247, %sub3A_249, %div3A_228 : i32
      %jit3A_251 = arith.constant 8 : i32
      %eq3A_252 = arith.constant 0 : i32
      %eq3A_253 = arith.cmpi eq, %jit3A_251, %eq3A_252 : i32
      %jit3A_254 = arith.constant 1 : i32
      %select_n3A_255 = arith.select %eq3A_253, %jit3A_254, %jit3A_251 : i32
      %rem3A_256 = arith.remsi %scan3A_226, %select_n3A_255 : i32
      %ne3A_257 = arith.constant 0 : i32
      %ne3A_258 = arith.cmpi ne, %rem3A_256, %ne3A_257 : i32
      %lt3A_259 = arith.constant 0 : i32
      %lt3A_260 = arith.cmpi slt, %rem3A_256, %lt3A_259 : i32
      %lt3A_261 = arith.constant 0 : i32
      %lt3A_262 = arith.cmpi slt, %select_n3A_255, %lt3A_261 : i32
      %ne3A_263 = arith.xori %lt3A_260, %lt3A_262 : i1
      %and3A_264 = arith.andi %ne3A_263, %ne3A_258 : i1
      %add3A_265 = arith.addi %rem3A_256, %select_n3A_255 : i32
      %select_n3A_266 = arith.select %and3A_264, %add3A_265, %rem3A_256 : i32
      %mul3A_267 = arith.constant 16 : i32
      %mul3A_268 = arith.muli %select_n3A_266, %mul3A_267 : i32
      %swap3A_269 = arith.index_cast %select_n3A_250 : i32 to index
      %swap3A_270 = arith.index_cast %mul3A_268 : i32 to index
      %swap3A_271 = tpu.vector_load %arg8[%swap3A_269, %swap3A_270] {strides = array<i32>} : memref<128x128xf32, #tpu.memory_space<vmem>>, vector<1x16xf32>,
      %swap3A_272 = vector.shape_cast %swap3A_271 : vector<1x16xf32> to vector<16xf32>
      %swap3A_273 = vector.shape_cast %broadcast_in_dim3A_0 : vector<16xf32> to vector<1x16xf32>
      tpu.vector_store %arg8[%swap3A_269, %swap3A_270], %swap3A_273 {strides = array<i32>} : memref<128x128xf32, #tpu.memory_space<vmem>>, vector<1x16xf32>,
      %scan3A_274 = arith.constant 0 : i32
      scf.yield %scan3A_274 : i32
    }
    %scan3A_6 = arith.constant 1024 : i32
    %mul3A = arith.constant 640 : i32
    %mul3A_7 = arith.muli %arg1, %mul3A : i32
    %add3A = arith.constant 0 : i32
    %add3A_8 = arith.addi %mul3A_7, %add3A : i32
    "tpu.region"() ({
      %run_scoped3A = tpu.sem_alloc : memref<!tpu.dma_semaphore, #tpu.memory_space<semaphore_mem>>
      %dma_start3A_86 = arith.constant 0 : i32
      %dma_start3A_87 = tpu.memref_slice %arg10[%add3A_8, %dma_start3A_86] : memref<10240x128xf32, #tpu.memory_space<vmem_shared>> -> memref<128x128xf32, #tpu.memory_space<vmem_shared>>
      %dma_start3A_88 = arith.constant 0 : i32
      %dma_start3A_89 = tpu.memref_slice %arg10[%add3A_8, %dma_start3A_88] : memref<10240x128xf32, #tpu.memory_space<vmem_shared>> -> memref<128x128xf32, #tpu.memory_space<vmem_shared>>
      tpu.enqueue_dma source(%arg8 : memref<128x128xf32, #tpu.memory_space<vmem>>) target(%dma_start3A_89 : memref<128x128xf32, #tpu.memory_space<vmem_shared>>) target_semaphore(%run_scoped3A : memref<!tpu.dma_semaphore, #tpu.memory_space<semaphore_mem>>)
      %dma_wait3A_90 = arith.constant 0 : i32
      %dma_wait3A_91 = tpu.memref_slice %arg10[%add3A_8, %dma_wait3A_90] : memref<10240x128xf32, #tpu.memory_space<vmem_shared>> -> memref<128x128xf32, #tpu.memory_space<vmem_shared>>
      %dma_wait3A_92 = arith.constant 0 : i32
      %dma_wait3A_93 = tpu.memref_slice %arg10[%add3A_8, %dma_wait3A_92] : memref<10240x128xf32, #tpu.memory_space<vmem_shared>> -> memref<128x128xf32, #tpu.memory_space<vmem_shared>>
      tpu.wait_dma2 semaphore(%run_scoped3A : memref<!tpu.dma_semaphore, #tpu.memory_space<semaphore_mem>>) src(%arg8 : memref<128x128xf32, #tpu.memory_space<vmem>>) dst(%dma_wait3A_93 : memref<128x128xf32, #tpu.memory_space<vmem_shared>>)
      tpu.yield
    }) : () -> ()
    %mul3A_9 = arith.constant 640 : i32
    %mul3A_10 = arith.muli %arg1, %mul3A_9 : i32
    %add3A_11 = arith.constant 128 : i32
    %add3A_12 = arith.addi %mul3A_10, %add3A_11 : i32
    "tpu.region"() ({
      %run_scoped3A = tpu.sem_alloc : memref<!tpu.dma_semaphore, #tpu.memory_space<semaphore_mem>>
      %dma_start3A_86 = arith.constant 0 : i32
      %dma_start3A_87 = tpu.memref_slice %arg10[%add3A_12, %dma_start3A_86] : memref<10240x128xf32, #tpu.memory_space<vmem_shared>> -> memref<128x128xf32, #tpu.memory_space<vmem_shared>>
      %dma_start3A_88 = arith.constant 0 : i32
      %dma_start3A_89 = tpu.memref_slice %arg10[%add3A_12, %dma_start3A_88] : memref<10240x128xf32, #tpu.memory_space<vmem_shared>> -> memref<128x128xf32, #tpu.memory_space<vmem_shared>>
      tpu.enqueue_dma source(%arg8 : memref<128x128xf32, #tpu.memory_space<vmem>>) target(%dma_start3A_89 : memref<128x128xf32, #tpu.memory_space<vmem_shared>>) target_semaphore(%run_scoped3A : memref<!tpu.dma_semaphore, #tpu.memory_space<semaphore_mem>>)
      %dma_wait3A_90 = arith.constant 0 : i32
      %dma_wait3A_91 = tpu.memref_slice %arg10[%add3A_12, %dma_wait3A_90] : memref<10240x128xf32, #tpu.memory_space<vmem_shared>> -> memref<128x128xf32, #tpu.memory_space<vmem_shared>>
      %dma_wait3A_92 = arith.constant 0 : i32
      %dma_wait3A_93 = tpu.memref_slice %arg10[%add3A_12, %dma_wait3A_92] : memref<10240x128xf32, #tpu.memory_space<vmem_shared>> -> memref<128x128xf32, #tpu.memory_space<vmem_shared>>
      tpu.wait_dma2 semaphore(%run_scoped3A : memref<!tpu.dma_semaphore, #tpu.memory_space<semaphore_mem>>) src(%arg8 : memref<128x128xf32, #tpu.memory_space<vmem>>) dst(%dma_wait3A_93 : memref<128x128xf32, #tpu.memory_space<vmem_shared>>)
      tpu.yield
    }) : () -> ()
    %mul3A_13 = arith.constant 640 : i32
    %mul3A_14 = arith.muli %arg1, %mul3A_13 : i32
    %add3A_15 = arith.constant 256 : i32
    %add3A_16 = arith.addi %mul3A_14, %add3A_15 : i32
    "tpu.region"() ({
      %run_scoped3A = tpu.sem_alloc : memref<!tpu.dma_semaphore, #tpu.memory_space<semaphore_mem>>
      %dma_start3A_86 = arith.constant 0 : i32
      %dma_start3A_87 = tpu.memref_slice %arg10[%add3A_16, %dma_start3A_86] : memref<10240x128xf32, #tpu.memory_space<vmem_shared>> -> memref<128x128xf32, #tpu.memory_space<vmem_shared>>
      %dma_start3A_88 = arith.constant 0 : i32
      %dma_start3A_89 = tpu.memref_slice %arg10[%add3A_16, %dma_start3A_88] : memref<10240x128xf32, #tpu.memory_space<vmem_shared>> -> memref<128x128xf32, #tpu.memory_space<vmem_shared>>
      tpu.enqueue_dma source(%arg8 : memref<128x128xf32, #tpu.memory_space<vmem>>) target(%dma_start3A_89 : memref<128x128xf32, #tpu.memory_space<vmem_shared>>) target_semaphore(%run_scoped3A : memref<!tpu.dma_semaphore, #tpu.memory_space<semaphore_mem>>)
      %dma_wait3A_90 = arith.constant 0 : i32
      %dma_wait3A_91 = tpu.memref_slice %arg10[%add3A_16, %dma_wait3A_90] : memref<10240x128xf32, #tpu.memory_space<vmem_shared>> -> memref<128x128xf32, #tpu.memory_space<vmem_shared>>
      %dma_wait3A_92 = arith.constant 0 : i32
      %dma_wait3A_93 = tpu.memref_slice %arg10[%add3A_16, %dma_wait3A_92] : memref<10240x128xf32, #tpu.memory_space<vmem_shared>> -> memref<128x128xf32, #tpu.memory_space<vmem_shared>>
      tpu.wait_dma2 semaphore(%run_scoped3A : memref<!tpu.dma_semaphore, #tpu.memory_space<semaphore_mem>>) src(%arg8 : memref<128x128xf32, #tpu.memory_space<vmem>>) dst(%dma_wait3A_93 : memref<128x128xf32, #tpu.memory_space<vmem_shared>>)
      tpu.yield
    }) : () -> ()
    %mul3A_17 = arith.constant 640 : i32
    %mul3A_18 = arith.muli %arg1, %mul3A_17 : i32
    %add3A_19 = arith.constant 384 : i32
    %add3A_20 = arith.addi %mul3A_18, %add3A_19 : i32
    "tpu.region"() ({
      %run_scoped3A = tpu.sem_alloc : memref<!tpu.dma_semaphore, #tpu.memory_space<semaphore_mem>>
      %dma_start3A_86 = arith.constant 0 : i32
      %dma_start3A_87 = tpu.memref_slice %arg10[%add3A_20, %dma_start3A_86] : memref<10240x128xf32, #tpu.memory_space<vmem_shared>> -> memref<128x128xf32, #tpu.memory_space<vmem_shared>>
      %dma_start3A_88 = arith.constant 0 : i32
      %dma_start3A_89 = tpu.memref_slice %arg10[%add3A_20, %dma_start3A_88] : memref<10240x128xf32, #tpu.memory_space<vmem_shared>> -> memref<128x128xf32, #tpu.memory_space<vmem_shared>>
      tpu.enqueue_dma source(%arg8 : memref<128x128xf32, #tpu.memory_space<vmem>>) target(%dma_start3A_89 : memref<128x128xf32, #tpu.memory_space<vmem_shared>>) target_semaphore(%run_scoped3A : memref<!tpu.dma_semaphore, #tpu.memory_space<semaphore_mem>>)
      %dma_wait3A_90 = arith.constant 0 : i32
      %dma_wait3A_91 = tpu.memref_slice %arg10[%add3A_20, %dma_wait3A_90] : memref<10240x128xf32, #tpu.memory_space<vmem_shared>> -> memref<128x128xf32, #tpu.memory_space<vmem_shared>>
      %dma_wait3A_92 = arith.constant 0 : i32
      %dma_wait3A_93 = tpu.memref_slice %arg10[%add3A_20, %dma_wait3A_92] : memref<10240x128xf32, #tpu.memory_space<vmem_shared>> -> memref<128x128xf32, #tpu.memory_space<vmem_shared>>
      tpu.wait_dma2 semaphore(%run_scoped3A : memref<!tpu.dma_semaphore, #tpu.memory_space<semaphore_mem>>) src(%arg8 : memref<128x128xf32, #tpu.memory_space<vmem>>) dst(%dma_wait3A_93 : memref<128x128xf32, #tpu.memory_space<vmem_shared>>)
      tpu.yield
    }) : () -> ()
    %mul3A_21 = arith.constant 640 : i32
    %mul3A_22 = arith.muli %arg1, %mul3A_21 : i32
    %add3A_23 = arith.constant 512 : i32
    %add3A_24 = arith.addi %mul3A_22, %add3A_23 : i32
    "tpu.region"() ({
      %run_scoped3A = tpu.sem_alloc : memref<!tpu.dma_semaphore, #tpu.memory_space<semaphore_mem>>
      %dma_start3A_86 = arith.constant 0 : i32
      %dma_start3A_87 = tpu.memref_slice %arg10[%add3A_24, %dma_start3A_86] : memref<10240x128xf32, #tpu.memory_space<vmem_shared>> -> memref<128x128xf32, #tpu.memory_space<vmem_shared>>
      %dma_start3A_88 = arith.constant 0 : i32
      %dma_start3A_89 = tpu.memref_slice %arg10[%add3A_24, %dma_start3A_88] : memref<10240x128xf32, #tpu.memory_space<vmem_shared>> -> memref<128x128xf32, #tpu.memory_space<vmem_shared>>
      tpu.enqueue_dma source(%arg8 : memref<128x128xf32, #tpu.memory_space<vmem>>) target(%dma_start3A_89 : memref<128x128xf32, #tpu.memory_space<vmem_shared>>) target_semaphore(%run_scoped3A : memref<!tpu.dma_semaphore, #tpu.memory_space<semaphore_mem>>)
      %dma_wait3A_90 = arith.constant 0 : i32
      %dma_wait3A_91 = tpu.memref_slice %arg10[%add3A_24, %dma_wait3A_90] : memref<10240x128xf32, #tpu.memory_space<vmem_shared>> -> memref<128x128xf32, #tpu.memory_space<vmem_shared>>
      %dma_wait3A_92 = arith.constant 0 : i32
      %dma_wait3A_93 = tpu.memref_slice %arg10[%add3A_24, %dma_wait3A_92] : memref<10240x128xf32, #tpu.memory_space<vmem_shared>> -> memref<128x128xf32, #tpu.memory_space<vmem_shared>>
      tpu.wait_dma2 semaphore(%run_scoped3A : memref<!tpu.dma_semaphore, #tpu.memory_space<semaphore_mem>>) src(%arg8 : memref<128x128xf32, #tpu.memory_space<vmem>>) dst(%dma_wait3A_93 : memref<128x128xf32, #tpu.memory_space<vmem_shared>>)
      tpu.yield
    }) : () -> ()
    %barrier3A = arith.constant 0 : index
    tpu.barrier barrier_id(%barrier3A)
    %mul3A_25 = arith.constant 80 : i32
    %mul3A_26 = arith.muli %arg1, %mul3A_25 : i32
    %add3A_27 = arith.constant 0 : i32
    %add3A_28 = arith.addi %mul3A_26, %add3A_27 : i32
    "tpu.region"() ({
      %run_scoped3A = tpu.sem_alloc : memref<!tpu.dma_semaphore, #tpu.memory_space<semaphore_mem>>
      %dma_start3A_86 = arith.constant 0 : i32
      %dma_start3A_87 = tpu.memref_slice %arg3[%add3A_28, %dma_start3A_86] : memref<1280x128xi32, #tpu.memory_space<hbm>> -> memref<40x128xi32, #tpu.memory_space<hbm>>
      %dma_start3A_88 = arith.constant 0 : i32
      %dma_start3A_89 = tpu.memref_slice %arg3[%add3A_28, %dma_start3A_88] : memref<1280x128xi32, #tpu.memory_space<hbm>> -> memref<40x128xi32, #tpu.memory_space<hbm>>
      tpu.enqueue_dma source(%dma_start3A_89 : memref<40x128xi32, #tpu.memory_space<hbm>>) target(%arg6 : memref<40x128xi32, #tpu.memory_space<vmem>>) target_semaphore(%run_scoped3A : memref<!tpu.dma_semaphore, #tpu.memory_space<semaphore_mem>>)
      %dma_wait3A_90 = arith.constant 0 : i32
      %dma_wait3A_91 = tpu.memref_slice %arg3[%add3A_28, %dma_wait3A_90] : memref<1280x128xi32, #tpu.memory_space<hbm>> -> memref<40x128xi32, #tpu.memory_space<hbm>>
      %dma_wait3A_92 = arith.constant 0 : i32
      %dma_wait3A_93 = tpu.memref_slice %arg3[%add3A_28, %dma_wait3A_92] : memref<1280x128xi32, #tpu.memory_space<hbm>> -> memref<40x128xi32, #tpu.memory_space<hbm>>
      tpu.wait_dma2 semaphore(%run_scoped3A : memref<!tpu.dma_semaphore, #tpu.memory_space<semaphore_mem>>) src(%dma_wait3A_93 : memref<40x128xi32, #tpu.memory_space<hbm>>) dst(%arg6 : memref<40x128xi32, #tpu.memory_space<vmem>>)
      tpu.yield
    }) : () -> ()
    "tpu.region"() ({
      %run_scoped3A = tpu.sem_alloc : memref<!tpu.dma_semaphore, #tpu.memory_space<semaphore_mem>>
      %dma_start3A_86 = arith.constant 0 : i32
      %dma_start3A_87 = tpu.memref_slice %arg4[%add3A_28, %dma_start3A_86] : memref<1280x128xi32, #tpu.memory_space<hbm>> -> memref<40x128xi32, #tpu.memory_space<hbm>>
      %dma_start3A_88 = arith.constant 0 : i32
      %dma_start3A_89 = tpu.memref_slice %arg4[%add3A_28, %dma_start3A_88] : memref<1280x128xi32, #tpu.memory_space<hbm>> -> memref<40x128xi32, #tpu.memory_space<hbm>>
      tpu.enqueue_dma source(%dma_start3A_89 : memref<40x128xi32, #tpu.memory_space<hbm>>) target(%arg7 : memref<40x128xi32, #tpu.memory_space<vmem>>) target_semaphore(%run_scoped3A : memref<!tpu.dma_semaphore, #tpu.memory_space<semaphore_mem>>)
      %dma_wait3A_90 = arith.constant 0 : i32
      %dma_wait3A_91 = tpu.memref_slice %arg4[%add3A_28, %dma_wait3A_90] : memref<1280x128xi32, #tpu.memory_space<hbm>> -> memref<40x128xi32, #tpu.memory_space<hbm>>
      %dma_wait3A_92 = arith.constant 0 : i32
      %dma_wait3A_93 = tpu.memref_slice %arg4[%add3A_28, %dma_wait3A_92] : memref<1280x128xi32, #tpu.memory_space<hbm>> -> memref<40x128xi32, #tpu.memory_space<hbm>>
      tpu.wait_dma2 semaphore(%run_scoped3A : memref<!tpu.dma_semaphore, #tpu.memory_space<semaphore_mem>>) src(%dma_wait3A_93 : memref<40x128xi32, #tpu.memory_space<hbm>>) dst(%arg7 : memref<40x128xi32, #tpu.memory_space<vmem>>)
      tpu.yield
    }) : () -> ()
    %dma_start3A = arith.constant 0 : i32
    %dma_start3A_29 = arith.constant 0 : i32
    %dma_start3A_30 = tpu.memref_slice %arg6[%dma_start3A, %dma_start3A_29] : memref<40x128xi32, #tpu.memory_space<vmem>> -> memref<1x128xi32, #tpu.memory_space<vmem>>
    %dma_start3A_31 = tpu.memref_squeeze %dma_start3A_30 : memref<1x128xi32, #tpu.memory_space<vmem>> -> memref<128xi32, #tpu.memory_space<vmem>>
    %dma_start3A_32 = arith.constant 0 : i32
    %dma_start3A_33 = arith.constant 0 : i32
    %dma_start3A_34 = tpu.memref_slice %arg2[%arg0, %dma_start3A_32, %dma_start3A_33] : memref<2x10000x128xf32, #tpu.memory_space<hbm>> -> memref<1x10000x128xf32, #tpu.memory_space<hbm>>
    %dma_start3A_35 = tpu.memref_squeeze %dma_start3A_34 : memref<1x10000x128xf32, #tpu.memory_space<hbm>> -> memref<10000x128xf32, #tpu.memory_space<hbm>>
    %dma_start3A_36 = arith.constant 0 : i32
    %dma_start3A_37 = arith.constant 0 : i32
    %dma_start3A_38 = tpu.memref_slice %dma_start3A_35[%dma_start3A_36, %dma_start3A_37] : memref<10000x128xf32, #tpu.memory_space<hbm>> -> memref<10000x128xf32, #tpu.memory_space<hbm>>
    tpu.enqueue_indirect_dma source(%dma_start3A_38 : memref<10000x128xf32, #tpu.memory_space<hbm>>) target(%arg8 : memref<128x128xf32, #tpu.memory_space<vmem>>) offsets(%dma_start3A_31 : memref<128xi32, #tpu.memory_space<vmem>>) semaphore(%arg11 : memref<!tpu.dma_semaphore, #tpu.memory_space<semaphore_mem>>)
    %scan3A_39 = arith.constant 0 : i32
    %scan3A_40 = arith.constant 0 : i32
    %scan3A_41 = arith.constant 20 : i32
    %scan3A_42 = arith.addi %scan3A_40, %scan3A_41 : i32
    %scan3A_43 = arith.constant 1 : i32
    %scan3A_44 = scf.for %scan3A_86 = %scan3A_40 to %scan3A_42 step %scan3A_43 iter_args(%scan3A_87 = %scan3A_39) -> (i32)  : i32 {
      %mul3A_88 = arith.constant 2 : i32
      %mul3A_89 = arith.muli %scan3A_86, %mul3A_88 : i32
      %add3A_90 = arith.constant 0 : i32
      %add3A_91 = arith.addi %mul3A_89, %add3A_90 : i32
      %dma_wait3A_92 = arith.constant 0 : i32
      %dma_wait3A_93 = tpu.memref_slice %arg6[%add3A_91, %dma_wait3A_92] : memref<40x128xi32, #tpu.memory_space<vmem>> -> memref<1x128xi32, #tpu.memory_space<vmem>>
      %dma_wait3A_94 = tpu.memref_squeeze %dma_wait3A_93 : memref<1x128xi32, #tpu.memory_space<vmem>> -> memref<128xi32, #tpu.memory_space<vmem>>
      %dma_wait3A_95 = arith.constant 0 : i32
      %dma_wait3A_96 = arith.constant 0 : i32
      %dma_wait3A_97 = tpu.memref_slice %arg2[%arg0, %dma_wait3A_95, %dma_wait3A_96] : memref<2x10000x128xf32, #tpu.memory_space<hbm>> -> memref<1x10000x128xf32, #tpu.memory_space<hbm>>
      %dma_wait3A_98 = tpu.memref_squeeze %dma_wait3A_97 : memref<1x10000x128xf32, #tpu.memory_space<hbm>> -> memref<10000x128xf32, #tpu.memory_space<hbm>>
      %dma_wait3A_99 = arith.constant 0 : i32
      %dma_wait3A_100 = arith.constant 0 : i32
      %dma_wait3A_101 = tpu.memref_slice %dma_wait3A_98[%dma_wait3A_99, %dma_wait3A_100] : memref<10000x128xf32, #tpu.memory_space<hbm>> -> memref<10000x128xf32, #tpu.memory_space<hbm>>
      tpu.wait_indirect_dma semaphore(%arg11 : memref<!tpu.dma_semaphore, #tpu.memory_space<semaphore_mem>>) src(%dma_wait3A_101 : memref<10000x128xf32, #tpu.memory_space<hbm>>) dst(%arg8 : memref<128x128xf32, #tpu.memory_space<vmem>>)
      %dma_start3A_102 = arith.constant 0 : i32
      %dma_start3A_103 = tpu.memref_slice %arg7[%add3A_91, %dma_start3A_102] : memref<40x128xi32, #tpu.memory_space<vmem>> -> memref<1x128xi32, #tpu.memory_space<vmem>>
      %dma_start3A_104 = tpu.memref_squeeze %dma_start3A_103 : memref<1x128xi32, #tpu.memory_space<vmem>> -> memref<128xi32, #tpu.memory_space<vmem>>
      %dma_start3A_105 = arith.constant 0 : i32
      %dma_start3A_106 = arith.constant 0 : i32
      %dma_start3A_107 = tpu.memref_slice %arg10[%dma_start3A_105, %dma_start3A_106] : memref<10240x128xf32, #tpu.memory_space<vmem_shared>> -> memref<10240x128xf32, #tpu.memory_space<vmem_shared>>
      tpu.enqueue_indirect_dma source(%arg8 : memref<128x128xf32, #tpu.memory_space<vmem>>) target(%dma_start3A_107 : memref<10240x128xf32, #tpu.memory_space<vmem_shared>>) offsets(%dma_start3A_104 : memref<128xi32, #tpu.memory_space<vmem>>) semaphore(%arg13 : memref<!tpu.dma_semaphore, #tpu.memory_space<semaphore_mem>>) {add = true}
      %ge3A = arith.constant 1 : i32
      %ge3A_108 = arith.cmpi sge, %add3A_91, %ge3A : i32
      %convert_element_type3A = arith.extui %ge3A_108 : i1 to i32
      %cond3A = arith.constant 0 : i32
      %cond3A_109 = arith.cmpi ne, %convert_element_type3A, %cond3A : i32
      scf.if %cond3A_109 {
        %sub3A = arith.constant 1 : i32
        %sub3A_149 = arith.subi %add3A_91, %sub3A : i32
        %dma_wait3A_150 = arith.constant 0 : i32
        %dma_wait3A_151 = tpu.memref_slice %arg7[%sub3A_149, %dma_wait3A_150] : memref<40x128xi32, #tpu.memory_space<vmem>> -> memref<1x128xi32, #tpu.memory_space<vmem>>
        %dma_wait3A_152 = tpu.memref_squeeze %dma_wait3A_151 : memref<1x128xi32, #tpu.memory_space<vmem>> -> memref<128xi32, #tpu.memory_space<vmem>>
        %dma_wait3A_153 = arith.constant 0 : i32
        %dma_wait3A_154 = arith.constant 0 : i32
        %dma_wait3A_155 = tpu.memref_slice %arg10[%dma_wait3A_153, %dma_wait3A_154] : memref<10240x128xf32, #tpu.memory_space<vmem_shared>> -> memref<10240x128xf32, #tpu.memory_space<vmem_shared>>
        tpu.wait_indirect_dma semaphore(%arg14 : memref<!tpu.dma_semaphore, #tpu.memory_space<semaphore_mem>>) src(%arg9 : memref<128x128xf32, #tpu.memory_space<vmem>>) dst(%dma_wait3A_155 : memref<10240x128xf32, #tpu.memory_space<vmem_shared>>)
      } else {
      }
      %add3A_110 = arith.constant 1 : i32
      %add3A_111 = arith.addi %add3A_91, %add3A_110 : i32
      %lt3A = arith.constant 40 : i32
      %lt3A_112 = arith.cmpi slt, %add3A_111, %lt3A : i32
      %convert_element_type3A_113 = arith.extui %lt3A_112 : i1 to i32
      %cond3A_114 = arith.constant 0 : i32
      %cond3A_115 = arith.cmpi ne, %convert_element_type3A_113, %cond3A_114 : i32
      scf.if %cond3A_115 {
        %add3A_149 = arith.constant 1 : i32
        %add3A_150 = arith.addi %add3A_91, %add3A_149 : i32
        %dma_start3A_151 = arith.constant 0 : i32
        %dma_start3A_152 = tpu.memref_slice %arg6[%add3A_150, %dma_start3A_151] : memref<40x128xi32, #tpu.memory_space<vmem>> -> memref<1x128xi32, #tpu.memory_space<vmem>>
        %dma_start3A_153 = tpu.memref_squeeze %dma_start3A_152 : memref<1x128xi32, #tpu.memory_space<vmem>> -> memref<128xi32, #tpu.memory_space<vmem>>
        %dma_start3A_154 = arith.constant 0 : i32
        %dma_start3A_155 = arith.constant 0 : i32
        %dma_start3A_156 = tpu.memref_slice %arg2[%arg0, %dma_start3A_154, %dma_start3A_155] : memref<2x10000x128xf32, #tpu.memory_space<hbm>> -> memref<1x10000x128xf32, #tpu.memory_space<hbm>>
        %dma_start3A_157 = tpu.memref_squeeze %dma_start3A_156 : memref<1x10000x128xf32, #tpu.memory_space<hbm>> -> memref<10000x128xf32, #tpu.memory_space<hbm>>
        %dma_start3A_158 = arith.constant 0 : i32
        %dma_start3A_159 = arith.constant 0 : i32
        %dma_start3A_160 = tpu.memref_slice %dma_start3A_157[%dma_start3A_158, %dma_start3A_159] : memref<10000x128xf32, #tpu.memory_space<hbm>> -> memref<10000x128xf32, #tpu.memory_space<hbm>>
        tpu.enqueue_indirect_dma source(%dma_start3A_160 : memref<10000x128xf32, #tpu.memory_space<hbm>>) target(%arg9 : memref<128x128xf32, #tpu.memory_space<vmem>>) offsets(%dma_start3A_153 : memref<128xi32, #tpu.memory_space<vmem>>) semaphore(%arg12 : memref<!tpu.dma_semaphore, #tpu.memory_space<semaphore_mem>>)
      } else {
      }
      %mul3A_116 = arith.constant 2 : i32
      %mul3A_117 = arith.muli %scan3A_86, %mul3A_116 : i32
      %add3A_118 = arith.constant 1 : i32
      %add3A_119 = arith.addi %mul3A_117, %add3A_118 : i32
      %dma_wait3A_120 = arith.constant 0 : i32
      %dma_wait3A_121 = tpu.memref_slice %arg6[%add3A_119, %dma_wait3A_120] : memref<40x128xi32, #tpu.memory_space<vmem>> -> memref<1x128xi32, #tpu.memory_space<vmem>>
      %dma_wait3A_122 = tpu.memref_squeeze %dma_wait3A_121 : memref<1x128xi32, #tpu.memory_space<vmem>> -> memref<128xi32, #tpu.memory_space<vmem>>
      %dma_wait3A_123 = arith.constant 0 : i32
      %dma_wait3A_124 = arith.constant 0 : i32
      %dma_wait3A_125 = tpu.memref_slice %arg2[%arg0, %dma_wait3A_123, %dma_wait3A_124] : memref<2x10000x128xf32, #tpu.memory_space<hbm>> -> memref<1x10000x128xf32, #tpu.memory_space<hbm>>
      %dma_wait3A_126 = tpu.memref_squeeze %dma_wait3A_125 : memref<1x10000x128xf32, #tpu.memory_space<hbm>> -> memref<10000x128xf32, #tpu.memory_space<hbm>>
      %dma_wait3A_127 = arith.constant 0 : i32
      %dma_wait3A_128 = arith.constant 0 : i32
      %dma_wait3A_129 = tpu.memref_slice %dma_wait3A_126[%dma_wait3A_127, %dma_wait3A_128] : memref<10000x128xf32, #tpu.memory_space<hbm>> -> memref<10000x128xf32, #tpu.memory_space<hbm>>
      tpu.wait_indirect_dma semaphore(%arg12 : memref<!tpu.dma_semaphore, #tpu.memory_space<semaphore_mem>>) src(%dma_wait3A_129 : memref<10000x128xf32, #tpu.memory_space<hbm>>) dst(%arg9 : memref<128x128xf32, #tpu.memory_space<vmem>>)
      %dma_start3A_130 = arith.constant 0 : i32
      %dma_start3A_131 = tpu.memref_slice %arg7[%add3A_119, %dma_start3A_130] : memref<40x128xi32, #tpu.memory_space<vmem>> -> memref<1x128xi32, #tpu.memory_space<vmem>>
      %dma_start3A_132 = tpu.memref_squeeze %dma_start3A_131 : memref<1x128xi32, #tpu.memory_space<vmem>> -> memref<128xi32, #tpu.memory_space<vmem>>
      %dma_start3A_133 = arith.constant 0 : i32
      %dma_start3A_134 = arith.constant 0 : i32
      %dma_start3A_135 = tpu.memref_slice %arg10[%dma_start3A_133, %dma_start3A_134] : memref<10240x128xf32, #tpu.memory_space<vmem_shared>> -> memref<10240x128xf32, #tpu.memory_space<vmem_shared>>
      tpu.enqueue_indirect_dma source(%arg9 : memref<128x128xf32, #tpu.memory_space<vmem>>) target(%dma_start3A_135 : memref<10240x128xf32, #tpu.memory_space<vmem_shared>>) offsets(%dma_start3A_132 : memref<128xi32, #tpu.memory_space<vmem>>) semaphore(%arg14 : memref<!tpu.dma_semaphore, #tpu.memory_space<semaphore_mem>>) {add = true}
      %ge3A_136 = arith.constant 1 : i32
      %ge3A_137 = arith.cmpi sge, %add3A_119, %ge3A_136 : i32
      %convert_element_type3A_138 = arith.extui %ge3A_137 : i1 to i32
      %cond3A_139 = arith.constant 0 : i32
      %cond3A_140 = arith.cmpi ne, %convert_element_type3A_138, %cond3A_139 : i32
      scf.if %cond3A_140 {
        %sub3A = arith.constant 1 : i32
        %sub3A_149 = arith.subi %add3A_119, %sub3A : i32
        %dma_wait3A_150 = arith.constant 0 : i32
        %dma_wait3A_151 = tpu.memref_slice %arg7[%sub3A_149, %dma_wait3A_150] : memref<40x128xi32, #tpu.memory_space<vmem>> -> memref<1x128xi32, #tpu.memory_space<vmem>>
        %dma_wait3A_152 = tpu.memref_squeeze %dma_wait3A_151 : memref<1x128xi32, #tpu.memory_space<vmem>> -> memref<128xi32, #tpu.memory_space<vmem>>
        %dma_wait3A_153 = arith.constant 0 : i32
        %dma_wait3A_154 = arith.constant 0 : i32
        %dma_wait3A_155 = tpu.memref_slice %arg10[%dma_wait3A_153, %dma_wait3A_154] : memref<10240x128xf32, #tpu.memory_space<vmem_shared>> -> memref<10240x128xf32, #tpu.memory_space<vmem_shared>>
        tpu.wait_indirect_dma semaphore(%arg13 : memref<!tpu.dma_semaphore, #tpu.memory_space<semaphore_mem>>) src(%arg8 : memref<128x128xf32, #tpu.memory_space<vmem>>) dst(%dma_wait3A_155 : memref<10240x128xf32, #tpu.memory_space<vmem_shared>>)
      } else {
      }
      %add3A_141 = arith.constant 1 : i32
      %add3A_142 = arith.addi %add3A_119, %add3A_141 : i32
      %lt3A_143 = arith.constant 40 : i32
      %lt3A_144 = arith.cmpi slt, %add3A_142, %lt3A_143 : i32
      %convert_element_type3A_145 = arith.extui %lt3A_144 : i1 to i32
      %cond3A_146 = arith.constant 0 : i32
      %cond3A_147 = arith.cmpi ne, %convert_element_type3A_145, %cond3A_146 : i32
      scf.if %cond3A_147 {
        %add3A_149 = arith.constant 1 : i32
        %add3A_150 = arith.addi %add3A_119, %add3A_149 : i32
        %dma_start3A_151 = arith.constant 0 : i32
        %dma_start3A_152 = tpu.memref_slice %arg6[%add3A_150, %dma_start3A_151] : memref<40x128xi32, #tpu.memory_space<vmem>> -> memref<1x128xi32, #tpu.memory_space<vmem>>
        %dma_start3A_153 = tpu.memref_squeeze %dma_start3A_152 : memref<1x128xi32, #tpu.memory_space<vmem>> -> memref<128xi32, #tpu.memory_space<vmem>>
        %dma_start3A_154 = arith.constant 0 : i32
        %dma_start3A_155 = arith.constant 0 : i32
        %dma_start3A_156 = tpu.memref_slice %arg2[%arg0, %dma_start3A_154, %dma_start3A_155] : memref<2x10000x128xf32, #tpu.memory_space<hbm>> -> memref<1x10000x128xf32, #tpu.memory_space<hbm>>
        %dma_start3A_157 = tpu.memref_squeeze %dma_start3A_156 : memref<1x10000x128xf32, #tpu.memory_space<hbm>> -> memref<10000x128xf32, #tpu.memory_space<hbm>>
        %dma_start3A_158 = arith.constant 0 : i32
        %dma_start3A_159 = arith.constant 0 : i32
        %dma_start3A_160 = tpu.memref_slice %dma_start3A_157[%dma_start3A_158, %dma_start3A_159] : memref<10000x128xf32, #tpu.memory_space<hbm>> -> memref<10000x128xf32, #tpu.memory_space<hbm>>
        tpu.enqueue_indirect_dma source(%dma_start3A_160 : memref<10000x128xf32, #tpu.memory_space<hbm>>) target(%arg8 : memref<128x128xf32, #tpu.memory_space<vmem>>) offsets(%dma_start3A_153 : memref<128xi32, #tpu.memory_space<vmem>>) semaphore(%arg11 : memref<!tpu.dma_semaphore, #tpu.memory_space<semaphore_mem>>)
      } else {
      }
      %scan3A_148 = arith.constant 0 : i32
      scf.yield %scan3A_148 : i32
    }
    %scan3A_45 = arith.constant 20 : i32
    %dma_wait3A = arith.constant 39 : i32
    %dma_wait3A_46 = arith.constant 0 : i32
    %dma_wait3A_47 = tpu.memref_slice %arg7[%dma_wait3A, %dma_wait3A_46] : memref<40x128xi32, #tpu.memory_space<vmem>> -> memref<1x128xi32, #tpu.memory_space<vmem>>
    %dma_wait3A_48 = tpu.memref_squeeze %dma_wait3A_47 : memref<1x128xi32, #tpu.memory_space<vmem>> -> memref<128xi32, #tpu.memory_space<vmem>>
    %dma_wait3A_49 = arith.constant 0 : i32
    %dma_wait3A_50 = arith.constant 0 : i32
    %dma_wait3A_51 = tpu.memref_slice %arg10[%dma_wait3A_49, %dma_wait3A_50] : memref<10240x128xf32, #tpu.memory_space<vmem_shared>> -> memref<10240x128xf32, #tpu.memory_space<vmem_shared>>
    tpu.wait_indirect_dma semaphore(%arg14 : memref<!tpu.dma_semaphore, #tpu.memory_space<semaphore_mem>>) src(%arg9 : memref<128x128xf32, #tpu.memory_space<vmem>>) dst(%dma_wait3A_51 : memref<10240x128xf32, #tpu.memory_space<vmem_shared>>)
    %mul3A_52 = arith.constant 80 : i32
    %mul3A_53 = arith.muli %arg1, %mul3A_52 : i32
    %add3A_54 = arith.constant 40 : i32
    %add3A_55 = arith.addi %mul3A_53, %add3A_54 : i32
    "tpu.region"() ({
      %run_scoped3A = tpu.sem_alloc : memref<!tpu.dma_semaphore, #tpu.memory_space<semaphore_mem>>
      %dma_start3A_86 = arith.constant 0 : i32
      %dma_start3A_87 = tpu.memref_slice %arg3[%add3A_55, %dma_start3A_86] : memref<1280x128xi32, #tpu.memory_space<hbm>> -> memref<40x128xi32, #tpu.memory_space<hbm>>
      %dma_start3A_88 = arith.constant 0 : i32
      %dma_start3A_89 = tpu.memref_slice %arg3[%add3A_55, %dma_start3A_88] : memref<1280x128xi32, #tpu.memory_space<hbm>> -> memref<40x128xi32, #tpu.memory_space<hbm>>
      tpu.enqueue_dma source(%dma_start3A_89 : memref<40x128xi32, #tpu.memory_space<hbm>>) target(%arg6 : memref<40x128xi32, #tpu.memory_space<vmem>>) target_semaphore(%run_scoped3A : memref<!tpu.dma_semaphore, #tpu.memory_space<semaphore_mem>>)
      %dma_wait3A_90 = arith.constant 0 : i32
      %dma_wait3A_91 = tpu.memref_slice %arg3[%add3A_55, %dma_wait3A_90] : memref<1280x128xi32, #tpu.memory_space<hbm>> -> memref<40x128xi32, #tpu.memory_space<hbm>>
      %dma_wait3A_92 = arith.constant 0 : i32
      %dma_wait3A_93 = tpu.memref_slice %arg3[%add3A_55, %dma_wait3A_92] : memref<1280x128xi32, #tpu.memory_space<hbm>> -> memref<40x128xi32, #tpu.memory_space<hbm>>
      tpu.wait_dma2 semaphore(%run_scoped3A : memref<!tpu.dma_semaphore, #tpu.memory_space<semaphore_mem>>) src(%dma_wait3A_93 : memref<40x128xi32, #tpu.memory_space<hbm>>) dst(%arg6 : memref<40x128xi32, #tpu.memory_space<vmem>>)
      tpu.yield
    }) : () -> ()
    "tpu.region"() ({
      %run_scoped3A = tpu.sem_alloc : memref<!tpu.dma_semaphore, #tpu.memory_space<semaphore_mem>>
      %dma_start3A_86 = arith.constant 0 : i32
      %dma_start3A_87 = tpu.memref_slice %arg4[%add3A_55, %dma_start3A_86] : memref<1280x128xi32, #tpu.memory_space<hbm>> -> memref<40x128xi32, #tpu.memory_space<hbm>>
      %dma_start3A_88 = arith.constant 0 : i32
      %dma_start3A_89 = tpu.memref_slice %arg4[%add3A_55, %dma_start3A_88] : memref<1280x128xi32, #tpu.memory_space<hbm>> -> memref<40x128xi32, #tpu.memory_space<hbm>>
      tpu.enqueue_dma source(%dma_start3A_89 : memref<40x128xi32, #tpu.memory_space<hbm>>) target(%arg7 : memref<40x128xi32, #tpu.memory_space<vmem>>) target_semaphore(%run_scoped3A : memref<!tpu.dma_semaphore, #tpu.memory_space<semaphore_mem>>)
      %dma_wait3A_90 = arith.constant 0 : i32
      %dma_wait3A_91 = tpu.memref_slice %arg4[%add3A_55, %dma_wait3A_90] : memref<1280x128xi32, #tpu.memory_space<hbm>> -> memref<40x128xi32, #tpu.memory_space<hbm>>
      %dma_wait3A_92 = arith.constant 0 : i32
      %dma_wait3A_93 = tpu.memref_slice %arg4[%add3A_55, %dma_wait3A_92] : memref<1280x128xi32, #tpu.memory_space<hbm>> -> memref<40x128xi32, #tpu.memory_space<hbm>>
      tpu.wait_dma2 semaphore(%run_scoped3A : memref<!tpu.dma_semaphore, #tpu.memory_space<semaphore_mem>>) src(%dma_wait3A_93 : memref<40x128xi32, #tpu.memory_space<hbm>>) dst(%arg7 : memref<40x128xi32, #tpu.memory_space<vmem>>)
      tpu.yield
    }) : () -> ()
    %dma_start3A_56 = arith.constant 0 : i32
    %dma_start3A_57 = arith.constant 0 : i32
    %dma_start3A_58 = tpu.memref_slice %arg6[%dma_start3A_56, %dma_start3A_57] : memref<40x128xi32, #tpu.memory_space<vmem>> -> memref<1x128xi32, #tpu.memory_space<vmem>>
    %dma_start3A_59 = tpu.memref_squeeze %dma_start3A_58 : memref<1x128xi32, #tpu.memory_space<vmem>> -> memref<128xi32, #tpu.memory_space<vmem>>
    %dma_start3A_60 = arith.constant 0 : i32
    %dma_start3A_61 = arith.constant 0 : i32
    %dma_start3A_62 = tpu.memref_slice %arg2[%arg0, %dma_start3A_60, %dma_start3A_61] : memref<2x10000x128xf32, #tpu.memory_space<hbm>> -> memref<1x10000x128xf32, #tpu.memory_space<hbm>>
    %dma_start3A_63 = tpu.memref_squeeze %dma_start3A_62 : memref<1x10000x128xf32, #tpu.memory_space<hbm>> -> memref<10000x128xf32, #tpu.memory_space<hbm>>
    %dma_start3A_64 = arith.constant 0 : i32
    %dma_start3A_65 = arith.constant 0 : i32
    %dma_start3A_66 = tpu.memref_slice %dma_start3A_63[%dma_start3A_64, %dma_start3A_65] : memref<10000x128xf32, #tpu.memory_space<hbm>> -> memref<10000x128xf32, #tpu.memory_space<hbm>>
    tpu.enqueue_indirect_dma source(%dma_start3A_66 : memref<10000x128xf32, #tpu.memory_space<hbm>>) target(%arg8 : memref<128x128xf32, #tpu.memory_space<vmem>>) offsets(%dma_start3A_59 : memref<128xi32, #tpu.memory_space<vmem>>) semaphore(%arg11 : memref<!tpu.dma_semaphore, #tpu.memory_space<semaphore_mem>>)
    %scan3A_67 = arith.constant 0 : i32
    %scan3A_68 = arith.constant 0 : i32
    %scan3A_69 = arith.constant 20 : i32
    %scan3A_70 = arith.addi %scan3A_68, %scan3A_69 : i32
    %scan3A_71 = arith.constant 1 : i32
    %scan3A_72 = scf.for %scan3A_86 = %scan3A_68 to %scan3A_70 step %scan3A_71 iter_args(%scan3A_87 = %scan3A_67) -> (i32)  : i32 {
      %mul3A_88 = arith.constant 2 : i32
      %mul3A_89 = arith.muli %scan3A_86, %mul3A_88 : i32
      %add3A_90 = arith.constant 0 : i32
      %add3A_91 = arith.addi %mul3A_89, %add3A_90 : i32
      %dma_wait3A_92 = arith.constant 0 : i32
      %dma_wait3A_93 = tpu.memref_slice %arg6[%add3A_91, %dma_wait3A_92] : memref<40x128xi32, #tpu.memory_space<vmem>> -> memref<1x128xi32, #tpu.memory_space<vmem>>
      %dma_wait3A_94 = tpu.memref_squeeze %dma_wait3A_93 : memref<1x128xi32, #tpu.memory_space<vmem>> -> memref<128xi32, #tpu.memory_space<vmem>>
      %dma_wait3A_95 = arith.constant 0 : i32
      %dma_wait3A_96 = arith.constant 0 : i32
      %dma_wait3A_97 = tpu.memref_slice %arg2[%arg0, %dma_wait3A_95, %dma_wait3A_96] : memref<2x10000x128xf32, #tpu.memory_space<hbm>> -> memref<1x10000x128xf32, #tpu.memory_space<hbm>>
      %dma_wait3A_98 = tpu.memref_squeeze %dma_wait3A_97 : memref<1x10000x128xf32, #tpu.memory_space<hbm>> -> memref<10000x128xf32, #tpu.memory_space<hbm>>
      %dma_wait3A_99 = arith.constant 0 : i32
      %dma_wait3A_100 = arith.constant 0 : i32
      %dma_wait3A_101 = tpu.memref_slice %dma_wait3A_98[%dma_wait3A_99, %dma_wait3A_100] : memref<10000x128xf32, #tpu.memory_space<hbm>> -> memref<10000x128xf32, #tpu.memory_space<hbm>>
      tpu.wait_indirect_dma semaphore(%arg11 : memref<!tpu.dma_semaphore, #tpu.memory_space<semaphore_mem>>) src(%dma_wait3A_101 : memref<10000x128xf32, #tpu.memory_space<hbm>>) dst(%arg8 : memref<128x128xf32, #tpu.memory_space<vmem>>)
      %dma_start3A_102 = arith.constant 0 : i32
      %dma_start3A_103 = tpu.memref_slice %arg7[%add3A_91, %dma_start3A_102] : memref<40x128xi32, #tpu.memory_space<vmem>> -> memref<1x128xi32, #tpu.memory_space<vmem>>
      %dma_start3A_104 = tpu.memref_squeeze %dma_start3A_103 : memref<1x128xi32, #tpu.memory_space<vmem>> -> memref<128xi32, #tpu.memory_space<vmem>>
      %dma_start3A_105 = arith.constant 0 : i32
      %dma_start3A_106 = arith.constant 0 : i32
      %dma_start3A_107 = tpu.memref_slice %arg10[%dma_start3A_105, %dma_start3A_106] : memref<10240x128xf32, #tpu.memory_space<vmem_shared>> -> memref<10240x128xf32, #tpu.memory_space<vmem_shared>>
      tpu.enqueue_indirect_dma source(%arg8 : memref<128x128xf32, #tpu.memory_space<vmem>>) target(%dma_start3A_107 : memref<10240x128xf32, #tpu.memory_space<vmem_shared>>) offsets(%dma_start3A_104 : memref<128xi32, #tpu.memory_space<vmem>>) semaphore(%arg13 : memref<!tpu.dma_semaphore, #tpu.memory_space<semaphore_mem>>) {add = true}
      %ge3A = arith.constant 1 : i32
      %ge3A_108 = arith.cmpi sge, %add3A_91, %ge3A : i32
      %convert_element_type3A = arith.extui %ge3A_108 : i1 to i32
      %cond3A = arith.constant 0 : i32
      %cond3A_109 = arith.cmpi ne, %convert_element_type3A, %cond3A : i32
      scf.if %cond3A_109 {
        %sub3A = arith.constant 1 : i32
        %sub3A_149 = arith.subi %add3A_91, %sub3A : i32
        %dma_wait3A_150 = arith.constant 0 : i32
        %dma_wait3A_151 = tpu.memref_slice %arg7[%sub3A_149, %dma_wait3A_150] : memref<40x128xi32, #tpu.memory_space<vmem>> -> memref<1x128xi32, #tpu.memory_space<vmem>>
        %dma_wait3A_152 = tpu.memref_squeeze %dma_wait3A_151 : memref<1x128xi32, #tpu.memory_space<vmem>> -> memref<128xi32, #tpu.memory_space<vmem>>
        %dma_wait3A_153 = arith.constant 0 : i32
        %dma_wait3A_154 = arith.constant 0 : i32
        %dma_wait3A_155 = tpu.memref_slice %arg10[%dma_wait3A_153, %dma_wait3A_154] : memref<10240x128xf32, #tpu.memory_space<vmem_shared>> -> memref<10240x128xf32, #tpu.memory_space<vmem_shared>>
        tpu.wait_indirect_dma semaphore(%arg14 : memref<!tpu.dma_semaphore, #tpu.memory_space<semaphore_mem>>) src(%arg9 : memref<128x128xf32, #tpu.memory_space<vmem>>) dst(%dma_wait3A_155 : memref<10240x128xf32, #tpu.memory_space<vmem_shared>>)
      } else {
      }
      %add3A_110 = arith.constant 1 : i32
      %add3A_111 = arith.addi %add3A_91, %add3A_110 : i32
      %lt3A = arith.constant 40 : i32
      %lt3A_112 = arith.cmpi slt, %add3A_111, %lt3A : i32
      %convert_element_type3A_113 = arith.extui %lt3A_112 : i1 to i32
      %cond3A_114 = arith.constant 0 : i32
      %cond3A_115 = arith.cmpi ne, %convert_element_type3A_113, %cond3A_114 : i32
      scf.if %cond3A_115 {
        %add3A_149 = arith.constant 1 : i32
        %add3A_150 = arith.addi %add3A_91, %add3A_149 : i32
        %dma_start3A_151 = arith.constant 0 : i32
        %dma_start3A_152 = tpu.memref_slice %arg6[%add3A_150, %dma_start3A_151] : memref<40x128xi32, #tpu.memory_space<vmem>> -> memref<1x128xi32, #tpu.memory_space<vmem>>
        %dma_start3A_153 = tpu.memref_squeeze %dma_start3A_152 : memref<1x128xi32, #tpu.memory_space<vmem>> -> memref<128xi32, #tpu.memory_space<vmem>>
        %dma_start3A_154 = arith.constant 0 : i32
        %dma_start3A_155 = arith.constant 0 : i32
        %dma_start3A_156 = tpu.memref_slice %arg2[%arg0, %dma_start3A_154, %dma_start3A_155] : memref<2x10000x128xf32, #tpu.memory_space<hbm>> -> memref<1x10000x128xf32, #tpu.memory_space<hbm>>
        %dma_start3A_157 = tpu.memref_squeeze %dma_start3A_156 : memref<1x10000x128xf32, #tpu.memory_space<hbm>> -> memref<10000x128xf32, #tpu.memory_space<hbm>>
        %dma_start3A_158 = arith.constant 0 : i32
        %dma_start3A_159 = arith.constant 0 : i32
        %dma_start3A_160 = tpu.memref_slice %dma_start3A_157[%dma_start3A_158, %dma_start3A_159] : memref<10000x128xf32, #tpu.memory_space<hbm>> -> memref<10000x128xf32, #tpu.memory_space<hbm>>
        tpu.enqueue_indirect_dma source(%dma_start3A_160 : memref<10000x128xf32, #tpu.memory_space<hbm>>) target(%arg9 : memref<128x128xf32, #tpu.memory_space<vmem>>) offsets(%dma_start3A_153 : memref<128xi32, #tpu.memory_space<vmem>>) semaphore(%arg12 : memref<!tpu.dma_semaphore, #tpu.memory_space<semaphore_mem>>)
      } else {
      }
      %mul3A_116 = arith.constant 2 : i32
      %mul3A_117 = arith.muli %scan3A_86, %mul3A_116 : i32
      %add3A_118 = arith.constant 1 : i32
      %add3A_119 = arith.addi %mul3A_117, %add3A_118 : i32
      %dma_wait3A_120 = arith.constant 0 : i32
      %dma_wait3A_121 = tpu.memref_slice %arg6[%add3A_119, %dma_wait3A_120] : memref<40x128xi32, #tpu.memory_space<vmem>> -> memref<1x128xi32, #tpu.memory_space<vmem>>
      %dma_wait3A_122 = tpu.memref_squeeze %dma_wait3A_121 : memref<1x128xi32, #tpu.memory_space<vmem>> -> memref<128xi32, #tpu.memory_space<vmem>>
      %dma_wait3A_123 = arith.constant 0 : i32
      %dma_wait3A_124 = arith.constant 0 : i32
      %dma_wait3A_125 = tpu.memref_slice %arg2[%arg0, %dma_wait3A_123, %dma_wait3A_124] : memref<2x10000x128xf32, #tpu.memory_space<hbm>> -> memref<1x10000x128xf32, #tpu.memory_space<hbm>>
      %dma_wait3A_126 = tpu.memref_squeeze %dma_wait3A_125 : memref<1x10000x128xf32, #tpu.memory_space<hbm>> -> memref<10000x128xf32, #tpu.memory_space<hbm>>
      %dma_wait3A_127 = arith.constant 0 : i32
      %dma_wait3A_128 = arith.constant 0 : i32
      %dma_wait3A_129 = tpu.memref_slice %dma_wait3A_126[%dma_wait3A_127, %dma_wait3A_128] : memref<10000x128xf32, #tpu.memory_space<hbm>> -> memref<10000x128xf32, #tpu.memory_space<hbm>>
      tpu.wait_indirect_dma semaphore(%arg12 : memref<!tpu.dma_semaphore, #tpu.memory_space<semaphore_mem>>) src(%dma_wait3A_129 : memref<10000x128xf32, #tpu.memory_space<hbm>>) dst(%arg9 : memref<128x128xf32, #tpu.memory_space<vmem>>)
      %dma_start3A_130 = arith.constant 0 : i32
      %dma_start3A_131 = tpu.memref_slice %arg7[%add3A_119, %dma_start3A_130] : memref<40x128xi32, #tpu.memory_space<vmem>> -> memref<1x128xi32, #tpu.memory_space<vmem>>
      %dma_start3A_132 = tpu.memref_squeeze %dma_start3A_131 : memref<1x128xi32, #tpu.memory_space<vmem>> -> memref<128xi32, #tpu.memory_space<vmem>>
      %dma_start3A_133 = arith.constant 0 : i32
      %dma_start3A_134 = arith.constant 0 : i32
      %dma_start3A_135 = tpu.memref_slice %arg10[%dma_start3A_133, %dma_start3A_134] : memref<10240x128xf32, #tpu.memory_space<vmem_shared>> -> memref<10240x128xf32, #tpu.memory_space<vmem_shared>>
      tpu.enqueue_indirect_dma source(%arg9 : memref<128x128xf32, #tpu.memory_space<vmem>>) target(%dma_start3A_135 : memref<10240x128xf32, #tpu.memory_space<vmem_shared>>) offsets(%dma_start3A_132 : memref<128xi32, #tpu.memory_space<vmem>>) semaphore(%arg14 : memref<!tpu.dma_semaphore, #tpu.memory_space<semaphore_mem>>) {add = true}
      %ge3A_136 = arith.constant 1 : i32
      %ge3A_137 = arith.cmpi sge, %add3A_119, %ge3A_136 : i32
      %convert_element_type3A_138 = arith.extui %ge3A_137 : i1 to i32
      %cond3A_139 = arith.constant 0 : i32
      %cond3A_140 = arith.cmpi ne, %convert_element_type3A_138, %cond3A_139 : i32
      scf.if %cond3A_140 {
        %sub3A = arith.constant 1 : i32
        %sub3A_149 = arith.subi %add3A_119, %sub3A : i32
        %dma_wait3A_150 = arith.constant 0 : i32
        %dma_wait3A_151 = tpu.memref_slice %arg7[%sub3A_149, %dma_wait3A_150] : memref<40x128xi32, #tpu.memory_space<vmem>> -> memref<1x128xi32, #tpu.memory_space<vmem>>
        %dma_wait3A_152 = tpu.memref_squeeze %dma_wait3A_151 : memref<1x128xi32, #tpu.memory_space<vmem>> -> memref<128xi32, #tpu.memory_space<vmem>>
        %dma_wait3A_153 = arith.constant 0 : i32
        %dma_wait3A_154 = arith.constant 0 : i32
        %dma_wait3A_155 = tpu.memref_slice %arg10[%dma_wait3A_153, %dma_wait3A_154] : memref<10240x128xf32, #tpu.memory_space<vmem_shared>> -> memref<10240x128xf32, #tpu.memory_space<vmem_shared>>
        tpu.wait_indirect_dma semaphore(%arg13 : memref<!tpu.dma_semaphore, #tpu.memory_space<semaphore_mem>>) src(%arg8 : memref<128x128xf32, #tpu.memory_space<vmem>>) dst(%dma_wait3A_155 : memref<10240x128xf32, #tpu.memory_space<vmem_shared>>)
      } else {
      }
      %add3A_141 = arith.constant 1 : i32
      %add3A_142 = arith.addi %add3A_119, %add3A_141 : i32
      %lt3A_143 = arith.constant 40 : i32
      %lt3A_144 = arith.cmpi slt, %add3A_142, %lt3A_143 : i32
      %convert_element_type3A_145 = arith.extui %lt3A_144 : i1 to i32
      %cond3A_146 = arith.constant 0 : i32
      %cond3A_147 = arith.cmpi ne, %convert_element_type3A_145, %cond3A_146 : i32
      scf.if %cond3A_147 {
        %add3A_149 = arith.constant 1 : i32
        %add3A_150 = arith.addi %add3A_119, %add3A_149 : i32
        %dma_start3A_151 = arith.constant 0 : i32
        %dma_start3A_152 = tpu.memref_slice %arg6[%add3A_150, %dma_start3A_151] : memref<40x128xi32, #tpu.memory_space<vmem>> -> memref<1x128xi32, #tpu.memory_space<vmem>>
        %dma_start3A_153 = tpu.memref_squeeze %dma_start3A_152 : memref<1x128xi32, #tpu.memory_space<vmem>> -> memref<128xi32, #tpu.memory_space<vmem>>
        %dma_start3A_154 = arith.constant 0 : i32
        %dma_start3A_155 = arith.constant 0 : i32
        %dma_start3A_156 = tpu.memref_slice %arg2[%arg0, %dma_start3A_154, %dma_start3A_155] : memref<2x10000x128xf32, #tpu.memory_space<hbm>> -> memref<1x10000x128xf32, #tpu.memory_space<hbm>>
        %dma_start3A_157 = tpu.memref_squeeze %dma_start3A_156 : memref<1x10000x128xf32, #tpu.memory_space<hbm>> -> memref<10000x128xf32, #tpu.memory_space<hbm>>
        %dma_start3A_158 = arith.constant 0 : i32
        %dma_start3A_159 = arith.constant 0 : i32
        %dma_start3A_160 = tpu.memref_slice %dma_start3A_157[%dma_start3A_158, %dma_start3A_159] : memref<10000x128xf32, #tpu.memory_space<hbm>> -> memref<10000x128xf32, #tpu.memory_space<hbm>>
        tpu.enqueue_indirect_dma source(%dma_start3A_160 : memref<10000x128xf32, #tpu.memory_space<hbm>>) target(%arg8 : memref<128x128xf32, #tpu.memory_space<vmem>>) offsets(%dma_start3A_153 : memref<128xi32, #tpu.memory_space<vmem>>) semaphore(%arg11 : memref<!tpu.dma_semaphore, #tpu.memory_space<semaphore_mem>>)
      } else {
      }
      %scan3A_148 = arith.constant 0 : i32
      scf.yield %scan3A_148 : i32
    }
    %scan3A_73 = arith.constant 20 : i32
    %dma_wait3A_74 = arith.constant 39 : i32
    %dma_wait3A_75 = arith.constant 0 : i32
    %dma_wait3A_76 = tpu.memref_slice %arg7[%dma_wait3A_74, %dma_wait3A_75] : memref<40x128xi32, #tpu.memory_space<vmem>> -> memref<1x128xi32, #tpu.memory_space<vmem>>
    %dma_wait3A_77 = tpu.memref_squeeze %dma_wait3A_76 : memref<1x128xi32, #tpu.memory_space<vmem>> -> memref<128xi32, #tpu.memory_space<vmem>>
    %dma_wait3A_78 = arith.constant 0 : i32
    %dma_wait3A_79 = arith.constant 0 : i32
    %dma_wait3A_80 = tpu.memref_slice %arg10[%dma_wait3A_78, %dma_wait3A_79] : memref<10240x128xf32, #tpu.memory_space<vmem_shared>> -> memref<10240x128xf32, #tpu.memory_space<vmem_shared>>
    tpu.wait_indirect_dma semaphore(%arg14 : memref<!tpu.dma_semaphore, #tpu.memory_space<semaphore_mem>>) src(%arg9 : memref<128x128xf32, #tpu.memory_space<vmem>>) dst(%dma_wait3A_80 : memref<10240x128xf32, #tpu.memory_space<vmem_shared>>)
    %barrier3A_81 = arith.constant 0 : index
    tpu.barrier barrier_id(%barrier3A_81)
    %mul3A_82 = arith.constant 640 : i32
    %mul3A_83 = arith.muli %arg1, %mul3A_82 : i32
    %mul3A_84 = arith.constant 640 : i32
    %mul3A_85 = arith.muli %arg1, %mul3A_84 : i32
    "tpu.region"() ({
      %run_scoped3A = tpu.sem_alloc : memref<!tpu.dma_semaphore, #tpu.memory_space<semaphore_mem>>
      %dma_start3A_86 = arith.constant 0 : i32
      %dma_start3A_87 = tpu.memref_slice %arg5[%arg0, %mul3A_85, %dma_start3A_86] : memref<2x10240x128xf32, #tpu.memory_space<hbm>> -> memref<1x640x128xf32, #tpu.memory_space<hbm>>
      %dma_start3A_88 = tpu.memref_squeeze %dma_start3A_87 : memref<1x640x128xf32, #tpu.memory_space<hbm>> -> memref<640x128xf32, #tpu.memory_space<hbm>>
      %dma_start3A_89 = arith.constant 0 : i32
      %dma_start3A_90 = tpu.memref_slice %arg10[%mul3A_83, %dma_start3A_89] : memref<10240x128xf32, #tpu.memory_space<vmem_shared>> -> memref<640x128xf32, #tpu.memory_space<vmem_shared>>
      tpu.enqueue_dma source(%dma_start3A_90 : memref<640x128xf32, #tpu.memory_space<vmem_shared>>) target(%dma_start3A_88 : memref<640x128xf32, #tpu.memory_space<hbm>>) target_semaphore(%run_scoped3A : memref<!tpu.dma_semaphore, #tpu.memory_space<semaphore_mem>>)
      %dma_wait3A_91 = arith.constant 0 : i32
      %dma_wait3A_92 = tpu.memref_slice %arg5[%arg0, %mul3A_85, %dma_wait3A_91] : memref<2x10240x128xf32, #tpu.memory_space<hbm>> -> memref<1x640x128xf32, #tpu.memory_space<hbm>>
      %dma_wait3A_93 = tpu.memref_squeeze %dma_wait3A_92 : memref<1x640x128xf32, #tpu.memory_space<hbm>> -> memref<640x128xf32, #tpu.memory_space<hbm>>
      %dma_wait3A_94 = arith.constant 0 : i32
      %dma_wait3A_95 = tpu.memref_slice %arg10[%mul3A_83, %dma_wait3A_94] : memref<10240x128xf32, #tpu.memory_space<vmem_shared>> -> memref<640x128xf32, #tpu.memory_space<vmem_shared>>
      tpu.wait_dma2 semaphore(%run_scoped3A : memref<!tpu.dma_semaphore, #tpu.memory_space<semaphore_mem>>) src(%dma_wait3A_95 : memref<640x128xf32, #tpu.memory_space<vmem_shared>>) dst(%dma_wait3A_93 : memref<640x128xf32, #tpu.memory_space<hbm>>)
      tpu.yield
    }) : () -> ()
    return
  }
}

module attributes {stable_mosaic.version = 14 : i64} {
  func.func @_tc_body(%arg0: i32, %arg1: memref<2x400x128xf32, #tpu.memory_space<vmem>>, %arg2: memref<2x400x1xf32, #tpu.memory_space<vmem>>, %arg3: memref<2x400x128xf32, #tpu.memory_space<vmem>>, %arg4: memref<256x256xf32, #tpu.memory_space<vmem>>, %arg5: memref<256x256xf32, #tpu.memory_space<vmem>>, %arg6: memref<256xf32, #tpu.memory_space<vmem>>, %arg7: memref<2x400x128xf32, #tpu.memory_space<vmem>>) attributes {dimension_semantics = [#tpu.dimension_semantics<arbitrary>], iteration_bounds = array<i64: 25>, scalar_prefetch = 0 : i64, scratch_operands = 0 : i64, tpu.core_type = #tpu.core_type<tc>, window_params = [{transform_indices = @transform_0, window_bounds = array<i64: 2, 400, 128>}, {transform_indices = @transform_1, window_bounds = array<i64: 2, 400, 1>}, {transform_indices = @transform_2, window_bounds = array<i64: 2, 400, 128>}, {pipeline_mode = #tpu.pipeline_mode<synchronous>, transform_indices = @transform_3, window_bounds = array<i64: 256, 256>}, {pipeline_mode = #tpu.pipeline_mode<synchronous>, transform_indices = @transform_4, window_bounds = array<i64: 256, 256>}, {pipeline_mode = #tpu.pipeline_mode<synchronous>, transform_indices = @transform_5, window_bounds = array<i64: 256>}, {transform_indices = @transform_6, window_bounds = array<i64: 2, 400, 128>}]} {
    %get3A = arith.constant 0 : index
    %get3A_0 = arith.constant 0 : index
    %get3A_1 = arith.constant 0 : index
    %get3A_2 = vector.load %arg2[%get3A, %get3A_0, %get3A_1] : memref<2x400x1xf32, #tpu.memory_space<vmem>>, vector<1x400x1xf32>
    %get3A_3 = vector.shape_cast %get3A_2 : vector<1x400x1xf32> to vector<400xf32>
    %get3A_4 = arith.constant 1 : index
    %get3A_5 = arith.constant 0 : index
    %get3A_6 = arith.constant 0 : index
    %get3A_7 = vector.load %arg2[%get3A_4, %get3A_5, %get3A_6] : memref<2x400x1xf32, #tpu.memory_space<vmem>>, vector<1x400x1xf32>
    %get3A_8 = vector.shape_cast %get3A_7 : vector<1x400x1xf32> to vector<400xf32>
    %add3A = arith.addf %get3A_3, %get3A_8 : vector<400xf32>
    %max3A = arith.constant 1.000000e+00 : f32
    %max3A_9 = vector.broadcast %max3A : f32 to vector<400xf32>
    %max3A_10 = arith.maximumf %add3A, %max3A_9 : vector<400xf32>
    %div3A = arith.constant 1.000000e+00 : f32
    %div3A_11 = vector.broadcast %div3A : f32 to vector<400xf32>
    %div3A_12 = arith.divf %div3A_11, %max3A_10 : vector<400xf32>
    %get3A_13 = arith.constant 0 : index
    %get3A_14 = arith.constant 0 : index
    %get3A_15 = arith.constant 0 : index
    %get3A_16 = vector.load %arg1[%get3A_13, %get3A_14, %get3A_15] : memref<2x400x128xf32, #tpu.memory_space<vmem>>, vector<1x400x128xf32>
    %get3A_17 = vector.shape_cast %get3A_16 : vector<1x400x128xf32> to vector<400x128xf32>
    %broadcast_in_dim3A = vector.shape_cast %div3A_12 : vector<400xf32> to vector<400x1xf32>
    %mul3A = vector.broadcast %broadcast_in_dim3A : vector<400x1xf32> to vector<400x128xf32>
    %mul3A_18 = arith.mulf %get3A_17, %mul3A : vector<400x128xf32>
    %get3A_19 = arith.constant 1 : index
    %get3A_20 = arith.constant 0 : index
    %get3A_21 = arith.constant 0 : index
    %get3A_22 = vector.load %arg1[%get3A_19, %get3A_20, %get3A_21] : memref<2x400x128xf32, #tpu.memory_space<vmem>>, vector<1x400x128xf32>
    %get3A_23 = vector.shape_cast %get3A_22 : vector<1x400x128xf32> to vector<400x128xf32>
    %broadcast_in_dim3A_24 = vector.shape_cast %div3A_12 : vector<400xf32> to vector<400x1xf32>
    %mul3A_25 = vector.broadcast %broadcast_in_dim3A_24 : vector<400x1xf32> to vector<400x128xf32>
    %mul3A_26 = arith.mulf %get3A_23, %mul3A_25 : vector<400x128xf32>
    %get3A_27 = arith.constant 0 : index
    %get3A_28 = arith.constant 0 : index
    %get3A_29 = vector.load %arg4[%get3A_27, %get3A_28] : memref<256x256xf32, #tpu.memory_space<vmem>>, vector<128x256xf32>
    %dot_general3A = arith.constant dense<0.000000e+00> : vector<400x256xf32>
    %dot_general3A_30 = tpu.matmul %mul3A_18, %get3A_29, %dot_general3A {dimension_numbers = #tpu.dot_dimension_numbers<[1], [0], [0], [1], [0, 0, 1, 1], [], []>, transpose_lhs_hint = false} : vector<400x128xf32>, vector<128x256xf32>, vector<400x256xf32> -> vector<400x256xf32>
    %get3A_31 = arith.constant 128 : index
    %get3A_32 = arith.constant 0 : index
    %get3A_33 = vector.load %arg4[%get3A_31, %get3A_32] : memref<256x256xf32, #tpu.memory_space<vmem>>, vector<128x256xf32>
    %dot_general3A_34 = arith.constant dense<0.000000e+00> : vector<400x256xf32>
    %dot_general3A_35 = tpu.matmul %mul3A_26, %get3A_33, %dot_general3A_34 {dimension_numbers = #tpu.dot_dimension_numbers<[1], [0], [0], [1], [0, 0, 1, 1], [], []>, transpose_lhs_hint = false} : vector<400x128xf32>, vector<128x256xf32>, vector<400x256xf32> -> vector<400x256xf32>
    %add3A_36 = arith.addf %dot_general3A_30, %dot_general3A_35 : vector<400x256xf32>
    %get3A_37 = arith.constant 0 : index
    %get3A_38 = arith.constant 0 : index
    %get3A_39 = arith.constant 0 : index
    %get3A_40 = vector.load %arg3[%get3A_37, %get3A_38, %get3A_39] : memref<2x400x128xf32, #tpu.memory_space<vmem>>, vector<1x400x128xf32>
    %get3A_41 = vector.shape_cast %get3A_40 : vector<1x400x128xf32> to vector<400x128xf32>
    %get3A_42 = arith.constant 0 : index
    %get3A_43 = arith.constant 0 : index
    %get3A_44 = vector.load %arg5[%get3A_42, %get3A_43] : memref<256x256xf32, #tpu.memory_space<vmem>>, vector<128x256xf32>
    %dot_general3A_45 = arith.constant dense<0.000000e+00> : vector<400x256xf32>
    %dot_general3A_46 = tpu.matmul %get3A_41, %get3A_44, %dot_general3A_45 {dimension_numbers = #tpu.dot_dimension_numbers<[1], [0], [0], [1], [0, 0, 1, 1], [], []>, transpose_lhs_hint = false} : vector<400x128xf32>, vector<128x256xf32>, vector<400x256xf32> -> vector<400x256xf32>
    %add3A_47 = arith.addf %add3A_36, %dot_general3A_46 : vector<400x256xf32>
    %get3A_48 = arith.constant 1 : index
    %get3A_49 = arith.constant 0 : index
    %get3A_50 = arith.constant 0 : index
    %get3A_51 = vector.load %arg3[%get3A_48, %get3A_49, %get3A_50] : memref<2x400x128xf32, #tpu.memory_space<vmem>>, vector<1x400x128xf32>
    %get3A_52 = vector.shape_cast %get3A_51 : vector<1x400x128xf32> to vector<400x128xf32>
    %get3A_53 = arith.constant 128 : index
    %get3A_54 = arith.constant 0 : index
    %get3A_55 = vector.load %arg5[%get3A_53, %get3A_54] : memref<256x256xf32, #tpu.memory_space<vmem>>, vector<128x256xf32>
    %dot_general3A_56 = arith.constant dense<0.000000e+00> : vector<400x256xf32>
    %dot_general3A_57 = tpu.matmul %get3A_52, %get3A_55, %dot_general3A_56 {dimension_numbers = #tpu.dot_dimension_numbers<[1], [0], [0], [1], [0, 0, 1, 1], [], []>, transpose_lhs_hint = false} : vector<400x128xf32>, vector<128x256xf32>, vector<400x256xf32> -> vector<400x256xf32>
    %add3A_58 = arith.addf %add3A_47, %dot_general3A_57 : vector<400x256xf32>
    %get3A_59 = arith.constant 0 : index
    %get3A_60 = vector.load %arg6[%get3A_59] : memref<256xf32, #tpu.memory_space<vmem>>, vector<256xf32>
    %broadcast_in_dim3A_61 = vector.shape_cast %get3A_60 : vector<256xf32> to vector<1x256xf32>
    %add3A_62 = vector.broadcast %broadcast_in_dim3A_61 : vector<1x256xf32> to vector<400x256xf32>
    %add3A_63 = arith.addf %add3A_58, %add3A_62 : vector<400x256xf32>
    %max3A_64 = arith.constant 0.000000e+00 : f32
    %max3A_65 = vector.broadcast %max3A_64 : f32 to vector<400x256xf32>
    %max3A_66 = arith.maximumf %add3A_63, %max3A_65 : vector<400x256xf32>
    %slice3A = vector.extract_strided_slice %max3A_66 {offsets = [0, 0], sizes = [400, 128], strides = [1, 1]} : vector<400x256xf32> to vector<400x128xf32>
    %swap3A = arith.constant 0 : index
    %swap3A_67 = arith.constant 0 : index
    %swap3A_68 = arith.constant 0 : index
    %swap3A_69 = vector.load %arg7[%swap3A, %swap3A_67, %swap3A_68] : memref<2x400x128xf32, #tpu.memory_space<vmem>>, vector<1x400x128xf32>
    %swap3A_70 = vector.shape_cast %swap3A_69 : vector<1x400x128xf32> to vector<400x128xf32>
    %swap3A_71 = vector.shape_cast %slice3A : vector<400x128xf32> to vector<1x400x128xf32>
    tpu.vector_store %arg7[%swap3A, %swap3A_67, %swap3A_68], %swap3A_71 {strides = array<i32>} : memref<2x400x128xf32, #tpu.memory_space<vmem>>, vector<1x400x128xf32>,
    %slice3A_72 = vector.extract_strided_slice %max3A_66 {offsets = [0, 128], sizes = [400, 128], strides = [1, 1]} : vector<400x256xf32> to vector<400x128xf32>
    %swap3A_73 = arith.constant 1 : index
    %swap3A_74 = arith.constant 0 : index
    %swap3A_75 = arith.constant 0 : index
    %swap3A_76 = vector.load %arg7[%swap3A_73, %swap3A_74, %swap3A_75] : memref<2x400x128xf32, #tpu.memory_space<vmem>>, vector<1x400x128xf32>
    %swap3A_77 = vector.shape_cast %swap3A_76 : vector<1x400x128xf32> to vector<400x128xf32>
    %swap3A_78 = vector.shape_cast %slice3A_72 : vector<400x128xf32> to vector<1x400x128xf32>
    tpu.vector_store %arg7[%swap3A_73, %swap3A_74, %swap3A_75], %swap3A_78 {strides = array<i32>} : memref<2x400x128xf32, #tpu.memory_space<vmem>>, vector<1x400x128xf32>,
    return
  }
  func.func @transform_0(%arg0: i32) -> (i32, i32, i32) {
    %c0_i32 = arith.constant 0 : i32
    %c0_i32_0 = arith.constant 0 : i32
    %c0_i32_1 = arith.constant 0 : i32
    return %c0_i32, %arg0, %c0_i32_0 : i32, i32, i32
  }
  func.func @transform_1(%arg0: i32) -> (i32, i32, i32) {
    %c0_i32 = arith.constant 0 : i32
    %c0_i32_0 = arith.constant 0 : i32
    %c0_i32_1 = arith.constant 0 : i32
    return %c0_i32, %arg0, %c0_i32_0 : i32, i32, i32
  }
  func.func @transform_2(%arg0: i32) -> (i32, i32, i32) {
    %c0_i32 = arith.constant 0 : i32
    %c0_i32_0 = arith.constant 0 : i32
    %c0_i32_1 = arith.constant 0 : i32
    return %c0_i32, %arg0, %c0_i32_0 : i32, i32, i32
  }
  func.func @transform_3(%arg0: i32) -> (i32, i32) {
    %c0_i32 = arith.constant 0 : i32
    %c0_i32_0 = arith.constant 0 : i32
    %c0_i32_1 = arith.constant 0 : i32
    return %c0_i32, %c0_i32_0 : i32, i32
  }
  func.func @transform_4(%arg0: i32) -> (i32, i32) {
    %c0_i32 = arith.constant 0 : i32
    %c0_i32_0 = arith.constant 0 : i32
    %c0_i32_1 = arith.constant 0 : i32
    return %c0_i32, %c0_i32_0 : i32, i32
  }
  func.func @transform_5(%arg0: i32) -> i32 {
    %c0_i32 = arith.constant 0 : i32
    %c0_i32_0 = arith.constant 0 : i32
    return %c0_i32 : i32
  }
  func.func @transform_6(%arg0: i32) -> (i32, i32, i32) {
    %c0_i32 = arith.constant 0 : i32
    %c0_i32_0 = arith.constant 0 : i32
    %c0_i32_1 = arith.constant 0 : i32
    return %c0_i32, %arg0, %c0_i32_0 : i32, i32, i32
  }
}

module attributes {stable_mosaic.version = 14 : i64} {
  func.func @_tc_body(%arg0: i32, %arg1: memref<2x400x128xf32, #tpu.memory_space<vmem>>, %arg2: memref<2x400x1xf32, #tpu.memory_space<vmem>>, %arg3: memref<2x400x128xf32, #tpu.memory_space<vmem>>, %arg4: memref<256x256xf32, #tpu.memory_space<vmem>>, %arg5: memref<256x256xf32, #tpu.memory_space<vmem>>, %arg6: memref<256xf32, #tpu.memory_space<vmem>>, %arg7: memref<400x256xf32, #tpu.memory_space<vmem>>) attributes {dimension_semantics = [#tpu.dimension_semantics<arbitrary>], iteration_bounds = array<i64: 25>, scalar_prefetch = 0 : i64, scratch_operands = 0 : i64, tpu.core_type = #tpu.core_type<tc>, window_params = [{transform_indices = @transform_0, window_bounds = array<i64: 2, 400, 128>}, {transform_indices = @transform_1, window_bounds = array<i64: 2, 400, 1>}, {transform_indices = @transform_2, window_bounds = array<i64: 2, 400, 128>}, {pipeline_mode = #tpu.pipeline_mode<synchronous>, transform_indices = @transform_3, window_bounds = array<i64: 256, 256>}, {pipeline_mode = #tpu.pipeline_mode<synchronous>, transform_indices = @transform_4, window_bounds = array<i64: 256, 256>}, {pipeline_mode = #tpu.pipeline_mode<synchronous>, transform_indices = @transform_5, window_bounds = array<i64: 256>}, {transform_indices = @transform_6, window_bounds = array<i64: 400, 256>}]} {
    %get3A = arith.constant 0 : index
    %get3A_0 = arith.constant 0 : index
    %get3A_1 = arith.constant 0 : index
    %get3A_2 = vector.load %arg2[%get3A, %get3A_0, %get3A_1] : memref<2x400x1xf32, #tpu.memory_space<vmem>>, vector<1x400x1xf32>
    %get3A_3 = vector.shape_cast %get3A_2 : vector<1x400x1xf32> to vector<400xf32>
    %get3A_4 = arith.constant 1 : index
    %get3A_5 = arith.constant 0 : index
    %get3A_6 = arith.constant 0 : index
    %get3A_7 = vector.load %arg2[%get3A_4, %get3A_5, %get3A_6] : memref<2x400x1xf32, #tpu.memory_space<vmem>>, vector<1x400x1xf32>
    %get3A_8 = vector.shape_cast %get3A_7 : vector<1x400x1xf32> to vector<400xf32>
    %add3A = arith.addf %get3A_3, %get3A_8 : vector<400xf32>
    %max3A = arith.constant 1.000000e+00 : f32
    %max3A_9 = vector.broadcast %max3A : f32 to vector<400xf32>
    %max3A_10 = arith.maximumf %add3A, %max3A_9 : vector<400xf32>
    %div3A = arith.constant 1.000000e+00 : f32
    %div3A_11 = vector.broadcast %div3A : f32 to vector<400xf32>
    %div3A_12 = arith.divf %div3A_11, %max3A_10 : vector<400xf32>
    %get3A_13 = arith.constant 0 : index
    %get3A_14 = arith.constant 0 : index
    %get3A_15 = arith.constant 0 : index
    %get3A_16 = vector.load %arg1[%get3A_13, %get3A_14, %get3A_15] : memref<2x400x128xf32, #tpu.memory_space<vmem>>, vector<1x400x128xf32>
    %get3A_17 = vector.shape_cast %get3A_16 : vector<1x400x128xf32> to vector<400x128xf32>
    %broadcast_in_dim3A = vector.shape_cast %div3A_12 : vector<400xf32> to vector<400x1xf32>
    %mul3A = vector.broadcast %broadcast_in_dim3A : vector<400x1xf32> to vector<400x128xf32>
    %mul3A_18 = arith.mulf %get3A_17, %mul3A : vector<400x128xf32>
    %get3A_19 = arith.constant 1 : index
    %get3A_20 = arith.constant 0 : index
    %get3A_21 = arith.constant 0 : index
    %get3A_22 = vector.load %arg1[%get3A_19, %get3A_20, %get3A_21] : memref<2x400x128xf32, #tpu.memory_space<vmem>>, vector<1x400x128xf32>
    %get3A_23 = vector.shape_cast %get3A_22 : vector<1x400x128xf32> to vector<400x128xf32>
    %broadcast_in_dim3A_24 = vector.shape_cast %div3A_12 : vector<400xf32> to vector<400x1xf32>
    %mul3A_25 = vector.broadcast %broadcast_in_dim3A_24 : vector<400x1xf32> to vector<400x128xf32>
    %mul3A_26 = arith.mulf %get3A_23, %mul3A_25 : vector<400x128xf32>
    %get3A_27 = arith.constant 0 : index
    %get3A_28 = arith.constant 0 : index
    %get3A_29 = vector.load %arg4[%get3A_27, %get3A_28] : memref<256x256xf32, #tpu.memory_space<vmem>>, vector<128x256xf32>
    %dot_general3A = arith.constant dense<0.000000e+00> : vector<400x256xf32>
    %dot_general3A_30 = tpu.matmul %mul3A_18, %get3A_29, %dot_general3A {dimension_numbers = #tpu.dot_dimension_numbers<[1], [0], [0], [1], [0, 0, 1, 1], [], []>, transpose_lhs_hint = false} : vector<400x128xf32>, vector<128x256xf32>, vector<400x256xf32> -> vector<400x256xf32>
    %get3A_31 = arith.constant 128 : index
    %get3A_32 = arith.constant 0 : index
    %get3A_33 = vector.load %arg4[%get3A_31, %get3A_32] : memref<256x256xf32, #tpu.memory_space<vmem>>, vector<128x256xf32>
    %dot_general3A_34 = arith.constant dense<0.000000e+00> : vector<400x256xf32>
    %dot_general3A_35 = tpu.matmul %mul3A_26, %get3A_33, %dot_general3A_34 {dimension_numbers = #tpu.dot_dimension_numbers<[1], [0], [0], [1], [0, 0, 1, 1], [], []>, transpose_lhs_hint = false} : vector<400x128xf32>, vector<128x256xf32>, vector<400x256xf32> -> vector<400x256xf32>
    %add3A_36 = arith.addf %dot_general3A_30, %dot_general3A_35 : vector<400x256xf32>
    %get3A_37 = arith.constant 0 : index
    %get3A_38 = arith.constant 0 : index
    %get3A_39 = arith.constant 0 : index
    %get3A_40 = vector.load %arg3[%get3A_37, %get3A_38, %get3A_39] : memref<2x400x128xf32, #tpu.memory_space<vmem>>, vector<1x400x128xf32>
    %get3A_41 = vector.shape_cast %get3A_40 : vector<1x400x128xf32> to vector<400x128xf32>
    %get3A_42 = arith.constant 0 : index
    %get3A_43 = arith.constant 0 : index
    %get3A_44 = vector.load %arg5[%get3A_42, %get3A_43] : memref<256x256xf32, #tpu.memory_space<vmem>>, vector<128x256xf32>
    %dot_general3A_45 = arith.constant dense<0.000000e+00> : vector<400x256xf32>
    %dot_general3A_46 = tpu.matmul %get3A_41, %get3A_44, %dot_general3A_45 {dimension_numbers = #tpu.dot_dimension_numbers<[1], [0], [0], [1], [0, 0, 1, 1], [], []>, transpose_lhs_hint = false} : vector<400x128xf32>, vector<128x256xf32>, vector<400x256xf32> -> vector<400x256xf32>
    %add3A_47 = arith.addf %add3A_36, %dot_general3A_46 : vector<400x256xf32>
    %get3A_48 = arith.constant 1 : index
    %get3A_49 = arith.constant 0 : index
    %get3A_50 = arith.constant 0 : index
    %get3A_51 = vector.load %arg3[%get3A_48, %get3A_49, %get3A_50] : memref<2x400x128xf32, #tpu.memory_space<vmem>>, vector<1x400x128xf32>
    %get3A_52 = vector.shape_cast %get3A_51 : vector<1x400x128xf32> to vector<400x128xf32>
    %get3A_53 = arith.constant 128 : index
    %get3A_54 = arith.constant 0 : index
    %get3A_55 = vector.load %arg5[%get3A_53, %get3A_54] : memref<256x256xf32, #tpu.memory_space<vmem>>, vector<128x256xf32>
    %dot_general3A_56 = arith.constant dense<0.000000e+00> : vector<400x256xf32>
    %dot_general3A_57 = tpu.matmul %get3A_52, %get3A_55, %dot_general3A_56 {dimension_numbers = #tpu.dot_dimension_numbers<[1], [0], [0], [1], [0, 0, 1, 1], [], []>, transpose_lhs_hint = false} : vector<400x128xf32>, vector<128x256xf32>, vector<400x256xf32> -> vector<400x256xf32>
    %add3A_58 = arith.addf %add3A_47, %dot_general3A_57 : vector<400x256xf32>
    %get3A_59 = arith.constant 0 : index
    %get3A_60 = vector.load %arg6[%get3A_59] : memref<256xf32, #tpu.memory_space<vmem>>, vector<256xf32>
    %broadcast_in_dim3A_61 = vector.shape_cast %get3A_60 : vector<256xf32> to vector<1x256xf32>
    %add3A_62 = vector.broadcast %broadcast_in_dim3A_61 : vector<1x256xf32> to vector<400x256xf32>
    %add3A_63 = arith.addf %add3A_58, %add3A_62 : vector<400x256xf32>
    %swap3A = arith.constant 0 : index
    %swap3A_64 = arith.constant 0 : index
    %swap3A_65 = vector.load %arg7[%swap3A, %swap3A_64] : memref<400x256xf32, #tpu.memory_space<vmem>>, vector<400x256xf32>
    tpu.vector_store %arg7[%swap3A, %swap3A_64], %add3A_63 {strides = array<i32>} : memref<400x256xf32, #tpu.memory_space<vmem>>, vector<400x256xf32>,
    return
  }
  func.func @transform_0(%arg0: i32) -> (i32, i32, i32) {
    %c0_i32 = arith.constant 0 : i32
    %c0_i32_0 = arith.constant 0 : i32
    %c0_i32_1 = arith.constant 0 : i32
    return %c0_i32, %arg0, %c0_i32_0 : i32, i32, i32
  }
  func.func @transform_1(%arg0: i32) -> (i32, i32, i32) {
    %c0_i32 = arith.constant 0 : i32
    %c0_i32_0 = arith.constant 0 : i32
    %c0_i32_1 = arith.constant 0 : i32
    return %c0_i32, %arg0, %c0_i32_0 : i32, i32, i32
  }
  func.func @transform_2(%arg0: i32) -> (i32, i32, i32) {
    %c0_i32 = arith.constant 0 : i32
    %c0_i32_0 = arith.constant 0 : i32
    %c0_i32_1 = arith.constant 0 : i32
    return %c0_i32, %arg0, %c0_i32_0 : i32, i32, i32
  }
  func.func @transform_3(%arg0: i32) -> (i32, i32) {
    %c0_i32 = arith.constant 0 : i32
    %c0_i32_0 = arith.constant 0 : i32
    %c0_i32_1 = arith.constant 0 : i32
    return %c0_i32, %c0_i32_0 : i32, i32
  }
  func.func @transform_4(%arg0: i32) -> (i32, i32) {
    %c0_i32 = arith.constant 0 : i32
    %c0_i32_0 = arith.constant 0 : i32
    %c0_i32_1 = arith.constant 0 : i32
    return %c0_i32, %c0_i32_0 : i32, i32
  }
  func.func @transform_5(%arg0: i32) -> i32 {
    %c0_i32 = arith.constant 0 : i32
    %c0_i32_0 = arith.constant 0 : i32
    return %c0_i32 : i32
  }
  func.func @transform_6(%arg0: i32) -> (i32, i32) {
    %c0_i32 = arith.constant 0 : i32
    %c0_i32_0 = arith.constant 0 : i32
    return %arg0, %c0_i32 : i32, i32
  }
}

</mosaic_0001>

<sc_bundles>
// kernel: kernel.11.cloned.1.call-start
scs
__scs_entry_jumppad:
0x0: {  	(pc) =	sbr.rel $0x88, $3  }
0x1: {  	(tag) =	ssettag $0x0;
	lr =	simm.s32 $0x1  }
0x2: {  	[smem:$0x3F93] =	sst lr;
	_ =	strace $0xD0000000  }
0x3: {  	_ = 	snop  }
0x4: {  	_ = 	snop  }
0x5: {  	_ = 	snop  }
0x6: {  	_ = 	snop  }
0x7: {  	_ = 	snop  }
__scs_overlays_trampoline_lowered:
0x8: {  	[smem:$0x3FA2] =	sst s0  }
0x9: {  	[smem:$0x3FA3] =	sst s1  }
0xa: {  	[smem:$0x3FA4] =	sst s2  }
0xb: {  	[smem:$0x3FA5] =	sst s3  }
0xc: {  	[smem:$0x3FA6] =	sst s4  }
0xd: {  	[smem:$0x3FA7] =	sst s5  }
0xe: {  	[smem:$0x3FA8] =	sst s6  }
0xf: {  	[smem:$0x3FA9] =	sst s7  }
0x10: {  	[smem:$0x3FAA] =	sst s8  }
0x11: {  	[smem:$0x3FAB] =	sst s9;
	s0 =	simm.s32 @!p0 $0x0  }
0x12: {  	s1 =	sld [smem:$0x3F91];
	s0 =	simm.s32 @p0 $0x1  }
0x13: {  	[smem:$0x3FAC] =	sst s0;
	s0 =	simm.s32 @!p1 $0x0  }
0x14: {  	s2 =	sld [smem:$0x3F90];
	s0 =	simm.s32 @p1 $0x1  }
0x15: {  	[smem:$0x3FAD] =	sst s0;
	s0 =	simm.s32 @!p2 $0x0  }
0x16: {  	s3 =	sld [smem:$0x3FDB];
	s0 =	simm.s32 @p2 $0x1  }
0x17: {  	s4 =	simm.s32 $0x1BF5;
	[smem:$0x3FAF] =	sst s0  }
0x18: {  	s0 =	sld [smem:$0x3F92];
	_ =	swait.ge [sflag:s4], $0x0  }
0x19: {  	s7 =	sld [smem:$0x3F93]  }
0x1a: {  	s8 =	sadd.s32 $0xFFFFE003, lr  }
0x1b: {  	s9 =	sadd.s32 $0xFFFFFEF7, lr;
	s5 =	simm.s32 $0xFFFFFFFF;
	p2 =	slt.u32 s8, $0xFFFFF086  }
0x1c: {  	p1 =	slt.u32 s9, $0xF7A;
	s5 =	simm.s32 @!p2 $0x0  }
0x1d: {  	s5 =	simm.s32 @p1 $0x1;
	p0 =	seq.s32 s7, s2  }
0x1e: {  	s7 =	smul.u32 @!p0 $0xF7A, s2;
	p2 =	seq.s32 @!p0 s5, $0x0  }
0x1f: {  	s9 =	smul.u32 $0xF7A, s1;
	s8 =	simm.s32 @!p0 $0x1BF5;
	p2 =	por !p2, p0  }
0x20: {  	[sflag:s8] =	ssyncset.s32 @!p0 $0xFFFFF086;
	s6 =	sadd.s32 @!p0 s3, s7;
	s7 =	simm.s32 @!p0 $0x108  }
0x21: {  	s3 =	sadd.s32 s3, s9;
	s6 =	sadd.s32 @!p0 $0x88, s6;
	s7 =	simm.s32 @p2 $0x1082  }
0x22: {  	[simem:s7], [sflag:s8] =	dma.local @!p0 [hbm:s6], $0xF7A  }
0x23: {  	s9 =	sor.u32 $0xD0000000, s2;
	s6 =	simm.s32 $0x108;
	_ =	swait.ge @!p0 [sflag:s8], $0x0  }
0x24: {  	s3 =	sadd.s32 $0x88, s3;
	s6 =	simm.s32 @!p1 $0x1082;
	[sflag:s4] =	ssyncset.s32 $0xFFFFF086  }
0x25: {  	[simem:s6], [sflag:s4] =	dma.local [hbm:s3], $0xF7A  }
0x26: {  	[smem:$0x3F93] =	sst s1;
	(tag) =	ssettag s2;
	_ =	strace s9  }
0x27: {  	s1 =	sld [smem:$0x3FA3]  }
0x28: {  	s2 =	sld [smem:$0x3FA4]  }
0x29: {  	s4 =	sld [smem:$0x3FA6]  }
0x2a: {  	p0 =	seq.s32 s5, $0x0;
	s5 =	sld [smem:$0x3FA7]  }
0x2b: {  	s6 =	sld [smem:$0x3FA8]  }
0x2c: {  	s7 =	sld [smem:$0x3FA9]  }
0x2d: {  	s3 =	simm.s32 $0x108;
	s8 =	sld [smem:$0x3FAA]  }
0x2e: {  	s3 =	simm.s32 @!p0 $0x1082;
	s9 =	sld [smem:$0x3FAB]  }
0x2f: {  	lr =	sadd.s32 s0, s3;
	s0 =	sld [smem:$0x3FA2]  }
0x30: {  	s3 =	sld [smem:$0x3FA5]  }
0x31: {  	[smem:$0x3FAE] =	sst s10  }
0x32: {  	s10 =	sld [smem:$0x3FAC];
	_ =	sdelay $0x3  }
0x33: {  	p0 =	seq.s32 s10, $0x1;
	s10 =	sld [smem:$0x3FAE];
	_ =	sdelay $0x3  }
0x34: {  	[smem:$0x3FAE] =	sst s10  }
0x35: {  	s10 =	sld [smem:$0x3FAD];
	_ =	sdelay $0x3  }
0x36: {  	p1 =	seq.s32 s10, $0x1;
	s10 =	sld [smem:$0x3FAE];
	_ =	sdelay $0x3  }
0x37: {  	[smem:$0x3FAE] =	sst s10  }
0x38: {  	s10 =	sld [smem:$0x3FAF]  }
0x39: {  	_ = 	snop;
	(pc) =	sbr.ind lr, $3  }
0x3a: {  	_ = 	snop  }
0x3b: {  	_ = 	snop  }
0x3c: {  	p2 =	seq.s32 s10, $0x1;
	s10 =	sld [smem:$0x3FAE]  }
0x3d: {  	_ =	shalt  }
0x3e: {  	_ =	shalt  }
0x3f: {  	_ =	shalt  }
0x40: {  	_ =	shalt  }
0x41: {  	_ =	shalt  }
0x42: {  	_ =	shalt  }
0x43: {  	_ =	shalt  }
0x44: {  	_ =	shalt  }
0x45: {  	_ =	shalt  }
0x46: {  	_ =	shalt  }
0x47: {  	_ =	shalt  }
0x48: {  	_ =	shalt  }
0x49: {  	_ =	shalt  }
0x4a: {  	_ =	shalt  }
0x4b: {  	_ =	shalt  }
0x4c: {  	_ =	shalt  }
0x4d: {  	_ =	shalt  }
0x4e: {  	_ =	shalt  }
0x4f: {  	_ =	shalt  }
0x50: {  	_ =	shalt  }
0x51: {  	_ =	shalt  }
0x52: {  	_ =	shalt  }
0x53: {  	_ =	shalt  }
0x54: {  	_ =	shalt  }
0x55: {  	_ =	shalt  }
0x56: {  	_ =	shalt  }
0x57: {  	_ =	shalt  }
0x58: {  	_ =	shalt  }
0x59: {  	_ =	shalt  }
0x5a: {  	_ =	shalt  }
0x5b: {  	_ =	shalt  }
0x5c: {  	_ =	shalt  }
0x5d: {  	_ =	shalt  }
0x5e: {  	_ =	shalt  }
0x5f: {  	_ =	shalt  }
0x60: {  	_ =	shalt  }
0x61: {  	_ =	shalt  }
0x62: {  	_ =	shalt  }
0x63: {  	_ =	shalt  }
0x64: {  	_ =	shalt  }
0x65: {  	_ =	shalt  }
0x66: {  	_ =	shalt  }
0x67: {  	_ =	shalt  }
0x68: {  	_ =	shalt  }
0x69: {  	_ =	shalt  }
0x6a: {  	_ =	shalt  }
0x6b: {  	_ =	shalt  }
0x6c: {  	_ =	shalt  }
0x6d: {  	_ =	shalt  }
0x6e: {  	_ =	shalt  }
0x6f: {  	_ =	shalt  }
0x70: {  	_ =	shalt  }
0x71: {  	_ =	shalt  }
0x72: {  	_ =	shalt  }
0x73: {  	_ =	shalt  }
0x74: {  	_ =	shalt  }
0x75: {  	_ =	shalt  }
0x76: {  	_ =	shalt  }
0x77: {  	_ =	shalt  }
0x78: {  	_ =	shalt  }
0x79: {  	_ =	shalt  }
0x7a: {  	_ =	shalt  }
0x7b: {  	_ =	shalt  }
0x7c: {  	_ =	shalt  }
0x7d: {  	_ =	shalt  }
0x7e: {  	_ =	shalt  }
0x7f: {  	_ =	shalt  }
0x80: {  	_ =	shalt  }
0x81: {  	_ =	shalt  }
0x82: {  	_ =	shalt  }
0x83: {  	_ =	shalt  }
0x84: {  	_ =	shalt  }
0x85: {  	_ =	shalt  }
0x86: {  	_ =	shalt  }
0x87: {  	_ =	shalt  }
.Lfunc_end0:
.L_simem_size_0:
called_computation_lowered:
.L_overlay_start_0:
0x88: {  	s2 =	sld [smem:$0x3FD9]  }
0x89: {  	s3 =	sld [smem:$0x3FFE];
	_ =	sdelay $0x1  }
0x8a: {  	s1 =	srdreg.scid  }
0x8b: {  	s0 =	sand.u32 $0x1, s1  }
0x8c: {  	s16 =	sshll.u32 s0, $0xA;
	s2 =	sadd.s32 s3, s2  }
0x8d: {  	s2 =	sadd.s32 s2, s16  }
0x8e: {  	[smem:$0x3FBA] =	sst s2  }
0x8f: {  	_ = 	snop  }
0x90: {  	(tm) =	ssettm $0x1  }
0x91: {  	s17 =	sld [smem:$0x3FFB];
	_ =	sdelay $0x3  }
0x92: {  	_ =	strace s17  }
0x93: {  	s2 =	sld [smem:$0x3FFC];
	_ =	sdelay $0x3  }
0x94: {  	_ =	strace s2  }
0x95: {  	s2 =	sld [smem:$0x3FFD];
	_ =	sdelay $0x3  }
0x96: {  	_ =	strace s2  }
0x97: {  	_ =	strace $0x8FFFFFFF  }
0x98: {  	s18 =	sld [smem:$0x3FDB];
	_ =	sdelay $0x1  }
0x99: {  	s19 =	simm.s32 $_scs_section_size  }
0x9a: {  	s4 =	simm.s32 $_size__tile_overlayer_lowered;
	s5 =	simm.s32 $_tile_overlayer_lowered  }
0x9b: {  	s22 =	simm.s32 $0x1BFF;
	s21 =	sshll.u32 s5, $0x1;
	s2 =	sadd.s32 s19, s18  }
0x9c: {  	s6 =	simm.s32 $0x0;
	s20 =	sshll.u32 s4, $0x1;
	s4 =	sadd.s32 s21, s2  }
0x9d: {  	[timem:s6], [sflag:s22] =	dma.local [hbm:s4], s20  }
0x9e: {  	_ =	swait.ge [sflag:s22], s20  }
0x9f: {  	s3 =	ssub.s32 $0x0, s20;
	[sflag:s22] =	ssyncset.done $0x0  }
0xa0: {  	[sflag:s22] =	ssyncadd.s32 s3;
	_ =	sdelay $0x1  }
0xa1: {  	s23 =	simm.s32 $0x1B8B  }
0xa2: {  	_ =	swait.ge [sflag:s23], $0x1  }
0xa3: {  	[sflag:s23] =	ssyncset.done $0x0  }
0xa4: {  	s25 =	simm.s32 $0x1B8E;
	s24 =	sld [smem:$0x3FFE];
	[sflag:s23] =	ssyncadd.s32 $0xFFFFFFFF  }
0xa5: {  	s26 =	simm.s32 $execute0_lowered;
	[smem:$0x3FD2] =	sst s25  }
0xa6: {  	s4 =	sshll.u32 s26, $0x1;
	_ =	strace $0x80000046;
	[dreg:$0x1] =	wrdreg $0xFFFFFFFF  }
0xa7: {  	s28 =	simm.s32 $_size_execute0_lowered;
	s2 =	sadd.s32 s2, s4;
	[dreg:$0x0] =	wrdreg $0x0  }
0xa8: {  	s4 =	sshll.u32 s28, $0x1;
	[dreg:$0x2] =	wrdreg s2  }
0xa9: {  	[dreg:$0x3] =	wrdreg s4  }
0xaa: {  	[dreg:$0x4] =	wrdreg $0xC0  }
0xab: {  	_ =	task [dreg:s6], $0x5FFFF  }
0xac: {  	[dreg:$0x1] =	wrdreg $0xFFFFFFFF  }
0xad: {  	[dreg:$0x0] =	wrdreg $0x60  }
0xae: {  	[dreg:$0x2] =	wrdreg s24  }
0xaf: {  	[dreg:$0x3] =	wrdreg $0x94000  }
0xb0: {  	[dreg:$0x4] =	wrdreg $0x9  }
0xb1: {  	_ =	task.clear_ibuf [dreg:s6], $0x5FFFF;
	_ =	strace $0x90000046  }
0xb2: {  	s29 =	simm.s32 $0x9;
	_ =	strace $0x80000048  }
0xb3: {  	_ =	swait.ge [sflag:s29], $0x1  }
0xb4: {  	[sflag:s29] =	ssyncadd.s32 $0xFFFFFFFF  }
0xb5: {  	_ =	strace $0x90000048  }
0xb6: {  	_ =	sfence  }
0xb7: {  	s30 =	sld [smem:$0x0];
	_ =	sdelay $0x2  }
0xb8: {  	s31 =	sshll.u32 s1, $0xD;
	s1 =	sshrl.u32 s1, $0x2  }
0xb9: {  	s3 =	sand.u32 $0x4000, s31;
	s1 =	sadd.s32 s1, s30  }
0xba: {  	s0 =	sor.u32 s3, s0;
	s1 =	sshll.u32 s1, $0x11  }
0xbb: {  	s0 =	sor.u32 s1, s0  }
0xbc: {  	s0 =	sadd.s32 $0x8F2B, s0  }
0xbd: {  	[sflag:s0] =	ssyncadd.remote.s32 $0x1  }
0xbe: {  	_ =	sfence.sel $0xFFFF  }
0xbf: {  	[dreg:$0x0] =	wrdreg $0xFFFFFFFF;
	(pc) =	sbr.abs _section_cstart, $3  }
0xc0: {  	[dreg:$0x1] =	wrdreg $0xFFFFFFFF  }
0xc1: {  	_ =	task.clear_ibuf [dreg:s6], $0x2FFFF;
	_ =	strace $0x9FFFFFFF  }
0xc2: {  	(tm) =	ssettm $0x7FFFFFFF  }
0xc3: {  	_ =	shalt  }
tec
execute0_lowered:
.L_overlay_start_1:
0x0: {  	(tag) =	ssettag $0x1  }
0x1: {  	s6 =	rddreg [dreg:$0x0]  }
0x2: {  	s0 =	srdreg.scid;
	s2 =	rddreg [dreg:$0x1]  }
0x3: {  	s1 =	rddreg [dreg:$0x2];
	s4 =	sand.u32 $0x1, s0  }
0x4: {  	s3 =	simm.s32 $0x0;
	s0 =	stileid.u32;
	s5 =	smul.u32 $0x2800, s4  }
0x5: {  	s12 =	simm.s32 $0x3;
	s13 =	simm.s32 $0x5400;
	s7 =	smul.u32 $0x280, s0  }
0x6: {  	s14 =	simm.s32 $0x80;
	s15 =	simm.s32 $0x1400;
	s8 =	smul.u32 $0x140000, s4  }
0x7: {  	s16 =	simm.s32 $0x1;
	s17 =	simm.s32 $0x2;
	s9 =	smul.u32 $0x14000, s0  }
0x8: {  	[smem:$0x7FF] =	sst s3;
	s28 =	smul.u32 $0x50000, s0;
	s29 =	ssub.s32 $0x2, s4  }
0x9: {  	s18 =	simm.s32 $0x0;
	_ =	strace $0x80000047;
	s31 =	sshrl.u32 s29, $0x1  }
0xa: {  	s5 =	sadd.s32 s7, s5;
	s8 =	sadd.s32 s9, s8;
	s30 =	sshrl.u32 s28, $0x2  }
0xb: {  	s11 =	ssub.s32 s29, s31;
	s5 =	sadd.s32 s5, s6;
	s8 =	sshrl.u32 s8, $0x3  }
0xc: {  	s4 =	sadd.s32 s30, s2;
	s11 =	smax.u32 s11, $0x1;
	s10 =	sadd.s32 s8, s6  }
0xd: {  	s5 =	sadd.s32 $0x8A00, s5;
	s6 =	sadd.s32 $0x4000, s4;
	s7 =	sadd.s32 $0x8000, s4  }
0xe: {  	v0 =	vimm.f32 $0.0e+00;
	v1 =	vimm.f32 $1.000000000e+00;
	s8 =	sadd.s32 $0xC000, s4;
	s9 =	sadd.s32 $0x10000, s4;
	s10 =	sadd.s32 $0xDA00, s10  }
.LBB2_1:
0xf: {  	[tilespmem:s3], [sflag:$0x3] =	stream.linear.gather [hbm4b:s5+s3], $0x1400, $0x38;
	[tilespmem:$0x1D400] =	vst v63  }
0x10: {  	s20 =	sand.u32 $0xFE00, s3  }
0x11: {  	s19 =	simm.s32 $0x0;
	s21 =	sand.u32 $0x40, s3;
	_ =	swait.ge [sflag:s12], $0x1400  }
0x12: {  	s22 =	simm.s32 $0x0;
	s20 =	sshrl.u32 s20, $0x2;
	[sflag:s12] =	ssyncset.done $0x0  }
0x13: {  	s20 =	sor.u32 s21, s20;
	s21 =	simm.s32 $0x0;
	[sflag:s12] =	ssyncadd.s32 $0xFFFFEC00  }
.LBB2_2:
0x14: {  	s19 =	sadd.s32 $0x4, s19  }
0x15: {  	[tilespmem:s20+$0x5430] =	vst v0;
	s21 =	sadd.s32 $0x40, s21;
	s22 =	sadd.s32 $0x100, s22;
	p0 =	slt.u32 s19, $0x3FC  }
.Ltmp0:
0x16: {  	[tilespmem:s20+$0x5420] =	vst v0;
	(pc) =	sbr.rel @p0 .LBB2_2-.Ltmp0, $4  }
0x17: {  	[tilespmem:s20+$0x5400] =	vst v0  }
0x18: {  	s23 =	sand.u32 $0xFE00, s22;
	[tilespmem:s20+$0x5410] =	vst v0  }
0x19: {  	s23 =	sshrl.u32 s23, $0x2;
	s20 =	sand.u32 $0x40, s21  }
0x1a: {  	s20 =	sor.u32 s20, s23  }
0x1b: {  	[tilespmem:s20+$0x5430] =	vst v0  }
0x1c: {  	[tilespmem:s20+$0x5420] =	vst v0  }
0x1d: {  	[tilespmem:s20+$0x5400] =	vst v0  }
0x1e: {  	[tilespmem:s20+$0x5410] =	vst v0  }
0x1f: {  	[spmem:s4] =	stream.linear.scatter [tilespmem:s13], [sflag:$0x3], $0x4000, $0x38;
	[tilespmem:$0x1D400] =	vst v63  }
0x20: {  	_ =	swait.ge [sflag:s12], $0x4000  }
0x21: {  	[sflag:s12] =	ssyncset.done $0x0  }
0x22: {  	[sflag:s12] =	ssyncadd.s32 $0xFFFFC000  }
0x23: {  	[spmem:s6] =	stream.linear.scatter [tilespmem:s13], [sflag:$0x3], $0x4000, $0x38;
	[tilespmem:$0x1D400] =	vst v63  }
0x24: {  	_ =	swait.ge [sflag:s12], $0x4000  }
0x25: {  	[sflag:s12] =	ssyncset.done $0x0  }
0x26: {  	[sflag:s12] =	ssyncadd.s32 $0xFFFFC000  }
0x27: {  	[spmem:s7] =	stream.linear.scatter [tilespmem:s13], [sflag:$0x3], $0x4000, $0x38;
	[tilespmem:$0x1D400] =	vst v63  }
0x28: {  	_ =	swait.ge [sflag:s12], $0x4000  }
0x29: {  	[sflag:s12] =	ssyncset.done $0x0  }
0x2a: {  	[sflag:s12] =	ssyncadd.s32 $0xFFFFC000  }
0x2b: {  	[spmem:s8] =	stream.linear.scatter [tilespmem:s13], [sflag:$0x3], $0x4000, $0x38;
	[tilespmem:$0x1D400] =	vst v63  }
0x2c: {  	_ =	swait.ge [sflag:s12], $0x4000  }
0x2d: {  	[sflag:s12] =	ssyncset.done $0x0  }
0x2e: {  	s19 =	simm.s32 $0x0;
	[sflag:s12] =	ssyncadd.s32 $0xFFFFC000  }
0x2f: {  	[spmem:s9] =	stream.linear.scatter [tilespmem:s13], [sflag:$0x3], $0x4000, $0x38;
	[tilespmem:$0x1D400] =	vst v63  }
0x30: {  	s20 =	simm.s32 $0x0;
	s31 =	sand.u32 $0xFE00, s19;
	_ =	swait.ge [sflag:s12], $0x4000  }
0x31: {  	s21 =	sand.u32 $0x40, s19;
	s22 =	sshrl.u32 s31, $0x2;
	[sflag:s12] =	ssyncset.done $0x0  }
0x32: {  	s21 =	sor.u32 s21, s22;
	s22 =	simm.s32 $0x0;
	[sflag:s12] =	ssyncadd.s32 $0xFFFFC000  }
.LBB2_4:
0x33: {  	s20 =	sadd.s32 $0x4, s20  }
0x34: {  	[tilespmem:s21+$0x1430] =	vst v1;
	s19 =	sadd.s32 $0x40, s19;
	s22 =	sadd.s32 $0x100, s22;
	p0 =	slt.u32 s20, $0x3FC  }
.Ltmp1:
0x35: {  	[tilespmem:s21+$0x1420] =	vst v1;
	(pc) =	sbr.rel @p0 .LBB2_4-.Ltmp1, $4  }
0x36: {  	[tilespmem:s21+$0x1400] =	vst v1  }
0x37: {  	s23 =	sand.u32 $0xFE00, s22;
	[tilespmem:s21+$0x1410] =	vst v1  }
0x38: {  	s23 =	sshrl.u32 s23, $0x2;
	s21 =	sand.u32 $0x40, s19  }
0x39: {  	s21 =	sor.u32 s21, s23  }
0x3a: {  	[tilespmem:s21+$0x1430] =	vst v1  }
0x3b: {  	[tilespmem:s21+$0x1420] =	vst v1  }
0x3c: {  	[tilespmem:s21+$0x1400] =	vst v1  }
0x3d: {  	[tilespmem:s21+$0x1410] =	vst v1  }
0x3e: {  	[bflag:$0x0] =	sbarrier.arrive $0xFFFF  }
0x3f: {  	[spmem:s2] =	stream.indirect.scatter.add.f32 [tilespmem:s15], [sflag:$0x1], $0x80, s3, s14, $0xb8;
	[tilespmem:$0x1D400] =	vst v63  }
0x40: {  	_ = 	snop  }
0x41: {  	[spmem:s2] =	stream.indirect.scatter.add.f32 [tilespmem:s15], [sflag:$0x2], $0x80, s14, s14, $0xb8;
	[tilespmem:$0x1D400] =	vst v63  }
0x42: {  	_ =	swait.ge [sflag:s16], $0x4000  }
0x43: {  	[sflag:s16] =	ssyncset.done $0x0  }
0x44: {  	s19 =	simm.s32 $0x100;
	[sflag:s16] =	ssyncadd.s32 $0xFFFFC000  }
0x45: {  	[spmem:s2] =	stream.indirect.scatter.add.f32 [tilespmem:s15], [sflag:$0x1], $0x80, s19, s14, $0xb8;
	[tilespmem:$0x1D400] =	vst v63  }
0x46: {  	_ =	swait.ge [sflag:s17], $0x4000  }
0x47: {  	[sflag:s17] =	ssyncset.done $0x0  }
0x48: {  	s20 =	simm.s32 $0x180;
	s19 =	simm.s32 $0xFFFFB800;
	[sflag:s17] =	ssyncadd.s32 $0xFFFFC000  }
.LBB2_6:
0x49: {  	[spmem:s2] =	stream.indirect.scatter.add.f32 [tilespmem:s15], [sflag:$0x2], $0x80, s20, s14, $0xb8;
	[tilespmem:$0x1D400] =	vst v63  }
0x4a: {  	s20 =	smov.u32 s19  }
0x4b: {  	p0 =	sne.s32 s19, $0xFFFFFC00;
	s19 =	sadd.s32 $0x400, s19;
	_ =	swait.ge [sflag:s16], $0x4000  }
0x4c: {  	s20 =	sshra.s32 s20, $0x2;
	[sflag:s16] =	ssyncset.done $0x0  }
.Ltmp2:
0x4d: {  	s21 =	sadd.s32 $0x1400, s20;
	[sflag:s16] =	ssyncadd.s32 $0xFFFFC000;
	(pc) =	sbr.rel @p0 .LBB2_6-.Ltmp2, $4  }
0x4e: {  	[spmem:s2] =	stream.indirect.scatter.add.f32 [tilespmem:s15], [sflag:$0x1], $0x80, s21, s14, $0xb8;
	[tilespmem:$0x1D400] =	vst v63  }
0x4f: {  	_ =	swait.ge [sflag:s17], $0x4000  }
0x50: {  	[sflag:s17] =	ssyncset.done $0x0  }
0x51: {  	s20 =	sadd.s32 $0x1480, s20;
	[sflag:s17] =	ssyncadd.s32 $0xFFFFC000  }
0x52: {  	[spmem:s2] =	stream.indirect.scatter.add.f32 [tilespmem:s15], [sflag:$0x2], $0x80, s20, s14, $0xb8;
	[tilespmem:$0x1D400] =	vst v63  }
0x53: {  	_ =	swait.ge [sflag:s16], $0x4000  }
0x54: {  	[sflag:s16] =	ssyncset.done $0x0  }
0x55: {  	[sflag:s16] =	ssyncadd.s32 $0xFFFFC000  }
0x56: {  	_ =	swait.ge [sflag:s17], $0x4000  }
0x57: {  	s19 =	sshll.u32 s0, $0x6;
	s18 =	sadd.s32 $0x1, s18;
	[sflag:s17] =	ssyncset.done $0x0  }
0x58: {  	s31 =	sshrl.u32 s4, $0x3;
	p0 =	sne.s32 s18, s11;
	[sflag:s17] =	ssyncadd.s32 $0xFFFFC000  }
.Ltmp3:
0x59: {  	s19 =	sor.u32 $0x1C03, s19;
	[bflag:$0x0] =	sbarrier.arrive $0xFFFF;
	(pc) =	sbr.rel @p0 .LBB2_1-.Ltmp3, $4  }
0x5a: {  	[hbm:s10], [sflag:s19] =	dma.local [spmem:s31], $0x2800  }
0x5b: {  	_ =	swait.ge [sflag:s12], $0x2800  }
0x5c: {  	[sflag:s12] =	ssyncset.done $0x0  }
0x5d: {  	[sflag:s12] =	ssyncadd.s32 $0xFFFFD800  }
0x5e: {  	_ =	sfence.sel $0x180000  }
0x5f: {  	[bflag:$0x0] =	sbarrier.arrive $0xFFFF  }
0x60: {  	p0 =	sne.s32 s0, $0x0;
	_ =	strace $0x90000047  }
0x61: {  	s0 =	sadd.s32 @!p0 $0x100000, s1;
	[bflag:$0x2] =	sbarrier.arrive $0xFFFF  }
0x62: {  	[sflag:s0] =	ssyncadd.tile.s32 @!p0 $0x1;
	_ =	shalt  }
.Lfunc_end2:
_tile_overlayer_lowered:
.L_overlay_start_2:
0x63: {  	(tag) =	ssettag $0x2  }
0x64: {  	s0 =	rddreg [dreg:$0x0];
	s2 =	stileid.u32  }
0x65: {  	s1 =	rddreg [dreg:$0x1];
	p0 =	sne.s32 s2, $0x0  }
0x66: {  	s3 =	rddreg [dreg:$0x2];
	[bflag:$0x3] =	sbarrier.arrive $0xFFFF;
	s2 =	simm.s32 @!p0 $0x1C03  }
0x67: {  	[timem:s3], [sflag:s2] =	dma.local @!p0 [hbm:s0], s1  }
0x68: {  	s0 =	simm.s32 @!p0 $0x3  }
0x69: {  	_ =	swait.ge @!p0 [sflag:s0], s1  }
0x6a: {  	s1 =	ssub.s32 @!p0 $0x0, s1;
	[sflag:s0] =	ssyncset.done @!p0 $0x0  }
0x6b: {  	[sflag:s0] =	ssyncadd.s32 @!p0 s1  }
0x6c: {  	[bflag:$0x3] =	sbarrier.arrive $0xFFFF  }
0x6d: {  	_ =	shalt  }

// kernel: kernel.14.cloned.1.call-start
scs
__scs_entry_jumppad:
0x0: {  	(pc) =	sbr.rel $0x88, $3  }
0x1: {  	(tag) =	ssettag $0x0;
	lr =	simm.s32 $0x1  }
0x2: {  	[smem:$0x3F93] =	sst lr;
	_ =	strace $0xD0000000  }
0x3: {  	_ = 	snop  }
0x4: {  	_ = 	snop  }
0x5: {  	_ = 	snop  }
0x6: {  	_ = 	snop  }
0x7: {  	_ = 	snop  }
__scs_overlays_trampoline_lowered:
0x8: {  	[smem:$0x3FA2] =	sst s0  }
0x9: {  	[smem:$0x3FA3] =	sst s1  }
0xa: {  	[smem:$0x3FA4] =	sst s2  }
0xb: {  	[smem:$0x3FA5] =	sst s3  }
0xc: {  	[smem:$0x3FA6] =	sst s4  }
0xd: {  	[smem:$0x3FA7] =	sst s5  }
0xe: {  	[smem:$0x3FA8] =	sst s6  }
0xf: {  	[smem:$0x3FA9] =	sst s7  }
0x10: {  	[smem:$0x3FAA] =	sst s8  }
0x11: {  	[smem:$0x3FAB] =	sst s9;
	s0 =	simm.s32 @!p0 $0x0  }
0x12: {  	s1 =	sld [smem:$0x3F91];
	s0 =	simm.s32 @p0 $0x1  }
0x13: {  	[smem:$0x3FAC] =	sst s0;
	s0 =	simm.s32 @!p1 $0x0  }
0x14: {  	s2 =	sld [smem:$0x3F90];
	s0 =	simm.s32 @p1 $0x1  }
0x15: {  	[smem:$0x3FAD] =	sst s0;
	s0 =	simm.s32 @!p2 $0x0  }
0x16: {  	s3 =	sld [smem:$0x3FDB];
	s0 =	simm.s32 @p2 $0x1  }
0x17: {  	s4 =	simm.s32 $0x1BF5;
	[smem:$0x3FAF] =	sst s0  }
0x18: {  	s0 =	sld [smem:$0x3F92];
	_ =	swait.ge [sflag:s4], $0x0  }
0x19: {  	s7 =	sld [smem:$0x3F93]  }
0x1a: {  	s8 =	sadd.s32 $0xFFFFE003, lr  }
0x1b: {  	s9 =	sadd.s32 $0xFFFFFEF7, lr;
	s5 =	simm.s32 $0xFFFFFFFF;
	p2 =	slt.u32 s8, $0xFFFFF086  }
0x1c: {  	p1 =	slt.u32 s9, $0xF7A;
	s5 =	simm.s32 @!p2 $0x0  }
0x1d: {  	s5 =	simm.s32 @p1 $0x1;
	p0 =	seq.s32 s7, s2  }
0x1e: {  	s7 =	smul.u32 @!p0 $0xF7A, s2;
	p2 =	seq.s32 @!p0 s5, $0x0  }
0x1f: {  	s9 =	smul.u32 $0xF7A, s1;
	s8 =	simm.s32 @!p0 $0x1BF5;
	p2 =	por !p2, p0  }
0x20: {  	[sflag:s8] =	ssyncset.s32 @!p0 $0xFFFFF086;
	s6 =	sadd.s32 @!p0 s3, s7;
	s7 =	simm.s32 @!p0 $0x108  }
0x21: {  	s3 =	sadd.s32 s3, s9;
	s6 =	sadd.s32 @!p0 $0x88, s6;
	s7 =	simm.s32 @p2 $0x1082  }
0x22: {  	[simem:s7], [sflag:s8] =	dma.local @!p0 [hbm:s6], $0xF7A  }
0x23: {  	s9 =	sor.u32 $0xD0000000, s2;
	s6 =	simm.s32 $0x108;
	_ =	swait.ge @!p0 [sflag:s8], $0x0  }
0x24: {  	s3 =	sadd.s32 $0x88, s3;
	s6 =	simm.s32 @!p1 $0x1082;
	[sflag:s4] =	ssyncset.s32 $0xFFFFF086  }
0x25: {  	[simem:s6], [sflag:s4] =	dma.local [hbm:s3], $0xF7A  }
0x26: {  	[smem:$0x3F93] =	sst s1;
	(tag) =	ssettag s2;
	_ =	strace s9  }
0x27: {  	s1 =	sld [smem:$0x3FA3]  }
0x28: {  	s2 =	sld [smem:$0x3FA4]  }
0x29: {  	s4 =	sld [smem:$0x3FA6]  }
0x2a: {  	p0 =	seq.s32 s5, $0x0;
	s5 =	sld [smem:$0x3FA7]  }
0x2b: {  	s6 =	sld [smem:$0x3FA8]  }
0x2c: {  	s7 =	sld [smem:$0x3FA9]  }
0x2d: {  	s3 =	simm.s32 $0x108;
	s8 =	sld [smem:$0x3FAA]  }
0x2e: {  	s3 =	simm.s32 @!p0 $0x1082;
	s9 =	sld [smem:$0x3FAB]  }
0x2f: {  	lr =	sadd.s32 s0, s3;
	s0 =	sld [smem:$0x3FA2]  }
0x30: {  	s3 =	sld [smem:$0x3FA5]  }
0x31: {  	[smem:$0x3FAE] =	sst s10  }
0x32: {  	s10 =	sld [smem:$0x3FAC];
	_ =	sdelay $0x3  }
0x33: {  	p0 =	seq.s32 s10, $0x1;
	s10 =	sld [smem:$0x3FAE];
	_ =	sdelay $0x3  }
0x34: {  	[smem:$0x3FAE] =	sst s10  }
0x35: {  	s10 =	sld [smem:$0x3FAD];
	_ =	sdelay $0x3  }
0x36: {  	p1 =	seq.s32 s10, $0x1;
	s10 =	sld [smem:$0x3FAE];
	_ =	sdelay $0x3  }
0x37: {  	[smem:$0x3FAE] =	sst s10  }
0x38: {  	s10 =	sld [smem:$0x3FAF]  }
0x39: {  	_ = 	snop;
	(pc) =	sbr.ind lr, $3  }
0x3a: {  	_ = 	snop  }
0x3b: {  	_ = 	snop  }
0x3c: {  	p2 =	seq.s32 s10, $0x1;
	s10 =	sld [smem:$0x3FAE]  }
0x3d: {  	_ =	shalt  }
0x3e: {  	_ =	shalt  }
0x3f: {  	_ =	shalt  }
0x40: {  	_ =	shalt  }
0x41: {  	_ =	shalt  }
0x42: {  	_ =	shalt  }
0x43: {  	_ =	shalt  }
0x44: {  	_ =	shalt  }
0x45: {  	_ =	shalt  }
0x46: {  	_ =	shalt  }
0x47: {  	_ =	shalt  }
0x48: {  	_ =	shalt  }
0x49: {  	_ =	shalt  }
0x4a: {  	_ =	shalt  }
0x4b: {  	_ =	shalt  }
0x4c: {  	_ =	shalt  }
0x4d: {  	_ =	shalt  }
0x4e: {  	_ =	shalt  }
0x4f: {  	_ =	shalt  }
0x50: {  	_ =	shalt  }
0x51: {  	_ =	shalt  }
0x52: {  	_ =	shalt  }
0x53: {  	_ =	shalt  }
0x54: {  	_ =	shalt  }
0x55: {  	_ =	shalt  }
0x56: {  	_ =	shalt  }
0x57: {  	_ =	shalt  }
0x58: {  	_ =	shalt  }
0x59: {  	_ =	shalt  }
0x5a: {  	_ =	shalt  }
0x5b: {  	_ =	shalt  }
0x5c: {  	_ =	shalt  }
0x5d: {  	_ =	shalt  }
0x5e: {  	_ =	shalt  }
0x5f: {  	_ =	shalt  }
0x60: {  	_ =	shalt  }
0x61: {  	_ =	shalt  }
0x62: {  	_ =	shalt  }
0x63: {  	_ =	shalt  }
0x64: {  	_ =	shalt  }
0x65: {  	_ =	shalt  }
0x66: {  	_ =	shalt  }
0x67: {  	_ =	shalt  }
0x68: {  	_ =	shalt  }
0x69: {  	_ =	shalt  }
0x6a: {  	_ =	shalt  }
0x6b: {  	_ =	shalt  }
0x6c: {  	_ =	shalt  }
0x6d: {  	_ =	shalt  }
0x6e: {  	_ =	shalt  }
0x6f: {  	_ =	shalt  }
0x70: {  	_ =	shalt  }
0x71: {  	_ =	shalt  }
0x72: {  	_ =	shalt  }
0x73: {  	_ =	shalt  }
0x74: {  	_ =	shalt  }
0x75: {  	_ =	shalt  }
0x76: {  	_ =	shalt  }
0x77: {  	_ =	shalt  }
0x78: {  	_ =	shalt  }
0x79: {  	_ =	shalt  }
0x7a: {  	_ =	shalt  }
0x7b: {  	_ =	shalt  }
0x7c: {  	_ =	shalt  }
0x7d: {  	_ =	shalt  }
0x7e: {  	_ =	shalt  }
0x7f: {  	_ =	shalt  }
0x80: {  	_ =	shalt  }
0x81: {  	_ =	shalt  }
0x82: {  	_ =	shalt  }
0x83: {  	_ =	shalt  }
0x84: {  	_ =	shalt  }
0x85: {  	_ =	shalt  }
0x86: {  	_ =	shalt  }
0x87: {  	_ =	shalt  }
.Lfunc_end0:
.L_simem_size_0:
called_computation.1_lowered:
.L_overlay_start_0:
0x88: {  	s2 =	sld [smem:$0x3FD9]  }
0x89: {  	s3 =	sld [smem:$0x3FFE];
	_ =	sdelay $0x1  }
0x8a: {  	s1 =	srdreg.scid  }
0x8b: {  	s0 =	sand.u32 $0x1, s1  }
0x8c: {  	s17 =	sshll.u32 s0, $0xA;
	s2 =	sadd.s32 s3, s2  }
0x8d: {  	s2 =	sadd.s32 s2, s17  }
0x8e: {  	[smem:$0x3FBA] =	sst s2  }
0x8f: {  	_ = 	snop  }
0x90: {  	s18 =	sld [smem:$0x3FD0];
	(tm) =	ssettm $0x1  }
0x91: {  	s19 =	sld [smem:$0x3FFB];
	_ =	sdelay $0x3  }
0x92: {  	_ =	strace s19  }
0x93: {  	s2 =	sld [smem:$0x3FFC];
	_ =	sdelay $0x3  }
0x94: {  	_ =	strace s2  }
0x95: {  	s2 =	sld [smem:$0x3FFD];
	_ =	sdelay $0x3  }
0x96: {  	_ =	strace s2  }
0x97: {  	_ =	strace $0x8FFFFFFF  }
0x98: {  	s20 =	sld [smem:$0x3FDB];
	_ =	sdelay $0x1  }
0x99: {  	s4 =	simm.s32 $_scs_section_size  }
0x9a: {  	s5 =	simm.s32 $_size__tile_overlayer_lowered;
	s6 =	simm.s32 $_tile_overlayer_lowered  }
0x9b: {  	s7 =	simm.s32 $0x1BFF;
	s21 =	sshll.u32 s6, $0x1;
	s4 =	sadd.s32 s4, s20  }
0x9c: {  	s22 =	simm.s32 $0x0;
	s5 =	sshll.u32 s5, $0x1;
	s6 =	sadd.s32 s21, s4  }
0x9d: {  	[timem:s22], [sflag:s7] =	dma.local [hbm:s6], s5  }
0x9e: {  	_ =	swait.ge [sflag:s7], s5  }
0x9f: {  	s5 =	ssub.s32 $0x0, s5;
	[sflag:s7] =	ssyncset.done $0x0  }
0xa0: {  	[sflag:s7] =	ssyncadd.s32 s5;
	_ =	sdelay $0x1  }
0xa1: {  	s23 =	simm.s32 $0x1B8B  }
0xa2: {  	_ =	swait.ge [sflag:s23], $0x1  }
0xa3: {  	[sflag:s23] =	ssyncset.done $0x0  }
0xa4: {  	[sflag:s23] =	ssyncadd.s32 $0xFFFFFFFF  }
0xa5: {  	s5 =	sld [smem:$0x0]  }
0xa6: {  	s6 =	sand.u32 $0xFFFFFFFE, s1  }
0xa7: {  	p0 =	sne.s32 s1, s6  }
0xa8: {  	s6 =	sshll.u32 @p0 s6, $0xE  }
0xa9: {  	s6 =	sadd.s32 @p0 $0x11B8D, s6;
	s7 =	sshll.u32 @p0 s5, $0x11  }
0xaa: {  	s6 =	sor.u32 @p0 s7, s6  }
0xab: {  	[sflag:s6] =	ssyncadd.remote.s32 @p0 $0x1;
	_ =	sdelay $0x1  }
0xac: {  	s6 =	simm.s32 @p0 $0x1B8D  }
0xad: {  	_ =	swait.eq @p0 [sflag:s6], $0x1  }
0xae: {  	[sflag:s6] =	ssyncadd.s32 @p0 $0xFFFFFFFF  }
0xaf: {  	s7 =	sshll.u32 @!p0 s1, $0xE  }
0xb0: {  	s7 =	sor.u32 @!p0 $0x4000, s7;
	s6 =	simm.s32 @!p0 $0x1B8D  }
0xb1: {  	s5 =	sshll.u32 @!p0 s5, $0x11;
	s7 =	sadd.s32 @!p0 $0x11B8D, s7;
	_ =	swait.eq @!p0 [sflag:s6], $0x1  }
0xb2: {  	s5 =	sor.u32 @!p0 s5, s7;
	[sflag:s6] =	ssyncadd.s32 @!p0 $0xFFFFFFFF  }
0xb3: {  	s25 =	simm.s32 $0x1B8E;
	s24 =	sld [smem:$0x3FFE];
	[sflag:s5] =	ssyncadd.remote.s32 @!p0 $0x1  }
0xb4: {  	s26 =	simm.s32 $execute0_lowered;
	[smem:$0x3FD2] =	sst s25  }
0xb5: {  	s6 =	sshll.u32 s26, $0x1;
	_ =	strace $0x80000049;
	[dreg:$0x1] =	wrdreg $0xFFFFFFFF  }
0xb6: {  	s28 =	simm.s32 $_size_execute0_lowered;
	s4 =	sadd.s32 s4, s6;
	[dreg:$0x0] =	wrdreg $0x0  }
0xb7: {  	s6 =	sshll.u32 s28, $0x1;
	[dreg:$0x2] =	wrdreg s4  }
0xb8: {  	[dreg:$0x3] =	wrdreg s6  }
0xb9: {  	[dreg:$0x4] =	wrdreg $0xC0  }
0xba: {  	_ =	task [dreg:s22], $0x5FFFF  }
0xbb: {  	[dreg:$0x1] =	wrdreg $0xFFFFFFFF  }
0xbc: {  	[dreg:$0x0] =	wrdreg $0x60  }
0xbd: {  	[dreg:$0x2] =	wrdreg s18  }
0xbe: {  	[dreg:$0x3] =	wrdreg s24  }
0xbf: {  	[dreg:$0x4] =	wrdreg $0xA8000  }
0xc0: {  	[dreg:$0x5] =	wrdreg $0xA  }
0xc1: {  	_ =	task.clear_ibuf [dreg:s22], $0x6FFFF;
	_ =	strace $0x90000049  }
0xc2: {  	s29 =	simm.s32 $0xA;
	_ =	strace $0x8000004B  }
0xc3: {  	_ =	swait.ge [sflag:s29], $0x1  }
0xc4: {  	[sflag:s29] =	ssyncadd.s32 $0xFFFFFFFF  }
0xc5: {  	_ =	strace $0x9000004B  }
0xc6: {  	_ =	sfence  }
0xc7: {  	s30 =	sld [smem:$0x0];
	_ =	sdelay $0x2  }
0xc8: {  	s31 =	sshll.u32 s1, $0xD;
	s1 =	sshrl.u32 s1, $0x2  }
0xc9: {  	s4 =	sand.u32 $0x4000, s31;
	s1 =	sadd.s32 s1, s30  }
0xca: {  	s0 =	sor.u32 s4, s0;
	s1 =	sshll.u32 s1, $0x11  }
0xcb: {  	s0 =	sor.u32 s1, s0  }
0xcc: {  	s0 =	sadd.s32 $0x8F2B, s0  }
0xcd: {  	[sflag:s0] =	ssyncadd.remote.s32 $0x1  }
0xce: {  	_ =	sfence.sel $0xFFFF  }
0xcf: {  	[dreg:$0x0] =	wrdreg $0xFFFFFFFF;
	(pc) =	sbr.abs _section_cstart, $3  }
0xd0: {  	[dreg:$0x1] =	wrdreg $0xFFFFFFFF  }
0xd1: {  	_ =	task.clear_ibuf [dreg:s22], $0x2FFFF;
	_ =	strace $0x9FFFFFFF  }
0xd2: {  	(tm) =	ssettm $0x7FFFFFFF  }
0xd3: {  	_ =	shalt  }
tec
execute0_lowered:
.L_overlay_start_1:
0x0: {  	(tag) =	ssettag $0x1  }
0x1: {  	s0 =	rddreg [dreg:$0x0]  }
0x2: {  	s4 =	rddreg [dreg:$0x1]  }
0x3: {  	s1 =	rddreg [dreg:$0x2]  }
0x4: {  	s2 =	srdreg.scid;
	s3 =	simm.s32 $0x0;
	s26 =	stileid.u32  }
0x5: {  	s17 =	simm.s32 $0x5;
	s18 =	simm.s32 $0x1400;
	s19 =	simm.s32 $0x80  }
0x6: {  	s20 =	simm.s32 $0x1;
	s21 =	simm.s32 $0x6800;
	s22 =	simm.s32 $0x2  }
0x7: {  	s23 =	simm.s32 $0x1480;
	s24 =	simm.s32 $0x3;
	s6 =	smul.u32 $0x14000, s26  }
0x8: {  	s25 =	simm.s32 $0x100;
	s28 =	simm.s32 $0x0;
	s29 =	smul.u32 $0x50000, s26  }
0x9: {  	s8 =	sand.u32 $0x1, s2;
	[smem:$0x7FF] =	sst s3;
	s9 =	smul.u32 $0x2800, s26  }
0xa: {  	s12 =	sadd.s32 $0x3A00, s4;
	s13 =	sadd.s32 $0x8A00, s4;
	s10 =	smul.u32 $0x500, s26  }
0xb: {  	s26 =	simm.s32 $0x4;
	s5 =	smul.u32 $0x140000, s8;
	s7 =	ssub.s32 $0x2, s8  }
0xc: {  	_ =	strace $0x8000004A;
	s11 =	smul.u32 $0x27100, s8;
	s30 =	sshrl.u32 s7, $0x1  }
0xd: {  	s31 =	sshrl.u32 s29, $0x2;
	s16 =	sshrl.u32 s9, $0x3;
	s9 =	sadd.s32 s12, s10  }
0xe: {  	s10 =	sadd.s32 s13, s10;
	s5 =	sadd.s32 s6, s5;
	s15 =	ssub.s32 s7, s30  }
.Ltmp0:
0xf: {  	s16 =	sadd.s32 $0x280, s16;
	s11 =	sadd.s32 s0, s11;
	(pc) =	sbr.rel .LBB2_1-.Ltmp0, $4  }
0x10: {  	s5 =	sshrl.u32 s5, $0x3;
	s12 =	sadd.s32 s12, s16;
	s13 =	sadd.s32 s13, s16  }
0x11: {  	s15 =	smax.u32 s15, $0x1;
	s14 =	sadd.s32 s5, s4;
	s4 =	sadd.s32 s31, s1  }
0x12: {  	s16 =	simm.s32 $0x2800;
	s5 =	sadd.s32 $0x4000, s4;
	s6 =	sadd.s32 $0x8000, s4  }
0x13: {  	v0 =	vimm.f32 $0.0e+00;
	s7 =	sadd.s32 $0xC000, s4;
	s8 =	sadd.s32 $0x10000, s4;
	s14 =	sadd.s32 $0x5DA00, s14  }
.LBB2_9:
0x14: {  	_ =	swait.ge [sflag:s26], $0x4000;
	s0 =	stileid.u32  }
0x15: {  	s2 =	sshrl.u32 s4, $0x3;
	s28 =	sadd.s32 $0x1, s28;
	[sflag:s26] =	ssyncset.done $0x0  }
0x16: {  	s0 =	sshll.u32 s0, $0x6;
	p0 =	sne.s32 s28, s15;
	[sflag:s26] =	ssyncadd.s32 $0xFFFFC000  }
.Ltmp1:
0x17: {  	s0 =	sor.u32 $0x1C05, s0;
	[bflag:$0x0] =	sbarrier.arrive $0xFFFF;
	(pc) =	sbr.rel @!p0 .LBB2_10-.Ltmp1, $4  }
0x18: {  	[hbm:s14], [sflag:s0] =	dma.local [spmem:s2], $0x2800  }
0x19: {  	_ =	swait.ge [sflag:s17], $0x2800  }
0x1a: {  	[sflag:s17] =	ssyncset.done $0x0  }
0x1b: {  	[sflag:s17] =	ssyncadd.s32 $0xFFFFD800  }
.LBB2_1:
0x1c: {  	s0 =	sand.u32 $0xFE00, s3  }
0x1d: {  	s29 =	simm.s32 $0x0;
	s30 =	sand.u32 $0x40, s3;
	s0 =	sshrl.u32 s0, $0x2  }
0x1e: {  	s31 =	simm.s32 $0x0;
	s30 =	sor.u32 s30, s0;
	s0 =	simm.s32 $0x0  }
.LBB2_2:
0x1f: {  	s29 =	sadd.s32 $0x4, s29  }
0x20: {  	[tilespmem:s30+$0x2830] =	vst v0;
	s31 =	sadd.s32 $0x40, s31;
	s0 =	sadd.s32 $0x100, s0;
	p0 =	slt.u32 s29, $0x3FC  }
.Ltmp2:
0x21: {  	[tilespmem:s30+$0x2820] =	vst v0;
	(pc) =	sbr.rel @p0 .LBB2_2-.Ltmp2, $4  }
0x22: {  	[tilespmem:s30+$0x2800] =	vst v0  }
0x23: {  	s2 =	sand.u32 $0xFE00, s0;
	[tilespmem:s30+$0x2810] =	vst v0  }
0x24: {  	s2 =	sshrl.u32 s2, $0x2;
	s30 =	sand.u32 $0x40, s31  }
0x25: {  	s30 =	sor.u32 s30, s2  }
0x26: {  	[tilespmem:s30+$0x2830] =	vst v0  }
0x27: {  	[tilespmem:s30+$0x2820] =	vst v0  }
0x28: {  	[tilespmem:s30+$0x2800] =	vst v0  }
0x29: {  	[tilespmem:s30+$0x2810] =	vst v0  }
0x2a: {  	[spmem:s4] =	stream.linear.scatter [tilespmem:s16], [sflag:$0x5], $0x4000, $0x38;
	[tilespmem:$0x1E800] =	vst v63  }
0x2b: {  	_ =	swait.ge [sflag:s17], $0x4000  }
0x2c: {  	[sflag:s17] =	ssyncset.done $0x0  }
0x2d: {  	[sflag:s17] =	ssyncadd.s32 $0xFFFFC000  }
0x2e: {  	[spmem:s5] =	stream.linear.scatter [tilespmem:s16], [sflag:$0x5], $0x4000, $0x38;
	[tilespmem:$0x1E800] =	vst v63  }
0x2f: {  	_ =	swait.ge [sflag:s17], $0x4000  }
0x30: {  	[sflag:s17] =	ssyncset.done $0x0  }
0x31: {  	[sflag:s17] =	ssyncadd.s32 $0xFFFFC000  }
0x32: {  	[spmem:s6] =	stream.linear.scatter [tilespmem:s16], [sflag:$0x5], $0x4000, $0x38;
	[tilespmem:$0x1E800] =	vst v63  }
0x33: {  	_ =	swait.ge [sflag:s17], $0x4000  }
0x34: {  	[sflag:s17] =	ssyncset.done $0x0  }
0x35: {  	[sflag:s17] =	ssyncadd.s32 $0xFFFFC000  }
0x36: {  	[spmem:s7] =	stream.linear.scatter [tilespmem:s16], [sflag:$0x5], $0x4000, $0x38;
	[tilespmem:$0x1E800] =	vst v63  }
0x37: {  	_ =	swait.ge [sflag:s17], $0x4000  }
0x38: {  	[sflag:s17] =	ssyncset.done $0x0  }
0x39: {  	[sflag:s17] =	ssyncadd.s32 $0xFFFFC000  }
0x3a: {  	[spmem:s8] =	stream.linear.scatter [tilespmem:s16], [sflag:$0x5], $0x4000, $0x38;
	[tilespmem:$0x1E800] =	vst v63  }
0x3b: {  	_ =	swait.ge [sflag:s17], $0x4000  }
0x3c: {  	[sflag:s17] =	ssyncset.done $0x0  }
0x3d: {  	[sflag:s17] =	ssyncadd.s32 $0xFFFFC000  }
0x3e: {  	[bflag:$0x0] =	sbarrier.arrive $0xFFFF  }
0x3f: {  	[tilespmem:s3], [sflag:$0x5] =	stream.linear.gather [hbm4b:s9+s3], $0x1400, $0x38;
	[tilespmem:$0x1E800] =	vst v63  }
0x40: {  	_ =	swait.ge [sflag:s17], $0x1400  }
0x41: {  	[sflag:s17] =	ssyncset.done $0x0  }
0x42: {  	[sflag:s17] =	ssyncadd.s32 $0xFFFFEC00  }
0x43: {  	[tilespmem:s18], [sflag:$0x5] =	stream.linear.gather [hbm4b:s10+s3], $0x1400, $0x38;
	[tilespmem:$0x1E800] =	vst v63  }
0x44: {  	_ =	swait.ge [sflag:s17], $0x1400  }
0x45: {  	[sflag:s17] =	ssyncset.done $0x0  }
0x46: {  	[sflag:s17] =	ssyncadd.s32 $0xFFFFEC00  }
0x47: {  	[tilespmem:s16], [sflag:$0x1] =	stream.indirect.gather [hbm4b:s11+s19], $0x80, s3, s19, $0xb8;
	[tilespmem:$0x1E800] =	vst v63  }
0x48: {  	_ =	swait.ge [sflag:s20], $0x4000  }
0x49: {  	[sflag:s20] =	ssyncset.done $0x0  }
0x4a: {  	[sflag:s20] =	ssyncadd.s32 $0xFFFFC000  }
0x4b: {  	[spmem:s1] =	stream.indirect.scatter.add.f32 [tilespmem:s16], [sflag:$0x3], $0x80, s18, s19, $0xb8;
	[tilespmem:$0x1E800] =	vst v63  }
0x4c: {  	_ = 	snop  }
0x4d: {  	[tilespmem:s21], [sflag:$0x2] =	stream.indirect.gather [hbm4b:s11+s19], $0x80, s19, s19, $0xb8;
	[tilespmem:$0x1E800] =	vst v63  }
0x4e: {  	_ =	swait.ge [sflag:s22], $0x4000  }
0x4f: {  	[sflag:s22] =	ssyncset.done $0x0  }
0x50: {  	[sflag:s22] =	ssyncadd.s32 $0xFFFFC000  }
0x51: {  	[spmem:s1] =	stream.indirect.scatter.add.f32 [tilespmem:s21], [sflag:$0x4], $0x80, s23, s19, $0xb8;
	[tilespmem:$0x1E800] =	vst v63  }
0x52: {  	_ =	swait.ge [sflag:s24], $0x4000  }
0x53: {  	[sflag:s24] =	ssyncset.done $0x0  }
0x54: {  	s29 =	simm.s32 $0xFFFFB800;
	[sflag:s24] =	ssyncadd.s32 $0xFFFFC000  }
0x55: {  	[tilespmem:s16], [sflag:$0x1] =	stream.indirect.gather [hbm4b:s11+s19], $0x80, s25, s19, $0xb8;
	[tilespmem:$0x1E800] =	vst v63  }
.LBB2_4:
0x56: {  	_ =	swait.ge [sflag:s20], $0x4000  }
0x57: {  	s0 =	sshra.s32 s29, $0x2;
	[sflag:s20] =	ssyncset.done $0x0  }
0x58: {  	s2 =	sadd.s32 $0x2700, s0;
	[sflag:s20] =	ssyncadd.s32 $0xFFFFC000  }
0x59: {  	[spmem:s1] =	stream.indirect.scatter.add.f32 [tilespmem:s16], [sflag:$0x3], $0x80, s2, s19, $0xb8;
	[tilespmem:$0x1E800] =	vst v63  }
0x5a: {  	_ =	swait.ge [sflag:s26], $0x4000  }
0x5b: {  	[sflag:s26] =	ssyncset.done $0x0  }
0x5c: {  	s30 =	sadd.s32 $0x1380, s0;
	[sflag:s26] =	ssyncadd.s32 $0xFFFFC000  }
0x5d: {  	[tilespmem:s21], [sflag:$0x2] =	stream.indirect.gather [hbm4b:s11+s19], $0x80, s30, s19, $0xb8;
	[tilespmem:$0x1E800] =	vst v63  }
0x5e: {  	_ =	swait.ge [sflag:s22], $0x4000  }
0x5f: {  	p0 =	seq.s32 s29, $0x0;
	[sflag:s22] =	ssyncset.done $0x0  }
.Ltmp3:
0x60: {  	s31 =	sadd.s32 $0x2780, s0;
	[sflag:s22] =	ssyncadd.s32 $0xFFFFC000;
	(pc) =	sbr.rel @p0 .LBB2_6-.Ltmp3, $4  }
0x61: {  	[spmem:s1] =	stream.indirect.scatter.add.f32 [tilespmem:s21], [sflag:$0x4], $0x80, s31, s19, $0xb8;
	[tilespmem:$0x1E800] =	vst v63  }
0x62: {  	_ =	swait.ge [sflag:s24], $0x4000  }
0x63: {  	[sflag:s24] =	ssyncset.done $0x0  }
0x64: {  	[sflag:s24] =	ssyncadd.s32 $0xFFFFC000  }
.Ltmp4:
0x65: {  	(pc) =	sbr.rel .LBB2_4-.Ltmp4, $3  }
0x66: {  	_ =	sdelay $0x1  }
0x67: {  	s0 =	sadd.s32 $0x1400, s0;
	s29 =	sadd.s32 $0x400, s29  }
0x68: {  	[tilespmem:s16], [sflag:$0x1] =	stream.indirect.gather [hbm4b:s11+s19], $0x80, s0, s19, $0xb8;
	[tilespmem:$0x1E800] =	vst v63  }
.LBB2_6:
0x69: {  	_ =	swait.ge [sflag:s26], $0x4000  }
0x6a: {  	[sflag:s26] =	ssyncset.done $0x0  }
0x6b: {  	[sflag:s26] =	ssyncadd.s32 $0xFFFFC000  }
0x6c: {  	[tilespmem:s3], [sflag:$0x5] =	stream.linear.gather [hbm4b:s12+s3], $0x1400, $0x38;
	[tilespmem:$0x1E800] =	vst v63  }
0x6d: {  	_ =	swait.ge [sflag:s17], $0x1400  }
0x6e: {  	[sflag:s17] =	ssyncset.done $0x0  }
0x6f: {  	[sflag:s17] =	ssyncadd.s32 $0xFFFFEC00  }
0x70: {  	[tilespmem:s18], [sflag:$0x5] =	stream.linear.gather [hbm4b:s13+s3], $0x1400, $0x38;
	[tilespmem:$0x1E800] =	vst v63  }
0x71: {  	_ =	swait.ge [sflag:s17], $0x1400  }
0x72: {  	[sflag:s17] =	ssyncset.done $0x0  }
0x73: {  	[sflag:s17] =	ssyncadd.s32 $0xFFFFEC00  }
0x74: {  	[tilespmem:s16], [sflag:$0x1] =	stream.indirect.gather [hbm4b:s11+s19], $0x80, s3, s19, $0xb8;
	[tilespmem:$0x1E800] =	vst v63  }
0x75: {  	_ =	swait.ge [sflag:s20], $0x4000  }
0x76: {  	[sflag:s20] =	ssyncset.done $0x0  }
0x77: {  	[sflag:s20] =	ssyncadd.s32 $0xFFFFC000  }
0x78: {  	[spmem:s1] =	stream.indirect.scatter.add.f32 [tilespmem:s16], [sflag:$0x3], $0x80, s18, s19, $0xb8;
	[tilespmem:$0x1E800] =	vst v63  }
0x79: {  	_ = 	snop  }
0x7a: {  	[tilespmem:s21], [sflag:$0x2] =	stream.indirect.gather [hbm4b:s11+s19], $0x80, s19, s19, $0xb8;
	[tilespmem:$0x1E800] =	vst v63  }
0x7b: {  	_ =	swait.ge [sflag:s22], $0x4000  }
0x7c: {  	[sflag:s22] =	ssyncset.done $0x0  }
0x7d: {  	[sflag:s22] =	ssyncadd.s32 $0xFFFFC000  }
0x7e: {  	[spmem:s1] =	stream.indirect.scatter.add.f32 [tilespmem:s21], [sflag:$0x4], $0x80, s23, s19, $0xb8;
	[tilespmem:$0x1E800] =	vst v63  }
0x7f: {  	_ =	swait.ge [sflag:s24], $0x4000  }
0x80: {  	[sflag:s24] =	ssyncset.done $0x0  }
0x81: {  	s29 =	simm.s32 $0xFFFFB800;
	[sflag:s24] =	ssyncadd.s32 $0xFFFFC000  }
0x82: {  	[tilespmem:s16], [sflag:$0x1] =	stream.indirect.gather [hbm4b:s11+s19], $0x80, s25, s19, $0xb8;
	[tilespmem:$0x1E800] =	vst v63  }
.LBB2_7:
0x83: {  	_ =	swait.ge [sflag:s20], $0x4000  }
0x84: {  	s0 =	sshra.s32 s29, $0x2;
	[sflag:s20] =	ssyncset.done $0x0  }
0x85: {  	s2 =	sadd.s32 $0x2700, s0;
	[sflag:s20] =	ssyncadd.s32 $0xFFFFC000  }
0x86: {  	[spmem:s1] =	stream.indirect.scatter.add.f32 [tilespmem:s16], [sflag:$0x3], $0x80, s2, s19, $0xb8;
	[tilespmem:$0x1E800] =	vst v63  }
0x87: {  	_ =	swait.ge [sflag:s26], $0x4000  }
0x88: {  	[sflag:s26] =	ssyncset.done $0x0  }
0x89: {  	s30 =	sadd.s32 $0x1380, s0;
	[sflag:s26] =	ssyncadd.s32 $0xFFFFC000  }
0x8a: {  	[tilespmem:s21], [sflag:$0x2] =	stream.indirect.gather [hbm4b:s11+s19], $0x80, s30, s19, $0xb8;
	[tilespmem:$0x1E800] =	vst v63  }
0x8b: {  	_ =	swait.ge [sflag:s22], $0x4000  }
0x8c: {  	p0 =	seq.s32 s29, $0x0;
	[sflag:s22] =	ssyncset.done $0x0  }
.Ltmp5:
0x8d: {  	s31 =	sadd.s32 $0x2780, s0;
	[sflag:s22] =	ssyncadd.s32 $0xFFFFC000;
	(pc) =	sbr.rel @p0 .LBB2_9-.Ltmp5, $4  }
0x8e: {  	[spmem:s1] =	stream.indirect.scatter.add.f32 [tilespmem:s21], [sflag:$0x4], $0x80, s31, s19, $0xb8;
	[tilespmem:$0x1E800] =	vst v63  }
0x8f: {  	_ =	swait.ge [sflag:s24], $0x4000  }
0x90: {  	[sflag:s24] =	ssyncset.done $0x0  }
0x91: {  	[sflag:s24] =	ssyncadd.s32 $0xFFFFC000  }
.Ltmp6:
0x92: {  	(pc) =	sbr.rel .LBB2_7-.Ltmp6, $3  }
0x93: {  	_ =	sdelay $0x1  }
0x94: {  	s0 =	sadd.s32 $0x1400, s0;
	s29 =	sadd.s32 $0x400, s29  }
0x95: {  	[tilespmem:s16], [sflag:$0x1] =	stream.indirect.gather [hbm4b:s11+s19], $0x80, s0, s19, $0xb8;
	[tilespmem:$0x1E800] =	vst v63  }
.LBB2_10:
0x96: {  	_ =	sfence.sel $0x180000  }
0x97: {  	[bflag:$0x0] =	sbarrier.arrive $0xFFFF  }
0x98: {  	_ =	strace $0x9000004A  }
0x99: {  	s0 =	stileid.u32;
	[bflag:$0x2] =	sbarrier.arrive $0xFFFF  }
0x9a: {  	p0 =	sne.s32 s0, $0x0;
	s0 =	rddreg [dreg:$0x3]  }
0x9b: {  	s0 =	sadd.s32 @!p0 $0x100000, s0  }
0x9c: {  	[sflag:s0] =	ssyncadd.tile.s32 @!p0 $0x1;
	_ =	shalt  }
.Lfunc_end2:
_tile_overlayer_lowered:
.L_overlay_start_2:
0x9d: {  	(tag) =	ssettag $0x2  }
0x9e: {  	s0 =	rddreg [dreg:$0x0];
	s2 =	stileid.u32  }
0x9f: {  	s1 =	rddreg [dreg:$0x1];
	p0 =	sne.s32 s2, $0x0  }
0xa0: {  	s3 =	rddreg [dreg:$0x2];
	[bflag:$0x3] =	sbarrier.arrive $0xFFFF;
	s2 =	simm.s32 @!p0 $0x1C05  }
0xa1: {  	[timem:s3], [sflag:s2] =	dma.local @!p0 [hbm:s0], s1  }
0xa2: {  	s0 =	simm.s32 @!p0 $0x5  }
0xa3: {  	_ =	swait.ge @!p0 [sflag:s0], s1  }
0xa4: {  	s1 =	ssub.s32 @!p0 $0x0, s1;
	[sflag:s0] =	ssyncset.done @!p0 $0x0  }
0xa5: {  	[sflag:s0] =	ssyncadd.s32 @!p0 s1  }
0xa6: {  	[bflag:$0x3] =	sbarrier.arrive $0xFFFF  }
0xa7: {  	_ =	shalt  }

// kernel: kernel.17.cloned.1.call-start
scs
__scs_entry_jumppad:
0x0: {  	(pc) =	sbr.rel $0x88, $3  }
0x1: {  	(tag) =	ssettag $0x0;
	lr =	simm.s32 $0x1  }
0x2: {  	[smem:$0x3F93] =	sst lr;
	_ =	strace $0xD0000000  }
0x3: {  	_ = 	snop  }
0x4: {  	_ = 	snop  }
0x5: {  	_ = 	snop  }
0x6: {  	_ = 	snop  }
0x7: {  	_ = 	snop  }
__scs_overlays_trampoline_lowered:
0x8: {  	[smem:$0x3FA2] =	sst s0  }
0x9: {  	[smem:$0x3FA3] =	sst s1  }
0xa: {  	[smem:$0x3FA4] =	sst s2  }
0xb: {  	[smem:$0x3FA5] =	sst s3  }
0xc: {  	[smem:$0x3FA6] =	sst s4  }
0xd: {  	[smem:$0x3FA7] =	sst s5  }
0xe: {  	[smem:$0x3FA8] =	sst s6  }
0xf: {  	[smem:$0x3FA9] =	sst s7  }
0x10: {  	[smem:$0x3FAA] =	sst s8  }
0x11: {  	[smem:$0x3FAB] =	sst s9;
	s0 =	simm.s32 @!p0 $0x0  }
0x12: {  	s1 =	sld [smem:$0x3F91];
	s0 =	simm.s32 @p0 $0x1  }
0x13: {  	[smem:$0x3FAC] =	sst s0;
	s0 =	simm.s32 @!p1 $0x0  }
0x14: {  	s2 =	sld [smem:$0x3F90];
	s0 =	simm.s32 @p1 $0x1  }
0x15: {  	[smem:$0x3FAD] =	sst s0;
	s0 =	simm.s32 @!p2 $0x0  }
0x16: {  	s3 =	sld [smem:$0x3FDB];
	s0 =	simm.s32 @p2 $0x1  }
0x17: {  	s4 =	simm.s32 $0x1BF5;
	[smem:$0x3FAF] =	sst s0  }
0x18: {  	s0 =	sld [smem:$0x3F92];
	_ =	swait.ge [sflag:s4], $0x0  }
0x19: {  	s7 =	sld [smem:$0x3F93]  }
0x1a: {  	s8 =	sadd.s32 $0xFFFFE003, lr  }
0x1b: {  	s9 =	sadd.s32 $0xFFFFFEF7, lr;
	s5 =	simm.s32 $0xFFFFFFFF;
	p2 =	slt.u32 s8, $0xFFFFF086  }
0x1c: {  	p1 =	slt.u32 s9, $0xF7A;
	s5 =	simm.s32 @!p2 $0x0  }
0x1d: {  	s5 =	simm.s32 @p1 $0x1;
	p0 =	seq.s32 s7, s2  }
0x1e: {  	s7 =	smul.u32 @!p0 $0xF7A, s2;
	p2 =	seq.s32 @!p0 s5, $0x0  }
0x1f: {  	s9 =	smul.u32 $0xF7A, s1;
	s8 =	simm.s32 @!p0 $0x1BF5;
	p2 =	por !p2, p0  }
0x20: {  	[sflag:s8] =	ssyncset.s32 @!p0 $0xFFFFF086;
	s6 =	sadd.s32 @!p0 s3, s7;
	s7 =	simm.s32 @!p0 $0x108  }
0x21: {  	s3 =	sadd.s32 s3, s9;
	s6 =	sadd.s32 @!p0 $0x88, s6;
	s7 =	simm.s32 @p2 $0x1082  }
0x22: {  	[simem:s7], [sflag:s8] =	dma.local @!p0 [hbm:s6], $0xF7A  }
0x23: {  	s9 =	sor.u32 $0xD0000000, s2;
	s6 =	simm.s32 $0x108;
	_ =	swait.ge @!p0 [sflag:s8], $0x0  }
0x24: {  	s3 =	sadd.s32 $0x88, s3;
	s6 =	simm.s32 @!p1 $0x1082;
	[sflag:s4] =	ssyncset.s32 $0xFFFFF086  }
0x25: {  	[simem:s6], [sflag:s4] =	dma.local [hbm:s3], $0xF7A  }
0x26: {  	[smem:$0x3F93] =	sst s1;
	(tag) =	ssettag s2;
	_ =	strace s9  }
0x27: {  	s1 =	sld [smem:$0x3FA3]  }
0x28: {  	s2 =	sld [smem:$0x3FA4]  }
0x29: {  	s4 =	sld [smem:$0x3FA6]  }
0x2a: {  	p0 =	seq.s32 s5, $0x0;
	s5 =	sld [smem:$0x3FA7]  }
0x2b: {  	s6 =	sld [smem:$0x3FA8]  }
0x2c: {  	s7 =	sld [smem:$0x3FA9]  }
0x2d: {  	s3 =	simm.s32 $0x108;
	s8 =	sld [smem:$0x3FAA]  }
0x2e: {  	s3 =	simm.s32 @!p0 $0x1082;
	s9 =	sld [smem:$0x3FAB]  }
0x2f: {  	lr =	sadd.s32 s0, s3;
	s0 =	sld [smem:$0x3FA2]  }
0x30: {  	s3 =	sld [smem:$0x3FA5]  }
0x31: {  	[smem:$0x3FAE] =	sst s10  }
0x32: {  	s10 =	sld [smem:$0x3FAC];
	_ =	sdelay $0x3  }
0x33: {  	p0 =	seq.s32 s10, $0x1;
	s10 =	sld [smem:$0x3FAE];
	_ =	sdelay $0x3  }
0x34: {  	[smem:$0x3FAE] =	sst s10  }
0x35: {  	s10 =	sld [smem:$0x3FAD];
	_ =	sdelay $0x3  }
0x36: {  	p1 =	seq.s32 s10, $0x1;
	s10 =	sld [smem:$0x3FAE];
	_ =	sdelay $0x3  }
0x37: {  	[smem:$0x3FAE] =	sst s10  }
0x38: {  	s10 =	sld [smem:$0x3FAF]  }
0x39: {  	_ = 	snop;
	(pc) =	sbr.ind lr, $3  }
0x3a: {  	_ = 	snop  }
0x3b: {  	_ = 	snop  }
0x3c: {  	p2 =	seq.s32 s10, $0x1;
	s10 =	sld [smem:$0x3FAE]  }
0x3d: {  	_ =	shalt  }
0x3e: {  	_ =	shalt  }
0x3f: {  	_ =	shalt  }
0x40: {  	_ =	shalt  }
0x41: {  	_ =	shalt  }
0x42: {  	_ =	shalt  }
0x43: {  	_ =	shalt  }
0x44: {  	_ =	shalt  }
0x45: {  	_ =	shalt  }
0x46: {  	_ =	shalt  }
0x47: {  	_ =	shalt  }
0x48: {  	_ =	shalt  }
0x49: {  	_ =	shalt  }
0x4a: {  	_ =	shalt  }
0x4b: {  	_ =	shalt  }
0x4c: {  	_ =	shalt  }
0x4d: {  	_ =	shalt  }
0x4e: {  	_ =	shalt  }
0x4f: {  	_ =	shalt  }
0x50: {  	_ =	shalt  }
0x51: {  	_ =	shalt  }
0x52: {  	_ =	shalt  }
0x53: {  	_ =	shalt  }
0x54: {  	_ =	shalt  }
0x55: {  	_ =	shalt  }
0x56: {  	_ =	shalt  }
0x57: {  	_ =	shalt  }
0x58: {  	_ =	shalt  }
0x59: {  	_ =	shalt  }
0x5a: {  	_ =	shalt  }
0x5b: {  	_ =	shalt  }
0x5c: {  	_ =	shalt  }
0x5d: {  	_ =	shalt  }
0x5e: {  	_ =	shalt  }
0x5f: {  	_ =	shalt  }
0x60: {  	_ =	shalt  }
0x61: {  	_ =	shalt  }
0x62: {  	_ =	shalt  }
0x63: {  	_ =	shalt  }
0x64: {  	_ =	shalt  }
0x65: {  	_ =	shalt  }
0x66: {  	_ =	shalt  }
0x67: {  	_ =	shalt  }
0x68: {  	_ =	shalt  }
0x69: {  	_ =	shalt  }
0x6a: {  	_ =	shalt  }
0x6b: {  	_ =	shalt  }
0x6c: {  	_ =	shalt  }
0x6d: {  	_ =	shalt  }
0x6e: {  	_ =	shalt  }
0x6f: {  	_ =	shalt  }
0x70: {  	_ =	shalt  }
0x71: {  	_ =	shalt  }
0x72: {  	_ =	shalt  }
0x73: {  	_ =	shalt  }
0x74: {  	_ =	shalt  }
0x75: {  	_ =	shalt  }
0x76: {  	_ =	shalt  }
0x77: {  	_ =	shalt  }
0x78: {  	_ =	shalt  }
0x79: {  	_ =	shalt  }
0x7a: {  	_ =	shalt  }
0x7b: {  	_ =	shalt  }
0x7c: {  	_ =	shalt  }
0x7d: {  	_ =	shalt  }
0x7e: {  	_ =	shalt  }
0x7f: {  	_ =	shalt  }
0x80: {  	_ =	shalt  }
0x81: {  	_ =	shalt  }
0x82: {  	_ =	shalt  }
0x83: {  	_ =	shalt  }
0x84: {  	_ =	shalt  }
0x85: {  	_ =	shalt  }
0x86: {  	_ =	shalt  }
0x87: {  	_ =	shalt  }
.Lfunc_end0:
.L_simem_size_0:
called_computation.2_lowered:
.L_overlay_start_0:
0x88: {  	s2 =	sld [smem:$0x3FD9]  }
0x89: {  	s3 =	sld [smem:$0x3FFE];
	_ =	sdelay $0x1  }
0x8a: {  	s1 =	srdreg.scid  }
0x8b: {  	s0 =	sand.u32 $0x1, s1  }
0x8c: {  	s17 =	sshll.u32 s0, $0xA;
	s2 =	sadd.s32 s3, s2  }
0x8d: {  	s2 =	sadd.s32 s2, s17  }
0x8e: {  	[smem:$0x3FBA] =	sst s2  }
0x8f: {  	_ = 	snop  }
0x90: {  	s2 =	sld [smem:$0x3FD0];
	(tm) =	ssettm $0x1  }
0x91: {  	s18 =	sld [smem:$0x3FFB];
	_ =	sdelay $0x3  }
0x92: {  	_ =	strace s18  }
0x93: {  	s3 =	sld [smem:$0x3FFC];
	_ =	sdelay $0x3  }
0x94: {  	_ =	strace s3  }
0x95: {  	s3 =	sld [smem:$0x3FFD];
	_ =	sdelay $0x3  }
0x96: {  	_ =	strace s3  }
0x97: {  	_ =	strace $0x8FFFFFFF  }
0x98: {  	s19 =	sld [smem:$0x3FDB];
	_ =	sdelay $0x1  }
0x99: {  	s4 =	simm.s32 $_scs_section_size  }
0x9a: {  	s5 =	simm.s32 $_size__tile_overlayer_lowered;
	s6 =	simm.s32 $_tile_overlayer_lowered  }
0x9b: {  	s22 =	simm.s32 $0x1BFF;
	s21 =	sshll.u32 s6, $0x1;
	s3 =	sadd.s32 s4, s19  }
0x9c: {  	s7 =	simm.s32 $0x0;
	s20 =	sshll.u32 s5, $0x1;
	s5 =	sadd.s32 s21, s3  }
0x9d: {  	[timem:s7], [sflag:s22] =	dma.local [hbm:s5], s20  }
0x9e: {  	_ =	swait.ge [sflag:s22], s20  }
0x9f: {  	s4 =	ssub.s32 $0x0, s20;
	[sflag:s22] =	ssyncset.done $0x0  }
0xa0: {  	[sflag:s22] =	ssyncadd.s32 s4;
	_ =	sdelay $0x1  }
0xa1: {  	s23 =	simm.s32 $0x1B8B  }
0xa2: {  	_ =	swait.ge [sflag:s23], $0x1  }
0xa3: {  	[sflag:s23] =	ssyncset.done $0x0  }
0xa4: {  	s25 =	simm.s32 $0x1B8E;
	s24 =	sld [smem:$0x3FFE];
	[sflag:s23] =	ssyncadd.s32 $0xFFFFFFFF  }
0xa5: {  	s26 =	simm.s32 $execute0_lowered;
	[smem:$0x3FD2] =	sst s25  }
0xa6: {  	s5 =	sshll.u32 s26, $0x1;
	_ =	strace $0x8000004C;
	[dreg:$0x1] =	wrdreg $0xFFFFFFFF  }
0xa7: {  	s28 =	simm.s32 $_size_execute0_lowered;
	s3 =	sadd.s32 s3, s5;
	[dreg:$0x0] =	wrdreg $0x0  }
0xa8: {  	s5 =	sshll.u32 s28, $0x1;
	[dreg:$0x2] =	wrdreg s3  }
0xa9: {  	[dreg:$0x3] =	wrdreg s5  }
0xaa: {  	[dreg:$0x4] =	wrdreg $0xC0  }
0xab: {  	_ =	task [dreg:s7], $0x5FFFF  }
0xac: {  	[dreg:$0x1] =	wrdreg $0xFFFFFFFF  }
0xad: {  	[dreg:$0x0] =	wrdreg $0x60  }
0xae: {  	[dreg:$0x2] =	wrdreg s2  }
0xaf: {  	[dreg:$0x3] =	wrdreg s24  }
0xb0: {  	[dreg:$0x4] =	wrdreg $0xA8000  }
0xb1: {  	[dreg:$0x5] =	wrdreg $0x9  }
0xb2: {  	_ =	task.clear_ibuf [dreg:s7], $0x6FFFF;
	_ =	strace $0x9000004C  }
0xb3: {  	s29 =	simm.s32 $0x9;
	_ =	strace $0x8000004E  }
0xb4: {  	_ =	swait.ge [sflag:s29], $0x1  }
0xb5: {  	[sflag:s29] =	ssyncadd.s32 $0xFFFFFFFF  }
0xb6: {  	_ =	strace $0x9000004E  }
0xb7: {  	_ =	sfence  }
0xb8: {  	s30 =	sld [smem:$0x0];
	_ =	sdelay $0x2  }
0xb9: {  	s31 =	sshll.u32 s1, $0xD;
	s1 =	sshrl.u32 s1, $0x2  }
0xba: {  	s3 =	sand.u32 $0x4000, s31;
	s1 =	sadd.s32 s1, s30  }
0xbb: {  	s0 =	sor.u32 s3, s0;
	s1 =	sshll.u32 s1, $0x11  }
0xbc: {  	s0 =	sor.u32 s1, s0  }
0xbd: {  	s0 =	sadd.s32 $0x8F2B, s0  }
0xbe: {  	[sflag:s0] =	ssyncadd.remote.s32 $0x1  }
0xbf: {  	_ =	sfence.sel $0xFFFF  }
0xc0: {  	[dreg:$0x0] =	wrdreg $0xFFFFFFFF;
	(pc) =	sbr.abs _section_cstart, $3  }
0xc1: {  	[dreg:$0x1] =	wrdreg $0xFFFFFFFF  }
0xc2: {  	_ =	task.clear_ibuf [dreg:s7], $0x2FFFF;
	_ =	strace $0x9FFFFFFF  }
0xc3: {  	(tm) =	ssettm $0x7FFFFFFF  }
tec
execute0_lowered:
.L_overlay_start_1:
0x0: {  	(tag) =	ssettag $0x1  }
0x1: {  	s0 =	rddreg [dreg:$0x0]  }
0x2: {  	s4 =	rddreg [dreg:$0x1]  }
0x3: {  	s1 =	rddreg [dreg:$0x2]  }
0x4: {  	s2 =	srdreg.scid;
	s3 =	simm.s32 $0x0;
	s26 =	stileid.u32  }
0x5: {  	s17 =	simm.s32 $0x5;
	s18 =	simm.s32 $0x1400;
	s19 =	simm.s32 $0x80  }
0x6: {  	s20 =	simm.s32 $0x1;
	s21 =	simm.s32 $0x6800;
	s22 =	simm.s32 $0x2  }
0x7: {  	s23 =	simm.s32 $0x1480;
	s24 =	simm.s32 $0x3;
	s6 =	smul.u32 $0x14000, s26  }
0x8: {  	s25 =	simm.s32 $0x100;
	s28 =	simm.s32 $0x0;
	s29 =	smul.u32 $0x50000, s26  }
0x9: {  	s8 =	sand.u32 $0x1, s2;
	[smem:$0x7FF] =	sst s3;
	s9 =	smul.u32 $0x2800, s26  }
0xa: {  	s12 =	sadd.s32 $0x3A00, s4;
	s13 =	sadd.s32 $0x8A00, s4;
	s10 =	smul.u32 $0x500, s26  }
0xb: {  	s26 =	simm.s32 $0x4;
	s5 =	smul.u32 $0x140000, s8;
	s7 =	ssub.s32 $0x2, s8  }
0xc: {  	_ =	strace $0x8000004D;
	s11 =	smul.u32 $0x27100, s8;
	s30 =	sshrl.u32 s7, $0x1  }
0xd: {  	s31 =	sshrl.u32 s29, $0x2;
	s16 =	sshrl.u32 s9, $0x3;
	s9 =	sadd.s32 s12, s10  }
0xe: {  	s10 =	sadd.s32 s13, s10;
	s5 =	sadd.s32 s6, s5;
	s15 =	ssub.s32 s7, s30  }
.Ltmp0:
0xf: {  	s16 =	sadd.s32 $0x280, s16;
	s11 =	sadd.s32 s0, s11;
	(pc) =	sbr.rel .LBB2_1-.Ltmp0, $4  }
0x10: {  	s5 =	sshrl.u32 s5, $0x3;
	s12 =	sadd.s32 s12, s16;
	s13 =	sadd.s32 s13, s16  }
0x11: {  	s15 =	smax.u32 s15, $0x1;
	s14 =	sadd.s32 s5, s4;
	s4 =	sadd.s32 s31, s1  }
0x12: {  	s16 =	simm.s32 $0x2800;
	s5 =	sadd.s32 $0x4000, s4;
	s6 =	sadd.s32 $0x8000, s4  }
0x13: {  	v0 =	vimm.f32 $0.0e+00;
	s7 =	sadd.s32 $0xC000, s4;
	s8 =	sadd.s32 $0x10000, s4;
	s14 =	sadd.s32 $0xDA00, s14  }
.LBB2_9:
0x14: {  	_ =	swait.ge [sflag:s26], $0x4000;
	s0 =	stileid.u32  }
0x15: {  	s2 =	sshrl.u32 s4, $0x3;
	s28 =	sadd.s32 $0x1, s28;
	[sflag:s26] =	ssyncset.done $0x0  }
0x16: {  	s0 =	sshll.u32 s0, $0x6;
	p0 =	sne.s32 s28, s15;
	[sflag:s26] =	ssyncadd.s32 $0xFFFFC000  }
.Ltmp1:
0x17: {  	s0 =	sor.u32 $0x1C05, s0;
	[bflag:$0x0] =	sbarrier.arrive $0xFFFF;
	(pc) =	sbr.rel @!p0 .LBB2_10-.Ltmp1, $4  }
0x18: {  	[hbm:s14], [sflag:s0] =	dma.local [spmem:s2], $0x2800  }
0x19: {  	_ =	swait.ge [sflag:s17], $0x2800  }
0x1a: {  	[sflag:s17] =	ssyncset.done $0x0  }
0x1b: {  	[sflag:s17] =	ssyncadd.s32 $0xFFFFD800  }
.LBB2_1:
0x1c: {  	s0 =	sand.u32 $0xFE00, s3  }
0x1d: {  	s29 =	simm.s32 $0x0;
	s30 =	sand.u32 $0x40, s3;
	s0 =	sshrl.u32 s0, $0x2  }
0x1e: {  	s31 =	simm.s32 $0x0;
	s30 =	sor.u32 s30, s0;
	s0 =	simm.s32 $0x0  }
.LBB2_2:
0x1f: {  	s29 =	sadd.s32 $0x4, s29  }
0x20: {  	[tilespmem:s30+$0x2830] =	vst v0;
	s31 =	sadd.s32 $0x40, s31;
	s0 =	sadd.s32 $0x100, s0;
	p0 =	slt.u32 s29, $0x3FC  }
.Ltmp2:
0x21: {  	[tilespmem:s30+$0x2820] =	vst v0;
	(pc) =	sbr.rel @p0 .LBB2_2-.Ltmp2, $4  }
0x22: {  	[tilespmem:s30+$0x2800] =	vst v0  }
0x23: {  	s2 =	sand.u32 $0xFE00, s0;
	[tilespmem:s30+$0x2810] =	vst v0  }
0x24: {  	s2 =	sshrl.u32 s2, $0x2;
	s30 =	sand.u32 $0x40, s31  }
0x25: {  	s30 =	sor.u32 s30, s2  }
0x26: {  	[tilespmem:s30+$0x2830] =	vst v0  }
0x27: {  	[tilespmem:s30+$0x2820] =	vst v0  }
0x28: {  	[tilespmem:s30+$0x2800] =	vst v0  }
0x29: {  	[tilespmem:s30+$0x2810] =	vst v0  }
0x2a: {  	[spmem:s4] =	stream.linear.scatter [tilespmem:s16], [sflag:$0x5], $0x4000, $0x38;
	[tilespmem:$0x1E800] =	vst v63  }
0x2b: {  	_ =	swait.ge [sflag:s17], $0x4000  }
0x2c: {  	[sflag:s17] =	ssyncset.done $0x0  }
0x2d: {  	[sflag:s17] =	ssyncadd.s32 $0xFFFFC000  }
0x2e: {  	[spmem:s5] =	stream.linear.scatter [tilespmem:s16], [sflag:$0x5], $0x4000, $0x38;
	[tilespmem:$0x1E800] =	vst v63  }
0x2f: {  	_ =	swait.ge [sflag:s17], $0x4000  }
0x30: {  	[sflag:s17] =	ssyncset.done $0x0  }
0x31: {  	[sflag:s17] =	ssyncadd.s32 $0xFFFFC000  }
0x32: {  	[spmem:s6] =	stream.linear.scatter [tilespmem:s16], [sflag:$0x5], $0x4000, $0x38;
	[tilespmem:$0x1E800] =	vst v63  }
0x33: {  	_ =	swait.ge [sflag:s17], $0x4000  }
0x34: {  	[sflag:s17] =	ssyncset.done $0x0  }
0x35: {  	[sflag:s17] =	ssyncadd.s32 $0xFFFFC000  }
0x36: {  	[spmem:s7] =	stream.linear.scatter [tilespmem:s16], [sflag:$0x5], $0x4000, $0x38;
	[tilespmem:$0x1E800] =	vst v63  }
0x37: {  	_ =	swait.ge [sflag:s17], $0x4000  }
0x38: {  	[sflag:s17] =	ssyncset.done $0x0  }
0x39: {  	[sflag:s17] =	ssyncadd.s32 $0xFFFFC000  }
0x3a: {  	[spmem:s8] =	stream.linear.scatter [tilespmem:s16], [sflag:$0x5], $0x4000, $0x38;
	[tilespmem:$0x1E800] =	vst v63  }
0x3b: {  	_ =	swait.ge [sflag:s17], $0x4000  }
0x3c: {  	[sflag:s17] =	ssyncset.done $0x0  }
0x3d: {  	[sflag:s17] =	ssyncadd.s32 $0xFFFFC000  }
0x3e: {  	[bflag:$0x0] =	sbarrier.arrive $0xFFFF  }
0x3f: {  	[tilespmem:s3], [sflag:$0x5] =	stream.linear.gather [hbm4b:s9+s3], $0x1400, $0x38;
	[tilespmem:$0x1E800] =	vst v63  }
0x40: {  	_ =	swait.ge [sflag:s17], $0x1400  }
0x41: {  	[sflag:s17] =	ssyncset.done $0x0  }
0x42: {  	[sflag:s17] =	ssyncadd.s32 $0xFFFFEC00  }
0x43: {  	[tilespmem:s18], [sflag:$0x5] =	stream.linear.gather [hbm4b:s10+s3], $0x1400, $0x38;
	[tilespmem:$0x1E800] =	vst v63  }
0x44: {  	_ =	swait.ge [sflag:s17], $0x1400  }
0x45: {  	[sflag:s17] =	ssyncset.done $0x0  }
0x46: {  	[sflag:s17] =	ssyncadd.s32 $0xFFFFEC00  }
0x47: {  	[tilespmem:s16], [sflag:$0x1] =	stream.indirect.gather [hbm4b:s11+s19], $0x80, s3, s19, $0xb8;
	[tilespmem:$0x1E800] =	vst v63  }
0x48: {  	_ =	swait.ge [sflag:s20], $0x4000  }
0x49: {  	[sflag:s20] =	ssyncset.done $0x0  }
0x4a: {  	[sflag:s20] =	ssyncadd.s32 $0xFFFFC000  }
0x4b: {  	[spmem:s1] =	stream.indirect.scatter.add.f32 [tilespmem:s16], [sflag:$0x3], $0x80, s18, s19, $0xb8;
	[tilespmem:$0x1E800] =	vst v63  }
0x4c: {  	_ = 	snop  }
0x4d: {  	[tilespmem:s21], [sflag:$0x2] =	stream.indirect.gather [hbm4b:s11+s19], $0x80, s19, s19, $0xb8;
	[tilespmem:$0x1E800] =	vst v63  }
0x4e: {  	_ =	swait.ge [sflag:s22], $0x4000  }
0x4f: {  	[sflag:s22] =	ssyncset.done $0x0  }
0x50: {  	[sflag:s22] =	ssyncadd.s32 $0xFFFFC000  }
0x51: {  	[spmem:s1] =	stream.indirect.scatter.add.f32 [tilespmem:s21], [sflag:$0x4], $0x80, s23, s19, $0xb8;
	[tilespmem:$0x1E800] =	vst v63  }
0x52: {  	_ =	swait.ge [sflag:s24], $0x4000  }
0x53: {  	[sflag:s24] =	ssyncset.done $0x0  }
0x54: {  	s29 =	simm.s32 $0xFFFFB800;
	[sflag:s24] =	ssyncadd.s32 $0xFFFFC000  }
0x55: {  	[tilespmem:s16], [sflag:$0x1] =	stream.indirect.gather [hbm4b:s11+s19], $0x80, s25, s19, $0xb8;
	[tilespmem:$0x1E800] =	vst v63  }
.LBB2_4:
0x56: {  	_ =	swait.ge [sflag:s20], $0x4000  }
0x57: {  	s0 =	sshra.s32 s29, $0x2;
	[sflag:s20] =	ssyncset.done $0x0  }
0x58: {  	s2 =	sadd.s32 $0x2700, s0;
	[sflag:s20] =	ssyncadd.s32 $0xFFFFC000  }
0x59: {  	[spmem:s1] =	stream.indirect.scatter.add.f32 [tilespmem:s16], [sflag:$0x3], $0x80, s2, s19, $0xb8;
	[tilespmem:$0x1E800] =	vst v63  }
0x5a: {  	_ =	swait.ge [sflag:s26], $0x4000  }
0x5b: {  	[sflag:s26] =	ssyncset.done $0x0  }
0x5c: {  	s30 =	sadd.s32 $0x1380, s0;
	[sflag:s26] =	ssyncadd.s32 $0xFFFFC000  }
0x5d: {  	[tilespmem:s21], [sflag:$0x2] =	stream.indirect.gather [hbm4b:s11+s19], $0x80, s30, s19, $0xb8;
	[tilespmem:$0x1E800] =	vst v63  }
0x5e: {  	_ =	swait.ge [sflag:s22], $0x4000  }
0x5f: {  	p0 =	seq.s32 s29, $0x0;
	[sflag:s22] =	ssyncset.done $0x0  }
.Ltmp3:
0x60: {  	s31 =	sadd.s32 $0x2780, s0;
	[sflag:s22] =	ssyncadd.s32 $0xFFFFC000;
	(pc) =	sbr.rel @p0 .LBB2_6-.Ltmp3, $4  }
0x61: {  	[spmem:s1] =	stream.indirect.scatter.add.f32 [tilespmem:s21], [sflag:$0x4], $0x80, s31, s19, $0xb8;
	[tilespmem:$0x1E800] =	vst v63  }
0x62: {  	_ =	swait.ge [sflag:s24], $0x4000  }
0x63: {  	[sflag:s24] =	ssyncset.done $0x0  }
0x64: {  	[sflag:s24] =	ssyncadd.s32 $0xFFFFC000  }
.Ltmp4:
0x65: {  	(pc) =	sbr.rel .LBB2_4-.Ltmp4, $3  }
0x66: {  	_ =	sdelay $0x1  }
0x67: {  	s0 =	sadd.s32 $0x1400, s0;
	s29 =	sadd.s32 $0x400, s29  }
0x68: {  	[tilespmem:s16], [sflag:$0x1] =	stream.indirect.gather [hbm4b:s11+s19], $0x80, s0, s19, $0xb8;
	[tilespmem:$0x1E800] =	vst v63  }
.LBB2_6:
0x69: {  	_ =	swait.ge [sflag:s26], $0x4000  }
0x6a: {  	[sflag:s26] =	ssyncset.done $0x0  }
0x6b: {  	[sflag:s26] =	ssyncadd.s32 $0xFFFFC000  }
0x6c: {  	[tilespmem:s3], [sflag:$0x5] =	stream.linear.gather [hbm4b:s12+s3], $0x1400, $0x38;
	[tilespmem:$0x1E800] =	vst v63  }
0x6d: {  	_ =	swait.ge [sflag:s17], $0x1400  }
0x6e: {  	[sflag:s17] =	ssyncset.done $0x0  }
0x6f: {  	[sflag:s17] =	ssyncadd.s32 $0xFFFFEC00  }
0x70: {  	[tilespmem:s18], [sflag:$0x5] =	stream.linear.gather [hbm4b:s13+s3], $0x1400, $0x38;
	[tilespmem:$0x1E800] =	vst v63  }
0x71: {  	_ =	swait.ge [sflag:s17], $0x1400  }
0x72: {  	[sflag:s17] =	ssyncset.done $0x0  }
0x73: {  	[sflag:s17] =	ssyncadd.s32 $0xFFFFEC00  }
0x74: {  	[tilespmem:s16], [sflag:$0x1] =	stream.indirect.gather [hbm4b:s11+s19], $0x80, s3, s19, $0xb8;
	[tilespmem:$0x1E800] =	vst v63  }
0x75: {  	_ =	swait.ge [sflag:s20], $0x4000  }
0x76: {  	[sflag:s20] =	ssyncset.done $0x0  }
0x77: {  	[sflag:s20] =	ssyncadd.s32 $0xFFFFC000  }
0x78: {  	[spmem:s1] =	stream.indirect.scatter.add.f32 [tilespmem:s16], [sflag:$0x3], $0x80, s18, s19, $0xb8;
	[tilespmem:$0x1E800] =	vst v63  }
0x79: {  	_ = 	snop  }
0x7a: {  	[tilespmem:s21], [sflag:$0x2] =	stream.indirect.gather [hbm4b:s11+s19], $0x80, s19, s19, $0xb8;
	[tilespmem:$0x1E800] =	vst v63  }
0x7b: {  	_ =	swait.ge [sflag:s22], $0x4000  }
0x7c: {  	[sflag:s22] =	ssyncset.done $0x0  }
0x7d: {  	[sflag:s22] =	ssyncadd.s32 $0xFFFFC000  }
0x7e: {  	[spmem:s1] =	stream.indirect.scatter.add.f32 [tilespmem:s21], [sflag:$0x4], $0x80, s23, s19, $0xb8;
	[tilespmem:$0x1E800] =	vst v63  }
0x7f: {  	_ =	swait.ge [sflag:s24], $0x4000  }
0x80: {  	[sflag:s24] =	ssyncset.done $0x0  }
0x81: {  	s29 =	simm.s32 $0xFFFFB800;
	[sflag:s24] =	ssyncadd.s32 $0xFFFFC000  }
0x82: {  	[tilespmem:s16], [sflag:$0x1] =	stream.indirect.gather [hbm4b:s11+s19], $0x80, s25, s19, $0xb8;
	[tilespmem:$0x1E800] =	vst v63  }
.LBB2_7:
0x83: {  	_ =	swait.ge [sflag:s20], $0x4000  }
0x84: {  	s0 =	sshra.s32 s29, $0x2;
	[sflag:s20] =	ssyncset.done $0x0  }
0x85: {  	s2 =	sadd.s32 $0x2700, s0;
	[sflag:s20] =	ssyncadd.s32 $0xFFFFC000  }
0x86: {  	[spmem:s1] =	stream.indirect.scatter.add.f32 [tilespmem:s16], [sflag:$0x3], $0x80, s2, s19, $0xb8;
	[tilespmem:$0x1E800] =	vst v63  }
0x87: {  	_ =	swait.ge [sflag:s26], $0x4000  }
0x88: {  	[sflag:s26] =	ssyncset.done $0x0  }
0x89: {  	s30 =	sadd.s32 $0x1380, s0;
	[sflag:s26] =	ssyncadd.s32 $0xFFFFC000  }
0x8a: {  	[tilespmem:s21], [sflag:$0x2] =	stream.indirect.gather [hbm4b:s11+s19], $0x80, s30, s19, $0xb8;
	[tilespmem:$0x1E800] =	vst v63  }
0x8b: {  	_ =	swait.ge [sflag:s22], $0x4000  }
0x8c: {  	p0 =	seq.s32 s29, $0x0;
	[sflag:s22] =	ssyncset.done $0x0  }
.Ltmp5:
0x8d: {  	s31 =	sadd.s32 $0x2780, s0;
	[sflag:s22] =	ssyncadd.s32 $0xFFFFC000;
	(pc) =	sbr.rel @p0 .LBB2_9-.Ltmp5, $4  }
0x8e: {  	[spmem:s1] =	stream.indirect.scatter.add.f32 [tilespmem:s21], [sflag:$0x4], $0x80, s31, s19, $0xb8;
	[tilespmem:$0x1E800] =	vst v63  }
0x8f: {  	_ =	swait.ge [sflag:s24], $0x4000  }
0x90: {  	[sflag:s24] =	ssyncset.done $0x0  }
0x91: {  	[sflag:s24] =	ssyncadd.s32 $0xFFFFC000  }
.Ltmp6:
0x92: {  	(pc) =	sbr.rel .LBB2_7-.Ltmp6, $3  }
0x93: {  	_ =	sdelay $0x1  }
0x94: {  	s0 =	sadd.s32 $0x1400, s0;
	s29 =	sadd.s32 $0x400, s29  }
0x95: {  	[tilespmem:s16], [sflag:$0x1] =	stream.indirect.gather [hbm4b:s11+s19], $0x80, s0, s19, $0xb8;
	[tilespmem:$0x1E800] =	vst v63  }
.LBB2_10:
0x96: {  	_ =	sfence.sel $0x180000  }
0x97: {  	[bflag:$0x0] =	sbarrier.arrive $0xFFFF  }
0x98: {  	_ =	strace $0x9000004D  }
0x99: {  	s0 =	stileid.u32;
	[bflag:$0x2] =	sbarrier.arrive $0xFFFF  }
0x9a: {  	p0 =	sne.s32 s0, $0x0;
	s0 =	rddreg [dreg:$0x3]  }
0x9b: {  	s0 =	sadd.s32 @!p0 $0x100000, s0  }
0x9c: {  	[sflag:s0] =	ssyncadd.tile.s32 @!p0 $0x1;
	_ =	shalt  }
.Lfunc_end2:
_tile_overlayer_lowered:
.L_overlay_start_2:
0x9d: {  	(tag) =	ssettag $0x2  }
0x9e: {  	s0 =	rddreg [dreg:$0x0];
	s2 =	stileid.u32  }
0x9f: {  	s1 =	rddreg [dreg:$0x1];
	p0 =	sne.s32 s2, $0x0  }
0xa0: {  	s3 =	rddreg [dreg:$0x2];
	[bflag:$0x3] =	sbarrier.arrive $0xFFFF;
	s2 =	simm.s32 @!p0 $0x1C05  }
0xa1: {  	[timem:s3], [sflag:s2] =	dma.local @!p0 [hbm:s0], s1  }
0xa2: {  	s0 =	simm.s32 @!p0 $0x5  }
0xa3: {  	_ =	swait.ge @!p0 [sflag:s0], s1  }
0xa4: {  	s1 =	ssub.s32 @!p0 $0x0, s1;
	[sflag:s0] =	ssyncset.done @!p0 $0x0  }
0xa5: {  	[sflag:s0] =	ssyncadd.s32 @!p0 s1  }
0xa6: {  	[bflag:$0x3] =	sbarrier.arrive $0xFFFF  }
0xa7: {  	_ =	shalt  }

// kernel: kernel.20.cloned.1.call-start
scs
__scs_entry_jumppad:
0x0: {  	(pc) =	sbr.rel $0x88, $3  }
0x1: {  	(tag) =	ssettag $0x0;
	lr =	simm.s32 $0x1  }
0x2: {  	[smem:$0x3F93] =	sst lr;
	_ =	strace $0xD0000000  }
0x3: {  	_ = 	snop  }
0x4: {  	_ = 	snop  }
0x5: {  	_ = 	snop  }
0x6: {  	_ = 	snop  }
0x7: {  	_ = 	snop  }
__scs_overlays_trampoline_lowered:
0x8: {  	[smem:$0x3FA2] =	sst s0  }
0x9: {  	[smem:$0x3FA3] =	sst s1  }
0xa: {  	[smem:$0x3FA4] =	sst s2  }
0xb: {  	[smem:$0x3FA5] =	sst s3  }
0xc: {  	[smem:$0x3FA6] =	sst s4  }
0xd: {  	[smem:$0x3FA7] =	sst s5  }
0xe: {  	[smem:$0x3FA8] =	sst s6  }
0xf: {  	[smem:$0x3FA9] =	sst s7  }
0x10: {  	[smem:$0x3FAA] =	sst s8  }
0x11: {  	[smem:$0x3FAB] =	sst s9;
	s0 =	simm.s32 @!p0 $0x0  }
0x12: {  	s1 =	sld [smem:$0x3F91];
	s0 =	simm.s32 @p0 $0x1  }
0x13: {  	[smem:$0x3FAC] =	sst s0;
	s0 =	simm.s32 @!p1 $0x0  }
0x14: {  	s2 =	sld [smem:$0x3F90];
	s0 =	simm.s32 @p1 $0x1  }
0x15: {  	[smem:$0x3FAD] =	sst s0;
	s0 =	simm.s32 @!p2 $0x0  }
0x16: {  	s3 =	sld [smem:$0x3FDB];
	s0 =	simm.s32 @p2 $0x1  }
0x17: {  	s4 =	simm.s32 $0x1BF5;
	[smem:$0x3FAF] =	sst s0  }
0x18: {  	s0 =	sld [smem:$0x3F92];
	_ =	swait.ge [sflag:s4], $0x0  }
0x19: {  	s7 =	sld [smem:$0x3F93]  }
0x1a: {  	s8 =	sadd.s32 $0xFFFFE003, lr  }
0x1b: {  	s9 =	sadd.s32 $0xFFFFFEF7, lr;
	s5 =	simm.s32 $0xFFFFFFFF;
	p2 =	slt.u32 s8, $0xFFFFF086  }
0x1c: {  	p1 =	slt.u32 s9, $0xF7A;
	s5 =	simm.s32 @!p2 $0x0  }
0x1d: {  	s5 =	simm.s32 @p1 $0x1;
	p0 =	seq.s32 s7, s2  }
0x1e: {  	s7 =	smul.u32 @!p0 $0xF7A, s2;
	p2 =	seq.s32 @!p0 s5, $0x0  }
0x1f: {  	s9 =	smul.u32 $0xF7A, s1;
	s8 =	simm.s32 @!p0 $0x1BF5;
	p2 =	por !p2, p0  }
0x20: {  	[sflag:s8] =	ssyncset.s32 @!p0 $0xFFFFF086;
	s6 =	sadd.s32 @!p0 s3, s7;
	s7 =	simm.s32 @!p0 $0x108  }
0x21: {  	s3 =	sadd.s32 s3, s9;
	s6 =	sadd.s32 @!p0 $0x88, s6;
	s7 =	simm.s32 @p2 $0x1082  }
0x22: {  	[simem:s7], [sflag:s8] =	dma.local @!p0 [hbm:s6], $0xF7A  }
0x23: {  	s9 =	sor.u32 $0xD0000000, s2;
	s6 =	simm.s32 $0x108;
	_ =	swait.ge @!p0 [sflag:s8], $0x0  }
0x24: {  	s3 =	sadd.s32 $0x88, s3;
	s6 =	simm.s32 @!p1 $0x1082;
	[sflag:s4] =	ssyncset.s32 $0xFFFFF086  }
0x25: {  	[simem:s6], [sflag:s4] =	dma.local [hbm:s3], $0xF7A  }
0x26: {  	[smem:$0x3F93] =	sst s1;
	(tag) =	ssettag s2;
	_ =	strace s9  }
0x27: {  	s1 =	sld [smem:$0x3FA3]  }
0x28: {  	s2 =	sld [smem:$0x3FA4]  }
0x29: {  	s4 =	sld [smem:$0x3FA6]  }
0x2a: {  	p0 =	seq.s32 s5, $0x0;
	s5 =	sld [smem:$0x3FA7]  }
0x2b: {  	s6 =	sld [smem:$0x3FA8]  }
0x2c: {  	s7 =	sld [smem:$0x3FA9]  }
0x2d: {  	s3 =	simm.s32 $0x108;
	s8 =	sld [smem:$0x3FAA]  }
0x2e: {  	s3 =	simm.s32 @!p0 $0x1082;
	s9 =	sld [smem:$0x3FAB]  }
0x2f: {  	lr =	sadd.s32 s0, s3;
	s0 =	sld [smem:$0x3FA2]  }
0x30: {  	s3 =	sld [smem:$0x3FA5]  }
0x31: {  	[smem:$0x3FAE] =	sst s10  }
0x32: {  	s10 =	sld [smem:$0x3FAC];
	_ =	sdelay $0x3  }
0x33: {  	p0 =	seq.s32 s10, $0x1;
	s10 =	sld [smem:$0x3FAE];
	_ =	sdelay $0x3  }
0x34: {  	[smem:$0x3FAE] =	sst s10  }
0x35: {  	s10 =	sld [smem:$0x3FAD];
	_ =	sdelay $0x3  }
0x36: {  	p1 =	seq.s32 s10, $0x1;
	s10 =	sld [smem:$0x3FAE];
	_ =	sdelay $0x3  }
0x37: {  	[smem:$0x3FAE] =	sst s10  }
0x38: {  	s10 =	sld [smem:$0x3FAF]  }
0x39: {  	_ = 	snop;
	(pc) =	sbr.ind lr, $3  }
0x3a: {  	_ = 	snop  }
0x3b: {  	_ = 	snop  }
0x3c: {  	p2 =	seq.s32 s10, $0x1;
	s10 =	sld [smem:$0x3FAE]  }
0x3d: {  	_ =	shalt  }
0x3e: {  	_ =	shalt  }
0x3f: {  	_ =	shalt  }
0x40: {  	_ =	shalt  }
0x41: {  	_ =	shalt  }
0x42: {  	_ =	shalt  }
0x43: {  	_ =	shalt  }
0x44: {  	_ =	shalt  }
0x45: {  	_ =	shalt  }
0x46: {  	_ =	shalt  }
0x47: {  	_ =	shalt  }
0x48: {  	_ =	shalt  }
0x49: {  	_ =	shalt  }
0x4a: {  	_ =	shalt  }
0x4b: {  	_ =	shalt  }
0x4c: {  	_ =	shalt  }
0x4d: {  	_ =	shalt  }
0x4e: {  	_ =	shalt  }
0x4f: {  	_ =	shalt  }
0x50: {  	_ =	shalt  }
0x51: {  	_ =	shalt  }
0x52: {  	_ =	shalt  }
0x53: {  	_ =	shalt  }
0x54: {  	_ =	shalt  }
0x55: {  	_ =	shalt  }
0x56: {  	_ =	shalt  }
0x57: {  	_ =	shalt  }
0x58: {  	_ =	shalt  }
0x59: {  	_ =	shalt  }
0x5a: {  	_ =	shalt  }
0x5b: {  	_ =	shalt  }
0x5c: {  	_ =	shalt  }
0x5d: {  	_ =	shalt  }
0x5e: {  	_ =	shalt  }
0x5f: {  	_ =	shalt  }
0x60: {  	_ =	shalt  }
0x61: {  	_ =	shalt  }
0x62: {  	_ =	shalt  }
0x63: {  	_ =	shalt  }
0x64: {  	_ =	shalt  }
0x65: {  	_ =	shalt  }
0x66: {  	_ =	shalt  }
0x67: {  	_ =	shalt  }
0x68: {  	_ =	shalt  }
0x69: {  	_ =	shalt  }
0x6a: {  	_ =	shalt  }
0x6b: {  	_ =	shalt  }
0x6c: {  	_ =	shalt  }
0x6d: {  	_ =	shalt  }
0x6e: {  	_ =	shalt  }
0x6f: {  	_ =	shalt  }
0x70: {  	_ =	shalt  }
0x71: {  	_ =	shalt  }
0x72: {  	_ =	shalt  }
0x73: {  	_ =	shalt  }
0x74: {  	_ =	shalt  }
0x75: {  	_ =	shalt  }
0x76: {  	_ =	shalt  }
0x77: {  	_ =	shalt  }
0x78: {  	_ =	shalt  }
0x79: {  	_ =	shalt  }
0x7a: {  	_ =	shalt  }
0x7b: {  	_ =	shalt  }
0x7c: {  	_ =	shalt  }
0x7d: {  	_ =	shalt  }
0x7e: {  	_ =	shalt  }
0x7f: {  	_ =	shalt  }
0x80: {  	_ =	shalt  }
0x81: {  	_ =	shalt  }
0x82: {  	_ =	shalt  }
0x83: {  	_ =	shalt  }
0x84: {  	_ =	shalt  }
0x85: {  	_ =	shalt  }
0x86: {  	_ =	shalt  }
0x87: {  	_ =	shalt  }
.Lfunc_end0:
.L_simem_size_0:
called_computation.3_lowered:
.L_overlay_start_0:
0x88: {  	s2 =	sld [smem:$0x3FD9]  }
0x89: {  	s3 =	sld [smem:$0x3FFE];
	_ =	sdelay $0x1  }
0x8a: {  	s1 =	srdreg.scid  }
0x8b: {  	s0 =	sand.u32 $0x1, s1  }
0x8c: {  	s17 =	sshll.u32 s0, $0xA;
	s2 =	sadd.s32 s3, s2  }
0x8d: {  	s2 =	sadd.s32 s2, s17  }
0x8e: {  	[smem:$0x3FBA] =	sst s2  }
0x8f: {  	_ = 	snop  }
0x90: {  	s2 =	sld [smem:$0x3FD0];
	(tm) =	ssettm $0x1  }
0x91: {  	s18 =	sld [smem:$0x3FFB];
	_ =	sdelay $0x3  }
0x92: {  	_ =	strace s18  }
0x93: {  	s3 =	sld [smem:$0x3FFC];
	_ =	sdelay $0x3  }
0x94: {  	_ =	strace s3  }
0x95: {  	s3 =	sld [smem:$0x3FFD];
	_ =	sdelay $0x3  }
0x96: {  	_ =	strace s3  }
0x97: {  	_ =	strace $0x8FFFFFFF  }
0x98: {  	s19 =	sld [smem:$0x3FDB];
	_ =	sdelay $0x1  }
0x99: {  	s4 =	simm.s32 $_scs_section_size  }
0x9a: {  	s5 =	simm.s32 $_size__tile_overlayer_lowered;
	s6 =	simm.s32 $_tile_overlayer_lowered  }
0x9b: {  	s22 =	simm.s32 $0x1BFF;
	s21 =	sshll.u32 s6, $0x1;
	s3 =	sadd.s32 s4, s19  }
0x9c: {  	s7 =	simm.s32 $0x0;
	s20 =	sshll.u32 s5, $0x1;
	s5 =	sadd.s32 s21, s3  }
0x9d: {  	[timem:s7], [sflag:s22] =	dma.local [hbm:s5], s20  }
0x9e: {  	_ =	swait.ge [sflag:s22], s20  }
0x9f: {  	s4 =	ssub.s32 $0x0, s20;
	[sflag:s22] =	ssyncset.done $0x0  }
0xa0: {  	[sflag:s22] =	ssyncadd.s32 s4;
	_ =	sdelay $0x1  }
0xa1: {  	s23 =	simm.s32 $0x1B8B  }
0xa2: {  	_ =	swait.ge [sflag:s23], $0x1  }
0xa3: {  	[sflag:s23] =	ssyncset.done $0x0  }
0xa4: {  	s25 =	simm.s32 $0x1B8E;
	s24 =	sld [smem:$0x3FFE];
	[sflag:s23] =	ssyncadd.s32 $0xFFFFFFFF  }
0xa5: {  	s26 =	simm.s32 $execute0_lowered;
	[smem:$0x3FD2] =	sst s25  }
0xa6: {  	s5 =	sshll.u32 s26, $0x1;
	_ =	strace $0x8000004F;
	[dreg:$0x1] =	wrdreg $0xFFFFFFFF  }
0xa7: {  	s28 =	simm.s32 $_size_execute0_lowered;
	s3 =	sadd.s32 s3, s5;
	[dreg:$0x0] =	wrdreg $0x0  }
0xa8: {  	s5 =	sshll.u32 s28, $0x1;
	[dreg:$0x2] =	wrdreg s3  }
0xa9: {  	[dreg:$0x3] =	wrdreg s5  }
0xaa: {  	[dreg:$0x4] =	wrdreg $0xC0  }
0xab: {  	_ =	task [dreg:s7], $0x5FFFF  }
0xac: {  	[dreg:$0x1] =	wrdreg $0xFFFFFFFF  }
0xad: {  	[dreg:$0x0] =	wrdreg $0x60  }
0xae: {  	[dreg:$0x2] =	wrdreg s2  }
0xaf: {  	[dreg:$0x3] =	wrdreg s24  }
0xb0: {  	[dreg:$0x4] =	wrdreg $0xA8000  }
0xb1: {  	[dreg:$0x5] =	wrdreg $0x9  }
0xb2: {  	_ =	task.clear_ibuf [dreg:s7], $0x6FFFF;
	_ =	strace $0x9000004F  }
0xb3: {  	s29 =	simm.s32 $0x9;
	_ =	strace $0x80000051  }
0xb4: {  	_ =	swait.ge [sflag:s29], $0x1  }
0xb5: {  	[sflag:s29] =	ssyncadd.s32 $0xFFFFFFFF  }
0xb6: {  	_ =	strace $0x90000051  }
0xb7: {  	_ =	sfence  }
0xb8: {  	s30 =	sld [smem:$0x0];
	_ =	sdelay $0x2  }
0xb9: {  	s31 =	sshll.u32 s1, $0xD;
	s1 =	sshrl.u32 s1, $0x2  }
0xba: {  	s3 =	sand.u32 $0x4000, s31;
	s1 =	sadd.s32 s1, s30  }
0xbb: {  	s0 =	sor.u32 s3, s0;
	s1 =	sshll.u32 s1, $0x11  }
0xbc: {  	s0 =	sor.u32 s1, s0  }
0xbd: {  	s0 =	sadd.s32 $0x8F2B, s0  }
0xbe: {  	[sflag:s0] =	ssyncadd.remote.s32 $0x1  }
0xbf: {  	_ =	sfence.sel $0xFFFF  }
0xc0: {  	[dreg:$0x0] =	wrdreg $0xFFFFFFFF;
	(pc) =	sbr.abs _section_cstart, $3  }
0xc1: {  	[dreg:$0x1] =	wrdreg $0xFFFFFFFF  }
0xc2: {  	_ =	task.clear_ibuf [dreg:s7], $0x2FFFF;
	_ =	strace $0x9FFFFFFF  }
0xc3: {  	(tm) =	ssettm $0x7FFFFFFF  }
tec
execute0_lowered:
.L_overlay_start_1:
0x0: {  	(tag) =	ssettag $0x1  }
0x1: {  	s0 =	rddreg [dreg:$0x0]  }
0x2: {  	s4 =	rddreg [dreg:$0x1]  }
0x3: {  	s1 =	rddreg [dreg:$0x2]  }
0x4: {  	s2 =	srdreg.scid;
	s3 =	simm.s32 $0x0;
	s26 =	stileid.u32  }
0x5: {  	s17 =	simm.s32 $0x5;
	s18 =	simm.s32 $0x1400;
	s19 =	simm.s32 $0x80  }
0x6: {  	s20 =	simm.s32 $0x1;
	s21 =	simm.s32 $0x6800;
	s22 =	simm.s32 $0x2  }
0x7: {  	s23 =	simm.s32 $0x1480;
	s24 =	simm.s32 $0x3;
	s6 =	smul.u32 $0x14000, s26  }
0x8: {  	s25 =	simm.s32 $0x100;
	s28 =	simm.s32 $0x0;
	s29 =	smul.u32 $0x50000, s26  }
0x9: {  	s8 =	sand.u32 $0x1, s2;
	[smem:$0x7FF] =	sst s3;
	s9 =	smul.u32 $0x2800, s26  }
0xa: {  	s12 =	sadd.s32 $0x3A00, s4;
	s13 =	sadd.s32 $0x8A00, s4;
	s10 =	smul.u32 $0x500, s26  }
0xb: {  	s26 =	simm.s32 $0x4;
	s5 =	smul.u32 $0x140000, s8;
	s7 =	ssub.s32 $0x2, s8  }
0xc: {  	_ =	strace $0x80000050;
	s11 =	smul.u32 $0x27100, s8;
	s30 =	sshrl.u32 s7, $0x1  }
0xd: {  	s31 =	sshrl.u32 s29, $0x2;
	s16 =	sshrl.u32 s9, $0x3;
	s9 =	sadd.s32 s12, s10  }
0xe: {  	s10 =	sadd.s32 s13, s10;
	s5 =	sadd.s32 s6, s5;
	s15 =	ssub.s32 s7, s30  }
.Ltmp0:
0xf: {  	s16 =	sadd.s32 $0x280, s16;
	s11 =	sadd.s32 s0, s11;
	(pc) =	sbr.rel .LBB2_1-.Ltmp0, $4  }
0x10: {  	s5 =	sshrl.u32 s5, $0x3;
	s12 =	sadd.s32 s12, s16;
	s13 =	sadd.s32 s13, s16  }
0x11: {  	s15 =	smax.u32 s15, $0x1;
	s14 =	sadd.s32 s5, s4;
	s4 =	sadd.s32 s31, s1  }
0x12: {  	s16 =	simm.s32 $0x2800;
	s5 =	sadd.s32 $0x4000, s4;
	s6 =	sadd.s32 $0x8000, s4  }
0x13: {  	v0 =	vimm.f32 $0.0e+00;
	s7 =	sadd.s32 $0xC000, s4;
	s8 =	sadd.s32 $0x10000, s4;
	s14 =	sadd.s32 $0xDA00, s14  }
.LBB2_9:
0x14: {  	_ =	swait.ge [sflag:s26], $0x4000;
	s0 =	stileid.u32  }
0x15: {  	s2 =	sshrl.u32 s4, $0x3;
	s28 =	sadd.s32 $0x1, s28;
	[sflag:s26] =	ssyncset.done $0x0  }
0x16: {  	s0 =	sshll.u32 s0, $0x6;
	p0 =	sne.s32 s28, s15;
	[sflag:s26] =	ssyncadd.s32 $0xFFFFC000  }
.Ltmp1:
0x17: {  	s0 =	sor.u32 $0x1C05, s0;
	[bflag:$0x0] =	sbarrier.arrive $0xFFFF;
	(pc) =	sbr.rel @!p0 .LBB2_10-.Ltmp1, $4  }
0x18: {  	[hbm:s14], [sflag:s0] =	dma.local [spmem:s2], $0x2800  }
0x19: {  	_ =	swait.ge [sflag:s17], $0x2800  }
0x1a: {  	[sflag:s17] =	ssyncset.done $0x0  }
0x1b: {  	[sflag:s17] =	ssyncadd.s32 $0xFFFFD800  }
.LBB2_1:
0x1c: {  	s0 =	sand.u32 $0xFE00, s3  }
0x1d: {  	s29 =	simm.s32 $0x0;
	s30 =	sand.u32 $0x40, s3;
	s0 =	sshrl.u32 s0, $0x2  }
0x1e: {  	s31 =	simm.s32 $0x0;
	s30 =	sor.u32 s30, s0;
	s0 =	simm.s32 $0x0  }
.LBB2_2:
0x1f: {  	s29 =	sadd.s32 $0x4, s29  }
0x20: {  	[tilespmem:s30+$0x2830] =	vst v0;
	s31 =	sadd.s32 $0x40, s31;
	s0 =	sadd.s32 $0x100, s0;
	p0 =	slt.u32 s29, $0x3FC  }
.Ltmp2:
0x21: {  	[tilespmem:s30+$0x2820] =	vst v0;
	(pc) =	sbr.rel @p0 .LBB2_2-.Ltmp2, $4  }
0x22: {  	[tilespmem:s30+$0x2800] =	vst v0  }
0x23: {  	s2 =	sand.u32 $0xFE00, s0;
	[tilespmem:s30+$0x2810] =	vst v0  }
0x24: {  	s2 =	sshrl.u32 s2, $0x2;
	s30 =	sand.u32 $0x40, s31  }
0x25: {  	s30 =	sor.u32 s30, s2  }
0x26: {  	[tilespmem:s30+$0x2830] =	vst v0  }
0x27: {  	[tilespmem:s30+$0x2820] =	vst v0  }
0x28: {  	[tilespmem:s30+$0x2800] =	vst v0  }
0x29: {  	[tilespmem:s30+$0x2810] =	vst v0  }
0x2a: {  	[spmem:s4] =	stream.linear.scatter [tilespmem:s16], [sflag:$0x5], $0x4000, $0x38;
	[tilespmem:$0x1E800] =	vst v63  }
0x2b: {  	_ =	swait.ge [sflag:s17], $0x4000  }
0x2c: {  	[sflag:s17] =	ssyncset.done $0x0  }
0x2d: {  	[sflag:s17] =	ssyncadd.s32 $0xFFFFC000  }
0x2e: {  	[spmem:s5] =	stream.linear.scatter [tilespmem:s16], [sflag:$0x5], $0x4000, $0x38;
	[tilespmem:$0x1E800] =	vst v63  }
0x2f: {  	_ =	swait.ge [sflag:s17], $0x4000  }
0x30: {  	[sflag:s17] =	ssyncset.done $0x0  }
0x31: {  	[sflag:s17] =	ssyncadd.s32 $0xFFFFC000  }
0x32: {  	[spmem:s6] =	stream.linear.scatter [tilespmem:s16], [sflag:$0x5], $0x4000, $0x38;
	[tilespmem:$0x1E800] =	vst v63  }
0x33: {  	_ =	swait.ge [sflag:s17], $0x4000  }
0x34: {  	[sflag:s17] =	ssyncset.done $0x0  }
0x35: {  	[sflag:s17] =	ssyncadd.s32 $0xFFFFC000  }
0x36: {  	[spmem:s7] =	stream.linear.scatter [tilespmem:s16], [sflag:$0x5], $0x4000, $0x38;
	[tilespmem:$0x1E800] =	vst v63  }
0x37: {  	_ =	swait.ge [sflag:s17], $0x4000  }
0x38: {  	[sflag:s17] =	ssyncset.done $0x0  }
0x39: {  	[sflag:s17] =	ssyncadd.s32 $0xFFFFC000  }
0x3a: {  	[spmem:s8] =	stream.linear.scatter [tilespmem:s16], [sflag:$0x5], $0x4000, $0x38;
	[tilespmem:$0x1E800] =	vst v63  }
0x3b: {  	_ =	swait.ge [sflag:s17], $0x4000  }
0x3c: {  	[sflag:s17] =	ssyncset.done $0x0  }
0x3d: {  	[sflag:s17] =	ssyncadd.s32 $0xFFFFC000  }
0x3e: {  	[bflag:$0x0] =	sbarrier.arrive $0xFFFF  }
0x3f: {  	[tilespmem:s3], [sflag:$0x5] =	stream.linear.gather [hbm4b:s9+s3], $0x1400, $0x38;
	[tilespmem:$0x1E800] =	vst v63  }
0x40: {  	_ =	swait.ge [sflag:s17], $0x1400  }
0x41: {  	[sflag:s17] =	ssyncset.done $0x0  }
0x42: {  	[sflag:s17] =	ssyncadd.s32 $0xFFFFEC00  }
0x43: {  	[tilespmem:s18], [sflag:$0x5] =	stream.linear.gather [hbm4b:s10+s3], $0x1400, $0x38;
	[tilespmem:$0x1E800] =	vst v63  }
0x44: {  	_ =	swait.ge [sflag:s17], $0x1400  }
0x45: {  	[sflag:s17] =	ssyncset.done $0x0  }
0x46: {  	[sflag:s17] =	ssyncadd.s32 $0xFFFFEC00  }
0x47: {  	[tilespmem:s16], [sflag:$0x1] =	stream.indirect.gather [hbm4b:s11+s19], $0x80, s3, s19, $0xb8;
	[tilespmem:$0x1E800] =	vst v63  }
0x48: {  	_ =	swait.ge [sflag:s20], $0x4000  }
0x49: {  	[sflag:s20] =	ssyncset.done $0x0  }
0x4a: {  	[sflag:s20] =	ssyncadd.s32 $0xFFFFC000  }
0x4b: {  	[spmem:s1] =	stream.indirect.scatter.add.f32 [tilespmem:s16], [sflag:$0x3], $0x80, s18, s19, $0xb8;
	[tilespmem:$0x1E800] =	vst v63  }
0x4c: {  	_ = 	snop  }
0x4d: {  	[tilespmem:s21], [sflag:$0x2] =	stream.indirect.gather [hbm4b:s11+s19], $0x80, s19, s19, $0xb8;
	[tilespmem:$0x1E800] =	vst v63  }
0x4e: {  	_ =	swait.ge [sflag:s22], $0x4000  }
0x4f: {  	[sflag:s22] =	ssyncset.done $0x0  }
0x50: {  	[sflag:s22] =	ssyncadd.s32 $0xFFFFC000  }
0x51: {  	[spmem:s1] =	stream.indirect.scatter.add.f32 [tilespmem:s21], [sflag:$0x4], $0x80, s23, s19, $0xb8;
	[tilespmem:$0x1E800] =	vst v63  }
0x52: {  	_ =	swait.ge [sflag:s24], $0x4000  }
0x53: {  	[sflag:s24] =	ssyncset.done $0x0  }
0x54: {  	s29 =	simm.s32 $0xFFFFB800;
	[sflag:s24] =	ssyncadd.s32 $0xFFFFC000  }
0x55: {  	[tilespmem:s16], [sflag:$0x1] =	stream.indirect.gather [hbm4b:s11+s19], $0x80, s25, s19, $0xb8;
	[tilespmem:$0x1E800] =	vst v63  }
.LBB2_4:
0x56: {  	_ =	swait.ge [sflag:s20], $0x4000  }
0x57: {  	s0 =	sshra.s32 s29, $0x2;
	[sflag:s20] =	ssyncset.done $0x0  }
0x58: {  	s2 =	sadd.s32 $0x2700, s0;
	[sflag:s20] =	ssyncadd.s32 $0xFFFFC000  }
0x59: {  	[spmem:s1] =	stream.indirect.scatter.add.f32 [tilespmem:s16], [sflag:$0x3], $0x80, s2, s19, $0xb8;
	[tilespmem:$0x1E800] =	vst v63  }
0x5a: {  	_ =	swait.ge [sflag:s26], $0x4000  }
0x5b: {  	[sflag:s26] =	ssyncset.done $0x0  }
0x5c: {  	s30 =	sadd.s32 $0x1380, s0;
	[sflag:s26] =	ssyncadd.s32 $0xFFFFC000  }
0x5d: {  	[tilespmem:s21], [sflag:$0x2] =	stream.indirect.gather [hbm4b:s11+s19], $0x80, s30, s19, $0xb8;
	[tilespmem:$0x1E800] =	vst v63  }
0x5e: {  	_ =	swait.ge [sflag:s22], $0x4000  }
0x5f: {  	p0 =	seq.s32 s29, $0x0;
	[sflag:s22] =	ssyncset.done $0x0  }
.Ltmp3:
0x60: {  	s31 =	sadd.s32 $0x2780, s0;
	[sflag:s22] =	ssyncadd.s32 $0xFFFFC000;
	(pc) =	sbr.rel @p0 .LBB2_6-.Ltmp3, $4  }
0x61: {  	[spmem:s1] =	stream.indirect.scatter.add.f32 [tilespmem:s21], [sflag:$0x4], $0x80, s31, s19, $0xb8;
	[tilespmem:$0x1E800] =	vst v63  }
0x62: {  	_ =	swait.ge [sflag:s24], $0x4000  }
0x63: {  	[sflag:s24] =	ssyncset.done $0x0  }
0x64: {  	[sflag:s24] =	ssyncadd.s32 $0xFFFFC000  }
.Ltmp4:
0x65: {  	(pc) =	sbr.rel .LBB2_4-.Ltmp4, $3  }
0x66: {  	_ =	sdelay $0x1  }
0x67: {  	s0 =	sadd.s32 $0x1400, s0;
	s29 =	sadd.s32 $0x400, s29  }
0x68: {  	[tilespmem:s16], [sflag:$0x1] =	stream.indirect.gather [hbm4b:s11+s19], $0x80, s0, s19, $0xb8;
	[tilespmem:$0x1E800] =	vst v63  }
.LBB2_6:
0x69: {  	_ =	swait.ge [sflag:s26], $0x4000  }
0x6a: {  	[sflag:s26] =	ssyncset.done $0x0  }
0x6b: {  	[sflag:s26] =	ssyncadd.s32 $0xFFFFC000  }
0x6c: {  	[tilespmem:s3], [sflag:$0x5] =	stream.linear.gather [hbm4b:s12+s3], $0x1400, $0x38;
	[tilespmem:$0x1E800] =	vst v63  }
0x6d: {  	_ =	swait.ge [sflag:s17], $0x1400  }
0x6e: {  	[sflag:s17] =	ssyncset.done $0x0  }
0x6f: {  	[sflag:s17] =	ssyncadd.s32 $0xFFFFEC00  }
0x70: {  	[tilespmem:s18], [sflag:$0x5] =	stream.linear.gather [hbm4b:s13+s3], $0x1400, $0x38;
	[tilespmem:$0x1E800] =	vst v63  }
0x71: {  	_ =	swait.ge [sflag:s17], $0x1400  }
0x72: {  	[sflag:s17] =	ssyncset.done $0x0  }
0x73: {  	[sflag:s17] =	ssyncadd.s32 $0xFFFFEC00  }
0x74: {  	[tilespmem:s16], [sflag:$0x1] =	stream.indirect.gather [hbm4b:s11+s19], $0x80, s3, s19, $0xb8;
	[tilespmem:$0x1E800] =	vst v63  }
0x75: {  	_ =	swait.ge [sflag:s20], $0x4000  }
0x76: {  	[sflag:s20] =	ssyncset.done $0x0  }
0x77: {  	[sflag:s20] =	ssyncadd.s32 $0xFFFFC000  }
0x78: {  	[spmem:s1] =	stream.indirect.scatter.add.f32 [tilespmem:s16], [sflag:$0x3], $0x80, s18, s19, $0xb8;
	[tilespmem:$0x1E800] =	vst v63  }
0x79: {  	_ = 	snop  }
0x7a: {  	[tilespmem:s21], [sflag:$0x2] =	stream.indirect.gather [hbm4b:s11+s19], $0x80, s19, s19, $0xb8;
	[tilespmem:$0x1E800] =	vst v63  }
0x7b: {  	_ =	swait.ge [sflag:s22], $0x4000  }
0x7c: {  	[sflag:s22] =	ssyncset.done $0x0  }
0x7d: {  	[sflag:s22] =	ssyncadd.s32 $0xFFFFC000  }
0x7e: {  	[spmem:s1] =	stream.indirect.scatter.add.f32 [tilespmem:s21], [sflag:$0x4], $0x80, s23, s19, $0xb8;
	[tilespmem:$0x1E800] =	vst v63  }
0x7f: {  	_ =	swait.ge [sflag:s24], $0x4000  }
0x80: {  	[sflag:s24] =	ssyncset.done $0x0  }
0x81: {  	s29 =	simm.s32 $0xFFFFB800;
	[sflag:s24] =	ssyncadd.s32 $0xFFFFC000  }
0x82: {  	[tilespmem:s16], [sflag:$0x1] =	stream.indirect.gather [hbm4b:s11+s19], $0x80, s25, s19, $0xb8;
	[tilespmem:$0x1E800] =	vst v63  }
.LBB2_7:
0x83: {  	_ =	swait.ge [sflag:s20], $0x4000  }
0x84: {  	s0 =	sshra.s32 s29, $0x2;
	[sflag:s20] =	ssyncset.done $0x0  }
0x85: {  	s2 =	sadd.s32 $0x2700, s0;
	[sflag:s20] =	ssyncadd.s32 $0xFFFFC000  }
0x86: {  	[spmem:s1] =	stream.indirect.scatter.add.f32 [tilespmem:s16], [sflag:$0x3], $0x80, s2, s19, $0xb8;
	[tilespmem:$0x1E800] =	vst v63  }
0x87: {  	_ =	swait.ge [sflag:s26], $0x4000  }
0x88: {  	[sflag:s26] =	ssyncset.done $0x0  }
0x89: {  	s30 =	sadd.s32 $0x1380, s0;
	[sflag:s26] =	ssyncadd.s32 $0xFFFFC000  }
0x8a: {  	[tilespmem:s21], [sflag:$0x2] =	stream.indirect.gather [hbm4b:s11+s19], $0x80, s30, s19, $0xb8;
	[tilespmem:$0x1E800] =	vst v63  }
0x8b: {  	_ =	swait.ge [sflag:s22], $0x4000  }
0x8c: {  	p0 =	seq.s32 s29, $0x0;
	[sflag:s22] =	ssyncset.done $0x0  }
.Ltmp5:
0x8d: {  	s31 =	sadd.s32 $0x2780, s0;
	[sflag:s22] =	ssyncadd.s32 $0xFFFFC000;
	(pc) =	sbr.rel @p0 .LBB2_9-.Ltmp5, $4  }
0x8e: {  	[spmem:s1] =	stream.indirect.scatter.add.f32 [tilespmem:s21], [sflag:$0x4], $0x80, s31, s19, $0xb8;
	[tilespmem:$0x1E800] =	vst v63  }
0x8f: {  	_ =	swait.ge [sflag:s24], $0x4000  }
0x90: {  	[sflag:s24] =	ssyncset.done $0x0  }
0x91: {  	[sflag:s24] =	ssyncadd.s32 $0xFFFFC000  }
.Ltmp6:
0x92: {  	(pc) =	sbr.rel .LBB2_7-.Ltmp6, $3  }
0x93: {  	_ =	sdelay $0x1  }
0x94: {  	s0 =	sadd.s32 $0x1400, s0;
	s29 =	sadd.s32 $0x400, s29  }
0x95: {  	[tilespmem:s16], [sflag:$0x1] =	stream.indirect.gather [hbm4b:s11+s19], $0x80, s0, s19, $0xb8;
	[tilespmem:$0x1E800] =	vst v63  }
.LBB2_10:
0x96: {  	_ =	sfence.sel $0x180000  }
0x97: {  	[bflag:$0x0] =	sbarrier.arrive $0xFFFF  }
0x98: {  	_ =	strace $0x90000050  }
0x99: {  	s0 =	stileid.u32;
	[bflag:$0x2] =	sbarrier.arrive $0xFFFF  }
0x9a: {  	p0 =	sne.s32 s0, $0x0;
	s0 =	rddreg [dreg:$0x3]  }
0x9b: {  	s0 =	sadd.s32 @!p0 $0x100000, s0  }
0x9c: {  	[sflag:s0] =	ssyncadd.tile.s32 @!p0 $0x1;
	_ =	shalt  }
.Lfunc_end2:
_tile_overlayer_lowered:
.L_overlay_start_2:
0x9d: {  	(tag) =	ssettag $0x2  }
0x9e: {  	s0 =	rddreg [dreg:$0x0];
	s2 =	stileid.u32  }
0x9f: {  	s1 =	rddreg [dreg:$0x1];
	p0 =	sne.s32 s2, $0x0  }
0xa0: {  	s3 =	rddreg [dreg:$0x2];
	[bflag:$0x3] =	sbarrier.arrive $0xFFFF;
	s2 =	simm.s32 @!p0 $0x1C05  }
0xa1: {  	[timem:s3], [sflag:s2] =	dma.local @!p0 [hbm:s0], s1  }
0xa2: {  	s0 =	simm.s32 @!p0 $0x5  }
0xa3: {  	_ =	swait.ge @!p0 [sflag:s0], s1  }
0xa4: {  	s1 =	ssub.s32 @!p0 $0x0, s1;
	[sflag:s0] =	ssyncset.done @!p0 $0x0  }
0xa5: {  	[sflag:s0] =	ssyncadd.s32 @!p0 s1  }
0xa6: {  	[bflag:$0x3] =	sbarrier.arrive $0xFFFF  }
0xa7: {  	_ =	shalt  }

// kernel: kernel.23.cloned.1.call-start
scs
__scs_entry_jumppad:
0x0: {  	(pc) =	sbr.rel $0x88, $3  }
0x1: {  	(tag) =	ssettag $0x0;
	lr =	simm.s32 $0x1  }
0x2: {  	[smem:$0x3F93] =	sst lr;
	_ =	strace $0xD0000000  }
0x3: {  	_ = 	snop  }
0x4: {  	_ = 	snop  }
0x5: {  	_ = 	snop  }
0x6: {  	_ = 	snop  }
0x7: {  	_ = 	snop  }
__scs_overlays_trampoline_lowered:
0x8: {  	[smem:$0x3FA2] =	sst s0  }
0x9: {  	[smem:$0x3FA3] =	sst s1  }
0xa: {  	[smem:$0x3FA4] =	sst s2  }
0xb: {  	[smem:$0x3FA5] =	sst s3  }
0xc: {  	[smem:$0x3FA6] =	sst s4  }
0xd: {  	[smem:$0x3FA7] =	sst s5  }
0xe: {  	[smem:$0x3FA8] =	sst s6  }
0xf: {  	[smem:$0x3FA9] =	sst s7  }
0x10: {  	[smem:$0x3FAA] =	sst s8  }
0x11: {  	[smem:$0x3FAB] =	sst s9;
	s0 =	simm.s32 @!p0 $0x0  }
0x12: {  	s1 =	sld [smem:$0x3F91];
	s0 =	simm.s32 @p0 $0x1  }
0x13: {  	[smem:$0x3FAC] =	sst s0;
	s0 =	simm.s32 @!p1 $0x0  }
0x14: {  	s2 =	sld [smem:$0x3F90];
	s0 =	simm.s32 @p1 $0x1  }
0x15: {  	[smem:$0x3FAD] =	sst s0;
	s0 =	simm.s32 @!p2 $0x0  }
0x16: {  	s3 =	sld [smem:$0x3FDB];
	s0 =	simm.s32 @p2 $0x1  }
0x17: {  	s4 =	simm.s32 $0x1BF5;
	[smem:$0x3FAF] =	sst s0  }
0x18: {  	s0 =	sld [smem:$0x3F92];
	_ =	swait.ge [sflag:s4], $0x0  }
0x19: {  	s7 =	sld [smem:$0x3F93]  }
0x1a: {  	s8 =	sadd.s32 $0xFFFFE003, lr  }
0x1b: {  	s9 =	sadd.s32 $0xFFFFFEF7, lr;
	s5 =	simm.s32 $0xFFFFFFFF;
	p2 =	slt.u32 s8, $0xFFFFF086  }
0x1c: {  	p1 =	slt.u32 s9, $0xF7A;
	s5 =	simm.s32 @!p2 $0x0  }
0x1d: {  	s5 =	simm.s32 @p1 $0x1;
	p0 =	seq.s32 s7, s2  }
0x1e: {  	s7 =	smul.u32 @!p0 $0xF7A, s2;
	p2 =	seq.s32 @!p0 s5, $0x0  }
0x1f: {  	s9 =	smul.u32 $0xF7A, s1;
	s8 =	simm.s32 @!p0 $0x1BF5;
	p2 =	por !p2, p0  }
0x20: {  	[sflag:s8] =	ssyncset.s32 @!p0 $0xFFFFF086;
	s6 =	sadd.s32 @!p0 s3, s7;
	s7 =	simm.s32 @!p0 $0x108  }
0x21: {  	s3 =	sadd.s32 s3, s9;
	s6 =	sadd.s32 @!p0 $0x88, s6;
	s7 =	simm.s32 @p2 $0x1082  }
0x22: {  	[simem:s7], [sflag:s8] =	dma.local @!p0 [hbm:s6], $0xF7A  }
0x23: {  	s9 =	sor.u32 $0xD0000000, s2;
	s6 =	simm.s32 $0x108;
	_ =	swait.ge @!p0 [sflag:s8], $0x0  }
0x24: {  	s3 =	sadd.s32 $0x88, s3;
	s6 =	simm.s32 @!p1 $0x1082;
	[sflag:s4] =	ssyncset.s32 $0xFFFFF086  }
0x25: {  	[simem:s6], [sflag:s4] =	dma.local [hbm:s3], $0xF7A  }
0x26: {  	[smem:$0x3F93] =	sst s1;
	(tag) =	ssettag s2;
	_ =	strace s9  }
0x27: {  	s1 =	sld [smem:$0x3FA3]  }
0x28: {  	s2 =	sld [smem:$0x3FA4]  }
0x29: {  	s4 =	sld [smem:$0x3FA6]  }
0x2a: {  	p0 =	seq.s32 s5, $0x0;
	s5 =	sld [smem:$0x3FA7]  }
0x2b: {  	s6 =	sld [smem:$0x3FA8]  }
0x2c: {  	s7 =	sld [smem:$0x3FA9]  }
0x2d: {  	s3 =	simm.s32 $0x108;
	s8 =	sld [smem:$0x3FAA]  }
0x2e: {  	s3 =	simm.s32 @!p0 $0x1082;
	s9 =	sld [smem:$0x3FAB]  }
0x2f: {  	lr =	sadd.s32 s0, s3;
	s0 =	sld [smem:$0x3FA2]  }
0x30: {  	s3 =	sld [smem:$0x3FA5]  }
0x31: {  	[smem:$0x3FAE] =	sst s10  }
0x32: {  	s10 =	sld [smem:$0x3FAC];
	_ =	sdelay $0x3  }
0x33: {  	p0 =	seq.s32 s10, $0x1;
	s10 =	sld [smem:$0x3FAE];
	_ =	sdelay $0x3  }
0x34: {  	[smem:$0x3FAE] =	sst s10  }
0x35: {  	s10 =	sld [smem:$0x3FAD];
	_ =	sdelay $0x3  }
0x36: {  	p1 =	seq.s32 s10, $0x1;
	s10 =	sld [smem:$0x3FAE];
	_ =	sdelay $0x3  }
0x37: {  	[smem:$0x3FAE] =	sst s10  }
0x38: {  	s10 =	sld [smem:$0x3FAF]  }
0x39: {  	_ = 	snop;
	(pc) =	sbr.ind lr, $3  }
0x3a: {  	_ = 	snop  }
0x3b: {  	_ = 	snop  }
0x3c: {  	p2 =	seq.s32 s10, $0x1;
	s10 =	sld [smem:$0x3FAE]  }
0x3d: {  	_ =	shalt  }
0x3e: {  	_ =	shalt  }
0x3f: {  	_ =	shalt  }
0x40: {  	_ =	shalt  }
0x41: {  	_ =	shalt  }
0x42: {  	_ =	shalt  }
0x43: {  	_ =	shalt  }
0x44: {  	_ =	shalt  }
0x45: {  	_ =	shalt  }
0x46: {  	_ =	shalt  }
0x47: {  	_ =	shalt  }
0x48: {  	_ =	shalt  }
0x49: {  	_ =	shalt  }
0x4a: {  	_ =	shalt  }
0x4b: {  	_ =	shalt  }
0x4c: {  	_ =	shalt  }
0x4d: {  	_ =	shalt  }
0x4e: {  	_ =	shalt  }
0x4f: {  	_ =	shalt  }
0x50: {  	_ =	shalt  }
0x51: {  	_ =	shalt  }
0x52: {  	_ =	shalt  }
0x53: {  	_ =	shalt  }
0x54: {  	_ =	shalt  }
0x55: {  	_ =	shalt  }
0x56: {  	_ =	shalt  }
0x57: {  	_ =	shalt  }
0x58: {  	_ =	shalt  }
0x59: {  	_ =	shalt  }
0x5a: {  	_ =	shalt  }
0x5b: {  	_ =	shalt  }
0x5c: {  	_ =	shalt  }
0x5d: {  	_ =	shalt  }
0x5e: {  	_ =	shalt  }
0x5f: {  	_ =	shalt  }
0x60: {  	_ =	shalt  }
0x61: {  	_ =	shalt  }
0x62: {  	_ =	shalt  }
0x63: {  	_ =	shalt  }
0x64: {  	_ =	shalt  }
0x65: {  	_ =	shalt  }
0x66: {  	_ =	shalt  }
0x67: {  	_ =	shalt  }
0x68: {  	_ =	shalt  }
0x69: {  	_ =	shalt  }
0x6a: {  	_ =	shalt  }
0x6b: {  	_ =	shalt  }
0x6c: {  	_ =	shalt  }
0x6d: {  	_ =	shalt  }
0x6e: {  	_ =	shalt  }
0x6f: {  	_ =	shalt  }
0x70: {  	_ =	shalt  }
0x71: {  	_ =	shalt  }
0x72: {  	_ =	shalt  }
0x73: {  	_ =	shalt  }
0x74: {  	_ =	shalt  }
0x75: {  	_ =	shalt  }
0x76: {  	_ =	shalt  }
0x77: {  	_ =	shalt  }
0x78: {  	_ =	shalt  }
0x79: {  	_ =	shalt  }
0x7a: {  	_ =	shalt  }
0x7b: {  	_ =	shalt  }
0x7c: {  	_ =	shalt  }
0x7d: {  	_ =	shalt  }
0x7e: {  	_ =	shalt  }
0x7f: {  	_ =	shalt  }
0x80: {  	_ =	shalt  }
0x81: {  	_ =	shalt  }
0x82: {  	_ =	shalt  }
0x83: {  	_ =	shalt  }
0x84: {  	_ =	shalt  }
0x85: {  	_ =	shalt  }
0x86: {  	_ =	shalt  }
0x87: {  	_ =	shalt  }
.Lfunc_end0:
.L_simem_size_0:
called_computation.4_lowered:
.L_overlay_start_0:
0x88: {  	s2 =	sld [smem:$0x3FD9]  }
0x89: {  	s3 =	sld [smem:$0x3FFE];
	_ =	sdelay $0x1  }
0x8a: {  	s1 =	srdreg.scid  }
0x8b: {  	s0 =	sand.u32 $0x1, s1  }
0x8c: {  	s17 =	sshll.u32 s0, $0xA;
	s2 =	sadd.s32 s3, s2  }
0x8d: {  	s2 =	sadd.s32 s2, s17  }
0x8e: {  	[smem:$0x3FBA] =	sst s2  }
0x8f: {  	_ = 	snop  }
0x90: {  	s2 =	sld [smem:$0x3FD0];
	(tm) =	ssettm $0x1  }
0x91: {  	s18 =	sld [smem:$0x3FFB];
	_ =	sdelay $0x3  }
0x92: {  	_ =	strace s18  }
0x93: {  	s3 =	sld [smem:$0x3FFC];
	_ =	sdelay $0x3  }
0x94: {  	_ =	strace s3  }
0x95: {  	s3 =	sld [smem:$0x3FFD];
	_ =	sdelay $0x3  }
0x96: {  	_ =	strace s3  }
0x97: {  	_ =	strace $0x8FFFFFFF  }
0x98: {  	s19 =	sld [smem:$0x3FDB];
	_ =	sdelay $0x1  }
0x99: {  	s4 =	simm.s32 $_scs_section_size  }
0x9a: {  	s5 =	simm.s32 $_size__tile_overlayer_lowered;
	s6 =	simm.s32 $_tile_overlayer_lowered  }
0x9b: {  	s22 =	simm.s32 $0x1BFF;
	s21 =	sshll.u32 s6, $0x1;
	s3 =	sadd.s32 s4, s19  }
0x9c: {  	s7 =	simm.s32 $0x0;
	s20 =	sshll.u32 s5, $0x1;
	s5 =	sadd.s32 s21, s3  }
0x9d: {  	[timem:s7], [sflag:s22] =	dma.local [hbm:s5], s20  }
0x9e: {  	_ =	swait.ge [sflag:s22], s20  }
0x9f: {  	s4 =	ssub.s32 $0x0, s20;
	[sflag:s22] =	ssyncset.done $0x0  }
0xa0: {  	[sflag:s22] =	ssyncadd.s32 s4;
	_ =	sdelay $0x1  }
0xa1: {  	s23 =	simm.s32 $0x1B8B  }
0xa2: {  	_ =	swait.ge [sflag:s23], $0x1  }
0xa3: {  	[sflag:s23] =	ssyncset.done $0x0  }
0xa4: {  	s25 =	simm.s32 $0x1B8E;
	s24 =	sld [smem:$0x3FFE];
	[sflag:s23] =	ssyncadd.s32 $0xFFFFFFFF  }
0xa5: {  	s26 =	simm.s32 $execute0_lowered;
	[smem:$0x3FD2] =	sst s25  }
0xa6: {  	s5 =	sshll.u32 s26, $0x1;
	_ =	strace $0x80000052;
	[dreg:$0x1] =	wrdreg $0xFFFFFFFF  }
0xa7: {  	s28 =	simm.s32 $_size_execute0_lowered;
	s3 =	sadd.s32 s3, s5;
	[dreg:$0x0] =	wrdreg $0x0  }
0xa8: {  	s5 =	sshll.u32 s28, $0x1;
	[dreg:$0x2] =	wrdreg s3  }
0xa9: {  	[dreg:$0x3] =	wrdreg s5  }
0xaa: {  	[dreg:$0x4] =	wrdreg $0xC0  }
0xab: {  	_ =	task [dreg:s7], $0x5FFFF  }
0xac: {  	[dreg:$0x1] =	wrdreg $0xFFFFFFFF  }
0xad: {  	[dreg:$0x0] =	wrdreg $0x60  }
0xae: {  	[dreg:$0x2] =	wrdreg s2  }
0xaf: {  	[dreg:$0x3] =	wrdreg s24  }
0xb0: {  	[dreg:$0x4] =	wrdreg $0xA8000  }
0xb1: {  	[dreg:$0x5] =	wrdreg $0x9  }
0xb2: {  	_ =	task.clear_ibuf [dreg:s7], $0x6FFFF;
	_ =	strace $0x90000052  }
0xb3: {  	s29 =	simm.s32 $0x9;
	_ =	strace $0x80000054  }
0xb4: {  	_ =	swait.ge [sflag:s29], $0x1  }
0xb5: {  	[sflag:s29] =	ssyncadd.s32 $0xFFFFFFFF  }
0xb6: {  	_ =	strace $0x90000054  }
0xb7: {  	_ =	sfence  }
0xb8: {  	s30 =	sld [smem:$0x0];
	_ =	sdelay $0x2  }
0xb9: {  	s31 =	sshll.u32 s1, $0xD;
	s1 =	sshrl.u32 s1, $0x2  }
0xba: {  	s3 =	sand.u32 $0x4000, s31;
	s1 =	sadd.s32 s1, s30  }
0xbb: {  	s0 =	sor.u32 s3, s0;
	s1 =	sshll.u32 s1, $0x11  }
0xbc: {  	s0 =	sor.u32 s1, s0  }
0xbd: {  	s0 =	sadd.s32 $0x8F2B, s0  }
0xbe: {  	[sflag:s0] =	ssyncadd.remote.s32 $0x1  }
0xbf: {  	_ =	sfence.sel $0xFFFF  }
0xc0: {  	[dreg:$0x0] =	wrdreg $0xFFFFFFFF;
	(pc) =	sbr.abs _section_cstart, $3  }
0xc1: {  	[dreg:$0x1] =	wrdreg $0xFFFFFFFF  }
0xc2: {  	_ =	task.clear_ibuf [dreg:s7], $0x2FFFF;
	_ =	strace $0x9FFFFFFF  }
0xc3: {  	(tm) =	ssettm $0x7FFFFFFF  }
tec
execute0_lowered:
.L_overlay_start_1:
0x0: {  	(tag) =	ssettag $0x1  }
0x1: {  	s0 =	rddreg [dreg:$0x0]  }
0x2: {  	s4 =	rddreg [dreg:$0x1]  }
0x3: {  	s1 =	rddreg [dreg:$0x2]  }
0x4: {  	s2 =	srdreg.scid;
	s3 =	simm.s32 $0x0;
	s26 =	stileid.u32  }
0x5: {  	s17 =	simm.s32 $0x5;
	s18 =	simm.s32 $0x1400;
	s19 =	simm.s32 $0x80  }
0x6: {  	s20 =	simm.s32 $0x1;
	s21 =	simm.s32 $0x6800;
	s22 =	simm.s32 $0x2  }
0x7: {  	s23 =	simm.s32 $0x1480;
	s24 =	simm.s32 $0x3;
	s6 =	smul.u32 $0x14000, s26  }
0x8: {  	s25 =	simm.s32 $0x100;
	s28 =	simm.s32 $0x0;
	s29 =	smul.u32 $0x50000, s26  }
0x9: {  	s8 =	sand.u32 $0x1, s2;
	[smem:$0x7FF] =	sst s3;
	s9 =	smul.u32 $0x2800, s26  }
0xa: {  	s12 =	sadd.s32 $0x3A00, s4;
	s13 =	sadd.s32 $0x8A00, s4;
	s10 =	smul.u32 $0x500, s26  }
0xb: {  	s26 =	simm.s32 $0x4;
	s5 =	smul.u32 $0x140000, s8;
	s7 =	ssub.s32 $0x2, s8  }
0xc: {  	_ =	strace $0x80000053;
	s11 =	smul.u32 $0x27100, s8;
	s30 =	sshrl.u32 s7, $0x1  }
0xd: {  	s31 =	sshrl.u32 s29, $0x2;
	s16 =	sshrl.u32 s9, $0x3;
	s9 =	sadd.s32 s12, s10  }
0xe: {  	s10 =	sadd.s32 s13, s10;
	s5 =	sadd.s32 s6, s5;
	s15 =	ssub.s32 s7, s30  }
.Ltmp0:
0xf: {  	s16 =	sadd.s32 $0x280, s16;
	s11 =	sadd.s32 s0, s11;
	(pc) =	sbr.rel .LBB2_1-.Ltmp0, $4  }
0x10: {  	s5 =	sshrl.u32 s5, $0x3;
	s12 =	sadd.s32 s12, s16;
	s13 =	sadd.s32 s13, s16  }
0x11: {  	s15 =	smax.u32 s15, $0x1;
	s14 =	sadd.s32 s5, s4;
	s4 =	sadd.s32 s31, s1  }
0x12: {  	s16 =	simm.s32 $0x2800;
	s5 =	sadd.s32 $0x4000, s4;
	s6 =	sadd.s32 $0x8000, s4  }
0x13: {  	v0 =	vimm.f32 $0.0e+00;
	s7 =	sadd.s32 $0xC000, s4;
	s8 =	sadd.s32 $0x10000, s4;
	s14 =	sadd.s32 $0xDA00, s14  }
.LBB2_9:
0x14: {  	_ =	swait.ge [sflag:s26], $0x4000;
	s0 =	stileid.u32  }
0x15: {  	s2 =	sshrl.u32 s4, $0x3;
	s28 =	sadd.s32 $0x1, s28;
	[sflag:s26] =	ssyncset.done $0x0  }
0x16: {  	s0 =	sshll.u32 s0, $0x6;
	p0 =	sne.s32 s28, s15;
	[sflag:s26] =	ssyncadd.s32 $0xFFFFC000  }
.Ltmp1:
0x17: {  	s0 =	sor.u32 $0x1C05, s0;
	[bflag:$0x0] =	sbarrier.arrive $0xFFFF;
	(pc) =	sbr.rel @!p0 .LBB2_10-.Ltmp1, $4  }
0x18: {  	[hbm:s14], [sflag:s0] =	dma.local [spmem:s2], $0x2800  }
0x19: {  	_ =	swait.ge [sflag:s17], $0x2800  }
0x1a: {  	[sflag:s17] =	ssyncset.done $0x0  }
0x1b: {  	[sflag:s17] =	ssyncadd.s32 $0xFFFFD800  }
.LBB2_1:
0x1c: {  	s0 =	sand.u32 $0xFE00, s3  }
0x1d: {  	s29 =	simm.s32 $0x0;
	s30 =	sand.u32 $0x40, s3;
	s0 =	sshrl.u32 s0, $0x2  }
0x1e: {  	s31 =	simm.s32 $0x0;
	s30 =	sor.u32 s30, s0;
	s0 =	simm.s32 $0x0  }
.LBB2_2:
0x1f: {  	s29 =	sadd.s32 $0x4, s29  }
0x20: {  	[tilespmem:s30+$0x2830] =	vst v0;
	s31 =	sadd.s32 $0x40, s31;
	s0 =	sadd.s32 $0x100, s0;
	p0 =	slt.u32 s29, $0x3FC  }
.Ltmp2:
0x21: {  	[tilespmem:s30+$0x2820] =	vst v0;
	(pc) =	sbr.rel @p0 .LBB2_2-.Ltmp2, $4  }
0x22: {  	[tilespmem:s30+$0x2800] =	vst v0  }
0x23: {  	s2 =	sand.u32 $0xFE00, s0;
	[tilespmem:s30+$0x2810] =	vst v0  }
0x24: {  	s2 =	sshrl.u32 s2, $0x2;
	s30 =	sand.u32 $0x40, s31  }
0x25: {  	s30 =	sor.u32 s30, s2  }
0x26: {  	[tilespmem:s30+$0x2830] =	vst v0  }
0x27: {  	[tilespmem:s30+$0x2820] =	vst v0  }
0x28: {  	[tilespmem:s30+$0x2800] =	vst v0  }
0x29: {  	[tilespmem:s30+$0x2810] =	vst v0  }
0x2a: {  	[spmem:s4] =	stream.linear.scatter [tilespmem:s16], [sflag:$0x5], $0x4000, $0x38;
	[tilespmem:$0x1E800] =	vst v63  }
0x2b: {  	_ =	swait.ge [sflag:s17], $0x4000  }
0x2c: {  	[sflag:s17] =	ssyncset.done $0x0  }
0x2d: {  	[sflag:s17] =	ssyncadd.s32 $0xFFFFC000  }
0x2e: {  	[spmem:s5] =	stream.linear.scatter [tilespmem:s16], [sflag:$0x5], $0x4000, $0x38;
	[tilespmem:$0x1E800] =	vst v63  }
0x2f: {  	_ =	swait.ge [sflag:s17], $0x4000  }
0x30: {  	[sflag:s17] =	ssyncset.done $0x0  }
0x31: {  	[sflag:s17] =	ssyncadd.s32 $0xFFFFC000  }
0x32: {  	[spmem:s6] =	stream.linear.scatter [tilespmem:s16], [sflag:$0x5], $0x4000, $0x38;
	[tilespmem:$0x1E800] =	vst v63  }
0x33: {  	_ =	swait.ge [sflag:s17], $0x4000  }
0x34: {  	[sflag:s17] =	ssyncset.done $0x0  }
0x35: {  	[sflag:s17] =	ssyncadd.s32 $0xFFFFC000  }
0x36: {  	[spmem:s7] =	stream.linear.scatter [tilespmem:s16], [sflag:$0x5], $0x4000, $0x38;
	[tilespmem:$0x1E800] =	vst v63  }
0x37: {  	_ =	swait.ge [sflag:s17], $0x4000  }
0x38: {  	[sflag:s17] =	ssyncset.done $0x0  }
0x39: {  	[sflag:s17] =	ssyncadd.s32 $0xFFFFC000  }
0x3a: {  	[spmem:s8] =	stream.linear.scatter [tilespmem:s16], [sflag:$0x5], $0x4000, $0x38;
	[tilespmem:$0x1E800] =	vst v63  }
0x3b: {  	_ =	swait.ge [sflag:s17], $0x4000  }
0x3c: {  	[sflag:s17] =	ssyncset.done $0x0  }
0x3d: {  	[sflag:s17] =	ssyncadd.s32 $0xFFFFC000  }
0x3e: {  	[bflag:$0x0] =	sbarrier.arrive $0xFFFF  }
0x3f: {  	[tilespmem:s3], [sflag:$0x5] =	stream.linear.gather [hbm4b:s9+s3], $0x1400, $0x38;
	[tilespmem:$0x1E800] =	vst v63  }
0x40: {  	_ =	swait.ge [sflag:s17], $0x1400  }
0x41: {  	[sflag:s17] =	ssyncset.done $0x0  }
0x42: {  	[sflag:s17] =	ssyncadd.s32 $0xFFFFEC00  }
0x43: {  	[tilespmem:s18], [sflag:$0x5] =	stream.linear.gather [hbm4b:s10+s3], $0x1400, $0x38;
	[tilespmem:$0x1E800] =	vst v63  }
0x44: {  	_ =	swait.ge [sflag:s17], $0x1400  }
0x45: {  	[sflag:s17] =	ssyncset.done $0x0  }
0x46: {  	[sflag:s17] =	ssyncadd.s32 $0xFFFFEC00  }
0x47: {  	[tilespmem:s16], [sflag:$0x1] =	stream.indirect.gather [hbm4b:s11+s19], $0x80, s3, s19, $0xb8;
	[tilespmem:$0x1E800] =	vst v63  }
0x48: {  	_ =	swait.ge [sflag:s20], $0x4000  }
0x49: {  	[sflag:s20] =	ssyncset.done $0x0  }
0x4a: {  	[sflag:s20] =	ssyncadd.s32 $0xFFFFC000  }
0x4b: {  	[spmem:s1] =	stream.indirect.scatter.add.f32 [tilespmem:s16], [sflag:$0x3], $0x80, s18, s19, $0xb8;
	[tilespmem:$0x1E800] =	vst v63  }
0x4c: {  	_ = 	snop  }
0x4d: {  	[tilespmem:s21], [sflag:$0x2] =	stream.indirect.gather [hbm4b:s11+s19], $0x80, s19, s19, $0xb8;
	[tilespmem:$0x1E800] =	vst v63  }
0x4e: {  	_ =	swait.ge [sflag:s22], $0x4000  }
0x4f: {  	[sflag:s22] =	ssyncset.done $0x0  }
0x50: {  	[sflag:s22] =	ssyncadd.s32 $0xFFFFC000  }
0x51: {  	[spmem:s1] =	stream.indirect.scatter.add.f32 [tilespmem:s21], [sflag:$0x4], $0x80, s23, s19, $0xb8;
	[tilespmem:$0x1E800] =	vst v63  }
0x52: {  	_ =	swait.ge [sflag:s24], $0x4000  }
0x53: {  	[sflag:s24] =	ssyncset.done $0x0  }
0x54: {  	s29 =	simm.s32 $0xFFFFB800;
	[sflag:s24] =	ssyncadd.s32 $0xFFFFC000  }
0x55: {  	[tilespmem:s16], [sflag:$0x1] =	stream.indirect.gather [hbm4b:s11+s19], $0x80, s25, s19, $0xb8;
	[tilespmem:$0x1E800] =	vst v63  }
.LBB2_4:
0x56: {  	_ =	swait.ge [sflag:s20], $0x4000  }
0x57: {  	s0 =	sshra.s32 s29, $0x2;
	[sflag:s20] =	ssyncset.done $0x0  }
0x58: {  	s2 =	sadd.s32 $0x2700, s0;
	[sflag:s20] =	ssyncadd.s32 $0xFFFFC000  }
0x59: {  	[spmem:s1] =	stream.indirect.scatter.add.f32 [tilespmem:s16], [sflag:$0x3], $0x80, s2, s19, $0xb8;
	[tilespmem:$0x1E800] =	vst v63  }
0x5a: {  	_ =	swait.ge [sflag:s26], $0x4000  }
0x5b: {  	[sflag:s26] =	ssyncset.done $0x0  }
0x5c: {  	s30 =	sadd.s32 $0x1380, s0;
	[sflag:s26] =	ssyncadd.s32 $0xFFFFC000  }
0x5d: {  	[tilespmem:s21], [sflag:$0x2] =	stream.indirect.gather [hbm4b:s11+s19], $0x80, s30, s19, $0xb8;
	[tilespmem:$0x1E800] =	vst v63  }
0x5e: {  	_ =	swait.ge [sflag:s22], $0x4000  }
0x5f: {  	p0 =	seq.s32 s29, $0x0;
	[sflag:s22] =	ssyncset.done $0x0  }
.Ltmp3:
0x60: {  	s31 =	sadd.s32 $0x2780, s0;
	[sflag:s22] =	ssyncadd.s32 $0xFFFFC000;
	(pc) =	sbr.rel @p0 .LBB2_6-.Ltmp3, $4  }
0x61: {  	[spmem:s1] =	stream.indirect.scatter.add.f32 [tilespmem:s21], [sflag:$0x4], $0x80, s31, s19, $0xb8;
	[tilespmem:$0x1E800] =	vst v63  }
0x62: {  	_ =	swait.ge [sflag:s24], $0x4000  }
0x63: {  	[sflag:s24] =	ssyncset.done $0x0  }
0x64: {  	[sflag:s24] =	ssyncadd.s32 $0xFFFFC000  }
.Ltmp4:
0x65: {  	(pc) =	sbr.rel .LBB2_4-.Ltmp4, $3  }
0x66: {  	_ =	sdelay $0x1  }
0x67: {  	s0 =	sadd.s32 $0x1400, s0;
	s29 =	sadd.s32 $0x400, s29  }
0x68: {  	[tilespmem:s16], [sflag:$0x1] =	stream.indirect.gather [hbm4b:s11+s19], $0x80, s0, s19, $0xb8;
	[tilespmem:$0x1E800] =	vst v63  }
.LBB2_6:
0x69: {  	_ =	swait.ge [sflag:s26], $0x4000  }
0x6a: {  	[sflag:s26] =	ssyncset.done $0x0  }
0x6b: {  	[sflag:s26] =	ssyncadd.s32 $0xFFFFC000  }
0x6c: {  	[tilespmem:s3], [sflag:$0x5] =	stream.linear.gather [hbm4b:s12+s3], $0x1400, $0x38;
	[tilespmem:$0x1E800] =	vst v63  }
0x6d: {  	_ =	swait.ge [sflag:s17], $0x1400  }
0x6e: {  	[sflag:s17] =	ssyncset.done $0x0  }
0x6f: {  	[sflag:s17] =	ssyncadd.s32 $0xFFFFEC00  }
0x70: {  	[tilespmem:s18], [sflag:$0x5] =	stream.linear.gather [hbm4b:s13+s3], $0x1400, $0x38;
	[tilespmem:$0x1E800] =	vst v63  }
0x71: {  	_ =	swait.ge [sflag:s17], $0x1400  }
0x72: {  	[sflag:s17] =	ssyncset.done $0x0  }
0x73: {  	[sflag:s17] =	ssyncadd.s32 $0xFFFFEC00  }
0x74: {  	[tilespmem:s16], [sflag:$0x1] =	stream.indirect.gather [hbm4b:s11+s19], $0x80, s3, s19, $0xb8;
	[tilespmem:$0x1E800] =	vst v63  }
0x75: {  	_ =	swait.ge [sflag:s20], $0x4000  }
0x76: {  	[sflag:s20] =	ssyncset.done $0x0  }
0x77: {  	[sflag:s20] =	ssyncadd.s32 $0xFFFFC000  }
0x78: {  	[spmem:s1] =	stream.indirect.scatter.add.f32 [tilespmem:s16], [sflag:$0x3], $0x80, s18, s19, $0xb8;
	[tilespmem:$0x1E800] =	vst v63  }
0x79: {  	_ = 	snop  }
0x7a: {  	[tilespmem:s21], [sflag:$0x2] =	stream.indirect.gather [hbm4b:s11+s19], $0x80, s19, s19, $0xb8;
	[tilespmem:$0x1E800] =	vst v63  }
0x7b: {  	_ =	swait.ge [sflag:s22], $0x4000  }
0x7c: {  	[sflag:s22] =	ssyncset.done $0x0  }
0x7d: {  	[sflag:s22] =	ssyncadd.s32 $0xFFFFC000  }
0x7e: {  	[spmem:s1] =	stream.indirect.scatter.add.f32 [tilespmem:s21], [sflag:$0x4], $0x80, s23, s19, $0xb8;
	[tilespmem:$0x1E800] =	vst v63  }
0x7f: {  	_ =	swait.ge [sflag:s24], $0x4000  }
0x80: {  	[sflag:s24] =	ssyncset.done $0x0  }
0x81: {  	s29 =	simm.s32 $0xFFFFB800;
	[sflag:s24] =	ssyncadd.s32 $0xFFFFC000  }
0x82: {  	[tilespmem:s16], [sflag:$0x1] =	stream.indirect.gather [hbm4b:s11+s19], $0x80, s25, s19, $0xb8;
	[tilespmem:$0x1E800] =	vst v63  }
.LBB2_7:
0x83: {  	_ =	swait.ge [sflag:s20], $0x4000  }
0x84: {  	s0 =	sshra.s32 s29, $0x2;
	[sflag:s20] =	ssyncset.done $0x0  }
0x85: {  	s2 =	sadd.s32 $0x2700, s0;
	[sflag:s20] =	ssyncadd.s32 $0xFFFFC000  }
0x86: {  	[spmem:s1] =	stream.indirect.scatter.add.f32 [tilespmem:s16], [sflag:$0x3], $0x80, s2, s19, $0xb8;
	[tilespmem:$0x1E800] =	vst v63  }
0x87: {  	_ =	swait.ge [sflag:s26], $0x4000  }
0x88: {  	[sflag:s26] =	ssyncset.done $0x0  }
0x89: {  	s30 =	sadd.s32 $0x1380, s0;
	[sflag:s26] =	ssyncadd.s32 $0xFFFFC000  }
0x8a: {  	[tilespmem:s21], [sflag:$0x2] =	stream.indirect.gather [hbm4b:s11+s19], $0x80, s30, s19, $0xb8;
	[tilespmem:$0x1E800] =	vst v63  }
0x8b: {  	_ =	swait.ge [sflag:s22], $0x4000  }
0x8c: {  	p0 =	seq.s32 s29, $0x0;
	[sflag:s22] =	ssyncset.done $0x0  }
.Ltmp5:
0x8d: {  	s31 =	sadd.s32 $0x2780, s0;
	[sflag:s22] =	ssyncadd.s32 $0xFFFFC000;
	(pc) =	sbr.rel @p0 .LBB2_9-.Ltmp5, $4  }
0x8e: {  	[spmem:s1] =	stream.indirect.scatter.add.f32 [tilespmem:s21], [sflag:$0x4], $0x80, s31, s19, $0xb8;
	[tilespmem:$0x1E800] =	vst v63  }
0x8f: {  	_ =	swait.ge [sflag:s24], $0x4000  }
0x90: {  	[sflag:s24] =	ssyncset.done $0x0  }
0x91: {  	[sflag:s24] =	ssyncadd.s32 $0xFFFFC000  }
.Ltmp6:
0x92: {  	(pc) =	sbr.rel .LBB2_7-.Ltmp6, $3  }
0x93: {  	_ =	sdelay $0x1  }
0x94: {  	s0 =	sadd.s32 $0x1400, s0;
	s29 =	sadd.s32 $0x400, s29  }
0x95: {  	[tilespmem:s16], [sflag:$0x1] =	stream.indirect.gather [hbm4b:s11+s19], $0x80, s0, s19, $0xb8;
	[tilespmem:$0x1E800] =	vst v63  }
.LBB2_10:
0x96: {  	_ =	sfence.sel $0x180000  }
0x97: {  	[bflag:$0x0] =	sbarrier.arrive $0xFFFF  }
0x98: {  	_ =	strace $0x90000053  }
0x99: {  	s0 =	stileid.u32;
	[bflag:$0x2] =	sbarrier.arrive $0xFFFF  }
0x9a: {  	p0 =	sne.s32 s0, $0x0;
	s0 =	rddreg [dreg:$0x3]  }
0x9b: {  	s0 =	sadd.s32 @!p0 $0x100000, s0  }
0x9c: {  	[sflag:s0] =	ssyncadd.tile.s32 @!p0 $0x1;
	_ =	shalt  }
.Lfunc_end2:
_tile_overlayer_lowered:
.L_overlay_start_2:
0x9d: {  	(tag) =	ssettag $0x2  }
0x9e: {  	s0 =	rddreg [dreg:$0x0];
	s2 =	stileid.u32  }
0x9f: {  	s1 =	rddreg [dreg:$0x1];
	p0 =	sne.s32 s2, $0x0  }
0xa0: {  	s3 =	rddreg [dreg:$0x2];
	[bflag:$0x3] =	sbarrier.arrive $0xFFFF;
	s2 =	simm.s32 @!p0 $0x1C05  }
0xa1: {  	[timem:s3], [sflag:s2] =	dma.local @!p0 [hbm:s0], s1  }
0xa2: {  	s0 =	simm.s32 @!p0 $0x5  }
0xa3: {  	_ =	swait.ge @!p0 [sflag:s0], s1  }
0xa4: {  	s1 =	ssub.s32 @!p0 $0x0, s1;
	[sflag:s0] =	ssyncset.done @!p0 $0x0  }
0xa5: {  	[sflag:s0] =	ssyncadd.s32 @!p0 s1  }
0xa6: {  	[bflag:$0x3] =	sbarrier.arrive $0xFFFF  }
0xa7: {  	_ =	shalt  }

</sc_bundles>
